<compile_context>
chip_gen: v7x
topology: tpu7x:2x2x1
jax: 0.10.2.dev20260603
libtpu: 0.0.44.dev20260713+nightly
codegen_flags: <defaults>
</compile_context>

<pallas_src>
import jax
import jax.numpy as jnp
from jax import lax
from jax.experimental import pallas as pl
from jax.experimental.pallas import tpu as pltpu
from jax.experimental.pallas import tpu_sc as plsc

N_TAG = 1000
N_VID = 10000
D = 512
E = 75000

NC, NS, L = 2, 16, 16
EPAD = 75008
EPT = EPAD // NS
VREGS = EPT // L
IROWS = 37
IDX_ROWS = 2 * IROWS
NV_PAD = 10240
SLAB = 1 << 20
CHUNKS = 10
PAD_PER_TILE = 1024
SLAB_TOTAL = SLAB + NS * PAD_PER_TILE
FLAT = N_TAG * NV_PAD
WPT = SLAB // NS
ZB = 4096
assert WPT % ZB == 0


def _sc_body(ps, pd, ng, nd, labels_out, cntall_out,
             slab, fpos, fneg, temp, idx2, ones_v, zeros_v,
             bounce_a, bounce_b, sem_a, sem_scat, sem_out, sem_z):
    bounce = (bounce_a, bounce_b)
    cid = lax.axis_index("c")
    sid = lax.axis_index("s")
    ebase = sid * EPT
    iota = lax.iota(jnp.int32, L)
    dumbase = SLAB + sid * PAD_PER_TILE

    ones16 = jnp.ones((L,), jnp.float32)
    zero16 = jnp.zeros((L,), jnp.float32)
    for t in range(128 // L):
        ones_v[pl.ds(t * L, L)] = ones16

    def zfill(j, c):
        zeros_v[pl.ds(j * L, L)] = zero16
        return c
    lax.fori_loop(0, ZB // L, zfill, 0)

    def load_flat(src_hbm, dst_hbm, out_ref):
        h1 = pltpu.async_copy(src_hbm.at[pl.ds(ebase, EPT)], out_ref, sem_a)
        h2 = pltpu.async_copy(dst_hbm.at[pl.ds(ebase, EPT)], temp, sem_a)
        h1.wait()
        h2.wait()

        def flat(j, c):
            t = out_ref[pl.ds(j * L, L)]
            v = temp[pl.ds(j * L, L)]
            valid = (ebase + j * L) + iota < E
            out_ref[pl.ds(j * L, L)] = jnp.where(valid, t * NV_PAD + v, FLAT)
            return c
        lax.fori_loop(0, VREGS, flat, 0)

    load_flat(ps, pd, fpos)
    load_flat(ng, nd, fneg)

    def build_idx(buf, row0, lo):
        hi = lo + SLAB

        def bd(j, c):
            f = buf[pl.ds(j * L, L)]
            ok = (f >= lo) & (f < hi)
            dum = dumbase + ((j * L) & (PAD_PER_TILE - 1)) + iota
            idx2[row0 + (j >> 3), pl.ds((j & 7) * L, L)] = jnp.where(ok, f - lo, dum)
            return c
        lax.fori_loop(0, VREGS, bd, 0)
        for t in range(VREGS, IROWS * 8):
            idx2[row0 + t // 8, pl.ds((t % 8) * L, L)] = (
                dumbase + ((t * L) & (PAD_PER_TILE - 1)) + iota)

    def scatter_rows(r0, r1):
        def fire(r, c2):
            pltpu.async_copy(ones_v, slab.at[idx2.at[r]], sem_scat, add=True)
            return c2
        lax.fori_loop(r0, r1, fire, 0)

        def drain(r, c2):
            pltpu.make_async_copy(ones_v, slab.at[idx2.at[0]], sem_scat).wait()
            return c2
        lax.fori_loop(r0, r1, drain, 0)
        plsc.subcore_barrier()

    def copyout(target, lo, rezero):
        nseg = WPT // ZB
        houts = [None, None]
        rds = [None, None]
        zs = []
        rds[0] = pltpu.async_copy(slab.at[pl.ds(sid * WPT, ZB)],
                                  bounce[0], sem_a)
        for k in range(nseg):
            b = k % 2
            rds[b].wait()
            if rezero:
                zs.append(pltpu.async_copy(
                    zeros_v, slab.at[pl.ds(sid * WPT + k * ZB, ZB)], sem_z))
            if k + 1 < nseg:
                nb = (k + 1) % 2
                if houts[nb] is not None:
                    houts[nb].wait()
                rds[nb] = pltpu.async_copy(
                    slab.at[pl.ds(sid * WPT + (k + 1) * ZB, ZB)],
                    bounce[nb], sem_a)
            houts[b] = pltpu.async_copy(
                bounce[b],
                target.at[pl.ds(lo + sid * WPT + k * ZB, ZB)],
                sem_out)
        for h in houts:
            h.wait()
        for h in zs:
            h.wait()
        plsc.subcore_barrier()

    zh = [pltpu.async_copy(zeros_v, slab.at[pl.ds(sid * WPT + k * ZB, ZB)], sem_a)
          for k in range(WPT // ZB)]
    for h in zh:
        h.wait()
    plsc.subcore_barrier()

    def task(t, c):
        chunk = 2 * t + cid
        lo = jnp.minimum(chunk * SLAB, FLAT - SLAB)
        build_idx(fpos, 0, lo)
        build_idx(fneg, IROWS, lo)
        scatter_rows(0, IROWS)
        copyout(labels_out, lo, rezero=False)
        scatter_rows(IROWS, IDX_ROWS)
        copyout(cntall_out, lo, rezero=True)
        return c

    lax.fori_loop(0, (CHUNKS + 1 - cid) // 2, task, 0)


_sc_counts = pl.kernel(
    _sc_body,
    out_type=[jax.ShapeDtypeStruct((FLAT,), jnp.float32),
              jax.ShapeDtypeStruct((FLAT,), jnp.float32)],
    mesh=plsc.VectorSubcoreMesh(core_axis_name="c", subcore_axis_name="s",
                                num_cores=NC, num_subcores=NS),
    scratch_types=[
        pltpu.VMEM_SHARED((SLAB_TOTAL,), jnp.float32),
        pltpu.VMEM((EPT,), jnp.int32),
        pltpu.VMEM((EPT,), jnp.int32),
        pltpu.VMEM((EPT,), jnp.int32),
        pltpu.VMEM((IDX_ROWS + 6, 128), jnp.int32),
        pltpu.VMEM((128,), jnp.float32),
        pltpu.VMEM((ZB,), jnp.float32),
        pltpu.VMEM((ZB,), jnp.float32),
        pltpu.VMEM((ZB,), jnp.float32),
        pltpu.SemaphoreType.DMA,
        pltpu.SemaphoreType.DMA,
        pltpu.SemaphoreType.DMA,
        pltpu.SemaphoreType.DMA,
    ],
)


BM = 1024
BV = BM // 128


def _tc_body(hv_ref, ht_ref, cnt_ref, lab_ref, out_ref, lab2_ref):
    acc = lax.dot_general(ht_ref[...], hv_ref[...], (((1,), (1,)), ((), ())),
                          preferred_element_type=jnp.float32,
                          precision=lax.Precision.DEFAULT)
    out_ref[...] = acc * cnt_ref[...].reshape(N_TAG, BM)
    lab2_ref[...] = lab_ref[...].reshape(N_TAG, BM)


def _tc_score(h_video, h_tag, cnt_flat, lab_flat):
    cnt3 = cnt_flat.reshape(N_TAG, NV_PAD // 128, 128)
    lab3 = lab_flat.reshape(N_TAG, NV_PAD // 128, 128)
    return pl.pallas_call(
        _tc_body,
        grid=(NV_PAD // BM,),
        in_specs=[pl.BlockSpec((BM, D), lambda i: (i, 0)),
                  pl.BlockSpec((N_TAG, D), lambda i: (0, 0)),
                  pl.BlockSpec((N_TAG, BV, 128), lambda i: (0, i, 0)),
                  pl.BlockSpec((N_TAG, BV, 128), lambda i: (0, i, 0))],
        out_specs=[pl.BlockSpec((N_TAG, BM), lambda i: (0, i)),
                   pl.BlockSpec((N_TAG, BM), lambda i: (0, i))],
        out_shape=[jax.ShapeDtypeStruct((N_TAG, N_VID), jnp.float32),
                   jax.ShapeDtypeStruct((N_TAG, N_VID), jnp.float32)],
    )(h_video, h_tag, cnt3, lab3)


def kernel(h_tag, h_video, pos_src, pos_dst, neg_src, neg_dst):
    labels_flat, cntall_flat = _sc_counts(
        pos_src.astype(jnp.int32), pos_dst.astype(jnp.int32),
        neg_src.astype(jnp.int32), neg_dst.astype(jnp.int32))
    cls_t, labels_t = _tc_score(h_video, h_tag, cntall_flat, labels_flat)
    return cls_t.T, labels_t.T

# --- scband reference (transcript-rebuilt; emitter-appended) ---
"""Pipeline reference for scband-devise-linker-15899968930393 (READ-ONLY COPY).

The authoritative reference and input builder live on the scoring server;
editing this copy changes nothing except your own understanding.
"""

import jax, jax.numpy as jnp
import numpy as np

N_TAG = 1000
N_VID = 10000
D = 512
E_POS = 75000
E_NEG = 75000


def setup_inputs(seed: int = 0) -> dict:
    key = jax.random.key(seed)
    k1, k2, k3, k4, k5, k6 = jax.random.split(key, 6)
    h_tag = jax.random.normal(k1, (N_TAG, D), dtype=jnp.float32)
    h_video = jax.random.normal(k2, (N_VID, D), dtype=jnp.float32)
    pos_src = jax.random.randint(k3, (E_POS,), 0, N_TAG, dtype=jnp.int64 if jax.config.jax_enable_x64 else jnp.int32)
    pos_dst = jax.random.randint(k4, (E_POS,), 0, N_VID, dtype=jnp.int64 if jax.config.jax_enable_x64 else jnp.int32)
    neg_src = jax.random.randint(k5, (E_NEG,), 0, N_TAG, dtype=jnp.int64 if jax.config.jax_enable_x64 else jnp.int32)
    neg_dst = jax.random.randint(k6, (E_NEG,), 0, N_VID, dtype=jnp.int64 if jax.config.jax_enable_x64 else jnp.int32)
    return {
        'h_tag': h_tag,
        'h_video': h_video,
        'pos_src': pos_src,
        'pos_dst': pos_dst,
        'neg_src': neg_src,
        'neg_dst': neg_dst,
    }


def reference(h_tag, h_video, pos_src, pos_dst, neg_src, neg_dst):
    # dropout_ratio = 0.0 -> identity (eval-mode dropout)
    # hetero_dot_product_predictor: per-edge u_dot_v between tag (src) and video (dst)
    pos_score = jnp.sum(jnp.take(h_tag, pos_src, axis=0) * jnp.take(h_video, pos_dst, axis=0), axis=-1)
    neg_score = jnp.sum(jnp.take(h_tag, neg_src, axis=0) * jnp.take(h_video, neg_dst, axis=0), axis=-1)

    n_vid = h_video.shape[0]
    n_tag = h_tag.shape[0]

    # labels = pos adjacency, transposed -> dense [N_vid, N_tag]
    labels = jnp.zeros((n_vid, n_tag), dtype=jnp.float32).at[pos_dst, pos_src].add(1.0)

    # cls_score: sparse_coo_tensor over combined (tag, video) links with scores, then transpose to [N_vid, N_tag]
    src = jnp.concatenate([pos_src, neg_src], axis=0)
    dst = jnp.concatenate([pos_dst, neg_dst], axis=0)
    score = jnp.concatenate([pos_score, neg_score], axis=0)
    cls_score = jnp.zeros((n_vid, n_tag), dtype=jnp.float32).at[dst, src].add(score)

    return cls_score, labels

if __name__ == "__main__":
    import jax
    _d = setup_inputs()
    print(jax.jit(kernel)(*tuple(_d.values())))

</pallas_src>

<mosaic_0001>
#map = affine_map<(d0, d1) -> (0)>
module attributes {stable_mosaic.version = 14 : i64} {
  func.func @_sc_body(%arg0: i32, %arg1: i32, %arg2: memref<75000xi32, #tpu.memory_space<hbm>>, %arg3: memref<75000xi32, #tpu.memory_space<hbm>>, %arg4: memref<75000xi32, #tpu.memory_space<hbm>>, %arg5: memref<75000xi32, #tpu.memory_space<hbm>>, %arg6: memref<10240000xf32, #tpu.memory_space<hbm>>, %arg7: memref<10240000xf32, #tpu.memory_space<hbm>>, %arg8: memref<1064960xf32, #tpu.memory_space<vmem_shared>>, %arg9: memref<4688xi32, #tpu.memory_space<vmem>>, %arg10: memref<4688xi32, #tpu.memory_space<vmem>>, %arg11: memref<4688xi32, #tpu.memory_space<vmem>>, %arg12: memref<80x128xi32, #tpu.memory_space<vmem>>, %arg13: memref<128xf32, #tpu.memory_space<vmem>>, %arg14: memref<4096xf32, #tpu.memory_space<vmem>>, %arg15: memref<4096xf32, #tpu.memory_space<vmem>>, %arg16: memref<4096xf32, #tpu.memory_space<vmem>>, %arg17: memref<!tpu.dma_semaphore, #tpu.memory_space<semaphore_mem>>, %arg18: memref<!tpu.dma_semaphore, #tpu.memory_space<semaphore_mem>>, %arg19: memref<!tpu.dma_semaphore, #tpu.memory_space<semaphore_mem>>, %arg20: memref<!tpu.dma_semaphore, #tpu.memory_space<semaphore_mem>>) attributes {dimension_semantics = [#tpu.dimension_semantics<core_parallel>, #tpu.dimension_semantics<subcore_parallel>], iteration_bounds = array<i64: 2, 16>, scalar_prefetch = 0 : i64, scratch_operands = 13 : i64, tpu.core_type = #tpu.core_type<sc_vector_subcore>, window_params = [{transform_indices = #map}, {transform_indices = #map}, {transform_indices = #map}, {transform_indices = #map}, {transform_indices = #map}, {transform_indices = #map}]} {
    %mul3A = arith.constant 4688 : i32
    %mul3A_0 = arith.muli %arg1, %mul3A : i32
    %iota3A = tpu.iota {dimensions = array<i32: 0>} : vector<16xi32>
    %mul3A_1 = arith.constant 1024 : i32
    %mul3A_2 = arith.muli %arg1, %mul3A_1 : i32
    %add3A = arith.constant 1048576 : i32
    %add3A_3 = arith.addi %add3A, %mul3A_2 : i32
    %broadcast_in_dim3A = arith.constant 1.000000e+00 : f32
    %broadcast_in_dim3A_4 = vector.broadcast %broadcast_in_dim3A : f32 to vector<16xf32>
    %broadcast_in_dim3A_5 = arith.constant 0.000000e+00 : f32
    %broadcast_in_dim3A_6 = vector.broadcast %broadcast_in_dim3A_5 : f32 to vector<16xf32>
    %swap3A = arith.constant 0 : index
    %swap3A_7 = tpu.vector_load %arg13[%swap3A] {strides = array<i32>} : memref<128xf32, #tpu.memory_space<vmem>>, vector<16xf32>,
    %swap3A_8 = vector.shape_cast %swap3A_7 : vector<16xf32> to vector<16xf32>
    %swap3A_9 = vector.shape_cast %broadcast_in_dim3A_4 : vector<16xf32> to vector<16xf32>
    tpu.vector_store %arg13[%swap3A], %swap3A_9 {strides = array<i32>} : memref<128xf32, #tpu.memory_space<vmem>>, vector<16xf32>,
    %swap3A_10 = arith.constant 16 : index
    %swap3A_11 = tpu.vector_load %arg13[%swap3A_10] {strides = array<i32>} : memref<128xf32, #tpu.memory_space<vmem>>, vector<16xf32>,
    %swap3A_12 = vector.shape_cast %swap3A_11 : vector<16xf32> to vector<16xf32>
    %swap3A_13 = vector.shape_cast %broadcast_in_dim3A_4 : vector<16xf32> to vector<16xf32>
    tpu.vector_store %arg13[%swap3A_10], %swap3A_13 {strides = array<i32>} : memref<128xf32, #tpu.memory_space<vmem>>, vector<16xf32>,
    %swap3A_14 = arith.constant 32 : index
    %swap3A_15 = tpu.vector_load %arg13[%swap3A_14] {strides = array<i32>} : memref<128xf32, #tpu.memory_space<vmem>>, vector<16xf32>,
    %swap3A_16 = vector.shape_cast %swap3A_15 : vector<16xf32> to vector<16xf32>
    %swap3A_17 = vector.shape_cast %broadcast_in_dim3A_4 : vector<16xf32> to vector<16xf32>
    tpu.vector_store %arg13[%swap3A_14], %swap3A_17 {strides = array<i32>} : memref<128xf32, #tpu.memory_space<vmem>>, vector<16xf32>,
    %swap3A_18 = arith.constant 48 : index
    %swap3A_19 = tpu.vector_load %arg13[%swap3A_18] {strides = array<i32>} : memref<128xf32, #tpu.memory_space<vmem>>, vector<16xf32>,
    %swap3A_20 = vector.shape_cast %swap3A_19 : vector<16xf32> to vector<16xf32>
    %swap3A_21 = vector.shape_cast %broadcast_in_dim3A_4 : vector<16xf32> to vector<16xf32>
    tpu.vector_store %arg13[%swap3A_18], %swap3A_21 {strides = array<i32>} : memref<128xf32, #tpu.memory_space<vmem>>, vector<16xf32>,
    %swap3A_22 = arith.constant 64 : index
    %swap3A_23 = tpu.vector_load %arg13[%swap3A_22] {strides = array<i32>} : memref<128xf32, #tpu.memory_space<vmem>>, vector<16xf32>,
    %swap3A_24 = vector.shape_cast %swap3A_23 : vector<16xf32> to vector<16xf32>
    %swap3A_25 = vector.shape_cast %broadcast_in_dim3A_4 : vector<16xf32> to vector<16xf32>
    tpu.vector_store %arg13[%swap3A_22], %swap3A_25 {strides = array<i32>} : memref<128xf32, #tpu.memory_space<vmem>>, vector<16xf32>,
    %swap3A_26 = arith.constant 80 : index
    %swap3A_27 = tpu.vector_load %arg13[%swap3A_26] {strides = array<i32>} : memref<128xf32, #tpu.memory_space<vmem>>, vector<16xf32>,
    %swap3A_28 = vector.shape_cast %swap3A_27 : vector<16xf32> to vector<16xf32>
    %swap3A_29 = vector.shape_cast %broadcast_in_dim3A_4 : vector<16xf32> to vector<16xf32>
    tpu.vector_store %arg13[%swap3A_26], %swap3A_29 {strides = array<i32>} : memref<128xf32, #tpu.memory_space<vmem>>, vector<16xf32>,
    %swap3A_30 = arith.constant 96 : index
    %swap3A_31 = tpu.vector_load %arg13[%swap3A_30] {strides = array<i32>} : memref<128xf32, #tpu.memory_space<vmem>>, vector<16xf32>,
    %swap3A_32 = vector.shape_cast %swap3A_31 : vector<16xf32> to vector<16xf32>
    %swap3A_33 = vector.shape_cast %broadcast_in_dim3A_4 : vector<16xf32> to vector<16xf32>
    tpu.vector_store %arg13[%swap3A_30], %swap3A_33 {strides = array<i32>} : memref<128xf32, #tpu.memory_space<vmem>>, vector<16xf32>,
    %swap3A_34 = arith.constant 112 : index
    %swap3A_35 = tpu.vector_load %arg13[%swap3A_34] {strides = array<i32>} : memref<128xf32, #tpu.memory_space<vmem>>, vector<16xf32>,
    %swap3A_36 = vector.shape_cast %swap3A_35 : vector<16xf32> to vector<16xf32>
    %swap3A_37 = vector.shape_cast %broadcast_in_dim3A_4 : vector<16xf32> to vector<16xf32>
    tpu.vector_store %arg13[%swap3A_34], %swap3A_37 {strides = array<i32>} : memref<128xf32, #tpu.memory_space<vmem>>, vector<16xf32>,
    %scan3A = arith.constant 0 : i32
    %scan3A_38 = arith.constant 0 : i32
    %scan3A_39 = arith.constant 256 : i32
    %scan3A_40 = arith.addi %scan3A_38, %scan3A_39 : i32
    %scan3A_41 = arith.constant 1 : i32
    scf.for %scan3A_224 = %scan3A_38 to %scan3A_40 step %scan3A_41  : i32 {
      %mul3A_225 = arith.constant 16 : i32
      %mul3A_226 = arith.muli %scan3A_224, %mul3A_225 : i32
      %swap3A_227 = arith.index_cast %mul3A_226 : i32 to index
      %swap3A_228 = tpu.vector_load %arg14[%swap3A_227] {strides = array<i32>} : memref<4096xf32, #tpu.memory_space<vmem>>, vector<16xf32>,
      %swap3A_229 = vector.shape_cast %swap3A_228 : vector<16xf32> to vector<16xf32>
      %swap3A_230 = vector.shape_cast %broadcast_in_dim3A_6 : vector<16xf32> to vector<16xf32>
      tpu.vector_store %arg14[%swap3A_227], %swap3A_230 {strides = array<i32>} : memref<4096xf32, #tpu.memory_space<vmem>>, vector<16xf32>,
    }
    %scan3A_42 = arith.constant 256 : i32
    %dma_start3A = tpu.memref_slice %arg2[%mul3A_0] : memref<75000xi32, #tpu.memory_space<hbm>> -> memref<4688xi32, #tpu.memory_space<hbm>>
    %dma_start3A_43 = tpu.memref_slice %arg2[%mul3A_0] : memref<75000xi32, #tpu.memory_space<hbm>> -> memref<4688xi32, #tpu.memory_space<hbm>>
    tpu.enqueue_dma source(%dma_start3A_43 : memref<4688xi32, #tpu.memory_space<hbm>>) target(%arg9 : memref<4688xi32, #tpu.memory_space<vmem>>) target_semaphore(%arg17 : memref<!tpu.dma_semaphore, #tpu.memory_space<semaphore_mem>>)
    %dma_start3A_44 = tpu.memref_slice %arg3[%mul3A_0] : memref<75000xi32, #tpu.memory_space<hbm>> -> memref<4688xi32, #tpu.memory_space<hbm>>
    %dma_start3A_45 = tpu.memref_slice %arg3[%mul3A_0] : memref<75000xi32, #tpu.memory_space<hbm>> -> memref<4688xi32, #tpu.memory_space<hbm>>
    tpu.enqueue_dma source(%dma_start3A_45 : memref<4688xi32, #tpu.memory_space<hbm>>) target(%arg11 : memref<4688xi32, #tpu.memory_space<vmem>>) target_semaphore(%arg17 : memref<!tpu.dma_semaphore, #tpu.memory_space<semaphore_mem>>)
    %dma_wait3A = tpu.memref_slice %arg2[%mul3A_0] : memref<75000xi32, #tpu.memory_space<hbm>> -> memref<4688xi32, #tpu.memory_space<hbm>>
    %dma_wait3A_46 = tpu.memref_slice %arg2[%mul3A_0] : memref<75000xi32, #tpu.memory_space<hbm>> -> memref<4688xi32, #tpu.memory_space<hbm>>
    tpu.wait_dma2 semaphore(%arg17 : memref<!tpu.dma_semaphore, #tpu.memory_space<semaphore_mem>>) src(%dma_wait3A_46 : memref<4688xi32, #tpu.memory_space<hbm>>) dst(%arg9 : memref<4688xi32, #tpu.memory_space<vmem>>)
    %dma_wait3A_47 = tpu.memref_slice %arg3[%mul3A_0] : memref<75000xi32, #tpu.memory_space<hbm>> -> memref<4688xi32, #tpu.memory_space<hbm>>
    %dma_wait3A_48 = tpu.memref_slice %arg3[%mul3A_0] : memref<75000xi32, #tpu.memory_space<hbm>> -> memref<4688xi32, #tpu.memory_space<hbm>>
    tpu.wait_dma2 semaphore(%arg17 : memref<!tpu.dma_semaphore, #tpu.memory_space<semaphore_mem>>) src(%dma_wait3A_48 : memref<4688xi32, #tpu.memory_space<hbm>>) dst(%arg11 : memref<4688xi32, #tpu.memory_space<vmem>>)
    %scan3A_49 = arith.constant 0 : i32
    %scan3A_50 = arith.constant 0 : i32
    %scan3A_51 = arith.constant 293 : i32
    %scan3A_52 = arith.addi %scan3A_50, %scan3A_51 : i32
    %scan3A_53 = arith.constant 1 : i32
    scf.for %scan3A_224 = %scan3A_50 to %scan3A_52 step %scan3A_53  : i32 {
      %mul3A_225 = arith.constant 16 : i32
      %mul3A_226 = arith.muli %scan3A_224, %mul3A_225 : i32
      %get3A = arith.index_cast %mul3A_226 : i32 to index
      %get3A_227 = tpu.vector_load %arg9[%get3A] {strides = array<i32>} : memref<4688xi32, #tpu.memory_space<vmem>>, vector<16xi32>,
      %get3A_228 = vector.shape_cast %get3A_227 : vector<16xi32> to vector<16xi32>
      %mul3A_229 = arith.constant 16 : i32
      %mul3A_230 = arith.muli %scan3A_224, %mul3A_229 : i32
      %get3A_231 = arith.index_cast %mul3A_230 : i32 to index
      %get3A_232 = tpu.vector_load %arg11[%get3A_231] {strides = array<i32>} : memref<4688xi32, #tpu.memory_space<vmem>>, vector<16xi32>,
      %get3A_233 = vector.shape_cast %get3A_232 : vector<16xi32> to vector<16xi32>
      %mul3A_234 = arith.constant 16 : i32
      %mul3A_235 = arith.muli %scan3A_224, %mul3A_234 : i32
      %add3A_236 = arith.addi %mul3A_0, %mul3A_235 : i32
      %add3A_237 = vector.broadcast %add3A_236 : i32 to vector<16xi32>
      %add3A_238 = arith.addi %add3A_237, %iota3A : vector<16xi32>
      %lt3A = arith.constant 75000 : i32
      %lt3A_239 = vector.broadcast %lt3A : i32 to vector<16xi32>
      %lt3A_240 = arith.cmpi slt, %add3A_238, %lt3A_239 : vector<16xi32>
      %mul3A_241 = arith.constant 10240 : i32
      %mul3A_242 = vector.broadcast %mul3A_241 : i32 to vector<16xi32>
      %mul3A_243 = arith.muli %get3A_228, %mul3A_242 : vector<16xi32>
      %add3A_244 = arith.addi %mul3A_243, %get3A_233 : vector<16xi32>
      %jit3A_245 = arith.constant 10240000 : i32
      %broadcast_in_dim3A_246 = vector.broadcast %jit3A_245 : i32 to vector<16xi32>
      %select_n3A_247 = arith.select %lt3A_240, %add3A_244, %broadcast_in_dim3A_246 : vector<16xi1>, vector<16xi32>
      %mul3A_248 = arith.constant 16 : i32
      %mul3A_249 = arith.muli %scan3A_224, %mul3A_248 : i32
      %swap3A_250 = arith.index_cast %mul3A_249 : i32 to index
      %swap3A_251 = tpu.vector_load %arg9[%swap3A_250] {strides = array<i32>} : memref<4688xi32, #tpu.memory_space<vmem>>, vector<16xi32>,
      %swap3A_252 = vector.shape_cast %swap3A_251 : vector<16xi32> to vector<16xi32>
      %swap3A_253 = vector.shape_cast %select_n3A_247 : vector<16xi32> to vector<16xi32>
      tpu.vector_store %arg9[%swap3A_250], %swap3A_253 {strides = array<i32>} : memref<4688xi32, #tpu.memory_space<vmem>>, vector<16xi32>,
    }
    %scan3A_54 = arith.constant 293 : i32
    %dma_start3A_55 = tpu.memref_slice %arg4[%mul3A_0] : memref<75000xi32, #tpu.memory_space<hbm>> -> memref<4688xi32, #tpu.memory_space<hbm>>
    %dma_start3A_56 = tpu.memref_slice %arg4[%mul3A_0] : memref<75000xi32, #tpu.memory_space<hbm>> -> memref<4688xi32, #tpu.memory_space<hbm>>
    tpu.enqueue_dma source(%dma_start3A_56 : memref<4688xi32, #tpu.memory_space<hbm>>) target(%arg10 : memref<4688xi32, #tpu.memory_space<vmem>>) target_semaphore(%arg17 : memref<!tpu.dma_semaphore, #tpu.memory_space<semaphore_mem>>)
    %dma_start3A_57 = tpu.memref_slice %arg5[%mul3A_0] : memref<75000xi32, #tpu.memory_space<hbm>> -> memref<4688xi32, #tpu.memory_space<hbm>>
    %dma_start3A_58 = tpu.memref_slice %arg5[%mul3A_0] : memref<75000xi32, #tpu.memory_space<hbm>> -> memref<4688xi32, #tpu.memory_space<hbm>>
    tpu.enqueue_dma source(%dma_start3A_58 : memref<4688xi32, #tpu.memory_space<hbm>>) target(%arg11 : memref<4688xi32, #tpu.memory_space<vmem>>) target_semaphore(%arg17 : memref<!tpu.dma_semaphore, #tpu.memory_space<semaphore_mem>>)
    %dma_wait3A_59 = tpu.memref_slice %arg4[%mul3A_0] : memref<75000xi32, #tpu.memory_space<hbm>> -> memref<4688xi32, #tpu.memory_space<hbm>>
    %dma_wait3A_60 = tpu.memref_slice %arg4[%mul3A_0] : memref<75000xi32, #tpu.memory_space<hbm>> -> memref<4688xi32, #tpu.memory_space<hbm>>
    tpu.wait_dma2 semaphore(%arg17 : memref<!tpu.dma_semaphore, #tpu.memory_space<semaphore_mem>>) src(%dma_wait3A_60 : memref<4688xi32, #tpu.memory_space<hbm>>) dst(%arg10 : memref<4688xi32, #tpu.memory_space<vmem>>)
    %dma_wait3A_61 = tpu.memref_slice %arg5[%mul3A_0] : memref<75000xi32, #tpu.memory_space<hbm>> -> memref<4688xi32, #tpu.memory_space<hbm>>
    %dma_wait3A_62 = tpu.memref_slice %arg5[%mul3A_0] : memref<75000xi32, #tpu.memory_space<hbm>> -> memref<4688xi32, #tpu.memory_space<hbm>>
    tpu.wait_dma2 semaphore(%arg17 : memref<!tpu.dma_semaphore, #tpu.memory_space<semaphore_mem>>) src(%dma_wait3A_62 : memref<4688xi32, #tpu.memory_space<hbm>>) dst(%arg11 : memref<4688xi32, #tpu.memory_space<vmem>>)
    %scan3A_63 = arith.constant 0 : i32
    %scan3A_64 = arith.constant 0 : i32
    %scan3A_65 = arith.constant 293 : i32
    %scan3A_66 = arith.addi %scan3A_64, %scan3A_65 : i32
    %scan3A_67 = arith.constant 1 : i32
    scf.for %scan3A_224 = %scan3A_64 to %scan3A_66 step %scan3A_67  : i32 {
      %mul3A_225 = arith.constant 16 : i32
      %mul3A_226 = arith.muli %scan3A_224, %mul3A_225 : i32
      %get3A = arith.index_cast %mul3A_226 : i32 to index
      %get3A_227 = tpu.vector_load %arg10[%get3A] {strides = array<i32>} : memref<4688xi32, #tpu.memory_space<vmem>>, vector<16xi32>,
      %get3A_228 = vector.shape_cast %get3A_227 : vector<16xi32> to vector<16xi32>
      %mul3A_229 = arith.constant 16 : i32
      %mul3A_230 = arith.muli %scan3A_224, %mul3A_229 : i32
      %get3A_231 = arith.index_cast %mul3A_230 : i32 to index
      %get3A_232 = tpu.vector_load %arg11[%get3A_231] {strides = array<i32>} : memref<4688xi32, #tpu.memory_space<vmem>>, vector<16xi32>,
      %get3A_233 = vector.shape_cast %get3A_232 : vector<16xi32> to vector<16xi32>
      %mul3A_234 = arith.constant 16 : i32
      %mul3A_235 = arith.muli %scan3A_224, %mul3A_234 : i32
      %add3A_236 = arith.addi %mul3A_0, %mul3A_235 : i32
      %add3A_237 = vector.broadcast %add3A_236 : i32 to vector<16xi32>
      %add3A_238 = arith.addi %add3A_237, %iota3A : vector<16xi32>
      %lt3A = arith.constant 75000 : i32
      %lt3A_239 = vector.broadcast %lt3A : i32 to vector<16xi32>
      %lt3A_240 = arith.cmpi slt, %add3A_238, %lt3A_239 : vector<16xi32>
      %mul3A_241 = arith.constant 10240 : i32
      %mul3A_242 = vector.broadcast %mul3A_241 : i32 to vector<16xi32>
      %mul3A_243 = arith.muli %get3A_228, %mul3A_242 : vector<16xi32>
      %add3A_244 = arith.addi %mul3A_243, %get3A_233 : vector<16xi32>
      %jit3A_245 = arith.constant 10240000 : i32
      %broadcast_in_dim3A_246 = vector.broadcast %jit3A_245 : i32 to vector<16xi32>
      %select_n3A_247 = arith.select %lt3A_240, %add3A_244, %broadcast_in_dim3A_246 : vector<16xi1>, vector<16xi32>
      %mul3A_248 = arith.constant 16 : i32
      %mul3A_249 = arith.muli %scan3A_224, %mul3A_248 : i32
      %swap3A_250 = arith.index_cast %mul3A_249 : i32 to index
      %swap3A_251 = tpu.vector_load %arg10[%swap3A_250] {strides = array<i32>} : memref<4688xi32, #tpu.memory_space<vmem>>, vector<16xi32>,
      %swap3A_252 = vector.shape_cast %swap3A_251 : vector<16xi32> to vector<16xi32>
      %swap3A_253 = vector.shape_cast %select_n3A_247 : vector<16xi32> to vector<16xi32>
      tpu.vector_store %arg10[%swap3A_250], %swap3A_253 {strides = array<i32>} : memref<4688xi32, #tpu.memory_space<vmem>>, vector<16xi32>,
    }
    %scan3A_68 = arith.constant 293 : i32
    %mul3A_69 = arith.constant 65536 : i32
    %mul3A_70 = arith.muli %arg1, %mul3A_69 : i32
    %add3A_71 = arith.constant 0 : i32
    %add3A_72 = arith.addi %mul3A_70, %add3A_71 : i32
    %dma_start3A_73 = tpu.memref_slice %arg8[%add3A_72] : memref<1064960xf32, #tpu.memory_space<vmem_shared>> -> memref<4096xf32, #tpu.memory_space<vmem_shared>>
    %dma_start3A_74 = tpu.memref_slice %arg8[%add3A_72] : memref<1064960xf32, #tpu.memory_space<vmem_shared>> -> memref<4096xf32, #tpu.memory_space<vmem_shared>>
    tpu.enqueue_dma source(%arg14 : memref<4096xf32, #tpu.memory_space<vmem>>) target(%dma_start3A_74 : memref<4096xf32, #tpu.memory_space<vmem_shared>>) target_semaphore(%arg17 : memref<!tpu.dma_semaphore, #tpu.memory_space<semaphore_mem>>)
    %mul3A_75 = arith.constant 65536 : i32
    %mul3A_76 = arith.muli %arg1, %mul3A_75 : i32
    %add3A_77 = arith.constant 4096 : i32
    %add3A_78 = arith.addi %mul3A_76, %add3A_77 : i32
    %dma_start3A_79 = tpu.memref_slice %arg8[%add3A_78] : memref<1064960xf32, #tpu.memory_space<vmem_shared>> -> memref<4096xf32, #tpu.memory_space<vmem_shared>>
    %dma_start3A_80 = tpu.memref_slice %arg8[%add3A_78] : memref<1064960xf32, #tpu.memory_space<vmem_shared>> -> memref<4096xf32, #tpu.memory_space<vmem_shared>>
    tpu.enqueue_dma source(%arg14 : memref<4096xf32, #tpu.memory_space<vmem>>) target(%dma_start3A_80 : memref<4096xf32, #tpu.memory_space<vmem_shared>>) target_semaphore(%arg17 : memref<!tpu.dma_semaphore, #tpu.memory_space<semaphore_mem>>)
    %mul3A_81 = arith.constant 65536 : i32
    %mul3A_82 = arith.muli %arg1, %mul3A_81 : i32
    %add3A_83 = arith.constant 8192 : i32
    %add3A_84 = arith.addi %mul3A_82, %add3A_83 : i32
    %dma_start3A_85 = tpu.memref_slice %arg8[%add3A_84] : memref<1064960xf32, #tpu.memory_space<vmem_shared>> -> memref<4096xf32, #tpu.memory_space<vmem_shared>>
    %dma_start3A_86 = tpu.memref_slice %arg8[%add3A_84] : memref<1064960xf32, #tpu.memory_space<vmem_shared>> -> memref<4096xf32, #tpu.memory_space<vmem_shared>>
    tpu.enqueue_dma source(%arg14 : memref<4096xf32, #tpu.memory_space<vmem>>) target(%dma_start3A_86 : memref<4096xf32, #tpu.memory_space<vmem_shared>>) target_semaphore(%arg17 : memref<!tpu.dma_semaphore, #tpu.memory_space<semaphore_mem>>)
    %mul3A_87 = arith.constant 65536 : i32
    %mul3A_88 = arith.muli %arg1, %mul3A_87 : i32
    %add3A_89 = arith.constant 12288 : i32
    %add3A_90 = arith.addi %mul3A_88, %add3A_89 : i32
    %dma_start3A_91 = tpu.memref_slice %arg8[%add3A_90] : memref<1064960xf32, #tpu.memory_space<vmem_shared>> -> memref<4096xf32, #tpu.memory_space<vmem_shared>>
    %dma_start3A_92 = tpu.memref_slice %arg8[%add3A_90] : memref<1064960xf32, #tpu.memory_space<vmem_shared>> -> memref<4096xf32, #tpu.memory_space<vmem_shared>>
    tpu.enqueue_dma source(%arg14 : memref<4096xf32, #tpu.memory_space<vmem>>) target(%dma_start3A_92 : memref<4096xf32, #tpu.memory_space<vmem_shared>>) target_semaphore(%arg17 : memref<!tpu.dma_semaphore, #tpu.memory_space<semaphore_mem>>)
    %mul3A_93 = arith.constant 65536 : i32
    %mul3A_94 = arith.muli %arg1, %mul3A_93 : i32
    %add3A_95 = arith.constant 16384 : i32
    %add3A_96 = arith.addi %mul3A_94, %add3A_95 : i32
    %dma_start3A_97 = tpu.memref_slice %arg8[%add3A_96] : memref<1064960xf32, #tpu.memory_space<vmem_shared>> -> memref<4096xf32, #tpu.memory_space<vmem_shared>>
    %dma_start3A_98 = tpu.memref_slice %arg8[%add3A_96] : memref<1064960xf32, #tpu.memory_space<vmem_shared>> -> memref<4096xf32, #tpu.memory_space<vmem_shared>>
    tpu.enqueue_dma source(%arg14 : memref<4096xf32, #tpu.memory_space<vmem>>) target(%dma_start3A_98 : memref<4096xf32, #tpu.memory_space<vmem_shared>>) target_semaphore(%arg17 : memref<!tpu.dma_semaphore, #tpu.memory_space<semaphore_mem>>)
    %mul3A_99 = arith.constant 65536 : i32
    %mul3A_100 = arith.muli %arg1, %mul3A_99 : i32
    %add3A_101 = arith.constant 20480 : i32
    %add3A_102 = arith.addi %mul3A_100, %add3A_101 : i32
    %dma_start3A_103 = tpu.memref_slice %arg8[%add3A_102] : memref<1064960xf32, #tpu.memory_space<vmem_shared>> -> memref<4096xf32, #tpu.memory_space<vmem_shared>>
    %dma_start3A_104 = tpu.memref_slice %arg8[%add3A_102] : memref<1064960xf32, #tpu.memory_space<vmem_shared>> -> memref<4096xf32, #tpu.memory_space<vmem_shared>>
    tpu.enqueue_dma source(%arg14 : memref<4096xf32, #tpu.memory_space<vmem>>) target(%dma_start3A_104 : memref<4096xf32, #tpu.memory_space<vmem_shared>>) target_semaphore(%arg17 : memref<!tpu.dma_semaphore, #tpu.memory_space<semaphore_mem>>)
    %mul3A_105 = arith.constant 65536 : i32
    %mul3A_106 = arith.muli %arg1, %mul3A_105 : i32
    %add3A_107 = arith.constant 24576 : i32
    %add3A_108 = arith.addi %mul3A_106, %add3A_107 : i32
    %dma_start3A_109 = tpu.memref_slice %arg8[%add3A_108] : memref<1064960xf32, #tpu.memory_space<vmem_shared>> -> memref<4096xf32, #tpu.memory_space<vmem_shared>>
    %dma_start3A_110 = tpu.memref_slice %arg8[%add3A_108] : memref<1064960xf32, #tpu.memory_space<vmem_shared>> -> memref<4096xf32, #tpu.memory_space<vmem_shared>>
    tpu.enqueue_dma source(%arg14 : memref<4096xf32, #tpu.memory_space<vmem>>) target(%dma_start3A_110 : memref<4096xf32, #tpu.memory_space<vmem_shared>>) target_semaphore(%arg17 : memref<!tpu.dma_semaphore, #tpu.memory_space<semaphore_mem>>)
    %mul3A_111 = arith.constant 65536 : i32
    %mul3A_112 = arith.muli %arg1, %mul3A_111 : i32
    %add3A_113 = arith.constant 28672 : i32
    %add3A_114 = arith.addi %mul3A_112, %add3A_113 : i32
    %dma_start3A_115 = tpu.memref_slice %arg8[%add3A_114] : memref<1064960xf32, #tpu.memory_space<vmem_shared>> -> memref<4096xf32, #tpu.memory_space<vmem_shared>>
    %dma_start3A_116 = tpu.memref_slice %arg8[%add3A_114] : memref<1064960xf32, #tpu.memory_space<vmem_shared>> -> memref<4096xf32, #tpu.memory_space<vmem_shared>>
    tpu.enqueue_dma source(%arg14 : memref<4096xf32, #tpu.memory_space<vmem>>) target(%dma_start3A_116 : memref<4096xf32, #tpu.memory_space<vmem_shared>>) target_semaphore(%arg17 : memref<!tpu.dma_semaphore, #tpu.memory_space<semaphore_mem>>)
    %mul3A_117 = arith.constant 65536 : i32
    %mul3A_118 = arith.muli %arg1, %mul3A_117 : i32
    %add3A_119 = arith.constant 32768 : i32
    %add3A_120 = arith.addi %mul3A_118, %add3A_119 : i32
    %dma_start3A_121 = tpu.memref_slice %arg8[%add3A_120] : memref<1064960xf32, #tpu.memory_space<vmem_shared>> -> memref<4096xf32, #tpu.memory_space<vmem_shared>>
    %dma_start3A_122 = tpu.memref_slice %arg8[%add3A_120] : memref<1064960xf32, #tpu.memory_space<vmem_shared>> -> memref<4096xf32, #tpu.memory_space<vmem_shared>>
    tpu.enqueue_dma source(%arg14 : memref<4096xf32, #tpu.memory_space<vmem>>) target(%dma_start3A_122 : memref<4096xf32, #tpu.memory_space<vmem_shared>>) target_semaphore(%arg17 : memref<!tpu.dma_semaphore, #tpu.memory_space<semaphore_mem>>)
    %mul3A_123 = arith.constant 65536 : i32
    %mul3A_124 = arith.muli %arg1, %mul3A_123 : i32
    %add3A_125 = arith.constant 36864 : i32
    %add3A_126 = arith.addi %mul3A_124, %add3A_125 : i32
    %dma_start3A_127 = tpu.memref_slice %arg8[%add3A_126] : memref<1064960xf32, #tpu.memory_space<vmem_shared>> -> memref<4096xf32, #tpu.memory_space<vmem_shared>>
    %dma_start3A_128 = tpu.memref_slice %arg8[%add3A_126] : memref<1064960xf32, #tpu.memory_space<vmem_shared>> -> memref<4096xf32, #tpu.memory_space<vmem_shared>>
    tpu.enqueue_dma source(%arg14 : memref<4096xf32, #tpu.memory_space<vmem>>) target(%dma_start3A_128 : memref<4096xf32, #tpu.memory_space<vmem_shared>>) target_semaphore(%arg17 : memref<!tpu.dma_semaphore, #tpu.memory_space<semaphore_mem>>)
    %mul3A_129 = arith.constant 65536 : i32
    %mul3A_130 = arith.muli %arg1, %mul3A_129 : i32
    %add3A_131 = arith.constant 40960 : i32
    %add3A_132 = arith.addi %mul3A_130, %add3A_131 : i32
    %dma_start3A_133 = tpu.memref_slice %arg8[%add3A_132] : memref<1064960xf32, #tpu.memory_space<vmem_shared>> -> memref<4096xf32, #tpu.memory_space<vmem_shared>>
    %dma_start3A_134 = tpu.memref_slice %arg8[%add3A_132] : memref<1064960xf32, #tpu.memory_space<vmem_shared>> -> memref<4096xf32, #tpu.memory_space<vmem_shared>>
    tpu.enqueue_dma source(%arg14 : memref<4096xf32, #tpu.memory_space<vmem>>) target(%dma_start3A_134 : memref<4096xf32, #tpu.memory_space<vmem_shared>>) target_semaphore(%arg17 : memref<!tpu.dma_semaphore, #tpu.memory_space<semaphore_mem>>)
    %mul3A_135 = arith.constant 65536 : i32
    %mul3A_136 = arith.muli %arg1, %mul3A_135 : i32
    %add3A_137 = arith.constant 45056 : i32
    %add3A_138 = arith.addi %mul3A_136, %add3A_137 : i32
    %dma_start3A_139 = tpu.memref_slice %arg8[%add3A_138] : memref<1064960xf32, #tpu.memory_space<vmem_shared>> -> memref<4096xf32, #tpu.memory_space<vmem_shared>>
    %dma_start3A_140 = tpu.memref_slice %arg8[%add3A_138] : memref<1064960xf32, #tpu.memory_space<vmem_shared>> -> memref<4096xf32, #tpu.memory_space<vmem_shared>>
    tpu.enqueue_dma source(%arg14 : memref<4096xf32, #tpu.memory_space<vmem>>) target(%dma_start3A_140 : memref<4096xf32, #tpu.memory_space<vmem_shared>>) target_semaphore(%arg17 : memref<!tpu.dma_semaphore, #tpu.memory_space<semaphore_mem>>)
    %mul3A_141 = arith.constant 65536 : i32
    %mul3A_142 = arith.muli %arg1, %mul3A_141 : i32
    %add3A_143 = arith.constant 49152 : i32
    %add3A_144 = arith.addi %mul3A_142, %add3A_143 : i32
    %dma_start3A_145 = tpu.memref_slice %arg8[%add3A_144] : memref<1064960xf32, #tpu.memory_space<vmem_shared>> -> memref<4096xf32, #tpu.memory_space<vmem_shared>>
    %dma_start3A_146 = tpu.memref_slice %arg8[%add3A_144] : memref<1064960xf32, #tpu.memory_space<vmem_shared>> -> memref<4096xf32, #tpu.memory_space<vmem_shared>>
    tpu.enqueue_dma source(%arg14 : memref<4096xf32, #tpu.memory_space<vmem>>) target(%dma_start3A_146 : memref<4096xf32, #tpu.memory_space<vmem_shared>>) target_semaphore(%arg17 : memref<!tpu.dma_semaphore, #tpu.memory_space<semaphore_mem>>)
    %mul3A_147 = arith.constant 65536 : i32
    %mul3A_148 = arith.muli %arg1, %mul3A_147 : i32
    %add3A_149 = arith.constant 53248 : i32
    %add3A_150 = arith.addi %mul3A_148, %add3A_149 : i32
    %dma_start3A_151 = tpu.memref_slice %arg8[%add3A_150] : memref<1064960xf32, #tpu.memory_space<vmem_shared>> -> memref<4096xf32, #tpu.memory_space<vmem_shared>>
    %dma_start3A_152 = tpu.memref_slice %arg8[%add3A_150] : memref<1064960xf32, #tpu.memory_space<vmem_shared>> -> memref<4096xf32, #tpu.memory_space<vmem_shared>>
    tpu.enqueue_dma source(%arg14 : memref<4096xf32, #tpu.memory_space<vmem>>) target(%dma_start3A_152 : memref<4096xf32, #tpu.memory_space<vmem_shared>>) target_semaphore(%arg17 : memref<!tpu.dma_semaphore, #tpu.memory_space<semaphore_mem>>)
    %mul3A_153 = arith.constant 65536 : i32
    %mul3A_154 = arith.muli %arg1, %mul3A_153 : i32
    %add3A_155 = arith.constant 57344 : i32
    %add3A_156 = arith.addi %mul3A_154, %add3A_155 : i32
    %dma_start3A_157 = tpu.memref_slice %arg8[%add3A_156] : memref<1064960xf32, #tpu.memory_space<vmem_shared>> -> memref<4096xf32, #tpu.memory_space<vmem_shared>>
    %dma_start3A_158 = tpu.memref_slice %arg8[%add3A_156] : memref<1064960xf32, #tpu.memory_space<vmem_shared>> -> memref<4096xf32, #tpu.memory_space<vmem_shared>>
    tpu.enqueue_dma source(%arg14 : memref<4096xf32, #tpu.memory_space<vmem>>) target(%dma_start3A_158 : memref<4096xf32, #tpu.memory_space<vmem_shared>>) target_semaphore(%arg17 : memref<!tpu.dma_semaphore, #tpu.memory_space<semaphore_mem>>)
    %mul3A_159 = arith.constant 65536 : i32
    %mul3A_160 = arith.muli %arg1, %mul3A_159 : i32
    %add3A_161 = arith.constant 61440 : i32
    %add3A_162 = arith.addi %mul3A_160, %add3A_161 : i32
    %dma_start3A_163 = tpu.memref_slice %arg8[%add3A_162] : memref<1064960xf32, #tpu.memory_space<vmem_shared>> -> memref<4096xf32, #tpu.memory_space<vmem_shared>>
    %dma_start3A_164 = tpu.memref_slice %arg8[%add3A_162] : memref<1064960xf32, #tpu.memory_space<vmem_shared>> -> memref<4096xf32, #tpu.memory_space<vmem_shared>>
    tpu.enqueue_dma source(%arg14 : memref<4096xf32, #tpu.memory_space<vmem>>) target(%dma_start3A_164 : memref<4096xf32, #tpu.memory_space<vmem_shared>>) target_semaphore(%arg17 : memref<!tpu.dma_semaphore, #tpu.memory_space<semaphore_mem>>)
    %dma_wait3A_165 = tpu.memref_slice %arg8[%add3A_72] : memref<1064960xf32, #tpu.memory_space<vmem_shared>> -> memref<4096xf32, #tpu.memory_space<vmem_shared>>
    %dma_wait3A_166 = tpu.memref_slice %arg8[%add3A_72] : memref<1064960xf32, #tpu.memory_space<vmem_shared>> -> memref<4096xf32, #tpu.memory_space<vmem_shared>>
    tpu.wait_dma2 semaphore(%arg17 : memref<!tpu.dma_semaphore, #tpu.memory_space<semaphore_mem>>) src(%arg14 : memref<4096xf32, #tpu.memory_space<vmem>>) dst(%dma_wait3A_166 : memref<4096xf32, #tpu.memory_space<vmem_shared>>)
    %dma_wait3A_167 = tpu.memref_slice %arg8[%add3A_78] : memref<1064960xf32, #tpu.memory_space<vmem_shared>> -> memref<4096xf32, #tpu.memory_space<vmem_shared>>
    %dma_wait3A_168 = tpu.memref_slice %arg8[%add3A_78] : memref<1064960xf32, #tpu.memory_space<vmem_shared>> -> memref<4096xf32, #tpu.memory_space<vmem_shared>>
    tpu.wait_dma2 semaphore(%arg17 : memref<!tpu.dma_semaphore, #tpu.memory_space<semaphore_mem>>) src(%arg14 : memref<4096xf32, #tpu.memory_space<vmem>>) dst(%dma_wait3A_168 : memref<4096xf32, #tpu.memory_space<vmem_shared>>)
    %dma_wait3A_169 = tpu.memref_slice %arg8[%add3A_84] : memref<1064960xf32, #tpu.memory_space<vmem_shared>> -> memref<4096xf32, #tpu.memory_space<vmem_shared>>
    %dma_wait3A_170 = tpu.memref_slice %arg8[%add3A_84] : memref<1064960xf32, #tpu.memory_space<vmem_shared>> -> memref<4096xf32, #tpu.memory_space<vmem_shared>>
    tpu.wait_dma2 semaphore(%arg17 : memref<!tpu.dma_semaphore, #tpu.memory_space<semaphore_mem>>) src(%arg14 : memref<4096xf32, #tpu.memory_space<vmem>>) dst(%dma_wait3A_170 : memref<4096xf32, #tpu.memory_space<vmem_shared>>)
    %dma_wait3A_171 = tpu.memref_slice %arg8[%add3A_90] : memref<1064960xf32, #tpu.memory_space<vmem_shared>> -> memref<4096xf32, #tpu.memory_space<vmem_shared>>
    %dma_wait3A_172 = tpu.memref_slice %arg8[%add3A_90] : memref<1064960xf32, #tpu.memory_space<vmem_shared>> -> memref<4096xf32, #tpu.memory_space<vmem_shared>>
    tpu.wait_dma2 semaphore(%arg17 : memref<!tpu.dma_semaphore, #tpu.memory_space<semaphore_mem>>) src(%arg14 : memref<4096xf32, #tpu.memory_space<vmem>>) dst(%dma_wait3A_172 : memref<4096xf32, #tpu.memory_space<vmem_shared>>)
    %dma_wait3A_173 = tpu.memref_slice %arg8[%add3A_96] : memref<1064960xf32, #tpu.memory_space<vmem_shared>> -> memref<4096xf32, #tpu.memory_space<vmem_shared>>
    %dma_wait3A_174 = tpu.memref_slice %arg8[%add3A_96] : memref<1064960xf32, #tpu.memory_space<vmem_shared>> -> memref<4096xf32, #tpu.memory_space<vmem_shared>>
    tpu.wait_dma2 semaphore(%arg17 : memref<!tpu.dma_semaphore, #tpu.memory_space<semaphore_mem>>) src(%arg14 : memref<4096xf32, #tpu.memory_space<vmem>>) dst(%dma_wait3A_174 : memref<4096xf32, #tpu.memory_space<vmem_shared>>)
    %dma_wait3A_175 = tpu.memref_slice %arg8[%add3A_102] : memref<1064960xf32, #tpu.memory_space<vmem_shared>> -> memref<4096xf32, #tpu.memory_space<vmem_shared>>
    %dma_wait3A_176 = tpu.memref_slice %arg8[%add3A_102] : memref<1064960xf32, #tpu.memory_space<vmem_shared>> -> memref<4096xf32, #tpu.memory_space<vmem_shared>>
    tpu.wait_dma2 semaphore(%arg17 : memref<!tpu.dma_semaphore, #tpu.memory_space<semaphore_mem>>) src(%arg14 : memref<4096xf32, #tpu.memory_space<vmem>>) dst(%dma_wait3A_176 : memref<4096xf32, #tpu.memory_space<vmem_shared>>)
    %dma_wait3A_177 = tpu.memref_slice %arg8[%add3A_108] : memref<1064960xf32, #tpu.memory_space<vmem_shared>> -> memref<4096xf32, #tpu.memory_space<vmem_shared>>
    %dma_wait3A_178 = tpu.memref_slice %arg8[%add3A_108] : memref<1064960xf32, #tpu.memory_space<vmem_shared>> -> memref<4096xf32, #tpu.memory_space<vmem_shared>>
    tpu.wait_dma2 semaphore(%arg17 : memref<!tpu.dma_semaphore, #tpu.memory_space<semaphore_mem>>) src(%arg14 : memref<4096xf32, #tpu.memory_space<vmem>>) dst(%dma_wait3A_178 : memref<4096xf32, #tpu.memory_space<vmem_shared>>)
    %dma_wait3A_179 = tpu.memref_slice %arg8[%add3A_114] : memref<1064960xf32, #tpu.memory_space<vmem_shared>> -> memref<4096xf32, #tpu.memory_space<vmem_shared>>
    %dma_wait3A_180 = tpu.memref_slice %arg8[%add3A_114] : memref<1064960xf32, #tpu.memory_space<vmem_shared>> -> memref<4096xf32, #tpu.memory_space<vmem_shared>>
    tpu.wait_dma2 semaphore(%arg17 : memref<!tpu.dma_semaphore, #tpu.memory_space<semaphore_mem>>) src(%arg14 : memref<4096xf32, #tpu.memory_space<vmem>>) dst(%dma_wait3A_180 : memref<4096xf32, #tpu.memory_space<vmem_shared>>)
    %dma_wait3A_181 = tpu.memref_slice %arg8[%add3A_120] : memref<1064960xf32, #tpu.memory_space<vmem_shared>> -> memref<4096xf32, #tpu.memory_space<vmem_shared>>
    %dma_wait3A_182 = tpu.memref_slice %arg8[%add3A_120] : memref<1064960xf32, #tpu.memory_space<vmem_shared>> -> memref<4096xf32, #tpu.memory_space<vmem_shared>>
    tpu.wait_dma2 semaphore(%arg17 : memref<!tpu.dma_semaphore, #tpu.memory_space<semaphore_mem>>) src(%arg14 : memref<4096xf32, #tpu.memory_space<vmem>>) dst(%dma_wait3A_182 : memref<4096xf32, #tpu.memory_space<vmem_shared>>)
    %dma_wait3A_183 = tpu.memref_slice %arg8[%add3A_126] : memref<1064960xf32, #tpu.memory_space<vmem_shared>> -> memref<4096xf32, #tpu.memory_space<vmem_shared>>
    %dma_wait3A_184 = tpu.memref_slice %arg8[%add3A_126] : memref<1064960xf32, #tpu.memory_space<vmem_shared>> -> memref<4096xf32, #tpu.memory_space<vmem_shared>>
    tpu.wait_dma2 semaphore(%arg17 : memref<!tpu.dma_semaphore, #tpu.memory_space<semaphore_mem>>) src(%arg14 : memref<4096xf32, #tpu.memory_space<vmem>>) dst(%dma_wait3A_184 : memref<4096xf32, #tpu.memory_space<vmem_shared>>)
    %dma_wait3A_185 = tpu.memref_slice %arg8[%add3A_132] : memref<1064960xf32, #tpu.memory_space<vmem_shared>> -> memref<4096xf32, #tpu.memory_space<vmem_shared>>
    %dma_wait3A_186 = tpu.memref_slice %arg8[%add3A_132] : memref<1064960xf32, #tpu.memory_space<vmem_shared>> -> memref<4096xf32, #tpu.memory_space<vmem_shared>>
    tpu.wait_dma2 semaphore(%arg17 : memref<!tpu.dma_semaphore, #tpu.memory_space<semaphore_mem>>) src(%arg14 : memref<4096xf32, #tpu.memory_space<vmem>>) dst(%dma_wait3A_186 : memref<4096xf32, #tpu.memory_space<vmem_shared>>)
    %dma_wait3A_187 = tpu.memref_slice %arg8[%add3A_138] : memref<1064960xf32, #tpu.memory_space<vmem_shared>> -> memref<4096xf32, #tpu.memory_space<vmem_shared>>
    %dma_wait3A_188 = tpu.memref_slice %arg8[%add3A_138] : memref<1064960xf32, #tpu.memory_space<vmem_shared>> -> memref<4096xf32, #tpu.memory_space<vmem_shared>>
    tpu.wait_dma2 semaphore(%arg17 : memref<!tpu.dma_semaphore, #tpu.memory_space<semaphore_mem>>) src(%arg14 : memref<4096xf32, #tpu.memory_space<vmem>>) dst(%dma_wait3A_188 : memref<4096xf32, #tpu.memory_space<vmem_shared>>)
    %dma_wait3A_189 = tpu.memref_slice %arg8[%add3A_144] : memref<1064960xf32, #tpu.memory_space<vmem_shared>> -> memref<4096xf32, #tpu.memory_space<vmem_shared>>
    %dma_wait3A_190 = tpu.memref_slice %arg8[%add3A_144] : memref<1064960xf32, #tpu.memory_space<vmem_shared>> -> memref<4096xf32, #tpu.memory_space<vmem_shared>>
    tpu.wait_dma2 semaphore(%arg17 : memref<!tpu.dma_semaphore, #tpu.memory_space<semaphore_mem>>) src(%arg14 : memref<4096xf32, #tpu.memory_space<vmem>>) dst(%dma_wait3A_190 : memref<4096xf32, #tpu.memory_space<vmem_shared>>)
    %dma_wait3A_191 = tpu.memref_slice %arg8[%add3A_150] : memref<1064960xf32, #tpu.memory_space<vmem_shared>> -> memref<4096xf32, #tpu.memory_space<vmem_shared>>
    %dma_wait3A_192 = tpu.memref_slice %arg8[%add3A_150] : memref<1064960xf32, #tpu.memory_space<vmem_shared>> -> memref<4096xf32, #tpu.memory_space<vmem_shared>>
    tpu.wait_dma2 semaphore(%arg17 : memref<!tpu.dma_semaphore, #tpu.memory_space<semaphore_mem>>) src(%arg14 : memref<4096xf32, #tpu.memory_space<vmem>>) dst(%dma_wait3A_192 : memref<4096xf32, #tpu.memory_space<vmem_shared>>)
    %dma_wait3A_193 = tpu.memref_slice %arg8[%add3A_156] : memref<1064960xf32, #tpu.memory_space<vmem_shared>> -> memref<4096xf32, #tpu.memory_space<vmem_shared>>
    %dma_wait3A_194 = tpu.memref_slice %arg8[%add3A_156] : memref<1064960xf32, #tpu.memory_space<vmem_shared>> -> memref<4096xf32, #tpu.memory_space<vmem_shared>>
    tpu.wait_dma2 semaphore(%arg17 : memref<!tpu.dma_semaphore, #tpu.memory_space<semaphore_mem>>) src(%arg14 : memref<4096xf32, #tpu.memory_space<vmem>>) dst(%dma_wait3A_194 : memref<4096xf32, #tpu.memory_space<vmem_shared>>)
    %dma_wait3A_195 = tpu.memref_slice %arg8[%add3A_162] : memref<1064960xf32, #tpu.memory_space<vmem_shared>> -> memref<4096xf32, #tpu.memory_space<vmem_shared>>
    %dma_wait3A_196 = tpu.memref_slice %arg8[%add3A_162] : memref<1064960xf32, #tpu.memory_space<vmem_shared>> -> memref<4096xf32, #tpu.memory_space<vmem_shared>>
    tpu.wait_dma2 semaphore(%arg17 : memref<!tpu.dma_semaphore, #tpu.memory_space<semaphore_mem>>) src(%arg14 : memref<4096xf32, #tpu.memory_space<vmem>>) dst(%dma_wait3A_196 : memref<4096xf32, #tpu.memory_space<vmem_shared>>)
    %barrier3A = arith.constant 0 : index
    tpu.barrier barrier_id(%barrier3A)
    %sub3A = arith.constant 11 : i32
    %sub3A_197 = arith.subi %sub3A, %arg0 : i32
    %jit3A = arith.constant 2 : i32
    %div3A = arith.divsi %sub3A_197, %jit3A : i32
    %sign3A = arith.constant 0 : i32
    %sign3A_198 = arith.cmpi sgt, %sub3A_197, %sign3A : i32
    %sign3A_199 = arith.extui %sign3A_198 : i1 to i32
    %sign3A_200 = arith.constant 0 : i32
    %sign3A_201 = arith.cmpi slt, %sub3A_197, %sign3A_200 : i32
    %sign3A_202 = arith.extui %sign3A_201 : i1 to i32
    %sign3A_203 = arith.subi %sign3A_199, %sign3A_202 : i32
    %sign3A_204 = arith.constant 0 : i32
    %sign3A_205 = arith.cmpi sgt, %jit3A, %sign3A_204 : i32
    %sign3A_206 = arith.extui %sign3A_205 : i1 to i32
    %sign3A_207 = arith.constant 0 : i32
    %sign3A_208 = arith.cmpi slt, %jit3A, %sign3A_207 : i32
    %sign3A_209 = arith.extui %sign3A_208 : i1 to i32
    %sign3A_210 = arith.subi %sign3A_206, %sign3A_209 : i32
    %ne3A = arith.cmpi ne, %sign3A_203, %sign3A_210 : i32
    %rem3A = arith.remsi %sub3A_197, %jit3A : i32
    %ne3A_211 = arith.constant 0 : i32
    %ne3A_212 = arith.cmpi ne, %rem3A, %ne3A_211 : i32
    %and3A = arith.andi %ne3A, %ne3A_212 : i1
    %sub3A_213 = arith.constant 1 : i32
    %sub3A_214 = arith.subi %div3A, %sub3A_213 : i32
    %select_n3A = arith.select %and3A, %sub3A_214, %div3A : i32
    %while3A = arith.constant 0 : i32
    %while3A_215 = arith.constant 0 : i32
    %while3A_216 = arith.subi %select_n3A, %while3A_215 : i32
    %while3A_217 = arith.addi %while3A_215, %while3A_216 : i32
    %while3A_218 = arith.constant 1 : i32
    %while3A_219 = arith.divsi %while3A_216, %while3A_218 : i32
    %while3A_220 = arith.muli %while3A_219, %while3A_218 : i32
    %while3A_221 = arith.addi %while3A_215, %while3A_220 : i32
    %while3A_222 = arith.constant 1 : i32
    scf.for %while3A_224 = %while3A_215 to %while3A_221 step %while3A_222  : i32 {
      %mul3A_225 = arith.constant 2 : i32
      %mul3A_226 = arith.muli %mul3A_225, %while3A_224 : i32
      %add3A_227 = arith.addi %mul3A_226, %arg0 : i32
      %mul3A_228 = arith.constant 1048576 : i32
      %mul3A_229 = arith.muli %add3A_227, %mul3A_228 : i32
      %min3A = arith.constant 9191424 : i32
      %min3A_230 = arith.minsi %mul3A_229, %min3A : i32
      %add3A_231 = arith.constant 1048576 : i32
      %add3A_232 = arith.addi %min3A_230, %add3A_231 : i32
      %scan3A_233 = arith.constant 0 : i32
      %scan3A_234 = arith.constant 0 : i32
      %scan3A_235 = arith.constant 293 : i32
      %scan3A_236 = arith.addi %scan3A_234, %scan3A_235 : i32
      %scan3A_237 = arith.constant 1 : i32
      scf.for %scan3A_1003 = %scan3A_234 to %scan3A_236 step %scan3A_237  : i32 {
        %mul3A_1004 = arith.constant 16 : i32
        %mul3A_1005 = arith.muli %scan3A_1003, %mul3A_1004 : i32
        %get3A = arith.index_cast %mul3A_1005 : i32 to index
        %get3A_1006 = tpu.vector_load %arg9[%get3A] {strides = array<i32>} : memref<4688xi32, #tpu.memory_space<vmem>>, vector<16xi32>,
        %get3A_1007 = vector.shape_cast %get3A_1006 : vector<16xi32> to vector<16xi32>
        %ge3A = vector.broadcast %min3A_230 : i32 to vector<16xi32>
        %ge3A_1008 = arith.cmpi sge, %get3A_1007, %ge3A : vector<16xi32>
        %lt3A = vector.broadcast %add3A_232 : i32 to vector<16xi32>
        %lt3A_1009 = arith.cmpi slt, %get3A_1007, %lt3A : vector<16xi32>
        %and3A_1010 = arith.andi %ge3A_1008, %lt3A_1009 : vector<16xi1>
        %mul3A_1011 = arith.constant 16 : i32
        %mul3A_1012 = arith.muli %scan3A_1003, %mul3A_1011 : i32
        %and3A_1013 = arith.constant 1023 : i32
        %and3A_1014 = arith.andi %mul3A_1012, %and3A_1013 : i32
        %add3A_1015 = arith.addi %add3A_3, %and3A_1014 : i32
        %add3A_1016 = vector.broadcast %add3A_1015 : i32 to vector<16xi32>
        %add3A_1017 = arith.addi %add3A_1016, %iota3A : vector<16xi32>
        %sub3A_1018 = vector.broadcast %min3A_230 : i32 to vector<16xi32>
        %sub3A_1019 = arith.subi %get3A_1007, %sub3A_1018 : vector<16xi32>
        %select_n3A_1020 = arith.select %and3A_1010, %sub3A_1019, %add3A_1017 : vector<16xi1>, vector<16xi32>
        %shift_right_arithmetic3A = arith.constant 3 : i32
        %shift_right_arithmetic3A_1021 = arith.shrsi %scan3A_1003, %shift_right_arithmetic3A : i32
        %add3A_1022 = arith.constant 0 : i32
        %add3A_1023 = arith.addi %add3A_1022, %shift_right_arithmetic3A_1021 : i32
        %and3A_1024 = arith.constant 7 : i32
        %and3A_1025 = arith.andi %scan3A_1003, %and3A_1024 : i32
        %mul3A_1026 = arith.constant 16 : i32
        %mul3A_1027 = arith.muli %and3A_1025, %mul3A_1026 : i32
        %swap3A_1028 = arith.index_cast %add3A_1023 : i32 to index
        %swap3A_1029 = arith.index_cast %mul3A_1027 : i32 to index
        %swap3A_1030 = tpu.vector_load %arg12[%swap3A_1028, %swap3A_1029] {strides = array<i32>} : memref<80x128xi32, #tpu.memory_space<vmem>>, vector<1x16xi32>,
        %swap3A_1031 = vector.shape_cast %swap3A_1030 : vector<1x16xi32> to vector<16xi32>
        %swap3A_1032 = vector.shape_cast %select_n3A_1020 : vector<16xi32> to vector<1x16xi32>
        tpu.vector_store %arg12[%swap3A_1028, %swap3A_1029], %swap3A_1032 {strides = array<i32>} : memref<80x128xi32, #tpu.memory_space<vmem>>, vector<1x16xi32>,
      }
      %scan3A_238 = arith.constant 293 : i32
      %add3A_239 = arith.constant 592 : i32
      %add3A_240 = arith.addi %add3A_3, %add3A_239 : i32
      %add3A_241 = vector.broadcast %add3A_240 : i32 to vector<16xi32>
      %add3A_242 = arith.addi %add3A_241, %iota3A : vector<16xi32>
      %swap3A_243 = arith.constant 36 : i32
      %swap3A_244 = arith.index_cast %swap3A_243 : i32 to index
      %swap3A_245 = arith.constant 80 : index
      %swap3A_246 = tpu.vector_load %arg12[%swap3A_244, %swap3A_245] {strides = array<i32>} : memref<80x128xi32, #tpu.memory_space<vmem>>, vector<1x16xi32>,
      %swap3A_247 = vector.shape_cast %swap3A_246 : vector<1x16xi32> to vector<16xi32>
      %swap3A_248 = vector.shape_cast %add3A_242 : vector<16xi32> to vector<1x16xi32>
      tpu.vector_store %arg12[%swap3A_244, %swap3A_245], %swap3A_248 {strides = array<i32>} : memref<80x128xi32, #tpu.memory_space<vmem>>, vector<1x16xi32>,
      %add3A_249 = arith.constant 608 : i32
      %add3A_250 = arith.addi %add3A_3, %add3A_249 : i32
      %add3A_251 = vector.broadcast %add3A_250 : i32 to vector<16xi32>
      %add3A_252 = arith.addi %add3A_251, %iota3A : vector<16xi32>
      %swap3A_253 = arith.constant 36 : i32
      %swap3A_254 = arith.index_cast %swap3A_253 : i32 to index
      %swap3A_255 = arith.constant 96 : index
      %swap3A_256 = tpu.vector_load %arg12[%swap3A_254, %swap3A_255] {strides = array<i32>} : memref<80x128xi32, #tpu.memory_space<vmem>>, vector<1x16xi32>,
      %swap3A_257 = vector.shape_cast %swap3A_256 : vector<1x16xi32> to vector<16xi32>
      %swap3A_258 = vector.shape_cast %add3A_252 : vector<16xi32> to vector<1x16xi32>
      tpu.vector_store %arg12[%swap3A_254, %swap3A_255], %swap3A_258 {strides = array<i32>} : memref<80x128xi32, #tpu.memory_space<vmem>>, vector<1x16xi32>,
      %add3A_259 = arith.constant 624 : i32
      %add3A_260 = arith.addi %add3A_3, %add3A_259 : i32
      %add3A_261 = vector.broadcast %add3A_260 : i32 to vector<16xi32>
      %add3A_262 = arith.addi %add3A_261, %iota3A : vector<16xi32>
      %swap3A_263 = arith.constant 36 : i32
      %swap3A_264 = arith.index_cast %swap3A_263 : i32 to index
      %swap3A_265 = arith.constant 112 : index
      %swap3A_266 = tpu.vector_load %arg12[%swap3A_264, %swap3A_265] {strides = array<i32>} : memref<80x128xi32, #tpu.memory_space<vmem>>, vector<1x16xi32>,
      %swap3A_267 = vector.shape_cast %swap3A_266 : vector<1x16xi32> to vector<16xi32>
      %swap3A_268 = vector.shape_cast %add3A_262 : vector<16xi32> to vector<1x16xi32>
      tpu.vector_store %arg12[%swap3A_264, %swap3A_265], %swap3A_268 {strides = array<i32>} : memref<80x128xi32, #tpu.memory_space<vmem>>, vector<1x16xi32>,
      %add3A_269 = arith.constant 1048576 : i32
      %add3A_270 = arith.addi %min3A_230, %add3A_269 : i32
      %scan3A_271 = arith.constant 0 : i32
      %scan3A_272 = arith.constant 0 : i32
      %scan3A_273 = arith.constant 293 : i32
      %scan3A_274 = arith.addi %scan3A_272, %scan3A_273 : i32
      %scan3A_275 = arith.constant 1 : i32
      scf.for %scan3A_1003 = %scan3A_272 to %scan3A_274 step %scan3A_275  : i32 {
        %mul3A_1004 = arith.constant 16 : i32
        %mul3A_1005 = arith.muli %scan3A_1003, %mul3A_1004 : i32
        %get3A = arith.index_cast %mul3A_1005 : i32 to index
        %get3A_1006 = tpu.vector_load %arg10[%get3A] {strides = array<i32>} : memref<4688xi32, #tpu.memory_space<vmem>>, vector<16xi32>,
        %get3A_1007 = vector.shape_cast %get3A_1006 : vector<16xi32> to vector<16xi32>
        %ge3A = vector.broadcast %min3A_230 : i32 to vector<16xi32>
        %ge3A_1008 = arith.cmpi sge, %get3A_1007, %ge3A : vector<16xi32>
        %lt3A = vector.broadcast %add3A_270 : i32 to vector<16xi32>
        %lt3A_1009 = arith.cmpi slt, %get3A_1007, %lt3A : vector<16xi32>
        %and3A_1010 = arith.andi %ge3A_1008, %lt3A_1009 : vector<16xi1>
        %mul3A_1011 = arith.constant 16 : i32
        %mul3A_1012 = arith.muli %scan3A_1003, %mul3A_1011 : i32
        %and3A_1013 = arith.constant 1023 : i32
        %and3A_1014 = arith.andi %mul3A_1012, %and3A_1013 : i32
        %add3A_1015 = arith.addi %add3A_3, %and3A_1014 : i32
        %add3A_1016 = vector.broadcast %add3A_1015 : i32 to vector<16xi32>
        %add3A_1017 = arith.addi %add3A_1016, %iota3A : vector<16xi32>
        %sub3A_1018 = vector.broadcast %min3A_230 : i32 to vector<16xi32>
        %sub3A_1019 = arith.subi %get3A_1007, %sub3A_1018 : vector<16xi32>
        %select_n3A_1020 = arith.select %and3A_1010, %sub3A_1019, %add3A_1017 : vector<16xi1>, vector<16xi32>
        %shift_right_arithmetic3A = arith.constant 3 : i32
        %shift_right_arithmetic3A_1021 = arith.shrsi %scan3A_1003, %shift_right_arithmetic3A : i32
        %add3A_1022 = arith.constant 37 : i32
        %add3A_1023 = arith.addi %add3A_1022, %shift_right_arithmetic3A_1021 : i32
        %and3A_1024 = arith.constant 7 : i32
        %and3A_1025 = arith.andi %scan3A_1003, %and3A_1024 : i32
        %mul3A_1026 = arith.constant 16 : i32
        %mul3A_1027 = arith.muli %and3A_1025, %mul3A_1026 : i32
        %swap3A_1028 = arith.index_cast %add3A_1023 : i32 to index
        %swap3A_1029 = arith.index_cast %mul3A_1027 : i32 to index
        %swap3A_1030 = tpu.vector_load %arg12[%swap3A_1028, %swap3A_1029] {strides = array<i32>} : memref<80x128xi32, #tpu.memory_space<vmem>>, vector<1x16xi32>,
        %swap3A_1031 = vector.shape_cast %swap3A_1030 : vector<1x16xi32> to vector<16xi32>
        %swap3A_1032 = vector.shape_cast %select_n3A_1020 : vector<16xi32> to vector<1x16xi32>
        tpu.vector_store %arg12[%swap3A_1028, %swap3A_1029], %swap3A_1032 {strides = array<i32>} : memref<80x128xi32, #tpu.memory_space<vmem>>, vector<1x16xi32>,
      }
      %scan3A_276 = arith.constant 293 : i32
      %add3A_277 = arith.constant 592 : i32
      %add3A_278 = arith.addi %add3A_3, %add3A_277 : i32
      %add3A_279 = vector.broadcast %add3A_278 : i32 to vector<16xi32>
      %add3A_280 = arith.addi %add3A_279, %iota3A : vector<16xi32>
      %swap3A_281 = arith.constant 73 : i32
      %swap3A_282 = arith.index_cast %swap3A_281 : i32 to index
      %swap3A_283 = arith.constant 80 : index
      %swap3A_284 = tpu.vector_load %arg12[%swap3A_282, %swap3A_283] {strides = array<i32>} : memref<80x128xi32, #tpu.memory_space<vmem>>, vector<1x16xi32>,
      %swap3A_285 = vector.shape_cast %swap3A_284 : vector<1x16xi32> to vector<16xi32>
      %swap3A_286 = vector.shape_cast %add3A_280 : vector<16xi32> to vector<1x16xi32>
      tpu.vector_store %arg12[%swap3A_282, %swap3A_283], %swap3A_286 {strides = array<i32>} : memref<80x128xi32, #tpu.memory_space<vmem>>, vector<1x16xi32>,
      %add3A_287 = arith.constant 608 : i32
      %add3A_288 = arith.addi %add3A_3, %add3A_287 : i32
      %add3A_289 = vector.broadcast %add3A_288 : i32 to vector<16xi32>
      %add3A_290 = arith.addi %add3A_289, %iota3A : vector<16xi32>
      %swap3A_291 = arith.constant 73 : i32
      %swap3A_292 = arith.index_cast %swap3A_291 : i32 to index
      %swap3A_293 = arith.constant 96 : index
      %swap3A_294 = tpu.vector_load %arg12[%swap3A_292, %swap3A_293] {strides = array<i32>} : memref<80x128xi32, #tpu.memory_space<vmem>>, vector<1x16xi32>,
      %swap3A_295 = vector.shape_cast %swap3A_294 : vector<1x16xi32> to vector<16xi32>
      %swap3A_296 = vector.shape_cast %add3A_290 : vector<16xi32> to vector<1x16xi32>
      tpu.vector_store %arg12[%swap3A_292, %swap3A_293], %swap3A_296 {strides = array<i32>} : memref<80x128xi32, #tpu.memory_space<vmem>>, vector<1x16xi32>,
      %add3A_297 = arith.constant 624 : i32
      %add3A_298 = arith.addi %add3A_3, %add3A_297 : i32
      %add3A_299 = vector.broadcast %add3A_298 : i32 to vector<16xi32>
      %add3A_300 = arith.addi %add3A_299, %iota3A : vector<16xi32>
      %swap3A_301 = arith.constant 73 : i32
      %swap3A_302 = arith.index_cast %swap3A_301 : i32 to index
      %swap3A_303 = arith.constant 112 : index
      %swap3A_304 = tpu.vector_load %arg12[%swap3A_302, %swap3A_303] {strides = array<i32>} : memref<80x128xi32, #tpu.memory_space<vmem>>, vector<1x16xi32>,
      %swap3A_305 = vector.shape_cast %swap3A_304 : vector<1x16xi32> to vector<16xi32>
      %swap3A_306 = vector.shape_cast %add3A_300 : vector<16xi32> to vector<1x16xi32>
      tpu.vector_store %arg12[%swap3A_302, %swap3A_303], %swap3A_306 {strides = array<i32>} : memref<80x128xi32, #tpu.memory_space<vmem>>, vector<1x16xi32>,
      %scan3A_307 = arith.constant 0 : i32
      %scan3A_308 = arith.constant 0 : i32
      %scan3A_309 = arith.constant 37 : i32
      %scan3A_310 = arith.addi %scan3A_308, %scan3A_309 : i32
      %scan3A_311 = arith.constant 1 : i32
      scf.for %scan3A_1003 = %scan3A_308 to %scan3A_310 step %scan3A_311  : i32 {
        %dma_start3A_1004 = arith.constant 0 : i32
        %dma_start3A_1005 = tpu.memref_slice %arg12[%scan3A_1003, %dma_start3A_1004] : memref<80x128xi32, #tpu.memory_space<vmem>> -> memref<1x128xi32, #tpu.memory_space<vmem>>
        %dma_start3A_1006 = tpu.memref_squeeze %dma_start3A_1005 : memref<1x128xi32, #tpu.memory_space<vmem>> -> memref<128xi32, #tpu.memory_space<vmem>>
        %dma_start3A_1007 = arith.constant 0 : i32
        %dma_start3A_1008 = tpu.memref_slice %arg8[%dma_start3A_1007] : memref<1064960xf32, #tpu.memory_space<vmem_shared>> -> memref<1064960xf32, #tpu.memory_space<vmem_shared>>
        tpu.enqueue_indirect_dma source(%arg13 : memref<128xf32, #tpu.memory_space<vmem>>) target(%dma_start3A_1008 : memref<1064960xf32, #tpu.memory_space<vmem_shared>>) offsets(%dma_start3A_1006 : memref<128xi32, #tpu.memory_space<vmem>>) semaphore(%arg18 : memref<!tpu.dma_semaphore, #tpu.memory_space<semaphore_mem>>) {add = true}
      }
      %scan3A_312 = arith.constant 37 : i32
      %scan3A_313 = arith.constant 0 : i32
      %scan3A_314 = arith.constant 0 : i32
      %scan3A_315 = arith.constant 37 : i32
      %scan3A_316 = arith.addi %scan3A_314, %scan3A_315 : i32
      %scan3A_317 = arith.constant 1 : i32
      scf.for %scan3A_1003 = %scan3A_314 to %scan3A_316 step %scan3A_317  : i32 {
        %dma_wait3A_1004 = arith.constant 0 : i32
        %dma_wait3A_1005 = arith.constant 0 : i32
        %dma_wait3A_1006 = tpu.memref_slice %arg12[%dma_wait3A_1004, %dma_wait3A_1005] : memref<80x128xi32, #tpu.memory_space<vmem>> -> memref<1x128xi32, #tpu.memory_space<vmem>>
        %dma_wait3A_1007 = tpu.memref_squeeze %dma_wait3A_1006 : memref<1x128xi32, #tpu.memory_space<vmem>> -> memref<128xi32, #tpu.memory_space<vmem>>
        %dma_wait3A_1008 = arith.constant 0 : i32
        %dma_wait3A_1009 = tpu.memref_slice %arg8[%dma_wait3A_1008] : memref<1064960xf32, #tpu.memory_space<vmem_shared>> -> memref<1064960xf32, #tpu.memory_space<vmem_shared>>
        tpu.wait_indirect_dma semaphore(%arg18 : memref<!tpu.dma_semaphore, #tpu.memory_space<semaphore_mem>>) src(%arg13 : memref<128xf32, #tpu.memory_space<vmem>>) dst(%dma_wait3A_1009 : memref<1064960xf32, #tpu.memory_space<vmem_shared>>)
      }
      %scan3A_318 = arith.constant 37 : i32
      %barrier3A_319 = arith.constant 0 : index
      tpu.barrier barrier_id(%barrier3A_319)
      %mul3A_320 = arith.constant 65536 : i32
      %mul3A_321 = arith.muli %arg1, %mul3A_320 : i32
      %dma_start3A_322 = tpu.memref_slice %arg8[%mul3A_321] : memref<1064960xf32, #tpu.memory_space<vmem_shared>> -> memref<4096xf32, #tpu.memory_space<vmem_shared>>
      %dma_start3A_323 = tpu.memref_slice %arg8[%mul3A_321] : memref<1064960xf32, #tpu.memory_space<vmem_shared>> -> memref<4096xf32, #tpu.memory_space<vmem_shared>>
      tpu.enqueue_dma source(%dma_start3A_323 : memref<4096xf32, #tpu.memory_space<vmem_shared>>) target(%arg15 : memref<4096xf32, #tpu.memory_space<vmem>>) target_semaphore(%arg17 : memref<!tpu.dma_semaphore, #tpu.memory_space<semaphore_mem>>)
      %dma_wait3A_324 = tpu.memref_slice %arg8[%mul3A_321] : memref<1064960xf32, #tpu.memory_space<vmem_shared>> -> memref<4096xf32, #tpu.memory_space<vmem_shared>>
      %dma_wait3A_325 = tpu.memref_slice %arg8[%mul3A_321] : memref<1064960xf32, #tpu.memory_space<vmem_shared>> -> memref<4096xf32, #tpu.memory_space<vmem_shared>>
      tpu.wait_dma2 semaphore(%arg17 : memref<!tpu.dma_semaphore, #tpu.memory_space<semaphore_mem>>) src(%dma_wait3A_325 : memref<4096xf32, #tpu.memory_space<vmem_shared>>) dst(%arg15 : memref<4096xf32, #tpu.memory_space<vmem>>)
      %mul3A_326 = arith.constant 65536 : i32
      %mul3A_327 = arith.muli %arg1, %mul3A_326 : i32
      %add3A_328 = arith.constant 4096 : i32
      %add3A_329 = arith.addi %mul3A_327, %add3A_328 : i32
      %dma_start3A_330 = tpu.memref_slice %arg8[%add3A_329] : memref<1064960xf32, #tpu.memory_space<vmem_shared>> -> memref<4096xf32, #tpu.memory_space<vmem_shared>>
      %dma_start3A_331 = tpu.memref_slice %arg8[%add3A_329] : memref<1064960xf32, #tpu.memory_space<vmem_shared>> -> memref<4096xf32, #tpu.memory_space<vmem_shared>>
      tpu.enqueue_dma source(%dma_start3A_331 : memref<4096xf32, #tpu.memory_space<vmem_shared>>) target(%arg16 : memref<4096xf32, #tpu.memory_space<vmem>>) target_semaphore(%arg17 : memref<!tpu.dma_semaphore, #tpu.memory_space<semaphore_mem>>)
      %mul3A_332 = arith.constant 65536 : i32
      %mul3A_333 = arith.muli %arg1, %mul3A_332 : i32
      %add3A_334 = arith.addi %min3A_230, %mul3A_333 : i32
      %add3A_335 = arith.constant 0 : i32
      %add3A_336 = arith.addi %add3A_334, %add3A_335 : i32
      %dma_start3A_337 = tpu.memref_slice %arg6[%add3A_336] : memref<10240000xf32, #tpu.memory_space<hbm>> -> memref<4096xf32, #tpu.memory_space<hbm>>
      %dma_start3A_338 = tpu.memref_slice %arg6[%add3A_336] : memref<10240000xf32, #tpu.memory_space<hbm>> -> memref<4096xf32, #tpu.memory_space<hbm>>
      tpu.enqueue_dma source(%arg15 : memref<4096xf32, #tpu.memory_space<vmem>>) target(%dma_start3A_338 : memref<4096xf32, #tpu.memory_space<hbm>>) target_semaphore(%arg19 : memref<!tpu.dma_semaphore, #tpu.memory_space<semaphore_mem>>)
      %dma_wait3A_339 = tpu.memref_slice %arg8[%add3A_329] : memref<1064960xf32, #tpu.memory_space<vmem_shared>> -> memref<4096xf32, #tpu.memory_space<vmem_shared>>
      %dma_wait3A_340 = tpu.memref_slice %arg8[%add3A_329] : memref<1064960xf32, #tpu.memory_space<vmem_shared>> -> memref<4096xf32, #tpu.memory_space<vmem_shared>>
      tpu.wait_dma2 semaphore(%arg17 : memref<!tpu.dma_semaphore, #tpu.memory_space<semaphore_mem>>) src(%dma_wait3A_340 : memref<4096xf32, #tpu.memory_space<vmem_shared>>) dst(%arg16 : memref<4096xf32, #tpu.memory_space<vmem>>)
      %dma_wait3A_341 = tpu.memref_slice %arg6[%add3A_336] : memref<10240000xf32, #tpu.memory_space<hbm>> -> memref<4096xf32, #tpu.memory_space<hbm>>
      %dma_wait3A_342 = tpu.memref_slice %arg6[%add3A_336] : memref<10240000xf32, #tpu.memory_space<hbm>> -> memref<4096xf32, #tpu.memory_space<hbm>>
      tpu.wait_dma2 semaphore(%arg19 : memref<!tpu.dma_semaphore, #tpu.memory_space<semaphore_mem>>) src(%arg15 : memref<4096xf32, #tpu.memory_space<vmem>>) dst(%dma_wait3A_342 : memref<4096xf32, #tpu.memory_space<hbm>>)
      %mul3A_343 = arith.constant 65536 : i32
      %mul3A_344 = arith.muli %arg1, %mul3A_343 : i32
      %add3A_345 = arith.constant 8192 : i32
      %add3A_346 = arith.addi %mul3A_344, %add3A_345 : i32
      %dma_start3A_347 = tpu.memref_slice %arg8[%add3A_346] : memref<1064960xf32, #tpu.memory_space<vmem_shared>> -> memref<4096xf32, #tpu.memory_space<vmem_shared>>
      %dma_start3A_348 = tpu.memref_slice %arg8[%add3A_346] : memref<1064960xf32, #tpu.memory_space<vmem_shared>> -> memref<4096xf32, #tpu.memory_space<vmem_shared>>
      tpu.enqueue_dma source(%dma_start3A_348 : memref<4096xf32, #tpu.memory_space<vmem_shared>>) target(%arg15 : memref<4096xf32, #tpu.memory_space<vmem>>) target_semaphore(%arg17 : memref<!tpu.dma_semaphore, #tpu.memory_space<semaphore_mem>>)
      %mul3A_349 = arith.constant 65536 : i32
      %mul3A_350 = arith.muli %arg1, %mul3A_349 : i32
      %add3A_351 = arith.addi %min3A_230, %mul3A_350 : i32
      %add3A_352 = arith.constant 4096 : i32
      %add3A_353 = arith.addi %add3A_351, %add3A_352 : i32
      %dma_start3A_354 = tpu.memref_slice %arg6[%add3A_353] : memref<10240000xf32, #tpu.memory_space<hbm>> -> memref<4096xf32, #tpu.memory_space<hbm>>
      %dma_start3A_355 = tpu.memref_slice %arg6[%add3A_353] : memref<10240000xf32, #tpu.memory_space<hbm>> -> memref<4096xf32, #tpu.memory_space<hbm>>
      tpu.enqueue_dma source(%arg16 : memref<4096xf32, #tpu.memory_space<vmem>>) target(%dma_start3A_355 : memref<4096xf32, #tpu.memory_space<hbm>>) target_semaphore(%arg19 : memref<!tpu.dma_semaphore, #tpu.memory_space<semaphore_mem>>)
      %dma_wait3A_356 = tpu.memref_slice %arg8[%add3A_346] : memref<1064960xf32, #tpu.memory_space<vmem_shared>> -> memref<4096xf32, #tpu.memory_space<vmem_shared>>
      %dma_wait3A_357 = tpu.memref_slice %arg8[%add3A_346] : memref<1064960xf32, #tpu.memory_space<vmem_shared>> -> memref<4096xf32, #tpu.memory_space<vmem_shared>>
      tpu.wait_dma2 semaphore(%arg17 : memref<!tpu.dma_semaphore, #tpu.memory_space<semaphore_mem>>) src(%dma_wait3A_357 : memref<4096xf32, #tpu.memory_space<vmem_shared>>) dst(%arg15 : memref<4096xf32, #tpu.memory_space<vmem>>)
      %dma_wait3A_358 = tpu.memref_slice %arg6[%add3A_353] : memref<10240000xf32, #tpu.memory_space<hbm>> -> memref<4096xf32, #tpu.memory_space<hbm>>
      %dma_wait3A_359 = tpu.memref_slice %arg6[%add3A_353] : memref<10240000xf32, #tpu.memory_space<hbm>> -> memref<4096xf32, #tpu.memory_space<hbm>>
      tpu.wait_dma2 semaphore(%arg19 : memref<!tpu.dma_semaphore, #tpu.memory_space<semaphore_mem>>) src(%arg16 : memref<4096xf32, #tpu.memory_space<vmem>>) dst(%dma_wait3A_359 : memref<4096xf32, #tpu.memory_space<hbm>>)
      %mul3A_360 = arith.constant 65536 : i32
      %mul3A_361 = arith.muli %arg1, %mul3A_360 : i32
      %add3A_362 = arith.constant 12288 : i32
      %add3A_363 = arith.addi %mul3A_361, %add3A_362 : i32
      %dma_start3A_364 = tpu.memref_slice %arg8[%add3A_363] : memref<1064960xf32, #tpu.memory_space<vmem_shared>> -> memref<4096xf32, #tpu.memory_space<vmem_shared>>
      %dma_start3A_365 = tpu.memref_slice %arg8[%add3A_363] : memref<1064960xf32, #tpu.memory_space<vmem_shared>> -> memref<4096xf32, #tpu.memory_space<vmem_shared>>
      tpu.enqueue_dma source(%dma_start3A_365 : memref<4096xf32, #tpu.memory_space<vmem_shared>>) target(%arg16 : memref<4096xf32, #tpu.memory_space<vmem>>) target_semaphore(%arg17 : memref<!tpu.dma_semaphore, #tpu.memory_space<semaphore_mem>>)
      %mul3A_366 = arith.constant 65536 : i32
      %mul3A_367 = arith.muli %arg1, %mul3A_366 : i32
      %add3A_368 = arith.addi %min3A_230, %mul3A_367 : i32
      %add3A_369 = arith.constant 8192 : i32
      %add3A_370 = arith.addi %add3A_368, %add3A_369 : i32
      %dma_start3A_371 = tpu.memref_slice %arg6[%add3A_370] : memref<10240000xf32, #tpu.memory_space<hbm>> -> memref<4096xf32, #tpu.memory_space<hbm>>
      %dma_start3A_372 = tpu.memref_slice %arg6[%add3A_370] : memref<10240000xf32, #tpu.memory_space<hbm>> -> memref<4096xf32, #tpu.memory_space<hbm>>
      tpu.enqueue_dma source(%arg15 : memref<4096xf32, #tpu.memory_space<vmem>>) target(%dma_start3A_372 : memref<4096xf32, #tpu.memory_space<hbm>>) target_semaphore(%arg19 : memref<!tpu.dma_semaphore, #tpu.memory_space<semaphore_mem>>)
      %dma_wait3A_373 = tpu.memref_slice %arg8[%add3A_363] : memref<1064960xf32, #tpu.memory_space<vmem_shared>> -> memref<4096xf32, #tpu.memory_space<vmem_shared>>
      %dma_wait3A_374 = tpu.memref_slice %arg8[%add3A_363] : memref<1064960xf32, #tpu.memory_space<vmem_shared>> -> memref<4096xf32, #tpu.memory_space<vmem_shared>>
      tpu.wait_dma2 semaphore(%arg17 : memref<!tpu.dma_semaphore, #tpu.memory_space<semaphore_mem>>) src(%dma_wait3A_374 : memref<4096xf32, #tpu.memory_space<vmem_shared>>) dst(%arg16 : memref<4096xf32, #tpu.memory_space<vmem>>)
      %dma_wait3A_375 = tpu.memref_slice %arg6[%add3A_370] : memref<10240000xf32, #tpu.memory_space<hbm>> -> memref<4096xf32, #tpu.memory_space<hbm>>
      %dma_wait3A_376 = tpu.memref_slice %arg6[%add3A_370] : memref<10240000xf32, #tpu.memory_space<hbm>> -> memref<4096xf32, #tpu.memory_space<hbm>>
      tpu.wait_dma2 semaphore(%arg19 : memref<!tpu.dma_semaphore, #tpu.memory_space<semaphore_mem>>) src(%arg15 : memref<4096xf32, #tpu.memory_space<vmem>>) dst(%dma_wait3A_376 : memref<4096xf32, #tpu.memory_space<hbm>>)
      %mul3A_377 = arith.constant 65536 : i32
      %mul3A_378 = arith.muli %arg1, %mul3A_377 : i32
      %add3A_379 = arith.constant 16384 : i32
      %add3A_380 = arith.addi %mul3A_378, %add3A_379 : i32
      %dma_start3A_381 = tpu.memref_slice %arg8[%add3A_380] : memref<1064960xf32, #tpu.memory_space<vmem_shared>> -> memref<4096xf32, #tpu.memory_space<vmem_shared>>
      %dma_start3A_382 = tpu.memref_slice %arg8[%add3A_380] : memref<1064960xf32, #tpu.memory_space<vmem_shared>> -> memref<4096xf32, #tpu.memory_space<vmem_shared>>
      tpu.enqueue_dma source(%dma_start3A_382 : memref<4096xf32, #tpu.memory_space<vmem_shared>>) target(%arg15 : memref<4096xf32, #tpu.memory_space<vmem>>) target_semaphore(%arg17 : memref<!tpu.dma_semaphore, #tpu.memory_space<semaphore_mem>>)
      %mul3A_383 = arith.constant 65536 : i32
      %mul3A_384 = arith.muli %arg1, %mul3A_383 : i32
      %add3A_385 = arith.addi %min3A_230, %mul3A_384 : i32
      %add3A_386 = arith.constant 12288 : i32
      %add3A_387 = arith.addi %add3A_385, %add3A_386 : i32
      %dma_start3A_388 = tpu.memref_slice %arg6[%add3A_387] : memref<10240000xf32, #tpu.memory_space<hbm>> -> memref<4096xf32, #tpu.memory_space<hbm>>
      %dma_start3A_389 = tpu.memref_slice %arg6[%add3A_387] : memref<10240000xf32, #tpu.memory_space<hbm>> -> memref<4096xf32, #tpu.memory_space<hbm>>
      tpu.enqueue_dma source(%arg16 : memref<4096xf32, #tpu.memory_space<vmem>>) target(%dma_start3A_389 : memref<4096xf32, #tpu.memory_space<hbm>>) target_semaphore(%arg19 : memref<!tpu.dma_semaphore, #tpu.memory_space<semaphore_mem>>)
      %dma_wait3A_390 = tpu.memref_slice %arg8[%add3A_380] : memref<1064960xf32, #tpu.memory_space<vmem_shared>> -> memref<4096xf32, #tpu.memory_space<vmem_shared>>
      %dma_wait3A_391 = tpu.memref_slice %arg8[%add3A_380] : memref<1064960xf32, #tpu.memory_space<vmem_shared>> -> memref<4096xf32, #tpu.memory_space<vmem_shared>>
      tpu.wait_dma2 semaphore(%arg17 : memref<!tpu.dma_semaphore, #tpu.memory_space<semaphore_mem>>) src(%dma_wait3A_391 : memref<4096xf32, #tpu.memory_space<vmem_shared>>) dst(%arg15 : memref<4096xf32, #tpu.memory_space<vmem>>)
      %dma_wait3A_392 = tpu.memref_slice %arg6[%add3A_387] : memref<10240000xf32, #tpu.memory_space<hbm>> -> memref<4096xf32, #tpu.memory_space<hbm>>
      %dma_wait3A_393 = tpu.memref_slice %arg6[%add3A_387] : memref<10240000xf32, #tpu.memory_space<hbm>> -> memref<4096xf32, #tpu.memory_space<hbm>>
      tpu.wait_dma2 semaphore(%arg19 : memref<!tpu.dma_semaphore, #tpu.memory_space<semaphore_mem>>) src(%arg16 : memref<4096xf32, #tpu.memory_space<vmem>>) dst(%dma_wait3A_393 : memref<4096xf32, #tpu.memory_space<hbm>>)
      %mul3A_394 = arith.constant 65536 : i32
      %mul3A_395 = arith.muli %arg1, %mul3A_394 : i32
      %add3A_396 = arith.constant 20480 : i32
      %add3A_397 = arith.addi %mul3A_395, %add3A_396 : i32
      %dma_start3A_398 = tpu.memref_slice %arg8[%add3A_397] : memref<1064960xf32, #tpu.memory_space<vmem_shared>> -> memref<4096xf32, #tpu.memory_space<vmem_shared>>
      %dma_start3A_399 = tpu.memref_slice %arg8[%add3A_397] : memref<1064960xf32, #tpu.memory_space<vmem_shared>> -> memref<4096xf32, #tpu.memory_space<vmem_shared>>
      tpu.enqueue_dma source(%dma_start3A_399 : memref<4096xf32, #tpu.memory_space<vmem_shared>>) target(%arg16 : memref<4096xf32, #tpu.memory_space<vmem>>) target_semaphore(%arg17 : memref<!tpu.dma_semaphore, #tpu.memory_space<semaphore_mem>>)
      %mul3A_400 = arith.constant 65536 : i32
      %mul3A_401 = arith.muli %arg1, %mul3A_400 : i32
      %add3A_402 = arith.addi %min3A_230, %mul3A_401 : i32
      %add3A_403 = arith.constant 16384 : i32
      %add3A_404 = arith.addi %add3A_402, %add3A_403 : i32
      %dma_start3A_405 = tpu.memref_slice %arg6[%add3A_404] : memref<10240000xf32, #tpu.memory_space<hbm>> -> memref<4096xf32, #tpu.memory_space<hbm>>
      %dma_start3A_406 = tpu.memref_slice %arg6[%add3A_404] : memref<10240000xf32, #tpu.memory_space<hbm>> -> memref<4096xf32, #tpu.memory_space<hbm>>
      tpu.enqueue_dma source(%arg15 : memref<4096xf32, #tpu.memory_space<vmem>>) target(%dma_start3A_406 : memref<4096xf32, #tpu.memory_space<hbm>>) target_semaphore(%arg19 : memref<!tpu.dma_semaphore, #tpu.memory_space<semaphore_mem>>)
      %dma_wait3A_407 = tpu.memref_slice %arg8[%add3A_397] : memref<1064960xf32, #tpu.memory_space<vmem_shared>> -> memref<4096xf32, #tpu.memory_space<vmem_shared>>
      %dma_wait3A_408 = tpu.memref_slice %arg8[%add3A_397] : memref<1064960xf32, #tpu.memory_space<vmem_shared>> -> memref<4096xf32, #tpu.memory_space<vmem_shared>>
      tpu.wait_dma2 semaphore(%arg17 : memref<!tpu.dma_semaphore, #tpu.memory_space<semaphore_mem>>) src(%dma_wait3A_408 : memref<4096xf32, #tpu.memory_space<vmem_shared>>) dst(%arg16 : memref<4096xf32, #tpu.memory_space<vmem>>)
      %dma_wait3A_409 = tpu.memref_slice %arg6[%add3A_404] : memref<10240000xf32, #tpu.memory_space<hbm>> -> memref<4096xf32, #tpu.memory_space<hbm>>
      %dma_wait3A_410 = tpu.memref_slice %arg6[%add3A_404] : memref<10240000xf32, #tpu.memory_space<hbm>> -> memref<4096xf32, #tpu.memory_space<hbm>>
      tpu.wait_dma2 semaphore(%arg19 : memref<!tpu.dma_semaphore, #tpu.memory_space<semaphore_mem>>) src(%arg15 : memref<4096xf32, #tpu.memory_space<vmem>>) dst(%dma_wait3A_410 : memref<4096xf32, #tpu.memory_space<hbm>>)
      %mul3A_411 = arith.constant 65536 : i32
      %mul3A_412 = arith.muli %arg1, %mul3A_411 : i32
      %add3A_413 = arith.constant 24576 : i32
      %add3A_414 = arith.addi %mul3A_412, %add3A_413 : i32
      %dma_start3A_415 = tpu.memref_slice %arg8[%add3A_414] : memref<1064960xf32, #tpu.memory_space<vmem_shared>> -> memref<4096xf32, #tpu.memory_space<vmem_shared>>
      %dma_start3A_416 = tpu.memref_slice %arg8[%add3A_414] : memref<1064960xf32, #tpu.memory_space<vmem_shared>> -> memref<4096xf32, #tpu.memory_space<vmem_shared>>
      tpu.enqueue_dma source(%dma_start3A_416 : memref<4096xf32, #tpu.memory_space<vmem_shared>>) target(%arg15 : memref<4096xf32, #tpu.memory_space<vmem>>) target_semaphore(%arg17 : memref<!tpu.dma_semaphore, #tpu.memory_space<semaphore_mem>>)
      %mul3A_417 = arith.constant 65536 : i32
      %mul3A_418 = arith.muli %arg1, %mul3A_417 : i32
      %add3A_419 = arith.addi %min3A_230, %mul3A_418 : i32
      %add3A_420 = arith.constant 20480 : i32
      %add3A_421 = arith.addi %add3A_419, %add3A_420 : i32
      %dma_start3A_422 = tpu.memref_slice %arg6[%add3A_421] : memref<10240000xf32, #tpu.memory_space<hbm>> -> memref<4096xf32, #tpu.memory_space<hbm>>
      %dma_start3A_423 = tpu.memref_slice %arg6[%add3A_421] : memref<10240000xf32, #tpu.memory_space<hbm>> -> memref<4096xf32, #tpu.memory_space<hbm>>
      tpu.enqueue_dma source(%arg16 : memref<4096xf32, #tpu.memory_space<vmem>>) target(%dma_start3A_423 : memref<4096xf32, #tpu.memory_space<hbm>>) target_semaphore(%arg19 : memref<!tpu.dma_semaphore, #tpu.memory_space<semaphore_mem>>)
      %dma_wait3A_424 = tpu.memref_slice %arg8[%add3A_414] : memref<1064960xf32, #tpu.memory_space<vmem_shared>> -> memref<4096xf32, #tpu.memory_space<vmem_shared>>
      %dma_wait3A_425 = tpu.memref_slice %arg8[%add3A_414] : memref<1064960xf32, #tpu.memory_space<vmem_shared>> -> memref<4096xf32, #tpu.memory_space<vmem_shared>>
      tpu.wait_dma2 semaphore(%arg17 : memref<!tpu.dma_semaphore, #tpu.memory_space<semaphore_mem>>) src(%dma_wait3A_425 : memref<4096xf32, #tpu.memory_space<vmem_shared>>) dst(%arg15 : memref<4096xf32, #tpu.memory_space<vmem>>)
      %dma_wait3A_426 = tpu.memref_slice %arg6[%add3A_421] : memref<10240000xf32, #tpu.memory_space<hbm>> -> memref<4096xf32, #tpu.memory_space<hbm>>
      %dma_wait3A_427 = tpu.memref_slice %arg6[%add3A_421] : memref<10240000xf32, #tpu.memory_space<hbm>> -> memref<4096xf32, #tpu.memory_space<hbm>>
      tpu.wait_dma2 semaphore(%arg19 : memref<!tpu.dma_semaphore, #tpu.memory_space<semaphore_mem>>) src(%arg16 : memref<4096xf32, #tpu.memory_space<vmem>>) dst(%dma_wait3A_427 : memref<4096xf32, #tpu.memory_space<hbm>>)
      %mul3A_428 = arith.constant 65536 : i32
      %mul3A_429 = arith.muli %arg1, %mul3A_428 : i32
      %add3A_430 = arith.constant 28672 : i32
      %add3A_431 = arith.addi %mul3A_429, %add3A_430 : i32
      %dma_start3A_432 = tpu.memref_slice %arg8[%add3A_431] : memref<1064960xf32, #tpu.memory_space<vmem_shared>> -> memref<4096xf32, #tpu.memory_space<vmem_shared>>
      %dma_start3A_433 = tpu.memref_slice %arg8[%add3A_431] : memref<1064960xf32, #tpu.memory_space<vmem_shared>> -> memref<4096xf32, #tpu.memory_space<vmem_shared>>
      tpu.enqueue_dma source(%dma_start3A_433 : memref<4096xf32, #tpu.memory_space<vmem_shared>>) target(%arg16 : memref<4096xf32, #tpu.memory_space<vmem>>) target_semaphore(%arg17 : memref<!tpu.dma_semaphore, #tpu.memory_space<semaphore_mem>>)
      %mul3A_434 = arith.constant 65536 : i32
      %mul3A_435 = arith.muli %arg1, %mul3A_434 : i32
      %add3A_436 = arith.addi %min3A_230, %mul3A_435 : i32
      %add3A_437 = arith.constant 24576 : i32
      %add3A_438 = arith.addi %add3A_436, %add3A_437 : i32
      %dma_start3A_439 = tpu.memref_slice %arg6[%add3A_438] : memref<10240000xf32, #tpu.memory_space<hbm>> -> memref<4096xf32, #tpu.memory_space<hbm>>
      %dma_start3A_440 = tpu.memref_slice %arg6[%add3A_438] : memref<10240000xf32, #tpu.memory_space<hbm>> -> memref<4096xf32, #tpu.memory_space<hbm>>
      tpu.enqueue_dma source(%arg15 : memref<4096xf32, #tpu.memory_space<vmem>>) target(%dma_start3A_440 : memref<4096xf32, #tpu.memory_space<hbm>>) target_semaphore(%arg19 : memref<!tpu.dma_semaphore, #tpu.memory_space<semaphore_mem>>)
      %dma_wait3A_441 = tpu.memref_slice %arg8[%add3A_431] : memref<1064960xf32, #tpu.memory_space<vmem_shared>> -> memref<4096xf32, #tpu.memory_space<vmem_shared>>
      %dma_wait3A_442 = tpu.memref_slice %arg8[%add3A_431] : memref<1064960xf32, #tpu.memory_space<vmem_shared>> -> memref<4096xf32, #tpu.memory_space<vmem_shared>>
      tpu.wait_dma2 semaphore(%arg17 : memref<!tpu.dma_semaphore, #tpu.memory_space<semaphore_mem>>) src(%dma_wait3A_442 : memref<4096xf32, #tpu.memory_space<vmem_shared>>) dst(%arg16 : memref<4096xf32, #tpu.memory_space<vmem>>)
      %dma_wait3A_443 = tpu.memref_slice %arg6[%add3A_438] : memref<10240000xf32, #tpu.memory_space<hbm>> -> memref<4096xf32, #tpu.memory_space<hbm>>
      %dma_wait3A_444 = tpu.memref_slice %arg6[%add3A_438] : memref<10240000xf32, #tpu.memory_space<hbm>> -> memref<4096xf32, #tpu.memory_space<hbm>>
      tpu.wait_dma2 semaphore(%arg19 : memref<!tpu.dma_semaphore, #tpu.memory_space<semaphore_mem>>) src(%arg15 : memref<4096xf32, #tpu.memory_space<vmem>>) dst(%dma_wait3A_444 : memref<4096xf32, #tpu.memory_space<hbm>>)
      %mul3A_445 = arith.constant 65536 : i32
      %mul3A_446 = arith.muli %arg1, %mul3A_445 : i32
      %add3A_447 = arith.constant 32768 : i32
      %add3A_448 = arith.addi %mul3A_446, %add3A_447 : i32
      %dma_start3A_449 = tpu.memref_slice %arg8[%add3A_448] : memref<1064960xf32, #tpu.memory_space<vmem_shared>> -> memref<4096xf32, #tpu.memory_space<vmem_shared>>
      %dma_start3A_450 = tpu.memref_slice %arg8[%add3A_448] : memref<1064960xf32, #tpu.memory_space<vmem_shared>> -> memref<4096xf32, #tpu.memory_space<vmem_shared>>
      tpu.enqueue_dma source(%dma_start3A_450 : memref<4096xf32, #tpu.memory_space<vmem_shared>>) target(%arg15 : memref<4096xf32, #tpu.memory_space<vmem>>) target_semaphore(%arg17 : memref<!tpu.dma_semaphore, #tpu.memory_space<semaphore_mem>>)
      %mul3A_451 = arith.constant 65536 : i32
      %mul3A_452 = arith.muli %arg1, %mul3A_451 : i32
      %add3A_453 = arith.addi %min3A_230, %mul3A_452 : i32
      %add3A_454 = arith.constant 28672 : i32
      %add3A_455 = arith.addi %add3A_453, %add3A_454 : i32
      %dma_start3A_456 = tpu.memref_slice %arg6[%add3A_455] : memref<10240000xf32, #tpu.memory_space<hbm>> -> memref<4096xf32, #tpu.memory_space<hbm>>
      %dma_start3A_457 = tpu.memref_slice %arg6[%add3A_455] : memref<10240000xf32, #tpu.memory_space<hbm>> -> memref<4096xf32, #tpu.memory_space<hbm>>
      tpu.enqueue_dma source(%arg16 : memref<4096xf32, #tpu.memory_space<vmem>>) target(%dma_start3A_457 : memref<4096xf32, #tpu.memory_space<hbm>>) target_semaphore(%arg19 : memref<!tpu.dma_semaphore, #tpu.memory_space<semaphore_mem>>)
      %dma_wait3A_458 = tpu.memref_slice %arg8[%add3A_448] : memref<1064960xf32, #tpu.memory_space<vmem_shared>> -> memref<4096xf32, #tpu.memory_space<vmem_shared>>
      %dma_wait3A_459 = tpu.memref_slice %arg8[%add3A_448] : memref<1064960xf32, #tpu.memory_space<vmem_shared>> -> memref<4096xf32, #tpu.memory_space<vmem_shared>>
      tpu.wait_dma2 semaphore(%arg17 : memref<!tpu.dma_semaphore, #tpu.memory_space<semaphore_mem>>) src(%dma_wait3A_459 : memref<4096xf32, #tpu.memory_space<vmem_shared>>) dst(%arg15 : memref<4096xf32, #tpu.memory_space<vmem>>)
      %dma_wait3A_460 = tpu.memref_slice %arg6[%add3A_455] : memref<10240000xf32, #tpu.memory_space<hbm>> -> memref<4096xf32, #tpu.memory_space<hbm>>
      %dma_wait3A_461 = tpu.memref_slice %arg6[%add3A_455] : memref<10240000xf32, #tpu.memory_space<hbm>> -> memref<4096xf32, #tpu.memory_space<hbm>>
      tpu.wait_dma2 semaphore(%arg19 : memref<!tpu.dma_semaphore, #tpu.memory_space<semaphore_mem>>) src(%arg16 : memref<4096xf32, #tpu.memory_space<vmem>>) dst(%dma_wait3A_461 : memref<4096xf32, #tpu.memory_space<hbm>>)
      %mul3A_462 = arith.constant 65536 : i32
      %mul3A_463 = arith.muli %arg1, %mul3A_462 : i32
      %add3A_464 = arith.constant 36864 : i32
      %add3A_465 = arith.addi %mul3A_463, %add3A_464 : i32
      %dma_start3A_466 = tpu.memref_slice %arg8[%add3A_465] : memref<1064960xf32, #tpu.memory_space<vmem_shared>> -> memref<4096xf32, #tpu.memory_space<vmem_shared>>
      %dma_start3A_467 = tpu.memref_slice %arg8[%add3A_465] : memref<1064960xf32, #tpu.memory_space<vmem_shared>> -> memref<4096xf32, #tpu.memory_space<vmem_shared>>
      tpu.enqueue_dma source(%dma_start3A_467 : memref<4096xf32, #tpu.memory_space<vmem_shared>>) target(%arg16 : memref<4096xf32, #tpu.memory_space<vmem>>) target_semaphore(%arg17 : memref<!tpu.dma_semaphore, #tpu.memory_space<semaphore_mem>>)
      %mul3A_468 = arith.constant 65536 : i32
      %mul3A_469 = arith.muli %arg1, %mul3A_468 : i32
      %add3A_470 = arith.addi %min3A_230, %mul3A_469 : i32
      %add3A_471 = arith.constant 32768 : i32
      %add3A_472 = arith.addi %add3A_470, %add3A_471 : i32
      %dma_start3A_473 = tpu.memref_slice %arg6[%add3A_472] : memref<10240000xf32, #tpu.memory_space<hbm>> -> memref<4096xf32, #tpu.memory_space<hbm>>
      %dma_start3A_474 = tpu.memref_slice %arg6[%add3A_472] : memref<10240000xf32, #tpu.memory_space<hbm>> -> memref<4096xf32, #tpu.memory_space<hbm>>
      tpu.enqueue_dma source(%arg15 : memref<4096xf32, #tpu.memory_space<vmem>>) target(%dma_start3A_474 : memref<4096xf32, #tpu.memory_space<hbm>>) target_semaphore(%arg19 : memref<!tpu.dma_semaphore, #tpu.memory_space<semaphore_mem>>)
      %dma_wait3A_475 = tpu.memref_slice %arg8[%add3A_465] : memref<1064960xf32, #tpu.memory_space<vmem_shared>> -> memref<4096xf32, #tpu.memory_space<vmem_shared>>
      %dma_wait3A_476 = tpu.memref_slice %arg8[%add3A_465] : memref<1064960xf32, #tpu.memory_space<vmem_shared>> -> memref<4096xf32, #tpu.memory_space<vmem_shared>>
      tpu.wait_dma2 semaphore(%arg17 : memref<!tpu.dma_semaphore, #tpu.memory_space<semaphore_mem>>) src(%dma_wait3A_476 : memref<4096xf32, #tpu.memory_space<vmem_shared>>) dst(%arg16 : memref<4096xf32, #tpu.memory_space<vmem>>)
      %dma_wait3A_477 = tpu.memref_slice %arg6[%add3A_472] : memref<10240000xf32, #tpu.memory_space<hbm>> -> memref<4096xf32, #tpu.memory_space<hbm>>
      %dma_wait3A_478 = tpu.memref_slice %arg6[%add3A_472] : memref<10240000xf32, #tpu.memory_space<hbm>> -> memref<4096xf32, #tpu.memory_space<hbm>>
      tpu.wait_dma2 semaphore(%arg19 : memref<!tpu.dma_semaphore, #tpu.memory_space<semaphore_mem>>) src(%arg15 : memref<4096xf32, #tpu.memory_space<vmem>>) dst(%dma_wait3A_478 : memref<4096xf32, #tpu.memory_space<hbm>>)
      %mul3A_479 = arith.constant 65536 : i32
      %mul3A_480 = arith.muli %arg1, %mul3A_479 : i32
      %add3A_481 = arith.constant 40960 : i32
      %add3A_482 = arith.addi %mul3A_480, %add3A_481 : i32
      %dma_start3A_483 = tpu.memref_slice %arg8[%add3A_482] : memref<1064960xf32, #tpu.memory_space<vmem_shared>> -> memref<4096xf32, #tpu.memory_space<vmem_shared>>
      %dma_start3A_484 = tpu.memref_slice %arg8[%add3A_482] : memref<1064960xf32, #tpu.memory_space<vmem_shared>> -> memref<4096xf32, #tpu.memory_space<vmem_shared>>
      tpu.enqueue_dma source(%dma_start3A_484 : memref<4096xf32, #tpu.memory_space<vmem_shared>>) target(%arg15 : memref<4096xf32, #tpu.memory_space<vmem>>) target_semaphore(%arg17 : memref<!tpu.dma_semaphore, #tpu.memory_space<semaphore_mem>>)
      %mul3A_485 = arith.constant 65536 : i32
      %mul3A_486 = arith.muli %arg1, %mul3A_485 : i32
      %add3A_487 = arith.addi %min3A_230, %mul3A_486 : i32
      %add3A_488 = arith.constant 36864 : i32
      %add3A_489 = arith.addi %add3A_487, %add3A_488 : i32
      %dma_start3A_490 = tpu.memref_slice %arg6[%add3A_489] : memref<10240000xf32, #tpu.memory_space<hbm>> -> memref<4096xf32, #tpu.memory_space<hbm>>
      %dma_start3A_491 = tpu.memref_slice %arg6[%add3A_489] : memref<10240000xf32, #tpu.memory_space<hbm>> -> memref<4096xf32, #tpu.memory_space<hbm>>
      tpu.enqueue_dma source(%arg16 : memref<4096xf32, #tpu.memory_space<vmem>>) target(%dma_start3A_491 : memref<4096xf32, #tpu.memory_space<hbm>>) target_semaphore(%arg19 : memref<!tpu.dma_semaphore, #tpu.memory_space<semaphore_mem>>)
      %dma_wait3A_492 = tpu.memref_slice %arg8[%add3A_482] : memref<1064960xf32, #tpu.memory_space<vmem_shared>> -> memref<4096xf32, #tpu.memory_space<vmem_shared>>
      %dma_wait3A_493 = tpu.memref_slice %arg8[%add3A_482] : memref<1064960xf32, #tpu.memory_space<vmem_shared>> -> memref<4096xf32, #tpu.memory_space<vmem_shared>>
      tpu.wait_dma2 semaphore(%arg17 : memref<!tpu.dma_semaphore, #tpu.memory_space<semaphore_mem>>) src(%dma_wait3A_493 : memref<4096xf32, #tpu.memory_space<vmem_shared>>) dst(%arg15 : memref<4096xf32, #tpu.memory_space<vmem>>)
      %dma_wait3A_494 = tpu.memref_slice %arg6[%add3A_489] : memref<10240000xf32, #tpu.memory_space<hbm>> -> memref<4096xf32, #tpu.memory_space<hbm>>
      %dma_wait3A_495 = tpu.memref_slice %arg6[%add3A_489] : memref<10240000xf32, #tpu.memory_space<hbm>> -> memref<4096xf32, #tpu.memory_space<hbm>>
      tpu.wait_dma2 semaphore(%arg19 : memref<!tpu.dma_semaphore, #tpu.memory_space<semaphore_mem>>) src(%arg16 : memref<4096xf32, #tpu.memory_space<vmem>>) dst(%dma_wait3A_495 : memref<4096xf32, #tpu.memory_space<hbm>>)
      %mul3A_496 = arith.constant 65536 : i32
      %mul3A_497 = arith.muli %arg1, %mul3A_496 : i32
      %add3A_498 = arith.constant 45056 : i32
      %add3A_499 = arith.addi %mul3A_497, %add3A_498 : i32
      %dma_start3A_500 = tpu.memref_slice %arg8[%add3A_499] : memref<1064960xf32, #tpu.memory_space<vmem_shared>> -> memref<4096xf32, #tpu.memory_space<vmem_shared>>
      %dma_start3A_501 = tpu.memref_slice %arg8[%add3A_499] : memref<1064960xf32, #tpu.memory_space<vmem_shared>> -> memref<4096xf32, #tpu.memory_space<vmem_shared>>
      tpu.enqueue_dma source(%dma_start3A_501 : memref<4096xf32, #tpu.memory_space<vmem_shared>>) target(%arg16 : memref<4096xf32, #tpu.memory_space<vmem>>) target_semaphore(%arg17 : memref<!tpu.dma_semaphore, #tpu.memory_space<semaphore_mem>>)
      %mul3A_502 = arith.constant 65536 : i32
      %mul3A_503 = arith.muli %arg1, %mul3A_502 : i32
      %add3A_504 = arith.addi %min3A_230, %mul3A_503 : i32
      %add3A_505 = arith.constant 40960 : i32
      %add3A_506 = arith.addi %add3A_504, %add3A_505 : i32
      %dma_start3A_507 = tpu.memref_slice %arg6[%add3A_506] : memref<10240000xf32, #tpu.memory_space<hbm>> -> memref<4096xf32, #tpu.memory_space<hbm>>
      %dma_start3A_508 = tpu.memref_slice %arg6[%add3A_506] : memref<10240000xf32, #tpu.memory_space<hbm>> -> memref<4096xf32, #tpu.memory_space<hbm>>
      tpu.enqueue_dma source(%arg15 : memref<4096xf32, #tpu.memory_space<vmem>>) target(%dma_start3A_508 : memref<4096xf32, #tpu.memory_space<hbm>>) target_semaphore(%arg19 : memref<!tpu.dma_semaphore, #tpu.memory_space<semaphore_mem>>)
      %dma_wait3A_509 = tpu.memref_slice %arg8[%add3A_499] : memref<1064960xf32, #tpu.memory_space<vmem_shared>> -> memref<4096xf32, #tpu.memory_space<vmem_shared>>
      %dma_wait3A_510 = tpu.memref_slice %arg8[%add3A_499] : memref<1064960xf32, #tpu.memory_space<vmem_shared>> -> memref<4096xf32, #tpu.memory_space<vmem_shared>>
      tpu.wait_dma2 semaphore(%arg17 : memref<!tpu.dma_semaphore, #tpu.memory_space<semaphore_mem>>) src(%dma_wait3A_510 : memref<4096xf32, #tpu.memory_space<vmem_shared>>) dst(%arg16 : memref<4096xf32, #tpu.memory_space<vmem>>)
      %dma_wait3A_511 = tpu.memref_slice %arg6[%add3A_506] : memref<10240000xf32, #tpu.memory_space<hbm>> -> memref<4096xf32, #tpu.memory_space<hbm>>
      %dma_wait3A_512 = tpu.memref_slice %arg6[%add3A_506] : memref<10240000xf32, #tpu.memory_space<hbm>> -> memref<4096xf32, #tpu.memory_space<hbm>>
      tpu.wait_dma2 semaphore(%arg19 : memref<!tpu.dma_semaphore, #tpu.memory_space<semaphore_mem>>) src(%arg15 : memref<4096xf32, #tpu.memory_space<vmem>>) dst(%dma_wait3A_512 : memref<4096xf32, #tpu.memory_space<hbm>>)
      %mul3A_513 = arith.constant 65536 : i32
      %mul3A_514 = arith.muli %arg1, %mul3A_513 : i32
      %add3A_515 = arith.constant 49152 : i32
      %add3A_516 = arith.addi %mul3A_514, %add3A_515 : i32
      %dma_start3A_517 = tpu.memref_slice %arg8[%add3A_516] : memref<1064960xf32, #tpu.memory_space<vmem_shared>> -> memref<4096xf32, #tpu.memory_space<vmem_shared>>
      %dma_start3A_518 = tpu.memref_slice %arg8[%add3A_516] : memref<1064960xf32, #tpu.memory_space<vmem_shared>> -> memref<4096xf32, #tpu.memory_space<vmem_shared>>
      tpu.enqueue_dma source(%dma_start3A_518 : memref<4096xf32, #tpu.memory_space<vmem_shared>>) target(%arg15 : memref<4096xf32, #tpu.memory_space<vmem>>) target_semaphore(%arg17 : memref<!tpu.dma_semaphore, #tpu.memory_space<semaphore_mem>>)
      %mul3A_519 = arith.constant 65536 : i32
      %mul3A_520 = arith.muli %arg1, %mul3A_519 : i32
      %add3A_521 = arith.addi %min3A_230, %mul3A_520 : i32
      %add3A_522 = arith.constant 45056 : i32
      %add3A_523 = arith.addi %add3A_521, %add3A_522 : i32
      %dma_start3A_524 = tpu.memref_slice %arg6[%add3A_523] : memref<10240000xf32, #tpu.memory_space<hbm>> -> memref<4096xf32, #tpu.memory_space<hbm>>
      %dma_start3A_525 = tpu.memref_slice %arg6[%add3A_523] : memref<10240000xf32, #tpu.memory_space<hbm>> -> memref<4096xf32, #tpu.memory_space<hbm>>
      tpu.enqueue_dma source(%arg16 : memref<4096xf32, #tpu.memory_space<vmem>>) target(%dma_start3A_525 : memref<4096xf32, #tpu.memory_space<hbm>>) target_semaphore(%arg19 : memref<!tpu.dma_semaphore, #tpu.memory_space<semaphore_mem>>)
      %dma_wait3A_526 = tpu.memref_slice %arg8[%add3A_516] : memref<1064960xf32, #tpu.memory_space<vmem_shared>> -> memref<4096xf32, #tpu.memory_space<vmem_shared>>
      %dma_wait3A_527 = tpu.memref_slice %arg8[%add3A_516] : memref<1064960xf32, #tpu.memory_space<vmem_shared>> -> memref<4096xf32, #tpu.memory_space<vmem_shared>>
      tpu.wait_dma2 semaphore(%arg17 : memref<!tpu.dma_semaphore, #tpu.memory_space<semaphore_mem>>) src(%dma_wait3A_527 : memref<4096xf32, #tpu.memory_space<vmem_shared>>) dst(%arg15 : memref<4096xf32, #tpu.memory_space<vmem>>)
      %dma_wait3A_528 = tpu.memref_slice %arg6[%add3A_523] : memref<10240000xf32, #tpu.memory_space<hbm>> -> memref<4096xf32, #tpu.memory_space<hbm>>
      %dma_wait3A_529 = tpu.memref_slice %arg6[%add3A_523] : memref<10240000xf32, #tpu.memory_space<hbm>> -> memref<4096xf32, #tpu.memory_space<hbm>>
      tpu.wait_dma2 semaphore(%arg19 : memref<!tpu.dma_semaphore, #tpu.memory_space<semaphore_mem>>) src(%arg16 : memref<4096xf32, #tpu.memory_space<vmem>>) dst(%dma_wait3A_529 : memref<4096xf32, #tpu.memory_space<hbm>>)
      %mul3A_530 = arith.constant 65536 : i32
      %mul3A_531 = arith.muli %arg1, %mul3A_530 : i32
      %add3A_532 = arith.constant 53248 : i32
      %add3A_533 = arith.addi %mul3A_531, %add3A_532 : i32
      %dma_start3A_534 = tpu.memref_slice %arg8[%add3A_533] : memref<1064960xf32, #tpu.memory_space<vmem_shared>> -> memref<4096xf32, #tpu.memory_space<vmem_shared>>
      %dma_start3A_535 = tpu.memref_slice %arg8[%add3A_533] : memref<1064960xf32, #tpu.memory_space<vmem_shared>> -> memref<4096xf32, #tpu.memory_space<vmem_shared>>
      tpu.enqueue_dma source(%dma_start3A_535 : memref<4096xf32, #tpu.memory_space<vmem_shared>>) target(%arg16 : memref<4096xf32, #tpu.memory_space<vmem>>) target_semaphore(%arg17 : memref<!tpu.dma_semaphore, #tpu.memory_space<semaphore_mem>>)
      %mul3A_536 = arith.constant 65536 : i32
      %mul3A_537 = arith.muli %arg1, %mul3A_536 : i32
      %add3A_538 = arith.addi %min3A_230, %mul3A_537 : i32
      %add3A_539 = arith.constant 49152 : i32
      %add3A_540 = arith.addi %add3A_538, %add3A_539 : i32
      %dma_start3A_541 = tpu.memref_slice %arg6[%add3A_540] : memref<10240000xf32, #tpu.memory_space<hbm>> -> memref<4096xf32, #tpu.memory_space<hbm>>
      %dma_start3A_542 = tpu.memref_slice %arg6[%add3A_540] : memref<10240000xf32, #tpu.memory_space<hbm>> -> memref<4096xf32, #tpu.memory_space<hbm>>
      tpu.enqueue_dma source(%arg15 : memref<4096xf32, #tpu.memory_space<vmem>>) target(%dma_start3A_542 : memref<4096xf32, #tpu.memory_space<hbm>>) target_semaphore(%arg19 : memref<!tpu.dma_semaphore, #tpu.memory_space<semaphore_mem>>)
      %dma_wait3A_543 = tpu.memref_slice %arg8[%add3A_533] : memref<1064960xf32, #tpu.memory_space<vmem_shared>> -> memref<4096xf32, #tpu.memory_space<vmem_shared>>
      %dma_wait3A_544 = tpu.memref_slice %arg8[%add3A_533] : memref<1064960xf32, #tpu.memory_space<vmem_shared>> -> memref<4096xf32, #tpu.memory_space<vmem_shared>>
      tpu.wait_dma2 semaphore(%arg17 : memref<!tpu.dma_semaphore, #tpu.memory_space<semaphore_mem>>) src(%dma_wait3A_544 : memref<4096xf32, #tpu.memory_space<vmem_shared>>) dst(%arg16 : memref<4096xf32, #tpu.memory_space<vmem>>)
      %dma_wait3A_545 = tpu.memref_slice %arg6[%add3A_540] : memref<10240000xf32, #tpu.memory_space<hbm>> -> memref<4096xf32, #tpu.memory_space<hbm>>
      %dma_wait3A_546 = tpu.memref_slice %arg6[%add3A_540] : memref<10240000xf32, #tpu.memory_space<hbm>> -> memref<4096xf32, #tpu.memory_space<hbm>>
      tpu.wait_dma2 semaphore(%arg19 : memref<!tpu.dma_semaphore, #tpu.memory_space<semaphore_mem>>) src(%arg15 : memref<4096xf32, #tpu.memory_space<vmem>>) dst(%dma_wait3A_546 : memref<4096xf32, #tpu.memory_space<hbm>>)
      %mul3A_547 = arith.constant 65536 : i32
      %mul3A_548 = arith.muli %arg1, %mul3A_547 : i32
      %add3A_549 = arith.constant 57344 : i32
      %add3A_550 = arith.addi %mul3A_548, %add3A_549 : i32
      %dma_start3A_551 = tpu.memref_slice %arg8[%add3A_550] : memref<1064960xf32, #tpu.memory_space<vmem_shared>> -> memref<4096xf32, #tpu.memory_space<vmem_shared>>
      %dma_start3A_552 = tpu.memref_slice %arg8[%add3A_550] : memref<1064960xf32, #tpu.memory_space<vmem_shared>> -> memref<4096xf32, #tpu.memory_space<vmem_shared>>
      tpu.enqueue_dma source(%dma_start3A_552 : memref<4096xf32, #tpu.memory_space<vmem_shared>>) target(%arg15 : memref<4096xf32, #tpu.memory_space<vmem>>) target_semaphore(%arg17 : memref<!tpu.dma_semaphore, #tpu.memory_space<semaphore_mem>>)
      %mul3A_553 = arith.constant 65536 : i32
      %mul3A_554 = arith.muli %arg1, %mul3A_553 : i32
      %add3A_555 = arith.addi %min3A_230, %mul3A_554 : i32
      %add3A_556 = arith.constant 53248 : i32
      %add3A_557 = arith.addi %add3A_555, %add3A_556 : i32
      %dma_start3A_558 = tpu.memref_slice %arg6[%add3A_557] : memref<10240000xf32, #tpu.memory_space<hbm>> -> memref<4096xf32, #tpu.memory_space<hbm>>
      %dma_start3A_559 = tpu.memref_slice %arg6[%add3A_557] : memref<10240000xf32, #tpu.memory_space<hbm>> -> memref<4096xf32, #tpu.memory_space<hbm>>
      tpu.enqueue_dma source(%arg16 : memref<4096xf32, #tpu.memory_space<vmem>>) target(%dma_start3A_559 : memref<4096xf32, #tpu.memory_space<hbm>>) target_semaphore(%arg19 : memref<!tpu.dma_semaphore, #tpu.memory_space<semaphore_mem>>)
      %dma_wait3A_560 = tpu.memref_slice %arg8[%add3A_550] : memref<1064960xf32, #tpu.memory_space<vmem_shared>> -> memref<4096xf32, #tpu.memory_space<vmem_shared>>
      %dma_wait3A_561 = tpu.memref_slice %arg8[%add3A_550] : memref<1064960xf32, #tpu.memory_space<vmem_shared>> -> memref<4096xf32, #tpu.memory_space<vmem_shared>>
      tpu.wait_dma2 semaphore(%arg17 : memref<!tpu.dma_semaphore, #tpu.memory_space<semaphore_mem>>) src(%dma_wait3A_561 : memref<4096xf32, #tpu.memory_space<vmem_shared>>) dst(%arg15 : memref<4096xf32, #tpu.memory_space<vmem>>)
      %dma_wait3A_562 = tpu.memref_slice %arg6[%add3A_557] : memref<10240000xf32, #tpu.memory_space<hbm>> -> memref<4096xf32, #tpu.memory_space<hbm>>
      %dma_wait3A_563 = tpu.memref_slice %arg6[%add3A_557] : memref<10240000xf32, #tpu.memory_space<hbm>> -> memref<4096xf32, #tpu.memory_space<hbm>>
      tpu.wait_dma2 semaphore(%arg19 : memref<!tpu.dma_semaphore, #tpu.memory_space<semaphore_mem>>) src(%arg16 : memref<4096xf32, #tpu.memory_space<vmem>>) dst(%dma_wait3A_563 : memref<4096xf32, #tpu.memory_space<hbm>>)
      %mul3A_564 = arith.constant 65536 : i32
      %mul3A_565 = arith.muli %arg1, %mul3A_564 : i32
      %add3A_566 = arith.constant 61440 : i32
      %add3A_567 = arith.addi %mul3A_565, %add3A_566 : i32
      %dma_start3A_568 = tpu.memref_slice %arg8[%add3A_567] : memref<1064960xf32, #tpu.memory_space<vmem_shared>> -> memref<4096xf32, #tpu.memory_space<vmem_shared>>
      %dma_start3A_569 = tpu.memref_slice %arg8[%add3A_567] : memref<1064960xf32, #tpu.memory_space<vmem_shared>> -> memref<4096xf32, #tpu.memory_space<vmem_shared>>
      tpu.enqueue_dma source(%dma_start3A_569 : memref<4096xf32, #tpu.memory_space<vmem_shared>>) target(%arg16 : memref<4096xf32, #tpu.memory_space<vmem>>) target_semaphore(%arg17 : memref<!tpu.dma_semaphore, #tpu.memory_space<semaphore_mem>>)
      %mul3A_570 = arith.constant 65536 : i32
      %mul3A_571 = arith.muli %arg1, %mul3A_570 : i32
      %add3A_572 = arith.addi %min3A_230, %mul3A_571 : i32
      %add3A_573 = arith.constant 57344 : i32
      %add3A_574 = arith.addi %add3A_572, %add3A_573 : i32
      %dma_start3A_575 = tpu.memref_slice %arg6[%add3A_574] : memref<10240000xf32, #tpu.memory_space<hbm>> -> memref<4096xf32, #tpu.memory_space<hbm>>
      %dma_start3A_576 = tpu.memref_slice %arg6[%add3A_574] : memref<10240000xf32, #tpu.memory_space<hbm>> -> memref<4096xf32, #tpu.memory_space<hbm>>
      tpu.enqueue_dma source(%arg15 : memref<4096xf32, #tpu.memory_space<vmem>>) target(%dma_start3A_576 : memref<4096xf32, #tpu.memory_space<hbm>>) target_semaphore(%arg19 : memref<!tpu.dma_semaphore, #tpu.memory_space<semaphore_mem>>)
      %dma_wait3A_577 = tpu.memref_slice %arg8[%add3A_567] : memref<1064960xf32, #tpu.memory_space<vmem_shared>> -> memref<4096xf32, #tpu.memory_space<vmem_shared>>
      %dma_wait3A_578 = tpu.memref_slice %arg8[%add3A_567] : memref<1064960xf32, #tpu.memory_space<vmem_shared>> -> memref<4096xf32, #tpu.memory_space<vmem_shared>>
      tpu.wait_dma2 semaphore(%arg17 : memref<!tpu.dma_semaphore, #tpu.memory_space<semaphore_mem>>) src(%dma_wait3A_578 : memref<4096xf32, #tpu.memory_space<vmem_shared>>) dst(%arg16 : memref<4096xf32, #tpu.memory_space<vmem>>)
      %mul3A_579 = arith.constant 65536 : i32
      %mul3A_580 = arith.muli %arg1, %mul3A_579 : i32
      %add3A_581 = arith.addi %min3A_230, %mul3A_580 : i32
      %add3A_582 = arith.constant 61440 : i32
      %add3A_583 = arith.addi %add3A_581, %add3A_582 : i32
      %dma_start3A_584 = tpu.memref_slice %arg6[%add3A_583] : memref<10240000xf32, #tpu.memory_space<hbm>> -> memref<4096xf32, #tpu.memory_space<hbm>>
      %dma_start3A_585 = tpu.memref_slice %arg6[%add3A_583] : memref<10240000xf32, #tpu.memory_space<hbm>> -> memref<4096xf32, #tpu.memory_space<hbm>>
      tpu.enqueue_dma source(%arg16 : memref<4096xf32, #tpu.memory_space<vmem>>) target(%dma_start3A_585 : memref<4096xf32, #tpu.memory_space<hbm>>) target_semaphore(%arg19 : memref<!tpu.dma_semaphore, #tpu.memory_space<semaphore_mem>>)
      %dma_wait3A_586 = tpu.memref_slice %arg6[%add3A_574] : memref<10240000xf32, #tpu.memory_space<hbm>> -> memref<4096xf32, #tpu.memory_space<hbm>>
      %dma_wait3A_587 = tpu.memref_slice %arg6[%add3A_574] : memref<10240000xf32, #tpu.memory_space<hbm>> -> memref<4096xf32, #tpu.memory_space<hbm>>
      tpu.wait_dma2 semaphore(%arg19 : memref<!tpu.dma_semaphore, #tpu.memory_space<semaphore_mem>>) src(%arg15 : memref<4096xf32, #tpu.memory_space<vmem>>) dst(%dma_wait3A_587 : memref<4096xf32, #tpu.memory_space<hbm>>)
      %dma_wait3A_588 = tpu.memref_slice %arg6[%add3A_583] : memref<10240000xf32, #tpu.memory_space<hbm>> -> memref<4096xf32, #tpu.memory_space<hbm>>
      %dma_wait3A_589 = tpu.memref_slice %arg6[%add3A_583] : memref<10240000xf32, #tpu.memory_space<hbm>> -> memref<4096xf32, #tpu.memory_space<hbm>>
      tpu.wait_dma2 semaphore(%arg19 : memref<!tpu.dma_semaphore, #tpu.memory_space<semaphore_mem>>) src(%arg16 : memref<4096xf32, #tpu.memory_space<vmem>>) dst(%dma_wait3A_589 : memref<4096xf32, #tpu.memory_space<hbm>>)
      %barrier3A_590 = arith.constant 0 : index
      tpu.barrier barrier_id(%barrier3A_590)
      %scan3A_591 = arith.constant 0 : i32
      %scan3A_592 = arith.constant 37 : i32
      %scan3A_593 = arith.constant 37 : i32
      %scan3A_594 = arith.addi %scan3A_592, %scan3A_593 : i32
      %scan3A_595 = arith.constant 1 : i32
      scf.for %scan3A_1003 = %scan3A_592 to %scan3A_594 step %scan3A_595  : i32 {
        %dma_start3A_1004 = arith.constant 0 : i32
        %dma_start3A_1005 = tpu.memref_slice %arg12[%scan3A_1003, %dma_start3A_1004] : memref<80x128xi32, #tpu.memory_space<vmem>> -> memref<1x128xi32, #tpu.memory_space<vmem>>
        %dma_start3A_1006 = tpu.memref_squeeze %dma_start3A_1005 : memref<1x128xi32, #tpu.memory_space<vmem>> -> memref<128xi32, #tpu.memory_space<vmem>>
        %dma_start3A_1007 = arith.constant 0 : i32
        %dma_start3A_1008 = tpu.memref_slice %arg8[%dma_start3A_1007] : memref<1064960xf32, #tpu.memory_space<vmem_shared>> -> memref<1064960xf32, #tpu.memory_space<vmem_shared>>
        tpu.enqueue_indirect_dma source(%arg13 : memref<128xf32, #tpu.memory_space<vmem>>) target(%dma_start3A_1008 : memref<1064960xf32, #tpu.memory_space<vmem_shared>>) offsets(%dma_start3A_1006 : memref<128xi32, #tpu.memory_space<vmem>>) semaphore(%arg18 : memref<!tpu.dma_semaphore, #tpu.memory_space<semaphore_mem>>) {add = true}
      }
      %scan3A_596 = arith.constant 37 : i32
      %scan3A_597 = arith.constant 0 : i32
      %scan3A_598 = arith.constant 37 : i32
      %scan3A_599 = arith.constant 37 : i32
      %scan3A_600 = arith.addi %scan3A_598, %scan3A_599 : i32
      %scan3A_601 = arith.constant 1 : i32
      scf.for %scan3A_1003 = %scan3A_598 to %scan3A_600 step %scan3A_601  : i32 {
        %dma_wait3A_1004 = arith.constant 0 : i32
        %dma_wait3A_1005 = arith.constant 0 : i32
        %dma_wait3A_1006 = tpu.memref_slice %arg12[%dma_wait3A_1004, %dma_wait3A_1005] : memref<80x128xi32, #tpu.memory_space<vmem>> -> memref<1x128xi32, #tpu.memory_space<vmem>>
        %dma_wait3A_1007 = tpu.memref_squeeze %dma_wait3A_1006 : memref<1x128xi32, #tpu.memory_space<vmem>> -> memref<128xi32, #tpu.memory_space<vmem>>
        %dma_wait3A_1008 = arith.constant 0 : i32
        %dma_wait3A_1009 = tpu.memref_slice %arg8[%dma_wait3A_1008] : memref<1064960xf32, #tpu.memory_space<vmem_shared>> -> memref<1064960xf32, #tpu.memory_space<vmem_shared>>
        tpu.wait_indirect_dma semaphore(%arg18 : memref<!tpu.dma_semaphore, #tpu.memory_space<semaphore_mem>>) src(%arg13 : memref<128xf32, #tpu.memory_space<vmem>>) dst(%dma_wait3A_1009 : memref<1064960xf32, #tpu.memory_space<vmem_shared>>)
      }
      %scan3A_602 = arith.constant 37 : i32
      %barrier3A_603 = arith.constant 0 : index
      tpu.barrier barrier_id(%barrier3A_603)
      %mul3A_604 = arith.constant 65536 : i32
      %mul3A_605 = arith.muli %arg1, %mul3A_604 : i32
      %dma_start3A_606 = tpu.memref_slice %arg8[%mul3A_605] : memref<1064960xf32, #tpu.memory_space<vmem_shared>> -> memref<4096xf32, #tpu.memory_space<vmem_shared>>
      %dma_start3A_607 = tpu.memref_slice %arg8[%mul3A_605] : memref<1064960xf32, #tpu.memory_space<vmem_shared>> -> memref<4096xf32, #tpu.memory_space<vmem_shared>>
      tpu.enqueue_dma source(%dma_start3A_607 : memref<4096xf32, #tpu.memory_space<vmem_shared>>) target(%arg15 : memref<4096xf32, #tpu.memory_space<vmem>>) target_semaphore(%arg17 : memref<!tpu.dma_semaphore, #tpu.memory_space<semaphore_mem>>)
      %dma_wait3A_608 = tpu.memref_slice %arg8[%mul3A_605] : memref<1064960xf32, #tpu.memory_space<vmem_shared>> -> memref<4096xf32, #tpu.memory_space<vmem_shared>>
      %dma_wait3A_609 = tpu.memref_slice %arg8[%mul3A_605] : memref<1064960xf32, #tpu.memory_space<vmem_shared>> -> memref<4096xf32, #tpu.memory_space<vmem_shared>>
      tpu.wait_dma2 semaphore(%arg17 : memref<!tpu.dma_semaphore, #tpu.memory_space<semaphore_mem>>) src(%dma_wait3A_609 : memref<4096xf32, #tpu.memory_space<vmem_shared>>) dst(%arg15 : memref<4096xf32, #tpu.memory_space<vmem>>)
      %mul3A_610 = arith.constant 65536 : i32
      %mul3A_611 = arith.muli %arg1, %mul3A_610 : i32
      %add3A_612 = arith.constant 0 : i32
      %add3A_613 = arith.addi %mul3A_611, %add3A_612 : i32
      %dma_start3A_614 = tpu.memref_slice %arg8[%add3A_613] : memref<1064960xf32, #tpu.memory_space<vmem_shared>> -> memref<4096xf32, #tpu.memory_space<vmem_shared>>
      %dma_start3A_615 = tpu.memref_slice %arg8[%add3A_613] : memref<1064960xf32, #tpu.memory_space<vmem_shared>> -> memref<4096xf32, #tpu.memory_space<vmem_shared>>
      tpu.enqueue_dma source(%arg14 : memref<4096xf32, #tpu.memory_space<vmem>>) target(%dma_start3A_615 : memref<4096xf32, #tpu.memory_space<vmem_shared>>) target_semaphore(%arg20 : memref<!tpu.dma_semaphore, #tpu.memory_space<semaphore_mem>>)
      %mul3A_616 = arith.constant 65536 : i32
      %mul3A_617 = arith.muli %arg1, %mul3A_616 : i32
      %add3A_618 = arith.constant 4096 : i32
      %add3A_619 = arith.addi %mul3A_617, %add3A_618 : i32
      %dma_start3A_620 = tpu.memref_slice %arg8[%add3A_619] : memref<1064960xf32, #tpu.memory_space<vmem_shared>> -> memref<4096xf32, #tpu.memory_space<vmem_shared>>
      %dma_start3A_621 = tpu.memref_slice %arg8[%add3A_619] : memref<1064960xf32, #tpu.memory_space<vmem_shared>> -> memref<4096xf32, #tpu.memory_space<vmem_shared>>
      tpu.enqueue_dma source(%dma_start3A_621 : memref<4096xf32, #tpu.memory_space<vmem_shared>>) target(%arg16 : memref<4096xf32, #tpu.memory_space<vmem>>) target_semaphore(%arg17 : memref<!tpu.dma_semaphore, #tpu.memory_space<semaphore_mem>>)
      %mul3A_622 = arith.constant 65536 : i32
      %mul3A_623 = arith.muli %arg1, %mul3A_622 : i32
      %add3A_624 = arith.addi %min3A_230, %mul3A_623 : i32
      %add3A_625 = arith.constant 0 : i32
      %add3A_626 = arith.addi %add3A_624, %add3A_625 : i32
      %dma_start3A_627 = tpu.memref_slice %arg7[%add3A_626] : memref<10240000xf32, #tpu.memory_space<hbm>> -> memref<4096xf32, #tpu.memory_space<hbm>>
      %dma_start3A_628 = tpu.memref_slice %arg7[%add3A_626] : memref<10240000xf32, #tpu.memory_space<hbm>> -> memref<4096xf32, #tpu.memory_space<hbm>>
      tpu.enqueue_dma source(%arg15 : memref<4096xf32, #tpu.memory_space<vmem>>) target(%dma_start3A_628 : memref<4096xf32, #tpu.memory_space<hbm>>) target_semaphore(%arg19 : memref<!tpu.dma_semaphore, #tpu.memory_space<semaphore_mem>>)
      %dma_wait3A_629 = tpu.memref_slice %arg8[%add3A_619] : memref<1064960xf32, #tpu.memory_space<vmem_shared>> -> memref<4096xf32, #tpu.memory_space<vmem_shared>>
      %dma_wait3A_630 = tpu.memref_slice %arg8[%add3A_619] : memref<1064960xf32, #tpu.memory_space<vmem_shared>> -> memref<4096xf32, #tpu.memory_space<vmem_shared>>
      tpu.wait_dma2 semaphore(%arg17 : memref<!tpu.dma_semaphore, #tpu.memory_space<semaphore_mem>>) src(%dma_wait3A_630 : memref<4096xf32, #tpu.memory_space<vmem_shared>>) dst(%arg16 : memref<4096xf32, #tpu.memory_space<vmem>>)
      %mul3A_631 = arith.constant 65536 : i32
      %mul3A_632 = arith.muli %arg1, %mul3A_631 : i32
      %add3A_633 = arith.constant 4096 : i32
      %add3A_634 = arith.addi %mul3A_632, %add3A_633 : i32
      %dma_start3A_635 = tpu.memref_slice %arg8[%add3A_634] : memref<1064960xf32, #tpu.memory_space<vmem_shared>> -> memref<4096xf32, #tpu.memory_space<vmem_shared>>
      %dma_start3A_636 = tpu.memref_slice %arg8[%add3A_634] : memref<1064960xf32, #tpu.memory_space<vmem_shared>> -> memref<4096xf32, #tpu.memory_space<vmem_shared>>
      tpu.enqueue_dma source(%arg14 : memref<4096xf32, #tpu.memory_space<vmem>>) target(%dma_start3A_636 : memref<4096xf32, #tpu.memory_space<vmem_shared>>) target_semaphore(%arg20 : memref<!tpu.dma_semaphore, #tpu.memory_space<semaphore_mem>>)
      %dma_wait3A_637 = tpu.memref_slice %arg7[%add3A_626] : memref<10240000xf32, #tpu.memory_space<hbm>> -> memref<4096xf32, #tpu.memory_space<hbm>>
      %dma_wait3A_638 = tpu.memref_slice %arg7[%add3A_626] : memref<10240000xf32, #tpu.memory_space<hbm>> -> memref<4096xf32, #tpu.memory_space<hbm>>
      tpu.wait_dma2 semaphore(%arg19 : memref<!tpu.dma_semaphore, #tpu.memory_space<semaphore_mem>>) src(%arg15 : memref<4096xf32, #tpu.memory_space<vmem>>) dst(%dma_wait3A_638 : memref<4096xf32, #tpu.memory_space<hbm>>)
      %mul3A_639 = arith.constant 65536 : i32
      %mul3A_640 = arith.muli %arg1, %mul3A_639 : i32
      %add3A_641 = arith.constant 8192 : i32
      %add3A_642 = arith.addi %mul3A_640, %add3A_641 : i32
      %dma_start3A_643 = tpu.memref_slice %arg8[%add3A_642] : memref<1064960xf32, #tpu.memory_space<vmem_shared>> -> memref<4096xf32, #tpu.memory_space<vmem_shared>>
      %dma_start3A_644 = tpu.memref_slice %arg8[%add3A_642] : memref<1064960xf32, #tpu.memory_space<vmem_shared>> -> memref<4096xf32, #tpu.memory_space<vmem_shared>>
      tpu.enqueue_dma source(%dma_start3A_644 : memref<4096xf32, #tpu.memory_space<vmem_shared>>) target(%arg15 : memref<4096xf32, #tpu.memory_space<vmem>>) target_semaphore(%arg17 : memref<!tpu.dma_semaphore, #tpu.memory_space<semaphore_mem>>)
      %mul3A_645 = arith.constant 65536 : i32
      %mul3A_646 = arith.muli %arg1, %mul3A_645 : i32
      %add3A_647 = arith.addi %min3A_230, %mul3A_646 : i32
      %add3A_648 = arith.constant 4096 : i32
      %add3A_649 = arith.addi %add3A_647, %add3A_648 : i32
      %dma_start3A_650 = tpu.memref_slice %arg7[%add3A_649] : memref<10240000xf32, #tpu.memory_space<hbm>> -> memref<4096xf32, #tpu.memory_space<hbm>>
      %dma_start3A_651 = tpu.memref_slice %arg7[%add3A_649] : memref<10240000xf32, #tpu.memory_space<hbm>> -> memref<4096xf32, #tpu.memory_space<hbm>>
      tpu.enqueue_dma source(%arg16 : memref<4096xf32, #tpu.memory_space<vmem>>) target(%dma_start3A_651 : memref<4096xf32, #tpu.memory_space<hbm>>) target_semaphore(%arg19 : memref<!tpu.dma_semaphore, #tpu.memory_space<semaphore_mem>>)
      %dma_wait3A_652 = tpu.memref_slice %arg8[%add3A_642] : memref<1064960xf32, #tpu.memory_space<vmem_shared>> -> memref<4096xf32, #tpu.memory_space<vmem_shared>>
      %dma_wait3A_653 = tpu.memref_slice %arg8[%add3A_642] : memref<1064960xf32, #tpu.memory_space<vmem_shared>> -> memref<4096xf32, #tpu.memory_space<vmem_shared>>
      tpu.wait_dma2 semaphore(%arg17 : memref<!tpu.dma_semaphore, #tpu.memory_space<semaphore_mem>>) src(%dma_wait3A_653 : memref<4096xf32, #tpu.memory_space<vmem_shared>>) dst(%arg15 : memref<4096xf32, #tpu.memory_space<vmem>>)
      %mul3A_654 = arith.constant 65536 : i32
      %mul3A_655 = arith.muli %arg1, %mul3A_654 : i32
      %add3A_656 = arith.constant 8192 : i32
      %add3A_657 = arith.addi %mul3A_655, %add3A_656 : i32
      %dma_start3A_658 = tpu.memref_slice %arg8[%add3A_657] : memref<1064960xf32, #tpu.memory_space<vmem_shared>> -> memref<4096xf32, #tpu.memory_space<vmem_shared>>
      %dma_start3A_659 = tpu.memref_slice %arg8[%add3A_657] : memref<1064960xf32, #tpu.memory_space<vmem_shared>> -> memref<4096xf32, #tpu.memory_space<vmem_shared>>
      tpu.enqueue_dma source(%arg14 : memref<4096xf32, #tpu.memory_space<vmem>>) target(%dma_start3A_659 : memref<4096xf32, #tpu.memory_space<vmem_shared>>) target_semaphore(%arg20 : memref<!tpu.dma_semaphore, #tpu.memory_space<semaphore_mem>>)
      %dma_wait3A_660 = tpu.memref_slice %arg7[%add3A_649] : memref<10240000xf32, #tpu.memory_space<hbm>> -> memref<4096xf32, #tpu.memory_space<hbm>>
      %dma_wait3A_661 = tpu.memref_slice %arg7[%add3A_649] : memref<10240000xf32, #tpu.memory_space<hbm>> -> memref<4096xf32, #tpu.memory_space<hbm>>
      tpu.wait_dma2 semaphore(%arg19 : memref<!tpu.dma_semaphore, #tpu.memory_space<semaphore_mem>>) src(%arg16 : memref<4096xf32, #tpu.memory_space<vmem>>) dst(%dma_wait3A_661 : memref<4096xf32, #tpu.memory_space<hbm>>)
      %mul3A_662 = arith.constant 65536 : i32
      %mul3A_663 = arith.muli %arg1, %mul3A_662 : i32
      %add3A_664 = arith.constant 12288 : i32
      %add3A_665 = arith.addi %mul3A_663, %add3A_664 : i32
      %dma_start3A_666 = tpu.memref_slice %arg8[%add3A_665] : memref<1064960xf32, #tpu.memory_space<vmem_shared>> -> memref<4096xf32, #tpu.memory_space<vmem_shared>>
      %dma_start3A_667 = tpu.memref_slice %arg8[%add3A_665] : memref<1064960xf32, #tpu.memory_space<vmem_shared>> -> memref<4096xf32, #tpu.memory_space<vmem_shared>>
      tpu.enqueue_dma source(%dma_start3A_667 : memref<4096xf32, #tpu.memory_space<vmem_shared>>) target(%arg16 : memref<4096xf32, #tpu.memory_space<vmem>>) target_semaphore(%arg17 : memref<!tpu.dma_semaphore, #tpu.memory_space<semaphore_mem>>)
      %mul3A_668 = arith.constant 65536 : i32
      %mul3A_669 = arith.muli %arg1, %mul3A_668 : i32
      %add3A_670 = arith.addi %min3A_230, %mul3A_669 : i32
      %add3A_671 = arith.constant 8192 : i32
      %add3A_672 = arith.addi %add3A_670, %add3A_671 : i32
      %dma_start3A_673 = tpu.memref_slice %arg7[%add3A_672] : memref<10240000xf32, #tpu.memory_space<hbm>> -> memref<4096xf32, #tpu.memory_space<hbm>>
      %dma_start3A_674 = tpu.memref_slice %arg7[%add3A_672] : memref<10240000xf32, #tpu.memory_space<hbm>> -> memref<4096xf32, #tpu.memory_space<hbm>>
      tpu.enqueue_dma source(%arg15 : memref<4096xf32, #tpu.memory_space<vmem>>) target(%dma_start3A_674 : memref<4096xf32, #tpu.memory_space<hbm>>) target_semaphore(%arg19 : memref<!tpu.dma_semaphore, #tpu.memory_space<semaphore_mem>>)
      %dma_wait3A_675 = tpu.memref_slice %arg8[%add3A_665] : memref<1064960xf32, #tpu.memory_space<vmem_shared>> -> memref<4096xf32, #tpu.memory_space<vmem_shared>>
      %dma_wait3A_676 = tpu.memref_slice %arg8[%add3A_665] : memref<1064960xf32, #tpu.memory_space<vmem_shared>> -> memref<4096xf32, #tpu.memory_space<vmem_shared>>
      tpu.wait_dma2 semaphore(%arg17 : memref<!tpu.dma_semaphore, #tpu.memory_space<semaphore_mem>>) src(%dma_wait3A_676 : memref<4096xf32, #tpu.memory_space<vmem_shared>>) dst(%arg16 : memref<4096xf32, #tpu.memory_space<vmem>>)
      %mul3A_677 = arith.constant 65536 : i32
      %mul3A_678 = arith.muli %arg1, %mul3A_677 : i32
      %add3A_679 = arith.constant 12288 : i32
      %add3A_680 = arith.addi %mul3A_678, %add3A_679 : i32
      %dma_start3A_681 = tpu.memref_slice %arg8[%add3A_680] : memref<1064960xf32, #tpu.memory_space<vmem_shared>> -> memref<4096xf32, #tpu.memory_space<vmem_shared>>
      %dma_start3A_682 = tpu.memref_slice %arg8[%add3A_680] : memref<1064960xf32, #tpu.memory_space<vmem_shared>> -> memref<4096xf32, #tpu.memory_space<vmem_shared>>
      tpu.enqueue_dma source(%arg14 : memref<4096xf32, #tpu.memory_space<vmem>>) target(%dma_start3A_682 : memref<4096xf32, #tpu.memory_space<vmem_shared>>) target_semaphore(%arg20 : memref<!tpu.dma_semaphore, #tpu.memory_space<semaphore_mem>>)
      %dma_wait3A_683 = tpu.memref_slice %arg7[%add3A_672] : memref<10240000xf32, #tpu.memory_space<hbm>> -> memref<4096xf32, #tpu.memory_space<hbm>>
      %dma_wait3A_684 = tpu.memref_slice %arg7[%add3A_672] : memref<10240000xf32, #tpu.memory_space<hbm>> -> memref<4096xf32, #tpu.memory_space<hbm>>
      tpu.wait_dma2 semaphore(%arg19 : memref<!tpu.dma_semaphore, #tpu.memory_space<semaphore_mem>>) src(%arg15 : memref<4096xf32, #tpu.memory_space<vmem>>) dst(%dma_wait3A_684 : memref<4096xf32, #tpu.memory_space<hbm>>)
      %mul3A_685 = arith.constant 65536 : i32
      %mul3A_686 = arith.muli %arg1, %mul3A_685 : i32
      %add3A_687 = arith.constant 16384 : i32
      %add3A_688 = arith.addi %mul3A_686, %add3A_687 : i32
      %dma_start3A_689 = tpu.memref_slice %arg8[%add3A_688] : memref<1064960xf32, #tpu.memory_space<vmem_shared>> -> memref<4096xf32, #tpu.memory_space<vmem_shared>>
      %dma_start3A_690 = tpu.memref_slice %arg8[%add3A_688] : memref<1064960xf32, #tpu.memory_space<vmem_shared>> -> memref<4096xf32, #tpu.memory_space<vmem_shared>>
      tpu.enqueue_dma source(%dma_start3A_690 : memref<4096xf32, #tpu.memory_space<vmem_shared>>) target(%arg15 : memref<4096xf32, #tpu.memory_space<vmem>>) target_semaphore(%arg17 : memref<!tpu.dma_semaphore, #tpu.memory_space<semaphore_mem>>)
      %mul3A_691 = arith.constant 65536 : i32
      %mul3A_692 = arith.muli %arg1, %mul3A_691 : i32
      %add3A_693 = arith.addi %min3A_230, %mul3A_692 : i32
      %add3A_694 = arith.constant 12288 : i32
      %add3A_695 = arith.addi %add3A_693, %add3A_694 : i32
      %dma_start3A_696 = tpu.memref_slice %arg7[%add3A_695] : memref<10240000xf32, #tpu.memory_space<hbm>> -> memref<4096xf32, #tpu.memory_space<hbm>>
      %dma_start3A_697 = tpu.memref_slice %arg7[%add3A_695] : memref<10240000xf32, #tpu.memory_space<hbm>> -> memref<4096xf32, #tpu.memory_space<hbm>>
      tpu.enqueue_dma source(%arg16 : memref<4096xf32, #tpu.memory_space<vmem>>) target(%dma_start3A_697 : memref<4096xf32, #tpu.memory_space<hbm>>) target_semaphore(%arg19 : memref<!tpu.dma_semaphore, #tpu.memory_space<semaphore_mem>>)
      %dma_wait3A_698 = tpu.memref_slice %arg8[%add3A_688] : memref<1064960xf32, #tpu.memory_space<vmem_shared>> -> memref<4096xf32, #tpu.memory_space<vmem_shared>>
      %dma_wait3A_699 = tpu.memref_slice %arg8[%add3A_688] : memref<1064960xf32, #tpu.memory_space<vmem_shared>> -> memref<4096xf32, #tpu.memory_space<vmem_shared>>
      tpu.wait_dma2 semaphore(%arg17 : memref<!tpu.dma_semaphore, #tpu.memory_space<semaphore_mem>>) src(%dma_wait3A_699 : memref<4096xf32, #tpu.memory_space<vmem_shared>>) dst(%arg15 : memref<4096xf32, #tpu.memory_space<vmem>>)
      %mul3A_700 = arith.constant 65536 : i32
      %mul3A_701 = arith.muli %arg1, %mul3A_700 : i32
      %add3A_702 = arith.constant 16384 : i32
      %add3A_703 = arith.addi %mul3A_701, %add3A_702 : i32
      %dma_start3A_704 = tpu.memref_slice %arg8[%add3A_703] : memref<1064960xf32, #tpu.memory_space<vmem_shared>> -> memref<4096xf32, #tpu.memory_space<vmem_shared>>
      %dma_start3A_705 = tpu.memref_slice %arg8[%add3A_703] : memref<1064960xf32, #tpu.memory_space<vmem_shared>> -> memref<4096xf32, #tpu.memory_space<vmem_shared>>
      tpu.enqueue_dma source(%arg14 : memref<4096xf32, #tpu.memory_space<vmem>>) target(%dma_start3A_705 : memref<4096xf32, #tpu.memory_space<vmem_shared>>) target_semaphore(%arg20 : memref<!tpu.dma_semaphore, #tpu.memory_space<semaphore_mem>>)
      %dma_wait3A_706 = tpu.memref_slice %arg7[%add3A_695] : memref<10240000xf32, #tpu.memory_space<hbm>> -> memref<4096xf32, #tpu.memory_space<hbm>>
      %dma_wait3A_707 = tpu.memref_slice %arg7[%add3A_695] : memref<10240000xf32, #tpu.memory_space<hbm>> -> memref<4096xf32, #tpu.memory_space<hbm>>
      tpu.wait_dma2 semaphore(%arg19 : memref<!tpu.dma_semaphore, #tpu.memory_space<semaphore_mem>>) src(%arg16 : memref<4096xf32, #tpu.memory_space<vmem>>) dst(%dma_wait3A_707 : memref<4096xf32, #tpu.memory_space<hbm>>)
      %mul3A_708 = arith.constant 65536 : i32
      %mul3A_709 = arith.muli %arg1, %mul3A_708 : i32
      %add3A_710 = arith.constant 20480 : i32
      %add3A_711 = arith.addi %mul3A_709, %add3A_710 : i32
      %dma_start3A_712 = tpu.memref_slice %arg8[%add3A_711] : memref<1064960xf32, #tpu.memory_space<vmem_shared>> -> memref<4096xf32, #tpu.memory_space<vmem_shared>>
      %dma_start3A_713 = tpu.memref_slice %arg8[%add3A_711] : memref<1064960xf32, #tpu.memory_space<vmem_shared>> -> memref<4096xf32, #tpu.memory_space<vmem_shared>>
      tpu.enqueue_dma source(%dma_start3A_713 : memref<4096xf32, #tpu.memory_space<vmem_shared>>) target(%arg16 : memref<4096xf32, #tpu.memory_space<vmem>>) target_semaphore(%arg17 : memref<!tpu.dma_semaphore, #tpu.memory_space<semaphore_mem>>)
      %mul3A_714 = arith.constant 65536 : i32
      %mul3A_715 = arith.muli %arg1, %mul3A_714 : i32
      %add3A_716 = arith.addi %min3A_230, %mul3A_715 : i32
      %add3A_717 = arith.constant 16384 : i32
      %add3A_718 = arith.addi %add3A_716, %add3A_717 : i32
      %dma_start3A_719 = tpu.memref_slice %arg7[%add3A_718] : memref<10240000xf32, #tpu.memory_space<hbm>> -> memref<4096xf32, #tpu.memory_space<hbm>>
      %dma_start3A_720 = tpu.memref_slice %arg7[%add3A_718] : memref<10240000xf32, #tpu.memory_space<hbm>> -> memref<4096xf32, #tpu.memory_space<hbm>>
      tpu.enqueue_dma source(%arg15 : memref<4096xf32, #tpu.memory_space<vmem>>) target(%dma_start3A_720 : memref<4096xf32, #tpu.memory_space<hbm>>) target_semaphore(%arg19 : memref<!tpu.dma_semaphore, #tpu.memory_space<semaphore_mem>>)
      %dma_wait3A_721 = tpu.memref_slice %arg8[%add3A_711] : memref<1064960xf32, #tpu.memory_space<vmem_shared>> -> memref<4096xf32, #tpu.memory_space<vmem_shared>>
      %dma_wait3A_722 = tpu.memref_slice %arg8[%add3A_711] : memref<1064960xf32, #tpu.memory_space<vmem_shared>> -> memref<4096xf32, #tpu.memory_space<vmem_shared>>
      tpu.wait_dma2 semaphore(%arg17 : memref<!tpu.dma_semaphore, #tpu.memory_space<semaphore_mem>>) src(%dma_wait3A_722 : memref<4096xf32, #tpu.memory_space<vmem_shared>>) dst(%arg16 : memref<4096xf32, #tpu.memory_space<vmem>>)
      %mul3A_723 = arith.constant 65536 : i32
      %mul3A_724 = arith.muli %arg1, %mul3A_723 : i32
      %add3A_725 = arith.constant 20480 : i32
      %add3A_726 = arith.addi %mul3A_724, %add3A_725 : i32
      %dma_start3A_727 = tpu.memref_slice %arg8[%add3A_726] : memref<1064960xf32, #tpu.memory_space<vmem_shared>> -> memref<4096xf32, #tpu.memory_space<vmem_shared>>
      %dma_start3A_728 = tpu.memref_slice %arg8[%add3A_726] : memref<1064960xf32, #tpu.memory_space<vmem_shared>> -> memref<4096xf32, #tpu.memory_space<vmem_shared>>
      tpu.enqueue_dma source(%arg14 : memref<4096xf32, #tpu.memory_space<vmem>>) target(%dma_start3A_728 : memref<4096xf32, #tpu.memory_space<vmem_shared>>) target_semaphore(%arg20 : memref<!tpu.dma_semaphore, #tpu.memory_space<semaphore_mem>>)
      %dma_wait3A_729 = tpu.memref_slice %arg7[%add3A_718] : memref<10240000xf32, #tpu.memory_space<hbm>> -> memref<4096xf32, #tpu.memory_space<hbm>>
      %dma_wait3A_730 = tpu.memref_slice %arg7[%add3A_718] : memref<10240000xf32, #tpu.memory_space<hbm>> -> memref<4096xf32, #tpu.memory_space<hbm>>
      tpu.wait_dma2 semaphore(%arg19 : memref<!tpu.dma_semaphore, #tpu.memory_space<semaphore_mem>>) src(%arg15 : memref<4096xf32, #tpu.memory_space<vmem>>) dst(%dma_wait3A_730 : memref<4096xf32, #tpu.memory_space<hbm>>)
      %mul3A_731 = arith.constant 65536 : i32
      %mul3A_732 = arith.muli %arg1, %mul3A_731 : i32
      %add3A_733 = arith.constant 24576 : i32
      %add3A_734 = arith.addi %mul3A_732, %add3A_733 : i32
      %dma_start3A_735 = tpu.memref_slice %arg8[%add3A_734] : memref<1064960xf32, #tpu.memory_space<vmem_shared>> -> memref<4096xf32, #tpu.memory_space<vmem_shared>>
      %dma_start3A_736 = tpu.memref_slice %arg8[%add3A_734] : memref<1064960xf32, #tpu.memory_space<vmem_shared>> -> memref<4096xf32, #tpu.memory_space<vmem_shared>>
      tpu.enqueue_dma source(%dma_start3A_736 : memref<4096xf32, #tpu.memory_space<vmem_shared>>) target(%arg15 : memref<4096xf32, #tpu.memory_space<vmem>>) target_semaphore(%arg17 : memref<!tpu.dma_semaphore, #tpu.memory_space<semaphore_mem>>)
      %mul3A_737 = arith.constant 65536 : i32
      %mul3A_738 = arith.muli %arg1, %mul3A_737 : i32
      %add3A_739 = arith.addi %min3A_230, %mul3A_738 : i32
      %add3A_740 = arith.constant 20480 : i32
      %add3A_741 = arith.addi %add3A_739, %add3A_740 : i32
      %dma_start3A_742 = tpu.memref_slice %arg7[%add3A_741] : memref<10240000xf32, #tpu.memory_space<hbm>> -> memref<4096xf32, #tpu.memory_space<hbm>>
      %dma_start3A_743 = tpu.memref_slice %arg7[%add3A_741] : memref<10240000xf32, #tpu.memory_space<hbm>> -> memref<4096xf32, #tpu.memory_space<hbm>>
      tpu.enqueue_dma source(%arg16 : memref<4096xf32, #tpu.memory_space<vmem>>) target(%dma_start3A_743 : memref<4096xf32, #tpu.memory_space<hbm>>) target_semaphore(%arg19 : memref<!tpu.dma_semaphore, #tpu.memory_space<semaphore_mem>>)
      %dma_wait3A_744 = tpu.memref_slice %arg8[%add3A_734] : memref<1064960xf32, #tpu.memory_space<vmem_shared>> -> memref<4096xf32, #tpu.memory_space<vmem_shared>>
      %dma_wait3A_745 = tpu.memref_slice %arg8[%add3A_734] : memref<1064960xf32, #tpu.memory_space<vmem_shared>> -> memref<4096xf32, #tpu.memory_space<vmem_shared>>
      tpu.wait_dma2 semaphore(%arg17 : memref<!tpu.dma_semaphore, #tpu.memory_space<semaphore_mem>>) src(%dma_wait3A_745 : memref<4096xf32, #tpu.memory_space<vmem_shared>>) dst(%arg15 : memref<4096xf32, #tpu.memory_space<vmem>>)
      %mul3A_746 = arith.constant 65536 : i32
      %mul3A_747 = arith.muli %arg1, %mul3A_746 : i32
      %add3A_748 = arith.constant 24576 : i32
      %add3A_749 = arith.addi %mul3A_747, %add3A_748 : i32
      %dma_start3A_750 = tpu.memref_slice %arg8[%add3A_749] : memref<1064960xf32, #tpu.memory_space<vmem_shared>> -> memref<4096xf32, #tpu.memory_space<vmem_shared>>
      %dma_start3A_751 = tpu.memref_slice %arg8[%add3A_749] : memref<1064960xf32, #tpu.memory_space<vmem_shared>> -> memref<4096xf32, #tpu.memory_space<vmem_shared>>
      tpu.enqueue_dma source(%arg14 : memref<4096xf32, #tpu.memory_space<vmem>>) target(%dma_start3A_751 : memref<4096xf32, #tpu.memory_space<vmem_shared>>) target_semaphore(%arg20 : memref<!tpu.dma_semaphore, #tpu.memory_space<semaphore_mem>>)
      %dma_wait3A_752 = tpu.memref_slice %arg7[%add3A_741] : memref<10240000xf32, #tpu.memory_space<hbm>> -> memref<4096xf32, #tpu.memory_space<hbm>>
      %dma_wait3A_753 = tpu.memref_slice %arg7[%add3A_741] : memref<10240000xf32, #tpu.memory_space<hbm>> -> memref<4096xf32, #tpu.memory_space<hbm>>
      tpu.wait_dma2 semaphore(%arg19 : memref<!tpu.dma_semaphore, #tpu.memory_space<semaphore_mem>>) src(%arg16 : memref<4096xf32, #tpu.memory_space<vmem>>) dst(%dma_wait3A_753 : memref<4096xf32, #tpu.memory_space<hbm>>)
      %mul3A_754 = arith.constant 65536 : i32
      %mul3A_755 = arith.muli %arg1, %mul3A_754 : i32
      %add3A_756 = arith.constant 28672 : i32
      %add3A_757 = arith.addi %mul3A_755, %add3A_756 : i32
      %dma_start3A_758 = tpu.memref_slice %arg8[%add3A_757] : memref<1064960xf32, #tpu.memory_space<vmem_shared>> -> memref<4096xf32, #tpu.memory_space<vmem_shared>>
      %dma_start3A_759 = tpu.memref_slice %arg8[%add3A_757] : memref<1064960xf32, #tpu.memory_space<vmem_shared>> -> memref<4096xf32, #tpu.memory_space<vmem_shared>>
      tpu.enqueue_dma source(%dma_start3A_759 : memref<4096xf32, #tpu.memory_space<vmem_shared>>) target(%arg16 : memref<4096xf32, #tpu.memory_space<vmem>>) target_semaphore(%arg17 : memref<!tpu.dma_semaphore, #tpu.memory_space<semaphore_mem>>)
      %mul3A_760 = arith.constant 65536 : i32
      %mul3A_761 = arith.muli %arg1, %mul3A_760 : i32
      %add3A_762 = arith.addi %min3A_230, %mul3A_761 : i32
      %add3A_763 = arith.constant 24576 : i32
      %add3A_764 = arith.addi %add3A_762, %add3A_763 : i32
      %dma_start3A_765 = tpu.memref_slice %arg7[%add3A_764] : memref<10240000xf32, #tpu.memory_space<hbm>> -> memref<4096xf32, #tpu.memory_space<hbm>>
      %dma_start3A_766 = tpu.memref_slice %arg7[%add3A_764] : memref<10240000xf32, #tpu.memory_space<hbm>> -> memref<4096xf32, #tpu.memory_space<hbm>>
      tpu.enqueue_dma source(%arg15 : memref<4096xf32, #tpu.memory_space<vmem>>) target(%dma_start3A_766 : memref<4096xf32, #tpu.memory_space<hbm>>) target_semaphore(%arg19 : memref<!tpu.dma_semaphore, #tpu.memory_space<semaphore_mem>>)
      %dma_wait3A_767 = tpu.memref_slice %arg8[%add3A_757] : memref<1064960xf32, #tpu.memory_space<vmem_shared>> -> memref<4096xf32, #tpu.memory_space<vmem_shared>>
      %dma_wait3A_768 = tpu.memref_slice %arg8[%add3A_757] : memref<1064960xf32, #tpu.memory_space<vmem_shared>> -> memref<4096xf32, #tpu.memory_space<vmem_shared>>
      tpu.wait_dma2 semaphore(%arg17 : memref<!tpu.dma_semaphore, #tpu.memory_space<semaphore_mem>>) src(%dma_wait3A_768 : memref<4096xf32, #tpu.memory_space<vmem_shared>>) dst(%arg16 : memref<4096xf32, #tpu.memory_space<vmem>>)
      %mul3A_769 = arith.constant 65536 : i32
      %mul3A_770 = arith.muli %arg1, %mul3A_769 : i32
      %add3A_771 = arith.constant 28672 : i32
      %add3A_772 = arith.addi %mul3A_770, %add3A_771 : i32
      %dma_start3A_773 = tpu.memref_slice %arg8[%add3A_772] : memref<1064960xf32, #tpu.memory_space<vmem_shared>> -> memref<4096xf32, #tpu.memory_space<vmem_shared>>
      %dma_start3A_774 = tpu.memref_slice %arg8[%add3A_772] : memref<1064960xf32, #tpu.memory_space<vmem_shared>> -> memref<4096xf32, #tpu.memory_space<vmem_shared>>
      tpu.enqueue_dma source(%arg14 : memref<4096xf32, #tpu.memory_space<vmem>>) target(%dma_start3A_774 : memref<4096xf32, #tpu.memory_space<vmem_shared>>) target_semaphore(%arg20 : memref<!tpu.dma_semaphore, #tpu.memory_space<semaphore_mem>>)
      %dma_wait3A_775 = tpu.memref_slice %arg7[%add3A_764] : memref<10240000xf32, #tpu.memory_space<hbm>> -> memref<4096xf32, #tpu.memory_space<hbm>>
      %dma_wait3A_776 = tpu.memref_slice %arg7[%add3A_764] : memref<10240000xf32, #tpu.memory_space<hbm>> -> memref<4096xf32, #tpu.memory_space<hbm>>
      tpu.wait_dma2 semaphore(%arg19 : memref<!tpu.dma_semaphore, #tpu.memory_space<semaphore_mem>>) src(%arg15 : memref<4096xf32, #tpu.memory_space<vmem>>) dst(%dma_wait3A_776 : memref<4096xf32, #tpu.memory_space<hbm>>)
      %mul3A_777 = arith.constant 65536 : i32
      %mul3A_778 = arith.muli %arg1, %mul3A_777 : i32
      %add3A_779 = arith.constant 32768 : i32
      %add3A_780 = arith.addi %mul3A_778, %add3A_779 : i32
      %dma_start3A_781 = tpu.memref_slice %arg8[%add3A_780] : memref<1064960xf32, #tpu.memory_space<vmem_shared>> -> memref<4096xf32, #tpu.memory_space<vmem_shared>>
      %dma_start3A_782 = tpu.memref_slice %arg8[%add3A_780] : memref<1064960xf32, #tpu.memory_space<vmem_shared>> -> memref<4096xf32, #tpu.memory_space<vmem_shared>>
      tpu.enqueue_dma source(%dma_start3A_782 : memref<4096xf32, #tpu.memory_space<vmem_shared>>) target(%arg15 : memref<4096xf32, #tpu.memory_space<vmem>>) target_semaphore(%arg17 : memref<!tpu.dma_semaphore, #tpu.memory_space<semaphore_mem>>)
      %mul3A_783 = arith.constant 65536 : i32
      %mul3A_784 = arith.muli %arg1, %mul3A_783 : i32
      %add3A_785 = arith.addi %min3A_230, %mul3A_784 : i32
      %add3A_786 = arith.constant 28672 : i32
      %add3A_787 = arith.addi %add3A_785, %add3A_786 : i32
      %dma_start3A_788 = tpu.memref_slice %arg7[%add3A_787] : memref<10240000xf32, #tpu.memory_space<hbm>> -> memref<4096xf32, #tpu.memory_space<hbm>>
      %dma_start3A_789 = tpu.memref_slice %arg7[%add3A_787] : memref<10240000xf32, #tpu.memory_space<hbm>> -> memref<4096xf32, #tpu.memory_space<hbm>>
      tpu.enqueue_dma source(%arg16 : memref<4096xf32, #tpu.memory_space<vmem>>) target(%dma_start3A_789 : memref<4096xf32, #tpu.memory_space<hbm>>) target_semaphore(%arg19 : memref<!tpu.dma_semaphore, #tpu.memory_space<semaphore_mem>>)
      %dma_wait3A_790 = tpu.memref_slice %arg8[%add3A_780] : memref<1064960xf32, #tpu.memory_space<vmem_shared>> -> memref<4096xf32, #tpu.memory_space<vmem_shared>>
      %dma_wait3A_791 = tpu.memref_slice %arg8[%add3A_780] : memref<1064960xf32, #tpu.memory_space<vmem_shared>> -> memref<4096xf32, #tpu.memory_space<vmem_shared>>
      tpu.wait_dma2 semaphore(%arg17 : memref<!tpu.dma_semaphore, #tpu.memory_space<semaphore_mem>>) src(%dma_wait3A_791 : memref<4096xf32, #tpu.memory_space<vmem_shared>>) dst(%arg15 : memref<4096xf32, #tpu.memory_space<vmem>>)
      %mul3A_792 = arith.constant 65536 : i32
      %mul3A_793 = arith.muli %arg1, %mul3A_792 : i32
      %add3A_794 = arith.constant 32768 : i32
      %add3A_795 = arith.addi %mul3A_793, %add3A_794 : i32
      %dma_start3A_796 = tpu.memref_slice %arg8[%add3A_795] : memref<1064960xf32, #tpu.memory_space<vmem_shared>> -> memref<4096xf32, #tpu.memory_space<vmem_shared>>
      %dma_start3A_797 = tpu.memref_slice %arg8[%add3A_795] : memref<1064960xf32, #tpu.memory_space<vmem_shared>> -> memref<4096xf32, #tpu.memory_space<vmem_shared>>
      tpu.enqueue_dma source(%arg14 : memref<4096xf32, #tpu.memory_space<vmem>>) target(%dma_start3A_797 : memref<4096xf32, #tpu.memory_space<vmem_shared>>) target_semaphore(%arg20 : memref<!tpu.dma_semaphore, #tpu.memory_space<semaphore_mem>>)
      %dma_wait3A_798 = tpu.memref_slice %arg7[%add3A_787] : memref<10240000xf32, #tpu.memory_space<hbm>> -> memref<4096xf32, #tpu.memory_space<hbm>>
      %dma_wait3A_799 = tpu.memref_slice %arg7[%add3A_787] : memref<10240000xf32, #tpu.memory_space<hbm>> -> memref<4096xf32, #tpu.memory_space<hbm>>
      tpu.wait_dma2 semaphore(%arg19 : memref<!tpu.dma_semaphore, #tpu.memory_space<semaphore_mem>>) src(%arg16 : memref<4096xf32, #tpu.memory_space<vmem>>) dst(%dma_wait3A_799 : memref<4096xf32, #tpu.memory_space<hbm>>)
      %mul3A_800 = arith.constant 65536 : i32
      %mul3A_801 = arith.muli %arg1, %mul3A_800 : i32
      %add3A_802 = arith.constant 36864 : i32
      %add3A_803 = arith.addi %mul3A_801, %add3A_802 : i32
      %dma_start3A_804 = tpu.memref_slice %arg8[%add3A_803] : memref<1064960xf32, #tpu.memory_space<vmem_shared>> -> memref<4096xf32, #tpu.memory_space<vmem_shared>>
      %dma_start3A_805 = tpu.memref_slice %arg8[%add3A_803] : memref<1064960xf32, #tpu.memory_space<vmem_shared>> -> memref<4096xf32, #tpu.memory_space<vmem_shared>>
      tpu.enqueue_dma source(%dma_start3A_805 : memref<4096xf32, #tpu.memory_space<vmem_shared>>) target(%arg16 : memref<4096xf32, #tpu.memory_space<vmem>>) target_semaphore(%arg17 : memref<!tpu.dma_semaphore, #tpu.memory_space<semaphore_mem>>)
      %mul3A_806 = arith.constant 65536 : i32
      %mul3A_807 = arith.muli %arg1, %mul3A_806 : i32
      %add3A_808 = arith.addi %min3A_230, %mul3A_807 : i32
      %add3A_809 = arith.constant 32768 : i32
      %add3A_810 = arith.addi %add3A_808, %add3A_809 : i32
      %dma_start3A_811 = tpu.memref_slice %arg7[%add3A_810] : memref<10240000xf32, #tpu.memory_space<hbm>> -> memref<4096xf32, #tpu.memory_space<hbm>>
      %dma_start3A_812 = tpu.memref_slice %arg7[%add3A_810] : memref<10240000xf32, #tpu.memory_space<hbm>> -> memref<4096xf32, #tpu.memory_space<hbm>>
      tpu.enqueue_dma source(%arg15 : memref<4096xf32, #tpu.memory_space<vmem>>) target(%dma_start3A_812 : memref<4096xf32, #tpu.memory_space<hbm>>) target_semaphore(%arg19 : memref<!tpu.dma_semaphore, #tpu.memory_space<semaphore_mem>>)
      %dma_wait3A_813 = tpu.memref_slice %arg8[%add3A_803] : memref<1064960xf32, #tpu.memory_space<vmem_shared>> -> memref<4096xf32, #tpu.memory_space<vmem_shared>>
      %dma_wait3A_814 = tpu.memref_slice %arg8[%add3A_803] : memref<1064960xf32, #tpu.memory_space<vmem_shared>> -> memref<4096xf32, #tpu.memory_space<vmem_shared>>
      tpu.wait_dma2 semaphore(%arg17 : memref<!tpu.dma_semaphore, #tpu.memory_space<semaphore_mem>>) src(%dma_wait3A_814 : memref<4096xf32, #tpu.memory_space<vmem_shared>>) dst(%arg16 : memref<4096xf32, #tpu.memory_space<vmem>>)
      %mul3A_815 = arith.constant 65536 : i32
      %mul3A_816 = arith.muli %arg1, %mul3A_815 : i32
      %add3A_817 = arith.constant 36864 : i32
      %add3A_818 = arith.addi %mul3A_816, %add3A_817 : i32
      %dma_start3A_819 = tpu.memref_slice %arg8[%add3A_818] : memref<1064960xf32, #tpu.memory_space<vmem_shared>> -> memref<4096xf32, #tpu.memory_space<vmem_shared>>
      %dma_start3A_820 = tpu.memref_slice %arg8[%add3A_818] : memref<1064960xf32, #tpu.memory_space<vmem_shared>> -> memref<4096xf32, #tpu.memory_space<vmem_shared>>
      tpu.enqueue_dma source(%arg14 : memref<4096xf32, #tpu.memory_space<vmem>>) target(%dma_start3A_820 : memref<4096xf32, #tpu.memory_space<vmem_shared>>) target_semaphore(%arg20 : memref<!tpu.dma_semaphore, #tpu.memory_space<semaphore_mem>>)
      %dma_wait3A_821 = tpu.memref_slice %arg7[%add3A_810] : memref<10240000xf32, #tpu.memory_space<hbm>> -> memref<4096xf32, #tpu.memory_space<hbm>>
      %dma_wait3A_822 = tpu.memref_slice %arg7[%add3A_810] : memref<10240000xf32, #tpu.memory_space<hbm>> -> memref<4096xf32, #tpu.memory_space<hbm>>
      tpu.wait_dma2 semaphore(%arg19 : memref<!tpu.dma_semaphore, #tpu.memory_space<semaphore_mem>>) src(%arg15 : memref<4096xf32, #tpu.memory_space<vmem>>) dst(%dma_wait3A_822 : memref<4096xf32, #tpu.memory_space<hbm>>)
      %mul3A_823 = arith.constant 65536 : i32
      %mul3A_824 = arith.muli %arg1, %mul3A_823 : i32
      %add3A_825 = arith.constant 40960 : i32
      %add3A_826 = arith.addi %mul3A_824, %add3A_825 : i32
      %dma_start3A_827 = tpu.memref_slice %arg8[%add3A_826] : memref<1064960xf32, #tpu.memory_space<vmem_shared>> -> memref<4096xf32, #tpu.memory_space<vmem_shared>>
      %dma_start3A_828 = tpu.memref_slice %arg8[%add3A_826] : memref<1064960xf32, #tpu.memory_space<vmem_shared>> -> memref<4096xf32, #tpu.memory_space<vmem_shared>>
      tpu.enqueue_dma source(%dma_start3A_828 : memref<4096xf32, #tpu.memory_space<vmem_shared>>) target(%arg15 : memref<4096xf32, #tpu.memory_space<vmem>>) target_semaphore(%arg17 : memref<!tpu.dma_semaphore, #tpu.memory_space<semaphore_mem>>)
      %mul3A_829 = arith.constant 65536 : i32
      %mul3A_830 = arith.muli %arg1, %mul3A_829 : i32
      %add3A_831 = arith.addi %min3A_230, %mul3A_830 : i32
      %add3A_832 = arith.constant 36864 : i32
      %add3A_833 = arith.addi %add3A_831, %add3A_832 : i32
      %dma_start3A_834 = tpu.memref_slice %arg7[%add3A_833] : memref<10240000xf32, #tpu.memory_space<hbm>> -> memref<4096xf32, #tpu.memory_space<hbm>>
      %dma_start3A_835 = tpu.memref_slice %arg7[%add3A_833] : memref<10240000xf32, #tpu.memory_space<hbm>> -> memref<4096xf32, #tpu.memory_space<hbm>>
      tpu.enqueue_dma source(%arg16 : memref<4096xf32, #tpu.memory_space<vmem>>) target(%dma_start3A_835 : memref<4096xf32, #tpu.memory_space<hbm>>) target_semaphore(%arg19 : memref<!tpu.dma_semaphore, #tpu.memory_space<semaphore_mem>>)
      %dma_wait3A_836 = tpu.memref_slice %arg8[%add3A_826] : memref<1064960xf32, #tpu.memory_space<vmem_shared>> -> memref<4096xf32, #tpu.memory_space<vmem_shared>>
      %dma_wait3A_837 = tpu.memref_slice %arg8[%add3A_826] : memref<1064960xf32, #tpu.memory_space<vmem_shared>> -> memref<4096xf32, #tpu.memory_space<vmem_shared>>
      tpu.wait_dma2 semaphore(%arg17 : memref<!tpu.dma_semaphore, #tpu.memory_space<semaphore_mem>>) src(%dma_wait3A_837 : memref<4096xf32, #tpu.memory_space<vmem_shared>>) dst(%arg15 : memref<4096xf32, #tpu.memory_space<vmem>>)
      %mul3A_838 = arith.constant 65536 : i32
      %mul3A_839 = arith.muli %arg1, %mul3A_838 : i32
      %add3A_840 = arith.constant 40960 : i32
      %add3A_841 = arith.addi %mul3A_839, %add3A_840 : i32
      %dma_start3A_842 = tpu.memref_slice %arg8[%add3A_841] : memref<1064960xf32, #tpu.memory_space<vmem_shared>> -> memref<4096xf32, #tpu.memory_space<vmem_shared>>
      %dma_start3A_843 = tpu.memref_slice %arg8[%add3A_841] : memref<1064960xf32, #tpu.memory_space<vmem_shared>> -> memref<4096xf32, #tpu.memory_space<vmem_shared>>
      tpu.enqueue_dma source(%arg14 : memref<4096xf32, #tpu.memory_space<vmem>>) target(%dma_start3A_843 : memref<4096xf32, #tpu.memory_space<vmem_shared>>) target_semaphore(%arg20 : memref<!tpu.dma_semaphore, #tpu.memory_space<semaphore_mem>>)
      %dma_wait3A_844 = tpu.memref_slice %arg7[%add3A_833] : memref<10240000xf32, #tpu.memory_space<hbm>> -> memref<4096xf32, #tpu.memory_space<hbm>>
      %dma_wait3A_845 = tpu.memref_slice %arg7[%add3A_833] : memref<10240000xf32, #tpu.memory_space<hbm>> -> memref<4096xf32, #tpu.memory_space<hbm>>
      tpu.wait_dma2 semaphore(%arg19 : memref<!tpu.dma_semaphore, #tpu.memory_space<semaphore_mem>>) src(%arg16 : memref<4096xf32, #tpu.memory_space<vmem>>) dst(%dma_wait3A_845 : memref<4096xf32, #tpu.memory_space<hbm>>)
      %mul3A_846 = arith.constant 65536 : i32
      %mul3A_847 = arith.muli %arg1, %mul3A_846 : i32
      %add3A_848 = arith.constant 45056 : i32
      %add3A_849 = arith.addi %mul3A_847, %add3A_848 : i32
      %dma_start3A_850 = tpu.memref_slice %arg8[%add3A_849] : memref<1064960xf32, #tpu.memory_space<vmem_shared>> -> memref<4096xf32, #tpu.memory_space<vmem_shared>>
      %dma_start3A_851 = tpu.memref_slice %arg8[%add3A_849] : memref<1064960xf32, #tpu.memory_space<vmem_shared>> -> memref<4096xf32, #tpu.memory_space<vmem_shared>>
      tpu.enqueue_dma source(%dma_start3A_851 : memref<4096xf32, #tpu.memory_space<vmem_shared>>) target(%arg16 : memref<4096xf32, #tpu.memory_space<vmem>>) target_semaphore(%arg17 : memref<!tpu.dma_semaphore, #tpu.memory_space<semaphore_mem>>)
      %mul3A_852 = arith.constant 65536 : i32
      %mul3A_853 = arith.muli %arg1, %mul3A_852 : i32
      %add3A_854 = arith.addi %min3A_230, %mul3A_853 : i32
      %add3A_855 = arith.constant 40960 : i32
      %add3A_856 = arith.addi %add3A_854, %add3A_855 : i32
      %dma_start3A_857 = tpu.memref_slice %arg7[%add3A_856] : memref<10240000xf32, #tpu.memory_space<hbm>> -> memref<4096xf32, #tpu.memory_space<hbm>>
      %dma_start3A_858 = tpu.memref_slice %arg7[%add3A_856] : memref<10240000xf32, #tpu.memory_space<hbm>> -> memref<4096xf32, #tpu.memory_space<hbm>>
      tpu.enqueue_dma source(%arg15 : memref<4096xf32, #tpu.memory_space<vmem>>) target(%dma_start3A_858 : memref<4096xf32, #tpu.memory_space<hbm>>) target_semaphore(%arg19 : memref<!tpu.dma_semaphore, #tpu.memory_space<semaphore_mem>>)
      %dma_wait3A_859 = tpu.memref_slice %arg8[%add3A_849] : memref<1064960xf32, #tpu.memory_space<vmem_shared>> -> memref<4096xf32, #tpu.memory_space<vmem_shared>>
      %dma_wait3A_860 = tpu.memref_slice %arg8[%add3A_849] : memref<1064960xf32, #tpu.memory_space<vmem_shared>> -> memref<4096xf32, #tpu.memory_space<vmem_shared>>
      tpu.wait_dma2 semaphore(%arg17 : memref<!tpu.dma_semaphore, #tpu.memory_space<semaphore_mem>>) src(%dma_wait3A_860 : memref<4096xf32, #tpu.memory_space<vmem_shared>>) dst(%arg16 : memref<4096xf32, #tpu.memory_space<vmem>>)
      %mul3A_861 = arith.constant 65536 : i32
      %mul3A_862 = arith.muli %arg1, %mul3A_861 : i32
      %add3A_863 = arith.constant 45056 : i32
      %add3A_864 = arith.addi %mul3A_862, %add3A_863 : i32
      %dma_start3A_865 = tpu.memref_slice %arg8[%add3A_864] : memref<1064960xf32, #tpu.memory_space<vmem_shared>> -> memref<4096xf32, #tpu.memory_space<vmem_shared>>
      %dma_start3A_866 = tpu.memref_slice %arg8[%add3A_864] : memref<1064960xf32, #tpu.memory_space<vmem_shared>> -> memref<4096xf32, #tpu.memory_space<vmem_shared>>
      tpu.enqueue_dma source(%arg14 : memref<4096xf32, #tpu.memory_space<vmem>>) target(%dma_start3A_866 : memref<4096xf32, #tpu.memory_space<vmem_shared>>) target_semaphore(%arg20 : memref<!tpu.dma_semaphore, #tpu.memory_space<semaphore_mem>>)
      %dma_wait3A_867 = tpu.memref_slice %arg7[%add3A_856] : memref<10240000xf32, #tpu.memory_space<hbm>> -> memref<4096xf32, #tpu.memory_space<hbm>>
      %dma_wait3A_868 = tpu.memref_slice %arg7[%add3A_856] : memref<10240000xf32, #tpu.memory_space<hbm>> -> memref<4096xf32, #tpu.memory_space<hbm>>
      tpu.wait_dma2 semaphore(%arg19 : memref<!tpu.dma_semaphore, #tpu.memory_space<semaphore_mem>>) src(%arg15 : memref<4096xf32, #tpu.memory_space<vmem>>) dst(%dma_wait3A_868 : memref<4096xf32, #tpu.memory_space<hbm>>)
      %mul3A_869 = arith.constant 65536 : i32
      %mul3A_870 = arith.muli %arg1, %mul3A_869 : i32
      %add3A_871 = arith.constant 49152 : i32
      %add3A_872 = arith.addi %mul3A_870, %add3A_871 : i32
      %dma_start3A_873 = tpu.memref_slice %arg8[%add3A_872] : memref<1064960xf32, #tpu.memory_space<vmem_shared>> -> memref<4096xf32, #tpu.memory_space<vmem_shared>>
      %dma_start3A_874 = tpu.memref_slice %arg8[%add3A_872] : memref<1064960xf32, #tpu.memory_space<vmem_shared>> -> memref<4096xf32, #tpu.memory_space<vmem_shared>>
      tpu.enqueue_dma source(%dma_start3A_874 : memref<4096xf32, #tpu.memory_space<vmem_shared>>) target(%arg15 : memref<4096xf32, #tpu.memory_space<vmem>>) target_semaphore(%arg17 : memref<!tpu.dma_semaphore, #tpu.memory_space<semaphore_mem>>)
      %mul3A_875 = arith.constant 65536 : i32
      %mul3A_876 = arith.muli %arg1, %mul3A_875 : i32
      %add3A_877 = arith.addi %min3A_230, %mul3A_876 : i32
      %add3A_878 = arith.constant 45056 : i32
      %add3A_879 = arith.addi %add3A_877, %add3A_878 : i32
      %dma_start3A_880 = tpu.memref_slice %arg7[%add3A_879] : memref<10240000xf32, #tpu.memory_space<hbm>> -> memref<4096xf32, #tpu.memory_space<hbm>>
      %dma_start3A_881 = tpu.memref_slice %arg7[%add3A_879] : memref<10240000xf32, #tpu.memory_space<hbm>> -> memref<4096xf32, #tpu.memory_space<hbm>>
      tpu.enqueue_dma source(%arg16 : memref<4096xf32, #tpu.memory_space<vmem>>) target(%dma_start3A_881 : memref<4096xf32, #tpu.memory_space<hbm>>) target_semaphore(%arg19 : memref<!tpu.dma_semaphore, #tpu.memory_space<semaphore_mem>>)
      %dma_wait3A_882 = tpu.memref_slice %arg8[%add3A_872] : memref<1064960xf32, #tpu.memory_space<vmem_shared>> -> memref<4096xf32, #tpu.memory_space<vmem_shared>>
      %dma_wait3A_883 = tpu.memref_slice %arg8[%add3A_872] : memref<1064960xf32, #tpu.memory_space<vmem_shared>> -> memref<4096xf32, #tpu.memory_space<vmem_shared>>
      tpu.wait_dma2 semaphore(%arg17 : memref<!tpu.dma_semaphore, #tpu.memory_space<semaphore_mem>>) src(%dma_wait3A_883 : memref<4096xf32, #tpu.memory_space<vmem_shared>>) dst(%arg15 : memref<4096xf32, #tpu.memory_space<vmem>>)
      %mul3A_884 = arith.constant 65536 : i32
      %mul3A_885 = arith.muli %arg1, %mul3A_884 : i32
      %add3A_886 = arith.constant 49152 : i32
      %add3A_887 = arith.addi %mul3A_885, %add3A_886 : i32
      %dma_start3A_888 = tpu.memref_slice %arg8[%add3A_887] : memref<1064960xf32, #tpu.memory_space<vmem_shared>> -> memref<4096xf32, #tpu.memory_space<vmem_shared>>
      %dma_start3A_889 = tpu.memref_slice %arg8[%add3A_887] : memref<1064960xf32, #tpu.memory_space<vmem_shared>> -> memref<4096xf32, #tpu.memory_space<vmem_shared>>
      tpu.enqueue_dma source(%arg14 : memref<4096xf32, #tpu.memory_space<vmem>>) target(%dma_start3A_889 : memref<4096xf32, #tpu.memory_space<vmem_shared>>) target_semaphore(%arg20 : memref<!tpu.dma_semaphore, #tpu.memory_space<semaphore_mem>>)
      %dma_wait3A_890 = tpu.memref_slice %arg7[%add3A_879] : memref<10240000xf32, #tpu.memory_space<hbm>> -> memref<4096xf32, #tpu.memory_space<hbm>>
      %dma_wait3A_891 = tpu.memref_slice %arg7[%add3A_879] : memref<10240000xf32, #tpu.memory_space<hbm>> -> memref<4096xf32, #tpu.memory_space<hbm>>
      tpu.wait_dma2 semaphore(%arg19 : memref<!tpu.dma_semaphore, #tpu.memory_space<semaphore_mem>>) src(%arg16 : memref<4096xf32, #tpu.memory_space<vmem>>) dst(%dma_wait3A_891 : memref<4096xf32, #tpu.memory_space<hbm>>)
      %mul3A_892 = arith.constant 65536 : i32
      %mul3A_893 = arith.muli %arg1, %mul3A_892 : i32
      %add3A_894 = arith.constant 53248 : i32
      %add3A_895 = arith.addi %mul3A_893, %add3A_894 : i32
      %dma_start3A_896 = tpu.memref_slice %arg8[%add3A_895] : memref<1064960xf32, #tpu.memory_space<vmem_shared>> -> memref<4096xf32, #tpu.memory_space<vmem_shared>>
      %dma_start3A_897 = tpu.memref_slice %arg8[%add3A_895] : memref<1064960xf32, #tpu.memory_space<vmem_shared>> -> memref<4096xf32, #tpu.memory_space<vmem_shared>>
      tpu.enqueue_dma source(%dma_start3A_897 : memref<4096xf32, #tpu.memory_space<vmem_shared>>) target(%arg16 : memref<4096xf32, #tpu.memory_space<vmem>>) target_semaphore(%arg17 : memref<!tpu.dma_semaphore, #tpu.memory_space<semaphore_mem>>)
      %mul3A_898 = arith.constant 65536 : i32
      %mul3A_899 = arith.muli %arg1, %mul3A_898 : i32
      %add3A_900 = arith.addi %min3A_230, %mul3A_899 : i32
      %add3A_901 = arith.constant 49152 : i32
      %add3A_902 = arith.addi %add3A_900, %add3A_901 : i32
      %dma_start3A_903 = tpu.memref_slice %arg7[%add3A_902] : memref<10240000xf32, #tpu.memory_space<hbm>> -> memref<4096xf32, #tpu.memory_space<hbm>>
      %dma_start3A_904 = tpu.memref_slice %arg7[%add3A_902] : memref<10240000xf32, #tpu.memory_space<hbm>> -> memref<4096xf32, #tpu.memory_space<hbm>>
      tpu.enqueue_dma source(%arg15 : memref<4096xf32, #tpu.memory_space<vmem>>) target(%dma_start3A_904 : memref<4096xf32, #tpu.memory_space<hbm>>) target_semaphore(%arg19 : memref<!tpu.dma_semaphore, #tpu.memory_space<semaphore_mem>>)
      %dma_wait3A_905 = tpu.memref_slice %arg8[%add3A_895] : memref<1064960xf32, #tpu.memory_space<vmem_shared>> -> memref<4096xf32, #tpu.memory_space<vmem_shared>>
      %dma_wait3A_906 = tpu.memref_slice %arg8[%add3A_895] : memref<1064960xf32, #tpu.memory_space<vmem_shared>> -> memref<4096xf32, #tpu.memory_space<vmem_shared>>
      tpu.wait_dma2 semaphore(%arg17 : memref<!tpu.dma_semaphore, #tpu.memory_space<semaphore_mem>>) src(%dma_wait3A_906 : memref<4096xf32, #tpu.memory_space<vmem_shared>>) dst(%arg16 : memref<4096xf32, #tpu.memory_space<vmem>>)
      %mul3A_907 = arith.constant 65536 : i32
      %mul3A_908 = arith.muli %arg1, %mul3A_907 : i32
      %add3A_909 = arith.constant 53248 : i32
      %add3A_910 = arith.addi %mul3A_908, %add3A_909 : i32
      %dma_start3A_911 = tpu.memref_slice %arg8[%add3A_910] : memref<1064960xf32, #tpu.memory_space<vmem_shared>> -> memref<4096xf32, #tpu.memory_space<vmem_shared>>
      %dma_start3A_912 = tpu.memref_slice %arg8[%add3A_910] : memref<1064960xf32, #tpu.memory_space<vmem_shared>> -> memref<4096xf32, #tpu.memory_space<vmem_shared>>
      tpu.enqueue_dma source(%arg14 : memref<4096xf32, #tpu.memory_space<vmem>>) target(%dma_start3A_912 : memref<4096xf32, #tpu.memory_space<vmem_shared>>) target_semaphore(%arg20 : memref<!tpu.dma_semaphore, #tpu.memory_space<semaphore_mem>>)
      %dma_wait3A_913 = tpu.memref_slice %arg7[%add3A_902] : memref<10240000xf32, #tpu.memory_space<hbm>> -> memref<4096xf32, #tpu.memory_space<hbm>>
      %dma_wait3A_914 = tpu.memref_slice %arg7[%add3A_902] : memref<10240000xf32, #tpu.memory_space<hbm>> -> memref<4096xf32, #tpu.memory_space<hbm>>
      tpu.wait_dma2 semaphore(%arg19 : memref<!tpu.dma_semaphore, #tpu.memory_space<semaphore_mem>>) src(%arg15 : memref<4096xf32, #tpu.memory_space<vmem>>) dst(%dma_wait3A_914 : memref<4096xf32, #tpu.memory_space<hbm>>)
      %mul3A_915 = arith.constant 65536 : i32
      %mul3A_916 = arith.muli %arg1, %mul3A_915 : i32
      %add3A_917 = arith.constant 57344 : i32
      %add3A_918 = arith.addi %mul3A_916, %add3A_917 : i32
      %dma_start3A_919 = tpu.memref_slice %arg8[%add3A_918] : memref<1064960xf32, #tpu.memory_space<vmem_shared>> -> memref<4096xf32, #tpu.memory_space<vmem_shared>>
      %dma_start3A_920 = tpu.memref_slice %arg8[%add3A_918] : memref<1064960xf32, #tpu.memory_space<vmem_shared>> -> memref<4096xf32, #tpu.memory_space<vmem_shared>>
      tpu.enqueue_dma source(%dma_start3A_920 : memref<4096xf32, #tpu.memory_space<vmem_shared>>) target(%arg15 : memref<4096xf32, #tpu.memory_space<vmem>>) target_semaphore(%arg17 : memref<!tpu.dma_semaphore, #tpu.memory_space<semaphore_mem>>)
      %mul3A_921 = arith.constant 65536 : i32
      %mul3A_922 = arith.muli %arg1, %mul3A_921 : i32
      %add3A_923 = arith.addi %min3A_230, %mul3A_922 : i32
      %add3A_924 = arith.constant 53248 : i32
      %add3A_925 = arith.addi %add3A_923, %add3A_924 : i32
      %dma_start3A_926 = tpu.memref_slice %arg7[%add3A_925] : memref<10240000xf32, #tpu.memory_space<hbm>> -> memref<4096xf32, #tpu.memory_space<hbm>>
      %dma_start3A_927 = tpu.memref_slice %arg7[%add3A_925] : memref<10240000xf32, #tpu.memory_space<hbm>> -> memref<4096xf32, #tpu.memory_space<hbm>>
      tpu.enqueue_dma source(%arg16 : memref<4096xf32, #tpu.memory_space<vmem>>) target(%dma_start3A_927 : memref<4096xf32, #tpu.memory_space<hbm>>) target_semaphore(%arg19 : memref<!tpu.dma_semaphore, #tpu.memory_space<semaphore_mem>>)
      %dma_wait3A_928 = tpu.memref_slice %arg8[%add3A_918] : memref<1064960xf32, #tpu.memory_space<vmem_shared>> -> memref<4096xf32, #tpu.memory_space<vmem_shared>>
      %dma_wait3A_929 = tpu.memref_slice %arg8[%add3A_918] : memref<1064960xf32, #tpu.memory_space<vmem_shared>> -> memref<4096xf32, #tpu.memory_space<vmem_shared>>
      tpu.wait_dma2 semaphore(%arg17 : memref<!tpu.dma_semaphore, #tpu.memory_space<semaphore_mem>>) src(%dma_wait3A_929 : memref<4096xf32, #tpu.memory_space<vmem_shared>>) dst(%arg15 : memref<4096xf32, #tpu.memory_space<vmem>>)
      %mul3A_930 = arith.constant 65536 : i32
      %mul3A_931 = arith.muli %arg1, %mul3A_930 : i32
      %add3A_932 = arith.constant 57344 : i32
      %add3A_933 = arith.addi %mul3A_931, %add3A_932 : i32
      %dma_start3A_934 = tpu.memref_slice %arg8[%add3A_933] : memref<1064960xf32, #tpu.memory_space<vmem_shared>> -> memref<4096xf32, #tpu.memory_space<vmem_shared>>
      %dma_start3A_935 = tpu.memref_slice %arg8[%add3A_933] : memref<1064960xf32, #tpu.memory_space<vmem_shared>> -> memref<4096xf32, #tpu.memory_space<vmem_shared>>
      tpu.enqueue_dma source(%arg14 : memref<4096xf32, #tpu.memory_space<vmem>>) target(%dma_start3A_935 : memref<4096xf32, #tpu.memory_space<vmem_shared>>) target_semaphore(%arg20 : memref<!tpu.dma_semaphore, #tpu.memory_space<semaphore_mem>>)
      %dma_wait3A_936 = tpu.memref_slice %arg7[%add3A_925] : memref<10240000xf32, #tpu.memory_space<hbm>> -> memref<4096xf32, #tpu.memory_space<hbm>>
      %dma_wait3A_937 = tpu.memref_slice %arg7[%add3A_925] : memref<10240000xf32, #tpu.memory_space<hbm>> -> memref<4096xf32, #tpu.memory_space<hbm>>
      tpu.wait_dma2 semaphore(%arg19 : memref<!tpu.dma_semaphore, #tpu.memory_space<semaphore_mem>>) src(%arg16 : memref<4096xf32, #tpu.memory_space<vmem>>) dst(%dma_wait3A_937 : memref<4096xf32, #tpu.memory_space<hbm>>)
      %mul3A_938 = arith.constant 65536 : i32
      %mul3A_939 = arith.muli %arg1, %mul3A_938 : i32
      %add3A_940 = arith.constant 61440 : i32
      %add3A_941 = arith.addi %mul3A_939, %add3A_940 : i32
      %dma_start3A_942 = tpu.memref_slice %arg8[%add3A_941] : memref<1064960xf32, #tpu.memory_space<vmem_shared>> -> memref<4096xf32, #tpu.memory_space<vmem_shared>>
      %dma_start3A_943 = tpu.memref_slice %arg8[%add3A_941] : memref<1064960xf32, #tpu.memory_space<vmem_shared>> -> memref<4096xf32, #tpu.memory_space<vmem_shared>>
      tpu.enqueue_dma source(%dma_start3A_943 : memref<4096xf32, #tpu.memory_space<vmem_shared>>) target(%arg16 : memref<4096xf32, #tpu.memory_space<vmem>>) target_semaphore(%arg17 : memref<!tpu.dma_semaphore, #tpu.memory_space<semaphore_mem>>)
      %mul3A_944 = arith.constant 65536 : i32
      %mul3A_945 = arith.muli %arg1, %mul3A_944 : i32
      %add3A_946 = arith.addi %min3A_230, %mul3A_945 : i32
      %add3A_947 = arith.constant 57344 : i32
      %add3A_948 = arith.addi %add3A_946, %add3A_947 : i32
      %dma_start3A_949 = tpu.memref_slice %arg7[%add3A_948] : memref<10240000xf32, #tpu.memory_space<hbm>> -> memref<4096xf32, #tpu.memory_space<hbm>>
      %dma_start3A_950 = tpu.memref_slice %arg7[%add3A_948] : memref<10240000xf32, #tpu.memory_space<hbm>> -> memref<4096xf32, #tpu.memory_space<hbm>>
      tpu.enqueue_dma source(%arg15 : memref<4096xf32, #tpu.memory_space<vmem>>) target(%dma_start3A_950 : memref<4096xf32, #tpu.memory_space<hbm>>) target_semaphore(%arg19 : memref<!tpu.dma_semaphore, #tpu.memory_space<semaphore_mem>>)
      %dma_wait3A_951 = tpu.memref_slice %arg8[%add3A_941] : memref<1064960xf32, #tpu.memory_space<vmem_shared>> -> memref<4096xf32, #tpu.memory_space<vmem_shared>>
      %dma_wait3A_952 = tpu.memref_slice %arg8[%add3A_941] : memref<1064960xf32, #tpu.memory_space<vmem_shared>> -> memref<4096xf32, #tpu.memory_space<vmem_shared>>
      tpu.wait_dma2 semaphore(%arg17 : memref<!tpu.dma_semaphore, #tpu.memory_space<semaphore_mem>>) src(%dma_wait3A_952 : memref<4096xf32, #tpu.memory_space<vmem_shared>>) dst(%arg16 : memref<4096xf32, #tpu.memory_space<vmem>>)
      %mul3A_953 = arith.constant 65536 : i32
      %mul3A_954 = arith.muli %arg1, %mul3A_953 : i32
      %add3A_955 = arith.constant 61440 : i32
      %add3A_956 = arith.addi %mul3A_954, %add3A_955 : i32
      %dma_start3A_957 = tpu.memref_slice %arg8[%add3A_956] : memref<1064960xf32, #tpu.memory_space<vmem_shared>> -> memref<4096xf32, #tpu.memory_space<vmem_shared>>
      %dma_start3A_958 = tpu.memref_slice %arg8[%add3A_956] : memref<1064960xf32, #tpu.memory_space<vmem_shared>> -> memref<4096xf32, #tpu.memory_space<vmem_shared>>
      tpu.enqueue_dma source(%arg14 : memref<4096xf32, #tpu.memory_space<vmem>>) target(%dma_start3A_958 : memref<4096xf32, #tpu.memory_space<vmem_shared>>) target_semaphore(%arg20 : memref<!tpu.dma_semaphore, #tpu.memory_space<semaphore_mem>>)
      %mul3A_959 = arith.constant 65536 : i32
      %mul3A_960 = arith.muli %arg1, %mul3A_959 : i32
      %add3A_961 = arith.addi %min3A_230, %mul3A_960 : i32
      %add3A_962 = arith.constant 61440 : i32
      %add3A_963 = arith.addi %add3A_961, %add3A_962 : i32
      %dma_start3A_964 = tpu.memref_slice %arg7[%add3A_963] : memref<10240000xf32, #tpu.memory_space<hbm>> -> memref<4096xf32, #tpu.memory_space<hbm>>
      %dma_start3A_965 = tpu.memref_slice %arg7[%add3A_963] : memref<10240000xf32, #tpu.memory_space<hbm>> -> memref<4096xf32, #tpu.memory_space<hbm>>
      tpu.enqueue_dma source(%arg16 : memref<4096xf32, #tpu.memory_space<vmem>>) target(%dma_start3A_965 : memref<4096xf32, #tpu.memory_space<hbm>>) target_semaphore(%arg19 : memref<!tpu.dma_semaphore, #tpu.memory_space<semaphore_mem>>)
      %dma_wait3A_966 = tpu.memref_slice %arg7[%add3A_948] : memref<10240000xf32, #tpu.memory_space<hbm>> -> memref<4096xf32, #tpu.memory_space<hbm>>
      %dma_wait3A_967 = tpu.memref_slice %arg7[%add3A_948] : memref<10240000xf32, #tpu.memory_space<hbm>> -> memref<4096xf32, #tpu.memory_space<hbm>>
      tpu.wait_dma2 semaphore(%arg19 : memref<!tpu.dma_semaphore, #tpu.memory_space<semaphore_mem>>) src(%arg15 : memref<4096xf32, #tpu.memory_space<vmem>>) dst(%dma_wait3A_967 : memref<4096xf32, #tpu.memory_space<hbm>>)
      %dma_wait3A_968 = tpu.memref_slice %arg7[%add3A_963] : memref<10240000xf32, #tpu.memory_space<hbm>> -> memref<4096xf32, #tpu.memory_space<hbm>>
      %dma_wait3A_969 = tpu.memref_slice %arg7[%add3A_963] : memref<10240000xf32, #tpu.memory_space<hbm>> -> memref<4096xf32, #tpu.memory_space<hbm>>
      tpu.wait_dma2 semaphore(%arg19 : memref<!tpu.dma_semaphore, #tpu.memory_space<semaphore_mem>>) src(%arg16 : memref<4096xf32, #tpu.memory_space<vmem>>) dst(%dma_wait3A_969 : memref<4096xf32, #tpu.memory_space<hbm>>)
      %dma_wait3A_970 = tpu.memref_slice %arg8[%add3A_613] : memref<1064960xf32, #tpu.memory_space<vmem_shared>> -> memref<4096xf32, #tpu.memory_space<vmem_shared>>
      %dma_wait3A_971 = tpu.memref_slice %arg8[%add3A_613] : memref<1064960xf32, #tpu.memory_space<vmem_shared>> -> memref<4096xf32, #tpu.memory_space<vmem_shared>>
      tpu.wait_dma2 semaphore(%arg20 : memref<!tpu.dma_semaphore, #tpu.memory_space<semaphore_mem>>) src(%arg14 : memref<4096xf32, #tpu.memory_space<vmem>>) dst(%dma_wait3A_971 : memref<4096xf32, #tpu.memory_space<vmem_shared>>)
      %dma_wait3A_972 = tpu.memref_slice %arg8[%add3A_634] : memref<1064960xf32, #tpu.memory_space<vmem_shared>> -> memref<4096xf32, #tpu.memory_space<vmem_shared>>
      %dma_wait3A_973 = tpu.memref_slice %arg8[%add3A_634] : memref<1064960xf32, #tpu.memory_space<vmem_shared>> -> memref<4096xf32, #tpu.memory_space<vmem_shared>>
      tpu.wait_dma2 semaphore(%arg20 : memref<!tpu.dma_semaphore, #tpu.memory_space<semaphore_mem>>) src(%arg14 : memref<4096xf32, #tpu.memory_space<vmem>>) dst(%dma_wait3A_973 : memref<4096xf32, #tpu.memory_space<vmem_shared>>)
      %dma_wait3A_974 = tpu.memref_slice %arg8[%add3A_657] : memref<1064960xf32, #tpu.memory_space<vmem_shared>> -> memref<4096xf32, #tpu.memory_space<vmem_shared>>
      %dma_wait3A_975 = tpu.memref_slice %arg8[%add3A_657] : memref<1064960xf32, #tpu.memory_space<vmem_shared>> -> memref<4096xf32, #tpu.memory_space<vmem_shared>>
      tpu.wait_dma2 semaphore(%arg20 : memref<!tpu.dma_semaphore, #tpu.memory_space<semaphore_mem>>) src(%arg14 : memref<4096xf32, #tpu.memory_space<vmem>>) dst(%dma_wait3A_975 : memref<4096xf32, #tpu.memory_space<vmem_shared>>)
      %dma_wait3A_976 = tpu.memref_slice %arg8[%add3A_680] : memref<1064960xf32, #tpu.memory_space<vmem_shared>> -> memref<4096xf32, #tpu.memory_space<vmem_shared>>
      %dma_wait3A_977 = tpu.memref_slice %arg8[%add3A_680] : memref<1064960xf32, #tpu.memory_space<vmem_shared>> -> memref<4096xf32, #tpu.memory_space<vmem_shared>>
      tpu.wait_dma2 semaphore(%arg20 : memref<!tpu.dma_semaphore, #tpu.memory_space<semaphore_mem>>) src(%arg14 : memref<4096xf32, #tpu.memory_space<vmem>>) dst(%dma_wait3A_977 : memref<4096xf32, #tpu.memory_space<vmem_shared>>)
      %dma_wait3A_978 = tpu.memref_slice %arg8[%add3A_703] : memref<1064960xf32, #tpu.memory_space<vmem_shared>> -> memref<4096xf32, #tpu.memory_space<vmem_shared>>
      %dma_wait3A_979 = tpu.memref_slice %arg8[%add3A_703] : memref<1064960xf32, #tpu.memory_space<vmem_shared>> -> memref<4096xf32, #tpu.memory_space<vmem_shared>>
      tpu.wait_dma2 semaphore(%arg20 : memref<!tpu.dma_semaphore, #tpu.memory_space<semaphore_mem>>) src(%arg14 : memref<4096xf32, #tpu.memory_space<vmem>>) dst(%dma_wait3A_979 : memref<4096xf32, #tpu.memory_space<vmem_shared>>)
      %dma_wait3A_980 = tpu.memref_slice %arg8[%add3A_726] : memref<1064960xf32, #tpu.memory_space<vmem_shared>> -> memref<4096xf32, #tpu.memory_space<vmem_shared>>
      %dma_wait3A_981 = tpu.memref_slice %arg8[%add3A_726] : memref<1064960xf32, #tpu.memory_space<vmem_shared>> -> memref<4096xf32, #tpu.memory_space<vmem_shared>>
      tpu.wait_dma2 semaphore(%arg20 : memref<!tpu.dma_semaphore, #tpu.memory_space<semaphore_mem>>) src(%arg14 : memref<4096xf32, #tpu.memory_space<vmem>>) dst(%dma_wait3A_981 : memref<4096xf32, #tpu.memory_space<vmem_shared>>)
      %dma_wait3A_982 = tpu.memref_slice %arg8[%add3A_749] : memref<1064960xf32, #tpu.memory_space<vmem_shared>> -> memref<4096xf32, #tpu.memory_space<vmem_shared>>
      %dma_wait3A_983 = tpu.memref_slice %arg8[%add3A_749] : memref<1064960xf32, #tpu.memory_space<vmem_shared>> -> memref<4096xf32, #tpu.memory_space<vmem_shared>>
      tpu.wait_dma2 semaphore(%arg20 : memref<!tpu.dma_semaphore, #tpu.memory_space<semaphore_mem>>) src(%arg14 : memref<4096xf32, #tpu.memory_space<vmem>>) dst(%dma_wait3A_983 : memref<4096xf32, #tpu.memory_space<vmem_shared>>)
      %dma_wait3A_984 = tpu.memref_slice %arg8[%add3A_772] : memref<1064960xf32, #tpu.memory_space<vmem_shared>> -> memref<4096xf32, #tpu.memory_space<vmem_shared>>
      %dma_wait3A_985 = tpu.memref_slice %arg8[%add3A_772] : memref<1064960xf32, #tpu.memory_space<vmem_shared>> -> memref<4096xf32, #tpu.memory_space<vmem_shared>>
      tpu.wait_dma2 semaphore(%arg20 : memref<!tpu.dma_semaphore, #tpu.memory_space<semaphore_mem>>) src(%arg14 : memref<4096xf32, #tpu.memory_space<vmem>>) dst(%dma_wait3A_985 : memref<4096xf32, #tpu.memory_space<vmem_shared>>)
      %dma_wait3A_986 = tpu.memref_slice %arg8[%add3A_795] : memref<1064960xf32, #tpu.memory_space<vmem_shared>> -> memref<4096xf32, #tpu.memory_space<vmem_shared>>
      %dma_wait3A_987 = tpu.memref_slice %arg8[%add3A_795] : memref<1064960xf32, #tpu.memory_space<vmem_shared>> -> memref<4096xf32, #tpu.memory_space<vmem_shared>>
      tpu.wait_dma2 semaphore(%arg20 : memref<!tpu.dma_semaphore, #tpu.memory_space<semaphore_mem>>) src(%arg14 : memref<4096xf32, #tpu.memory_space<vmem>>) dst(%dma_wait3A_987 : memref<4096xf32, #tpu.memory_space<vmem_shared>>)
      %dma_wait3A_988 = tpu.memref_slice %arg8[%add3A_818] : memref<1064960xf32, #tpu.memory_space<vmem_shared>> -> memref<4096xf32, #tpu.memory_space<vmem_shared>>
      %dma_wait3A_989 = tpu.memref_slice %arg8[%add3A_818] : memref<1064960xf32, #tpu.memory_space<vmem_shared>> -> memref<4096xf32, #tpu.memory_space<vmem_shared>>
      tpu.wait_dma2 semaphore(%arg20 : memref<!tpu.dma_semaphore, #tpu.memory_space<semaphore_mem>>) src(%arg14 : memref<4096xf32, #tpu.memory_space<vmem>>) dst(%dma_wait3A_989 : memref<4096xf32, #tpu.memory_space<vmem_shared>>)
      %dma_wait3A_990 = tpu.memref_slice %arg8[%add3A_841] : memref<1064960xf32, #tpu.memory_space<vmem_shared>> -> memref<4096xf32, #tpu.memory_space<vmem_shared>>
      %dma_wait3A_991 = tpu.memref_slice %arg8[%add3A_841] : memref<1064960xf32, #tpu.memory_space<vmem_shared>> -> memref<4096xf32, #tpu.memory_space<vmem_shared>>
      tpu.wait_dma2 semaphore(%arg20 : memref<!tpu.dma_semaphore, #tpu.memory_space<semaphore_mem>>) src(%arg14 : memref<4096xf32, #tpu.memory_space<vmem>>) dst(%dma_wait3A_991 : memref<4096xf32, #tpu.memory_space<vmem_shared>>)
      %dma_wait3A_992 = tpu.memref_slice %arg8[%add3A_864] : memref<1064960xf32, #tpu.memory_space<vmem_shared>> -> memref<4096xf32, #tpu.memory_space<vmem_shared>>
      %dma_wait3A_993 = tpu.memref_slice %arg8[%add3A_864] : memref<1064960xf32, #tpu.memory_space<vmem_shared>> -> memref<4096xf32, #tpu.memory_space<vmem_shared>>
      tpu.wait_dma2 semaphore(%arg20 : memref<!tpu.dma_semaphore, #tpu.memory_space<semaphore_mem>>) src(%arg14 : memref<4096xf32, #tpu.memory_space<vmem>>) dst(%dma_wait3A_993 : memref<4096xf32, #tpu.memory_space<vmem_shared>>)
      %dma_wait3A_994 = tpu.memref_slice %arg8[%add3A_887] : memref<1064960xf32, #tpu.memory_space<vmem_shared>> -> memref<4096xf32, #tpu.memory_space<vmem_shared>>
      %dma_wait3A_995 = tpu.memref_slice %arg8[%add3A_887] : memref<1064960xf32, #tpu.memory_space<vmem_shared>> -> memref<4096xf32, #tpu.memory_space<vmem_shared>>
      tpu.wait_dma2 semaphore(%arg20 : memref<!tpu.dma_semaphore, #tpu.memory_space<semaphore_mem>>) src(%arg14 : memref<4096xf32, #tpu.memory_space<vmem>>) dst(%dma_wait3A_995 : memref<4096xf32, #tpu.memory_space<vmem_shared>>)
      %dma_wait3A_996 = tpu.memref_slice %arg8[%add3A_910] : memref<1064960xf32, #tpu.memory_space<vmem_shared>> -> memref<4096xf32, #tpu.memory_space<vmem_shared>>
      %dma_wait3A_997 = tpu.memref_slice %arg8[%add3A_910] : memref<1064960xf32, #tpu.memory_space<vmem_shared>> -> memref<4096xf32, #tpu.memory_space<vmem_shared>>
      tpu.wait_dma2 semaphore(%arg20 : memref<!tpu.dma_semaphore, #tpu.memory_space<semaphore_mem>>) src(%arg14 : memref<4096xf32, #tpu.memory_space<vmem>>) dst(%dma_wait3A_997 : memref<4096xf32, #tpu.memory_space<vmem_shared>>)
      %dma_wait3A_998 = tpu.memref_slice %arg8[%add3A_933] : memref<1064960xf32, #tpu.memory_space<vmem_shared>> -> memref<4096xf32, #tpu.memory_space<vmem_shared>>
      %dma_wait3A_999 = tpu.memref_slice %arg8[%add3A_933] : memref<1064960xf32, #tpu.memory_space<vmem_shared>> -> memref<4096xf32, #tpu.memory_space<vmem_shared>>
      tpu.wait_dma2 semaphore(%arg20 : memref<!tpu.dma_semaphore, #tpu.memory_space<semaphore_mem>>) src(%arg14 : memref<4096xf32, #tpu.memory_space<vmem>>) dst(%dma_wait3A_999 : memref<4096xf32, #tpu.memory_space<vmem_shared>>)
      %dma_wait3A_1000 = tpu.memref_slice %arg8[%add3A_956] : memref<1064960xf32, #tpu.memory_space<vmem_shared>> -> memref<4096xf32, #tpu.memory_space<vmem_shared>>
      %dma_wait3A_1001 = tpu.memref_slice %arg8[%add3A_956] : memref<1064960xf32, #tpu.memory_space<vmem_shared>> -> memref<4096xf32, #tpu.memory_space<vmem_shared>>
      tpu.wait_dma2 semaphore(%arg20 : memref<!tpu.dma_semaphore, #tpu.memory_space<semaphore_mem>>) src(%arg14 : memref<4096xf32, #tpu.memory_space<vmem>>) dst(%dma_wait3A_1001 : memref<4096xf32, #tpu.memory_space<vmem_shared>>)
      %barrier3A_1002 = arith.constant 0 : index
      tpu.barrier barrier_id(%barrier3A_1002)
    }
    %while3A_223 = arith.constant 1 : i32
    scf.for %while3A_224 = %while3A_221 to %while3A_217 step %while3A_223  : i32 {
      %mul3A_225 = arith.constant 2 : i32
      %mul3A_226 = arith.muli %mul3A_225, %while3A_224 : i32
      %add3A_227 = arith.addi %mul3A_226, %arg0 : i32
      %mul3A_228 = arith.constant 1048576 : i32
      %mul3A_229 = arith.muli %add3A_227, %mul3A_228 : i32
      %min3A = arith.constant 9191424 : i32
      %min3A_230 = arith.minsi %mul3A_229, %min3A : i32
      %add3A_231 = arith.constant 1048576 : i32
      %add3A_232 = arith.addi %min3A_230, %add3A_231 : i32
      %scan3A_233 = arith.constant 0 : i32
      %scan3A_234 = arith.constant 0 : i32
      %scan3A_235 = arith.constant 293 : i32
      %scan3A_236 = arith.addi %scan3A_234, %scan3A_235 : i32
      %scan3A_237 = arith.constant 1 : i32
      scf.for %scan3A_1003 = %scan3A_234 to %scan3A_236 step %scan3A_237  : i32 {
        %mul3A_1004 = arith.constant 16 : i32
        %mul3A_1005 = arith.muli %scan3A_1003, %mul3A_1004 : i32
        %get3A = arith.index_cast %mul3A_1005 : i32 to index
        %get3A_1006 = tpu.vector_load %arg9[%get3A] {strides = array<i32>} : memref<4688xi32, #tpu.memory_space<vmem>>, vector<16xi32>,
        %get3A_1007 = vector.shape_cast %get3A_1006 : vector<16xi32> to vector<16xi32>
        %ge3A = vector.broadcast %min3A_230 : i32 to vector<16xi32>
        %ge3A_1008 = arith.cmpi sge, %get3A_1007, %ge3A : vector<16xi32>
        %lt3A = vector.broadcast %add3A_232 : i32 to vector<16xi32>
        %lt3A_1009 = arith.cmpi slt, %get3A_1007, %lt3A : vector<16xi32>
        %and3A_1010 = arith.andi %ge3A_1008, %lt3A_1009 : vector<16xi1>
        %mul3A_1011 = arith.constant 16 : i32
        %mul3A_1012 = arith.muli %scan3A_1003, %mul3A_1011 : i32
        %and3A_1013 = arith.constant 1023 : i32
        %and3A_1014 = arith.andi %mul3A_1012, %and3A_1013 : i32
        %add3A_1015 = arith.addi %add3A_3, %and3A_1014 : i32
        %add3A_1016 = vector.broadcast %add3A_1015 : i32 to vector<16xi32>
        %add3A_1017 = arith.addi %add3A_1016, %iota3A : vector<16xi32>
        %sub3A_1018 = vector.broadcast %min3A_230 : i32 to vector<16xi32>
        %sub3A_1019 = arith.subi %get3A_1007, %sub3A_1018 : vector<16xi32>
        %select_n3A_1020 = arith.select %and3A_1010, %sub3A_1019, %add3A_1017 : vector<16xi1>, vector<16xi32>
        %shift_right_arithmetic3A = arith.constant 3 : i32
        %shift_right_arithmetic3A_1021 = arith.shrsi %scan3A_1003, %shift_right_arithmetic3A : i32
        %add3A_1022 = arith.constant 0 : i32
        %add3A_1023 = arith.addi %add3A_1022, %shift_right_arithmetic3A_1021 : i32
        %and3A_1024 = arith.constant 7 : i32
        %and3A_1025 = arith.andi %scan3A_1003, %and3A_1024 : i32
        %mul3A_1026 = arith.constant 16 : i32
        %mul3A_1027 = arith.muli %and3A_1025, %mul3A_1026 : i32
        %swap3A_1028 = arith.index_cast %add3A_1023 : i32 to index
        %swap3A_1029 = arith.index_cast %mul3A_1027 : i32 to index
        %swap3A_1030 = tpu.vector_load %arg12[%swap3A_1028, %swap3A_1029] {strides = array<i32>} : memref<80x128xi32, #tpu.memory_space<vmem>>, vector<1x16xi32>,
        %swap3A_1031 = vector.shape_cast %swap3A_1030 : vector<1x16xi32> to vector<16xi32>
        %swap3A_1032 = vector.shape_cast %select_n3A_1020 : vector<16xi32> to vector<1x16xi32>
        tpu.vector_store %arg12[%swap3A_1028, %swap3A_1029], %swap3A_1032 {strides = array<i32>} : memref<80x128xi32, #tpu.memory_space<vmem>>, vector<1x16xi32>,
      }
      %scan3A_238 = arith.constant 293 : i32
      %add3A_239 = arith.constant 592 : i32
      %add3A_240 = arith.addi %add3A_3, %add3A_239 : i32
      %add3A_241 = vector.broadcast %add3A_240 : i32 to vector<16xi32>
      %add3A_242 = arith.addi %add3A_241, %iota3A : vector<16xi32>
      %swap3A_243 = arith.constant 36 : i32
      %swap3A_244 = arith.index_cast %swap3A_243 : i32 to index
      %swap3A_245 = arith.constant 80 : index
      %swap3A_246 = tpu.vector_load %arg12[%swap3A_244, %swap3A_245] {strides = array<i32>} : memref<80x128xi32, #tpu.memory_space<vmem>>, vector<1x16xi32>,
      %swap3A_247 = vector.shape_cast %swap3A_246 : vector<1x16xi32> to vector<16xi32>
      %swap3A_248 = vector.shape_cast %add3A_242 : vector<16xi32> to vector<1x16xi32>
      tpu.vector_store %arg12[%swap3A_244, %swap3A_245], %swap3A_248 {strides = array<i32>} : memref<80x128xi32, #tpu.memory_space<vmem>>, vector<1x16xi32>,
      %add3A_249 = arith.constant 608 : i32
      %add3A_250 = arith.addi %add3A_3, %add3A_249 : i32
      %add3A_251 = vector.broadcast %add3A_250 : i32 to vector<16xi32>
      %add3A_252 = arith.addi %add3A_251, %iota3A : vector<16xi32>
      %swap3A_253 = arith.constant 36 : i32
      %swap3A_254 = arith.index_cast %swap3A_253 : i32 to index
      %swap3A_255 = arith.constant 96 : index
      %swap3A_256 = tpu.vector_load %arg12[%swap3A_254, %swap3A_255] {strides = array<i32>} : memref<80x128xi32, #tpu.memory_space<vmem>>, vector<1x16xi32>,
      %swap3A_257 = vector.shape_cast %swap3A_256 : vector<1x16xi32> to vector<16xi32>
      %swap3A_258 = vector.shape_cast %add3A_252 : vector<16xi32> to vector<1x16xi32>
      tpu.vector_store %arg12[%swap3A_254, %swap3A_255], %swap3A_258 {strides = array<i32>} : memref<80x128xi32, #tpu.memory_space<vmem>>, vector<1x16xi32>,
      %add3A_259 = arith.constant 624 : i32
      %add3A_260 = arith.addi %add3A_3, %add3A_259 : i32
      %add3A_261 = vector.broadcast %add3A_260 : i32 to vector<16xi32>
      %add3A_262 = arith.addi %add3A_261, %iota3A : vector<16xi32>
      %swap3A_263 = arith.constant 36 : i32
      %swap3A_264 = arith.index_cast %swap3A_263 : i32 to index
      %swap3A_265 = arith.constant 112 : index
      %swap3A_266 = tpu.vector_load %arg12[%swap3A_264, %swap3A_265] {strides = array<i32>} : memref<80x128xi32, #tpu.memory_space<vmem>>, vector<1x16xi32>,
      %swap3A_267 = vector.shape_cast %swap3A_266 : vector<1x16xi32> to vector<16xi32>
      %swap3A_268 = vector.shape_cast %add3A_262 : vector<16xi32> to vector<1x16xi32>
      tpu.vector_store %arg12[%swap3A_264, %swap3A_265], %swap3A_268 {strides = array<i32>} : memref<80x128xi32, #tpu.memory_space<vmem>>, vector<1x16xi32>,
      %add3A_269 = arith.constant 1048576 : i32
      %add3A_270 = arith.addi %min3A_230, %add3A_269 : i32
      %scan3A_271 = arith.constant 0 : i32
      %scan3A_272 = arith.constant 0 : i32
      %scan3A_273 = arith.constant 293 : i32
      %scan3A_274 = arith.addi %scan3A_272, %scan3A_273 : i32
      %scan3A_275 = arith.constant 1 : i32
      scf.for %scan3A_1003 = %scan3A_272 to %scan3A_274 step %scan3A_275  : i32 {
        %mul3A_1004 = arith.constant 16 : i32
        %mul3A_1005 = arith.muli %scan3A_1003, %mul3A_1004 : i32
        %get3A = arith.index_cast %mul3A_1005 : i32 to index
        %get3A_1006 = tpu.vector_load %arg10[%get3A] {strides = array<i32>} : memref<4688xi32, #tpu.memory_space<vmem>>, vector<16xi32>,
        %get3A_1007 = vector.shape_cast %get3A_1006 : vector<16xi32> to vector<16xi32>
        %ge3A = vector.broadcast %min3A_230 : i32 to vector<16xi32>
        %ge3A_1008 = arith.cmpi sge, %get3A_1007, %ge3A : vector<16xi32>
        %lt3A = vector.broadcast %add3A_270 : i32 to vector<16xi32>
        %lt3A_1009 = arith.cmpi slt, %get3A_1007, %lt3A : vector<16xi32>
        %and3A_1010 = arith.andi %ge3A_1008, %lt3A_1009 : vector<16xi1>
        %mul3A_1011 = arith.constant 16 : i32
        %mul3A_1012 = arith.muli %scan3A_1003, %mul3A_1011 : i32
        %and3A_1013 = arith.constant 1023 : i32
        %and3A_1014 = arith.andi %mul3A_1012, %and3A_1013 : i32
        %add3A_1015 = arith.addi %add3A_3, %and3A_1014 : i32
        %add3A_1016 = vector.broadcast %add3A_1015 : i32 to vector<16xi32>
        %add3A_1017 = arith.addi %add3A_1016, %iota3A : vector<16xi32>
        %sub3A_1018 = vector.broadcast %min3A_230 : i32 to vector<16xi32>
        %sub3A_1019 = arith.subi %get3A_1007, %sub3A_1018 : vector<16xi32>
        %select_n3A_1020 = arith.select %and3A_1010, %sub3A_1019, %add3A_1017 : vector<16xi1>, vector<16xi32>
        %shift_right_arithmetic3A = arith.constant 3 : i32
        %shift_right_arithmetic3A_1021 = arith.shrsi %scan3A_1003, %shift_right_arithmetic3A : i32
        %add3A_1022 = arith.constant 37 : i32
        %add3A_1023 = arith.addi %add3A_1022, %shift_right_arithmetic3A_1021 : i32
        %and3A_1024 = arith.constant 7 : i32
        %and3A_1025 = arith.andi %scan3A_1003, %and3A_1024 : i32
        %mul3A_1026 = arith.constant 16 : i32
        %mul3A_1027 = arith.muli %and3A_1025, %mul3A_1026 : i32
        %swap3A_1028 = arith.index_cast %add3A_1023 : i32 to index
        %swap3A_1029 = arith.index_cast %mul3A_1027 : i32 to index
        %swap3A_1030 = tpu.vector_load %arg12[%swap3A_1028, %swap3A_1029] {strides = array<i32>} : memref<80x128xi32, #tpu.memory_space<vmem>>, vector<1x16xi32>,
        %swap3A_1031 = vector.shape_cast %swap3A_1030 : vector<1x16xi32> to vector<16xi32>
        %swap3A_1032 = vector.shape_cast %select_n3A_1020 : vector<16xi32> to vector<1x16xi32>
        tpu.vector_store %arg12[%swap3A_1028, %swap3A_1029], %swap3A_1032 {strides = array<i32>} : memref<80x128xi32, #tpu.memory_space<vmem>>, vector<1x16xi32>,
      }
      %scan3A_276 = arith.constant 293 : i32
      %add3A_277 = arith.constant 592 : i32
      %add3A_278 = arith.addi %add3A_3, %add3A_277 : i32
      %add3A_279 = vector.broadcast %add3A_278 : i32 to vector<16xi32>
      %add3A_280 = arith.addi %add3A_279, %iota3A : vector<16xi32>
      %swap3A_281 = arith.constant 73 : i32
      %swap3A_282 = arith.index_cast %swap3A_281 : i32 to index
      %swap3A_283 = arith.constant 80 : index
      %swap3A_284 = tpu.vector_load %arg12[%swap3A_282, %swap3A_283] {strides = array<i32>} : memref<80x128xi32, #tpu.memory_space<vmem>>, vector<1x16xi32>,
      %swap3A_285 = vector.shape_cast %swap3A_284 : vector<1x16xi32> to vector<16xi32>
      %swap3A_286 = vector.shape_cast %add3A_280 : vector<16xi32> to vector<1x16xi32>
      tpu.vector_store %arg12[%swap3A_282, %swap3A_283], %swap3A_286 {strides = array<i32>} : memref<80x128xi32, #tpu.memory_space<vmem>>, vector<1x16xi32>,
      %add3A_287 = arith.constant 608 : i32
      %add3A_288 = arith.addi %add3A_3, %add3A_287 : i32
      %add3A_289 = vector.broadcast %add3A_288 : i32 to vector<16xi32>
      %add3A_290 = arith.addi %add3A_289, %iota3A : vector<16xi32>
      %swap3A_291 = arith.constant 73 : i32
      %swap3A_292 = arith.index_cast %swap3A_291 : i32 to index
      %swap3A_293 = arith.constant 96 : index
      %swap3A_294 = tpu.vector_load %arg12[%swap3A_292, %swap3A_293] {strides = array<i32>} : memref<80x128xi32, #tpu.memory_space<vmem>>, vector<1x16xi32>,
      %swap3A_295 = vector.shape_cast %swap3A_294 : vector<1x16xi32> to vector<16xi32>
      %swap3A_296 = vector.shape_cast %add3A_290 : vector<16xi32> to vector<1x16xi32>
      tpu.vector_store %arg12[%swap3A_292, %swap3A_293], %swap3A_296 {strides = array<i32>} : memref<80x128xi32, #tpu.memory_space<vmem>>, vector<1x16xi32>,
      %add3A_297 = arith.constant 624 : i32
      %add3A_298 = arith.addi %add3A_3, %add3A_297 : i32
      %add3A_299 = vector.broadcast %add3A_298 : i32 to vector<16xi32>
      %add3A_300 = arith.addi %add3A_299, %iota3A : vector<16xi32>
      %swap3A_301 = arith.constant 73 : i32
      %swap3A_302 = arith.index_cast %swap3A_301 : i32 to index
      %swap3A_303 = arith.constant 112 : index
      %swap3A_304 = tpu.vector_load %arg12[%swap3A_302, %swap3A_303] {strides = array<i32>} : memref<80x128xi32, #tpu.memory_space<vmem>>, vector<1x16xi32>,
      %swap3A_305 = vector.shape_cast %swap3A_304 : vector<1x16xi32> to vector<16xi32>
      %swap3A_306 = vector.shape_cast %add3A_300 : vector<16xi32> to vector<1x16xi32>
      tpu.vector_store %arg12[%swap3A_302, %swap3A_303], %swap3A_306 {strides = array<i32>} : memref<80x128xi32, #tpu.memory_space<vmem>>, vector<1x16xi32>,
      %scan3A_307 = arith.constant 0 : i32
      %scan3A_308 = arith.constant 0 : i32
      %scan3A_309 = arith.constant 37 : i32
      %scan3A_310 = arith.addi %scan3A_308, %scan3A_309 : i32
      %scan3A_311 = arith.constant 1 : i32
      scf.for %scan3A_1003 = %scan3A_308 to %scan3A_310 step %scan3A_311  : i32 {
        %dma_start3A_1004 = arith.constant 0 : i32
        %dma_start3A_1005 = tpu.memref_slice %arg12[%scan3A_1003, %dma_start3A_1004] : memref<80x128xi32, #tpu.memory_space<vmem>> -> memref<1x128xi32, #tpu.memory_space<vmem>>
        %dma_start3A_1006 = tpu.memref_squeeze %dma_start3A_1005 : memref<1x128xi32, #tpu.memory_space<vmem>> -> memref<128xi32, #tpu.memory_space<vmem>>
        %dma_start3A_1007 = arith.constant 0 : i32
        %dma_start3A_1008 = tpu.memref_slice %arg8[%dma_start3A_1007] : memref<1064960xf32, #tpu.memory_space<vmem_shared>> -> memref<1064960xf32, #tpu.memory_space<vmem_shared>>
        tpu.enqueue_indirect_dma source(%arg13 : memref<128xf32, #tpu.memory_space<vmem>>) target(%dma_start3A_1008 : memref<1064960xf32, #tpu.memory_space<vmem_shared>>) offsets(%dma_start3A_1006 : memref<128xi32, #tpu.memory_space<vmem>>) semaphore(%arg18 : memref<!tpu.dma_semaphore, #tpu.memory_space<semaphore_mem>>) {add = true}
      }
      %scan3A_312 = arith.constant 37 : i32
      %scan3A_313 = arith.constant 0 : i32
      %scan3A_314 = arith.constant 0 : i32
      %scan3A_315 = arith.constant 37 : i32
      %scan3A_316 = arith.addi %scan3A_314, %scan3A_315 : i32
      %scan3A_317 = arith.constant 1 : i32
      scf.for %scan3A_1003 = %scan3A_314 to %scan3A_316 step %scan3A_317  : i32 {
        %dma_wait3A_1004 = arith.constant 0 : i32
        %dma_wait3A_1005 = arith.constant 0 : i32
        %dma_wait3A_1006 = tpu.memref_slice %arg12[%dma_wait3A_1004, %dma_wait3A_1005] : memref<80x128xi32, #tpu.memory_space<vmem>> -> memref<1x128xi32, #tpu.memory_space<vmem>>
        %dma_wait3A_1007 = tpu.memref_squeeze %dma_wait3A_1006 : memref<1x128xi32, #tpu.memory_space<vmem>> -> memref<128xi32, #tpu.memory_space<vmem>>
        %dma_wait3A_1008 = arith.constant 0 : i32
        %dma_wait3A_1009 = tpu.memref_slice %arg8[%dma_wait3A_1008] : memref<1064960xf32, #tpu.memory_space<vmem_shared>> -> memref<1064960xf32, #tpu.memory_space<vmem_shared>>
        tpu.wait_indirect_dma semaphore(%arg18 : memref<!tpu.dma_semaphore, #tpu.memory_space<semaphore_mem>>) src(%arg13 : memref<128xf32, #tpu.memory_space<vmem>>) dst(%dma_wait3A_1009 : memref<1064960xf32, #tpu.memory_space<vmem_shared>>)
      }
      %scan3A_318 = arith.constant 37 : i32
      %barrier3A_319 = arith.constant 0 : index
      tpu.barrier barrier_id(%barrier3A_319)
      %mul3A_320 = arith.constant 65536 : i32
      %mul3A_321 = arith.muli %arg1, %mul3A_320 : i32
      %dma_start3A_322 = tpu.memref_slice %arg8[%mul3A_321] : memref<1064960xf32, #tpu.memory_space<vmem_shared>> -> memref<4096xf32, #tpu.memory_space<vmem_shared>>
      %dma_start3A_323 = tpu.memref_slice %arg8[%mul3A_321] : memref<1064960xf32, #tpu.memory_space<vmem_shared>> -> memref<4096xf32, #tpu.memory_space<vmem_shared>>
      tpu.enqueue_dma source(%dma_start3A_323 : memref<4096xf32, #tpu.memory_space<vmem_shared>>) target(%arg15 : memref<4096xf32, #tpu.memory_space<vmem>>) target_semaphore(%arg17 : memref<!tpu.dma_semaphore, #tpu.memory_space<semaphore_mem>>)
      %dma_wait3A_324 = tpu.memref_slice %arg8[%mul3A_321] : memref<1064960xf32, #tpu.memory_space<vmem_shared>> -> memref<4096xf32, #tpu.memory_space<vmem_shared>>
      %dma_wait3A_325 = tpu.memref_slice %arg8[%mul3A_321] : memref<1064960xf32, #tpu.memory_space<vmem_shared>> -> memref<4096xf32, #tpu.memory_space<vmem_shared>>
      tpu.wait_dma2 semaphore(%arg17 : memref<!tpu.dma_semaphore, #tpu.memory_space<semaphore_mem>>) src(%dma_wait3A_325 : memref<4096xf32, #tpu.memory_space<vmem_shared>>) dst(%arg15 : memref<4096xf32, #tpu.memory_space<vmem>>)
      %mul3A_326 = arith.constant 65536 : i32
      %mul3A_327 = arith.muli %arg1, %mul3A_326 : i32
      %add3A_328 = arith.constant 4096 : i32
      %add3A_329 = arith.addi %mul3A_327, %add3A_328 : i32
      %dma_start3A_330 = tpu.memref_slice %arg8[%add3A_329] : memref<1064960xf32, #tpu.memory_space<vmem_shared>> -> memref<4096xf32, #tpu.memory_space<vmem_shared>>
      %dma_start3A_331 = tpu.memref_slice %arg8[%add3A_329] : memref<1064960xf32, #tpu.memory_space<vmem_shared>> -> memref<4096xf32, #tpu.memory_space<vmem_shared>>
      tpu.enqueue_dma source(%dma_start3A_331 : memref<4096xf32, #tpu.memory_space<vmem_shared>>) target(%arg16 : memref<4096xf32, #tpu.memory_space<vmem>>) target_semaphore(%arg17 : memref<!tpu.dma_semaphore, #tpu.memory_space<semaphore_mem>>)
      %mul3A_332 = arith.constant 65536 : i32
      %mul3A_333 = arith.muli %arg1, %mul3A_332 : i32
      %add3A_334 = arith.addi %min3A_230, %mul3A_333 : i32
      %add3A_335 = arith.constant 0 : i32
      %add3A_336 = arith.addi %add3A_334, %add3A_335 : i32
      %dma_start3A_337 = tpu.memref_slice %arg6[%add3A_336] : memref<10240000xf32, #tpu.memory_space<hbm>> -> memref<4096xf32, #tpu.memory_space<hbm>>
      %dma_start3A_338 = tpu.memref_slice %arg6[%add3A_336] : memref<10240000xf32, #tpu.memory_space<hbm>> -> memref<4096xf32, #tpu.memory_space<hbm>>
      tpu.enqueue_dma source(%arg15 : memref<4096xf32, #tpu.memory_space<vmem>>) target(%dma_start3A_338 : memref<4096xf32, #tpu.memory_space<hbm>>) target_semaphore(%arg19 : memref<!tpu.dma_semaphore, #tpu.memory_space<semaphore_mem>>)
      %dma_wait3A_339 = tpu.memref_slice %arg8[%add3A_329] : memref<1064960xf32, #tpu.memory_space<vmem_shared>> -> memref<4096xf32, #tpu.memory_space<vmem_shared>>
      %dma_wait3A_340 = tpu.memref_slice %arg8[%add3A_329] : memref<1064960xf32, #tpu.memory_space<vmem_shared>> -> memref<4096xf32, #tpu.memory_space<vmem_shared>>
      tpu.wait_dma2 semaphore(%arg17 : memref<!tpu.dma_semaphore, #tpu.memory_space<semaphore_mem>>) src(%dma_wait3A_340 : memref<4096xf32, #tpu.memory_space<vmem_shared>>) dst(%arg16 : memref<4096xf32, #tpu.memory_space<vmem>>)
      %dma_wait3A_341 = tpu.memref_slice %arg6[%add3A_336] : memref<10240000xf32, #tpu.memory_space<hbm>> -> memref<4096xf32, #tpu.memory_space<hbm>>
      %dma_wait3A_342 = tpu.memref_slice %arg6[%add3A_336] : memref<10240000xf32, #tpu.memory_space<hbm>> -> memref<4096xf32, #tpu.memory_space<hbm>>
      tpu.wait_dma2 semaphore(%arg19 : memref<!tpu.dma_semaphore, #tpu.memory_space<semaphore_mem>>) src(%arg15 : memref<4096xf32, #tpu.memory_space<vmem>>) dst(%dma_wait3A_342 : memref<4096xf32, #tpu.memory_space<hbm>>)
      %mul3A_343 = arith.constant 65536 : i32
      %mul3A_344 = arith.muli %arg1, %mul3A_343 : i32
      %add3A_345 = arith.constant 8192 : i32
      %add3A_346 = arith.addi %mul3A_344, %add3A_345 : i32
      %dma_start3A_347 = tpu.memref_slice %arg8[%add3A_346] : memref<1064960xf32, #tpu.memory_space<vmem_shared>> -> memref<4096xf32, #tpu.memory_space<vmem_shared>>
      %dma_start3A_348 = tpu.memref_slice %arg8[%add3A_346] : memref<1064960xf32, #tpu.memory_space<vmem_shared>> -> memref<4096xf32, #tpu.memory_space<vmem_shared>>
      tpu.enqueue_dma source(%dma_start3A_348 : memref<4096xf32, #tpu.memory_space<vmem_shared>>) target(%arg15 : memref<4096xf32, #tpu.memory_space<vmem>>) target_semaphore(%arg17 : memref<!tpu.dma_semaphore, #tpu.memory_space<semaphore_mem>>)
      %mul3A_349 = arith.constant 65536 : i32
      %mul3A_350 = arith.muli %arg1, %mul3A_349 : i32
      %add3A_351 = arith.addi %min3A_230, %mul3A_350 : i32
      %add3A_352 = arith.constant 4096 : i32
      %add3A_353 = arith.addi %add3A_351, %add3A_352 : i32
      %dma_start3A_354 = tpu.memref_slice %arg6[%add3A_353] : memref<10240000xf32, #tpu.memory_space<hbm>> -> memref<4096xf32, #tpu.memory_space<hbm>>
      %dma_start3A_355 = tpu.memref_slice %arg6[%add3A_353] : memref<10240000xf32, #tpu.memory_space<hbm>> -> memref<4096xf32, #tpu.memory_space<hbm>>
      tpu.enqueue_dma source(%arg16 : memref<4096xf32, #tpu.memory_space<vmem>>) target(%dma_start3A_355 : memref<4096xf32, #tpu.memory_space<hbm>>) target_semaphore(%arg19 : memref<!tpu.dma_semaphore, #tpu.memory_space<semaphore_mem>>)
      %dma_wait3A_356 = tpu.memref_slice %arg8[%add3A_346] : memref<1064960xf32, #tpu.memory_space<vmem_shared>> -> memref<4096xf32, #tpu.memory_space<vmem_shared>>
      %dma_wait3A_357 = tpu.memref_slice %arg8[%add3A_346] : memref<1064960xf32, #tpu.memory_space<vmem_shared>> -> memref<4096xf32, #tpu.memory_space<vmem_shared>>
      tpu.wait_dma2 semaphore(%arg17 : memref<!tpu.dma_semaphore, #tpu.memory_space<semaphore_mem>>) src(%dma_wait3A_357 : memref<4096xf32, #tpu.memory_space<vmem_shared>>) dst(%arg15 : memref<4096xf32, #tpu.memory_space<vmem>>)
      %dma_wait3A_358 = tpu.memref_slice %arg6[%add3A_353] : memref<10240000xf32, #tpu.memory_space<hbm>> -> memref<4096xf32, #tpu.memory_space<hbm>>
      %dma_wait3A_359 = tpu.memref_slice %arg6[%add3A_353] : memref<10240000xf32, #tpu.memory_space<hbm>> -> memref<4096xf32, #tpu.memory_space<hbm>>
      tpu.wait_dma2 semaphore(%arg19 : memref<!tpu.dma_semaphore, #tpu.memory_space<semaphore_mem>>) src(%arg16 : memref<4096xf32, #tpu.memory_space<vmem>>) dst(%dma_wait3A_359 : memref<4096xf32, #tpu.memory_space<hbm>>)
      %mul3A_360 = arith.constant 65536 : i32
      %mul3A_361 = arith.muli %arg1, %mul3A_360 : i32
      %add3A_362 = arith.constant 12288 : i32
      %add3A_363 = arith.addi %mul3A_361, %add3A_362 : i32
      %dma_start3A_364 = tpu.memref_slice %arg8[%add3A_363] : memref<1064960xf32, #tpu.memory_space<vmem_shared>> -> memref<4096xf32, #tpu.memory_space<vmem_shared>>
      %dma_start3A_365 = tpu.memref_slice %arg8[%add3A_363] : memref<1064960xf32, #tpu.memory_space<vmem_shared>> -> memref<4096xf32, #tpu.memory_space<vmem_shared>>
      tpu.enqueue_dma source(%dma_start3A_365 : memref<4096xf32, #tpu.memory_space<vmem_shared>>) target(%arg16 : memref<4096xf32, #tpu.memory_space<vmem>>) target_semaphore(%arg17 : memref<!tpu.dma_semaphore, #tpu.memory_space<semaphore_mem>>)
      %mul3A_366 = arith.constant 65536 : i32
      %mul3A_367 = arith.muli %arg1, %mul3A_366 : i32
      %add3A_368 = arith.addi %min3A_230, %mul3A_367 : i32
      %add3A_369 = arith.constant 8192 : i32
      %add3A_370 = arith.addi %add3A_368, %add3A_369 : i32
      %dma_start3A_371 = tpu.memref_slice %arg6[%add3A_370] : memref<10240000xf32, #tpu.memory_space<hbm>> -> memref<4096xf32, #tpu.memory_space<hbm>>
      %dma_start3A_372 = tpu.memref_slice %arg6[%add3A_370] : memref<10240000xf32, #tpu.memory_space<hbm>> -> memref<4096xf32, #tpu.memory_space<hbm>>
      tpu.enqueue_dma source(%arg15 : memref<4096xf32, #tpu.memory_space<vmem>>) target(%dma_start3A_372 : memref<4096xf32, #tpu.memory_space<hbm>>) target_semaphore(%arg19 : memref<!tpu.dma_semaphore, #tpu.memory_space<semaphore_mem>>)
      %dma_wait3A_373 = tpu.memref_slice %arg8[%add3A_363] : memref<1064960xf32, #tpu.memory_space<vmem_shared>> -> memref<4096xf32, #tpu.memory_space<vmem_shared>>
      %dma_wait3A_374 = tpu.memref_slice %arg8[%add3A_363] : memref<1064960xf32, #tpu.memory_space<vmem_shared>> -> memref<4096xf32, #tpu.memory_space<vmem_shared>>
      tpu.wait_dma2 semaphore(%arg17 : memref<!tpu.dma_semaphore, #tpu.memory_space<semaphore_mem>>) src(%dma_wait3A_374 : memref<4096xf32, #tpu.memory_space<vmem_shared>>) dst(%arg16 : memref<4096xf32, #tpu.memory_space<vmem>>)
      %dma_wait3A_375 = tpu.memref_slice %arg6[%add3A_370] : memref<10240000xf32, #tpu.memory_space<hbm>> -> memref<4096xf32, #tpu.memory_space<hbm>>
      %dma_wait3A_376 = tpu.memref_slice %arg6[%add3A_370] : memref<10240000xf32, #tpu.memory_space<hbm>> -> memref<4096xf32, #tpu.memory_space<hbm>>
      tpu.wait_dma2 semaphore(%arg19 : memref<!tpu.dma_semaphore, #tpu.memory_space<semaphore_mem>>) src(%arg15 : memref<4096xf32, #tpu.memory_space<vmem>>) dst(%dma_wait3A_376 : memref<4096xf32, #tpu.memory_space<hbm>>)
      %mul3A_377 = arith.constant 65536 : i32
      %mul3A_378 = arith.muli %arg1, %mul3A_377 : i32
      %add3A_379 = arith.constant 16384 : i32
      %add3A_380 = arith.addi %mul3A_378, %add3A_379 : i32
      %dma_start3A_381 = tpu.memref_slice %arg8[%add3A_380] : memref<1064960xf32, #tpu.memory_space<vmem_shared>> -> memref<4096xf32, #tpu.memory_space<vmem_shared>>
      %dma_start3A_382 = tpu.memref_slice %arg8[%add3A_380] : memref<1064960xf32, #tpu.memory_space<vmem_shared>> -> memref<4096xf32, #tpu.memory_space<vmem_shared>>
      tpu.enqueue_dma source(%dma_start3A_382 : memref<4096xf32, #tpu.memory_space<vmem_shared>>) target(%arg15 : memref<4096xf32, #tpu.memory_space<vmem>>) target_semaphore(%arg17 : memref<!tpu.dma_semaphore, #tpu.memory_space<semaphore_mem>>)
      %mul3A_383 = arith.constant 65536 : i32
      %mul3A_384 = arith.muli %arg1, %mul3A_383 : i32
      %add3A_385 = arith.addi %min3A_230, %mul3A_384 : i32
      %add3A_386 = arith.constant 12288 : i32
      %add3A_387 = arith.addi %add3A_385, %add3A_386 : i32
      %dma_start3A_388 = tpu.memref_slice %arg6[%add3A_387] : memref<10240000xf32, #tpu.memory_space<hbm>> -> memref<4096xf32, #tpu.memory_space<hbm>>
      %dma_start3A_389 = tpu.memref_slice %arg6[%add3A_387] : memref<10240000xf32, #tpu.memory_space<hbm>> -> memref<4096xf32, #tpu.memory_space<hbm>>
      tpu.enqueue_dma source(%arg16 : memref<4096xf32, #tpu.memory_space<vmem>>) target(%dma_start3A_389 : memref<4096xf32, #tpu.memory_space<hbm>>) target_semaphore(%arg19 : memref<!tpu.dma_semaphore, #tpu.memory_space<semaphore_mem>>)
      %dma_wait3A_390 = tpu.memref_slice %arg8[%add3A_380] : memref<1064960xf32, #tpu.memory_space<vmem_shared>> -> memref<4096xf32, #tpu.memory_space<vmem_shared>>
      %dma_wait3A_391 = tpu.memref_slice %arg8[%add3A_380] : memref<1064960xf32, #tpu.memory_space<vmem_shared>> -> memref<4096xf32, #tpu.memory_space<vmem_shared>>
      tpu.wait_dma2 semaphore(%arg17 : memref<!tpu.dma_semaphore, #tpu.memory_space<semaphore_mem>>) src(%dma_wait3A_391 : memref<4096xf32, #tpu.memory_space<vmem_shared>>) dst(%arg15 : memref<4096xf32, #tpu.memory_space<vmem>>)
      %dma_wait3A_392 = tpu.memref_slice %arg6[%add3A_387] : memref<10240000xf32, #tpu.memory_space<hbm>> -> memref<4096xf32, #tpu.memory_space<hbm>>
      %dma_wait3A_393 = tpu.memref_slice %arg6[%add3A_387] : memref<10240000xf32, #tpu.memory_space<hbm>> -> memref<4096xf32, #tpu.memory_space<hbm>>
      tpu.wait_dma2 semaphore(%arg19 : memref<!tpu.dma_semaphore, #tpu.memory_space<semaphore_mem>>) src(%arg16 : memref<4096xf32, #tpu.memory_space<vmem>>) dst(%dma_wait3A_393 : memref<4096xf32, #tpu.memory_space<hbm>>)
      %mul3A_394 = arith.constant 65536 : i32
      %mul3A_395 = arith.muli %arg1, %mul3A_394 : i32
      %add3A_396 = arith.constant 20480 : i32
      %add3A_397 = arith.addi %mul3A_395, %add3A_396 : i32
      %dma_start3A_398 = tpu.memref_slice %arg8[%add3A_397] : memref<1064960xf32, #tpu.memory_space<vmem_shared>> -> memref<4096xf32, #tpu.memory_space<vmem_shared>>
      %dma_start3A_399 = tpu.memref_slice %arg8[%add3A_397] : memref<1064960xf32, #tpu.memory_space<vmem_shared>> -> memref<4096xf32, #tpu.memory_space<vmem_shared>>
      tpu.enqueue_dma source(%dma_start3A_399 : memref<4096xf32, #tpu.memory_space<vmem_shared>>) target(%arg16 : memref<4096xf32, #tpu.memory_space<vmem>>) target_semaphore(%arg17 : memref<!tpu.dma_semaphore, #tpu.memory_space<semaphore_mem>>)
      %mul3A_400 = arith.constant 65536 : i32
      %mul3A_401 = arith.muli %arg1, %mul3A_400 : i32
      %add3A_402 = arith.addi %min3A_230, %mul3A_401 : i32
      %add3A_403 = arith.constant 16384 : i32
      %add3A_404 = arith.addi %add3A_402, %add3A_403 : i32
      %dma_start3A_405 = tpu.memref_slice %arg6[%add3A_404] : memref<10240000xf32, #tpu.memory_space<hbm>> -> memref<4096xf32, #tpu.memory_space<hbm>>
      %dma_start3A_406 = tpu.memref_slice %arg6[%add3A_404] : memref<10240000xf32, #tpu.memory_space<hbm>> -> memref<4096xf32, #tpu.memory_space<hbm>>
      tpu.enqueue_dma source(%arg15 : memref<4096xf32, #tpu.memory_space<vmem>>) target(%dma_start3A_406 : memref<4096xf32, #tpu.memory_space<hbm>>) target_semaphore(%arg19 : memref<!tpu.dma_semaphore, #tpu.memory_space<semaphore_mem>>)
      %dma_wait3A_407 = tpu.memref_slice %arg8[%add3A_397] : memref<1064960xf32, #tpu.memory_space<vmem_shared>> -> memref<4096xf32, #tpu.memory_space<vmem_shared>>
      %dma_wait3A_408 = tpu.memref_slice %arg8[%add3A_397] : memref<1064960xf32, #tpu.memory_space<vmem_shared>> -> memref<4096xf32, #tpu.memory_space<vmem_shared>>
      tpu.wait_dma2 semaphore(%arg17 : memref<!tpu.dma_semaphore, #tpu.memory_space<semaphore_mem>>) src(%dma_wait3A_408 : memref<4096xf32, #tpu.memory_space<vmem_shared>>) dst(%arg16 : memref<4096xf32, #tpu.memory_space<vmem>>)
      %dma_wait3A_409 = tpu.memref_slice %arg6[%add3A_404] : memref<10240000xf32, #tpu.memory_space<hbm>> -> memref<4096xf32, #tpu.memory_space<hbm>>
      %dma_wait3A_410 = tpu.memref_slice %arg6[%add3A_404] : memref<10240000xf32, #tpu.memory_space<hbm>> -> memref<4096xf32, #tpu.memory_space<hbm>>
      tpu.wait_dma2 semaphore(%arg19 : memref<!tpu.dma_semaphore, #tpu.memory_space<semaphore_mem>>) src(%arg15 : memref<4096xf32, #tpu.memory_space<vmem>>) dst(%dma_wait3A_410 : memref<4096xf32, #tpu.memory_space<hbm>>)
      %mul3A_411 = arith.constant 65536 : i32
      %mul3A_412 = arith.muli %arg1, %mul3A_411 : i32
      %add3A_413 = arith.constant 24576 : i32
      %add3A_414 = arith.addi %mul3A_412, %add3A_413 : i32
      %dma_start3A_415 = tpu.memref_slice %arg8[%add3A_414] : memref<1064960xf32, #tpu.memory_space<vmem_shared>> -> memref<4096xf32, #tpu.memory_space<vmem_shared>>
      %dma_start3A_416 = tpu.memref_slice %arg8[%add3A_414] : memref<1064960xf32, #tpu.memory_space<vmem_shared>> -> memref<4096xf32, #tpu.memory_space<vmem_shared>>
      tpu.enqueue_dma source(%dma_start3A_416 : memref<4096xf32, #tpu.memory_space<vmem_shared>>) target(%arg15 : memref<4096xf32, #tpu.memory_space<vmem>>) target_semaphore(%arg17 : memref<!tpu.dma_semaphore, #tpu.memory_space<semaphore_mem>>)
      %mul3A_417 = arith.constant 65536 : i32
      %mul3A_418 = arith.muli %arg1, %mul3A_417 : i32
      %add3A_419 = arith.addi %min3A_230, %mul3A_418 : i32
      %add3A_420 = arith.constant 20480 : i32
      %add3A_421 = arith.addi %add3A_419, %add3A_420 : i32
      %dma_start3A_422 = tpu.memref_slice %arg6[%add3A_421] : memref<10240000xf32, #tpu.memory_space<hbm>> -> memref<4096xf32, #tpu.memory_space<hbm>>
      %dma_start3A_423 = tpu.memref_slice %arg6[%add3A_421] : memref<10240000xf32, #tpu.memory_space<hbm>> -> memref<4096xf32, #tpu.memory_space<hbm>>
      tpu.enqueue_dma source(%arg16 : memref<4096xf32, #tpu.memory_space<vmem>>) target(%dma_start3A_423 : memref<4096xf32, #tpu.memory_space<hbm>>) target_semaphore(%arg19 : memref<!tpu.dma_semaphore, #tpu.memory_space<semaphore_mem>>)
      %dma_wait3A_424 = tpu.memref_slice %arg8[%add3A_414] : memref<1064960xf32, #tpu.memory_space<vmem_shared>> -> memref<4096xf32, #tpu.memory_space<vmem_shared>>
      %dma_wait3A_425 = tpu.memref_slice %arg8[%add3A_414] : memref<1064960xf32, #tpu.memory_space<vmem_shared>> -> memref<4096xf32, #tpu.memory_space<vmem_shared>>
      tpu.wait_dma2 semaphore(%arg17 : memref<!tpu.dma_semaphore, #tpu.memory_space<semaphore_mem>>) src(%dma_wait3A_425 : memref<4096xf32, #tpu.memory_space<vmem_shared>>) dst(%arg15 : memref<4096xf32, #tpu.memory_space<vmem>>)
      %dma_wait3A_426 = tpu.memref_slice %arg6[%add3A_421] : memref<10240000xf32, #tpu.memory_space<hbm>> -> memref<4096xf32, #tpu.memory_space<hbm>>
      %dma_wait3A_427 = tpu.memref_slice %arg6[%add3A_421] : memref<10240000xf32, #tpu.memory_space<hbm>> -> memref<4096xf32, #tpu.memory_space<hbm>>
      tpu.wait_dma2 semaphore(%arg19 : memref<!tpu.dma_semaphore, #tpu.memory_space<semaphore_mem>>) src(%arg16 : memref<4096xf32, #tpu.memory_space<vmem>>) dst(%dma_wait3A_427 : memref<4096xf32, #tpu.memory_space<hbm>>)
      %mul3A_428 = arith.constant 65536 : i32
      %mul3A_429 = arith.muli %arg1, %mul3A_428 : i32
      %add3A_430 = arith.constant 28672 : i32
      %add3A_431 = arith.addi %mul3A_429, %add3A_430 : i32
      %dma_start3A_432 = tpu.memref_slice %arg8[%add3A_431] : memref<1064960xf32, #tpu.memory_space<vmem_shared>> -> memref<4096xf32, #tpu.memory_space<vmem_shared>>
      %dma_start3A_433 = tpu.memref_slice %arg8[%add3A_431] : memref<1064960xf32, #tpu.memory_space<vmem_shared>> -> memref<4096xf32, #tpu.memory_space<vmem_shared>>
      tpu.enqueue_dma source(%dma_start3A_433 : memref<4096xf32, #tpu.memory_space<vmem_shared>>) target(%arg16 : memref<4096xf32, #tpu.memory_space<vmem>>) target_semaphore(%arg17 : memref<!tpu.dma_semaphore, #tpu.memory_space<semaphore_mem>>)
      %mul3A_434 = arith.constant 65536 : i32
      %mul3A_435 = arith.muli %arg1, %mul3A_434 : i32
      %add3A_436 = arith.addi %min3A_230, %mul3A_435 : i32
      %add3A_437 = arith.constant 24576 : i32
      %add3A_438 = arith.addi %add3A_436, %add3A_437 : i32
      %dma_start3A_439 = tpu.memref_slice %arg6[%add3A_438] : memref<10240000xf32, #tpu.memory_space<hbm>> -> memref<4096xf32, #tpu.memory_space<hbm>>
      %dma_start3A_440 = tpu.memref_slice %arg6[%add3A_438] : memref<10240000xf32, #tpu.memory_space<hbm>> -> memref<4096xf32, #tpu.memory_space<hbm>>
      tpu.enqueue_dma source(%arg15 : memref<4096xf32, #tpu.memory_space<vmem>>) target(%dma_start3A_440 : memref<4096xf32, #tpu.memory_space<hbm>>) target_semaphore(%arg19 : memref<!tpu.dma_semaphore, #tpu.memory_space<semaphore_mem>>)
      %dma_wait3A_441 = tpu.memref_slice %arg8[%add3A_431] : memref<1064960xf32, #tpu.memory_space<vmem_shared>> -> memref<4096xf32, #tpu.memory_space<vmem_shared>>
      %dma_wait3A_442 = tpu.memref_slice %arg8[%add3A_431] : memref<1064960xf32, #tpu.memory_space<vmem_shared>> -> memref<4096xf32, #tpu.memory_space<vmem_shared>>
      tpu.wait_dma2 semaphore(%arg17 : memref<!tpu.dma_semaphore, #tpu.memory_space<semaphore_mem>>) src(%dma_wait3A_442 : memref<4096xf32, #tpu.memory_space<vmem_shared>>) dst(%arg16 : memref<4096xf32, #tpu.memory_space<vmem>>)
      %dma_wait3A_443 = tpu.memref_slice %arg6[%add3A_438] : memref<10240000xf32, #tpu.memory_space<hbm>> -> memref<4096xf32, #tpu.memory_space<hbm>>
      %dma_wait3A_444 = tpu.memref_slice %arg6[%add3A_438] : memref<10240000xf32, #tpu.memory_space<hbm>> -> memref<4096xf32, #tpu.memory_space<hbm>>
      tpu.wait_dma2 semaphore(%arg19 : memref<!tpu.dma_semaphore, #tpu.memory_space<semaphore_mem>>) src(%arg15 : memref<4096xf32, #tpu.memory_space<vmem>>) dst(%dma_wait3A_444 : memref<4096xf32, #tpu.memory_space<hbm>>)
      %mul3A_445 = arith.constant 65536 : i32
      %mul3A_446 = arith.muli %arg1, %mul3A_445 : i32
      %add3A_447 = arith.constant 32768 : i32
      %add3A_448 = arith.addi %mul3A_446, %add3A_447 : i32
      %dma_start3A_449 = tpu.memref_slice %arg8[%add3A_448] : memref<1064960xf32, #tpu.memory_space<vmem_shared>> -> memref<4096xf32, #tpu.memory_space<vmem_shared>>
      %dma_start3A_450 = tpu.memref_slice %arg8[%add3A_448] : memref<1064960xf32, #tpu.memory_space<vmem_shared>> -> memref<4096xf32, #tpu.memory_space<vmem_shared>>
      tpu.enqueue_dma source(%dma_start3A_450 : memref<4096xf32, #tpu.memory_space<vmem_shared>>) target(%arg15 : memref<4096xf32, #tpu.memory_space<vmem>>) target_semaphore(%arg17 : memref<!tpu.dma_semaphore, #tpu.memory_space<semaphore_mem>>)
      %mul3A_451 = arith.constant 65536 : i32
      %mul3A_452 = arith.muli %arg1, %mul3A_451 : i32
      %add3A_453 = arith.addi %min3A_230, %mul3A_452 : i32
      %add3A_454 = arith.constant 28672 : i32
      %add3A_455 = arith.addi %add3A_453, %add3A_454 : i32
      %dma_start3A_456 = tpu.memref_slice %arg6[%add3A_455] : memref<10240000xf32, #tpu.memory_space<hbm>> -> memref<4096xf32, #tpu.memory_space<hbm>>
      %dma_start3A_457 = tpu.memref_slice %arg6[%add3A_455] : memref<10240000xf32, #tpu.memory_space<hbm>> -> memref<4096xf32, #tpu.memory_space<hbm>>
      tpu.enqueue_dma source(%arg16 : memref<4096xf32, #tpu.memory_space<vmem>>) target(%dma_start3A_457 : memref<4096xf32, #tpu.memory_space<hbm>>) target_semaphore(%arg19 : memref<!tpu.dma_semaphore, #tpu.memory_space<semaphore_mem>>)
      %dma_wait3A_458 = tpu.memref_slice %arg8[%add3A_448] : memref<1064960xf32, #tpu.memory_space<vmem_shared>> -> memref<4096xf32, #tpu.memory_space<vmem_shared>>
      %dma_wait3A_459 = tpu.memref_slice %arg8[%add3A_448] : memref<1064960xf32, #tpu.memory_space<vmem_shared>> -> memref<4096xf32, #tpu.memory_space<vmem_shared>>
      tpu.wait_dma2 semaphore(%arg17 : memref<!tpu.dma_semaphore, #tpu.memory_space<semaphore_mem>>) src(%dma_wait3A_459 : memref<4096xf32, #tpu.memory_space<vmem_shared>>) dst(%arg15 : memref<4096xf32, #tpu.memory_space<vmem>>)
      %dma_wait3A_460 = tpu.memref_slice %arg6[%add3A_455] : memref<10240000xf32, #tpu.memory_space<hbm>> -> memref<4096xf32, #tpu.memory_space<hbm>>
      %dma_wait3A_461 = tpu.memref_slice %arg6[%add3A_455] : memref<10240000xf32, #tpu.memory_space<hbm>> -> memref<4096xf32, #tpu.memory_space<hbm>>
      tpu.wait_dma2 semaphore(%arg19 : memref<!tpu.dma_semaphore, #tpu.memory_space<semaphore_mem>>) src(%arg16 : memref<4096xf32, #tpu.memory_space<vmem>>) dst(%dma_wait3A_461 : memref<4096xf32, #tpu.memory_space<hbm>>)
      %mul3A_462 = arith.constant 65536 : i32
      %mul3A_463 = arith.muli %arg1, %mul3A_462 : i32
      %add3A_464 = arith.constant 36864 : i32
      %add3A_465 = arith.addi %mul3A_463, %add3A_464 : i32
      %dma_start3A_466 = tpu.memref_slice %arg8[%add3A_465] : memref<1064960xf32, #tpu.memory_space<vmem_shared>> -> memref<4096xf32, #tpu.memory_space<vmem_shared>>
      %dma_start3A_467 = tpu.memref_slice %arg8[%add3A_465] : memref<1064960xf32, #tpu.memory_space<vmem_shared>> -> memref<4096xf32, #tpu.memory_space<vmem_shared>>
      tpu.enqueue_dma source(%dma_start3A_467 : memref<4096xf32, #tpu.memory_space<vmem_shared>>) target(%arg16 : memref<4096xf32, #tpu.memory_space<vmem>>) target_semaphore(%arg17 : memref<!tpu.dma_semaphore, #tpu.memory_space<semaphore_mem>>)
      %mul3A_468 = arith.constant 65536 : i32
      %mul3A_469 = arith.muli %arg1, %mul3A_468 : i32
      %add3A_470 = arith.addi %min3A_230, %mul3A_469 : i32
      %add3A_471 = arith.constant 32768 : i32
      %add3A_472 = arith.addi %add3A_470, %add3A_471 : i32
      %dma_start3A_473 = tpu.memref_slice %arg6[%add3A_472] : memref<10240000xf32, #tpu.memory_space<hbm>> -> memref<4096xf32, #tpu.memory_space<hbm>>
      %dma_start3A_474 = tpu.memref_slice %arg6[%add3A_472] : memref<10240000xf32, #tpu.memory_space<hbm>> -> memref<4096xf32, #tpu.memory_space<hbm>>
      tpu.enqueue_dma source(%arg15 : memref<4096xf32, #tpu.memory_space<vmem>>) target(%dma_start3A_474 : memref<4096xf32, #tpu.memory_space<hbm>>) target_semaphore(%arg19 : memref<!tpu.dma_semaphore, #tpu.memory_space<semaphore_mem>>)
      %dma_wait3A_475 = tpu.memref_slice %arg8[%add3A_465] : memref<1064960xf32, #tpu.memory_space<vmem_shared>> -> memref<4096xf32, #tpu.memory_space<vmem_shared>>
      %dma_wait3A_476 = tpu.memref_slice %arg8[%add3A_465] : memref<1064960xf32, #tpu.memory_space<vmem_shared>> -> memref<4096xf32, #tpu.memory_space<vmem_shared>>
      tpu.wait_dma2 semaphore(%arg17 : memref<!tpu.dma_semaphore, #tpu.memory_space<semaphore_mem>>) src(%dma_wait3A_476 : memref<4096xf32, #tpu.memory_space<vmem_shared>>) dst(%arg16 : memref<4096xf32, #tpu.memory_space<vmem>>)
      %dma_wait3A_477 = tpu.memref_slice %arg6[%add3A_472] : memref<10240000xf32, #tpu.memory_space<hbm>> -> memref<4096xf32, #tpu.memory_space<hbm>>
      %dma_wait3A_478 = tpu.memref_slice %arg6[%add3A_472] : memref<10240000xf32, #tpu.memory_space<hbm>> -> memref<4096xf32, #tpu.memory_space<hbm>>
      tpu.wait_dma2 semaphore(%arg19 : memref<!tpu.dma_semaphore, #tpu.memory_space<semaphore_mem>>) src(%arg15 : memref<4096xf32, #tpu.memory_space<vmem>>) dst(%dma_wait3A_478 : memref<4096xf32, #tpu.memory_space<hbm>>)
      %mul3A_479 = arith.constant 65536 : i32
      %mul3A_480 = arith.muli %arg1, %mul3A_479 : i32
      %add3A_481 = arith.constant 40960 : i32
      %add3A_482 = arith.addi %mul3A_480, %add3A_481 : i32
      %dma_start3A_483 = tpu.memref_slice %arg8[%add3A_482] : memref<1064960xf32, #tpu.memory_space<vmem_shared>> -> memref<4096xf32, #tpu.memory_space<vmem_shared>>
      %dma_start3A_484 = tpu.memref_slice %arg8[%add3A_482] : memref<1064960xf32, #tpu.memory_space<vmem_shared>> -> memref<4096xf32, #tpu.memory_space<vmem_shared>>
      tpu.enqueue_dma source(%dma_start3A_484 : memref<4096xf32, #tpu.memory_space<vmem_shared>>) target(%arg15 : memref<4096xf32, #tpu.memory_space<vmem>>) target_semaphore(%arg17 : memref<!tpu.dma_semaphore, #tpu.memory_space<semaphore_mem>>)
      %mul3A_485 = arith.constant 65536 : i32
      %mul3A_486 = arith.muli %arg1, %mul3A_485 : i32
      %add3A_487 = arith.addi %min3A_230, %mul3A_486 : i32
      %add3A_488 = arith.constant 36864 : i32
      %add3A_489 = arith.addi %add3A_487, %add3A_488 : i32
      %dma_start3A_490 = tpu.memref_slice %arg6[%add3A_489] : memref<10240000xf32, #tpu.memory_space<hbm>> -> memref<4096xf32, #tpu.memory_space<hbm>>
      %dma_start3A_491 = tpu.memref_slice %arg6[%add3A_489] : memref<10240000xf32, #tpu.memory_space<hbm>> -> memref<4096xf32, #tpu.memory_space<hbm>>
      tpu.enqueue_dma source(%arg16 : memref<4096xf32, #tpu.memory_space<vmem>>) target(%dma_start3A_491 : memref<4096xf32, #tpu.memory_space<hbm>>) target_semaphore(%arg19 : memref<!tpu.dma_semaphore, #tpu.memory_space<semaphore_mem>>)
      %dma_wait3A_492 = tpu.memref_slice %arg8[%add3A_482] : memref<1064960xf32, #tpu.memory_space<vmem_shared>> -> memref<4096xf32, #tpu.memory_space<vmem_shared>>
      %dma_wait3A_493 = tpu.memref_slice %arg8[%add3A_482] : memref<1064960xf32, #tpu.memory_space<vmem_shared>> -> memref<4096xf32, #tpu.memory_space<vmem_shared>>
      tpu.wait_dma2 semaphore(%arg17 : memref<!tpu.dma_semaphore, #tpu.memory_space<semaphore_mem>>) src(%dma_wait3A_493 : memref<4096xf32, #tpu.memory_space<vmem_shared>>) dst(%arg15 : memref<4096xf32, #tpu.memory_space<vmem>>)
      %dma_wait3A_494 = tpu.memref_slice %arg6[%add3A_489] : memref<10240000xf32, #tpu.memory_space<hbm>> -> memref<4096xf32, #tpu.memory_space<hbm>>
      %dma_wait3A_495 = tpu.memref_slice %arg6[%add3A_489] : memref<10240000xf32, #tpu.memory_space<hbm>> -> memref<4096xf32, #tpu.memory_space<hbm>>
      tpu.wait_dma2 semaphore(%arg19 : memref<!tpu.dma_semaphore, #tpu.memory_space<semaphore_mem>>) src(%arg16 : memref<4096xf32, #tpu.memory_space<vmem>>) dst(%dma_wait3A_495 : memref<4096xf32, #tpu.memory_space<hbm>>)
      %mul3A_496 = arith.constant 65536 : i32
      %mul3A_497 = arith.muli %arg1, %mul3A_496 : i32
      %add3A_498 = arith.constant 45056 : i32
      %add3A_499 = arith.addi %mul3A_497, %add3A_498 : i32
      %dma_start3A_500 = tpu.memref_slice %arg8[%add3A_499] : memref<1064960xf32, #tpu.memory_space<vmem_shared>> -> memref<4096xf32, #tpu.memory_space<vmem_shared>>
      %dma_start3A_501 = tpu.memref_slice %arg8[%add3A_499] : memref<1064960xf32, #tpu.memory_space<vmem_shared>> -> memref<4096xf32, #tpu.memory_space<vmem_shared>>
      tpu.enqueue_dma source(%dma_start3A_501 : memref<4096xf32, #tpu.memory_space<vmem_shared>>) target(%arg16 : memref<4096xf32, #tpu.memory_space<vmem>>) target_semaphore(%arg17 : memref<!tpu.dma_semaphore, #tpu.memory_space<semaphore_mem>>)
      %mul3A_502 = arith.constant 65536 : i32
      %mul3A_503 = arith.muli %arg1, %mul3A_502 : i32
      %add3A_504 = arith.addi %min3A_230, %mul3A_503 : i32
      %add3A_505 = arith.constant 40960 : i32
      %add3A_506 = arith.addi %add3A_504, %add3A_505 : i32
      %dma_start3A_507 = tpu.memref_slice %arg6[%add3A_506] : memref<10240000xf32, #tpu.memory_space<hbm>> -> memref<4096xf32, #tpu.memory_space<hbm>>
      %dma_start3A_508 = tpu.memref_slice %arg6[%add3A_506] : memref<10240000xf32, #tpu.memory_space<hbm>> -> memref<4096xf32, #tpu.memory_space<hbm>>
      tpu.enqueue_dma source(%arg15 : memref<4096xf32, #tpu.memory_space<vmem>>) target(%dma_start3A_508 : memref<4096xf32, #tpu.memory_space<hbm>>) target_semaphore(%arg19 : memref<!tpu.dma_semaphore, #tpu.memory_space<semaphore_mem>>)
      %dma_wait3A_509 = tpu.memref_slice %arg8[%add3A_499] : memref<1064960xf32, #tpu.memory_space<vmem_shared>> -> memref<4096xf32, #tpu.memory_space<vmem_shared>>
      %dma_wait3A_510 = tpu.memref_slice %arg8[%add3A_499] : memref<1064960xf32, #tpu.memory_space<vmem_shared>> -> memref<4096xf32, #tpu.memory_space<vmem_shared>>
      tpu.wait_dma2 semaphore(%arg17 : memref<!tpu.dma_semaphore, #tpu.memory_space<semaphore_mem>>) src(%dma_wait3A_510 : memref<4096xf32, #tpu.memory_space<vmem_shared>>) dst(%arg16 : memref<4096xf32, #tpu.memory_space<vmem>>)
      %dma_wait3A_511 = tpu.memref_slice %arg6[%add3A_506] : memref<10240000xf32, #tpu.memory_space<hbm>> -> memref<4096xf32, #tpu.memory_space<hbm>>
      %dma_wait3A_512 = tpu.memref_slice %arg6[%add3A_506] : memref<10240000xf32, #tpu.memory_space<hbm>> -> memref<4096xf32, #tpu.memory_space<hbm>>
      tpu.wait_dma2 semaphore(%arg19 : memref<!tpu.dma_semaphore, #tpu.memory_space<semaphore_mem>>) src(%arg15 : memref<4096xf32, #tpu.memory_space<vmem>>) dst(%dma_wait3A_512 : memref<4096xf32, #tpu.memory_space<hbm>>)
      %mul3A_513 = arith.constant 65536 : i32
      %mul3A_514 = arith.muli %arg1, %mul3A_513 : i32
      %add3A_515 = arith.constant 49152 : i32
      %add3A_516 = arith.addi %mul3A_514, %add3A_515 : i32
      %dma_start3A_517 = tpu.memref_slice %arg8[%add3A_516] : memref<1064960xf32, #tpu.memory_space<vmem_shared>> -> memref<4096xf32, #tpu.memory_space<vmem_shared>>
      %dma_start3A_518 = tpu.memref_slice %arg8[%add3A_516] : memref<1064960xf32, #tpu.memory_space<vmem_shared>> -> memref<4096xf32, #tpu.memory_space<vmem_shared>>
      tpu.enqueue_dma source(%dma_start3A_518 : memref<4096xf32, #tpu.memory_space<vmem_shared>>) target(%arg15 : memref<4096xf32, #tpu.memory_space<vmem>>) target_semaphore(%arg17 : memref<!tpu.dma_semaphore, #tpu.memory_space<semaphore_mem>>)
      %mul3A_519 = arith.constant 65536 : i32
      %mul3A_520 = arith.muli %arg1, %mul3A_519 : i32
      %add3A_521 = arith.addi %min3A_230, %mul3A_520 : i32
      %add3A_522 = arith.constant 45056 : i32
      %add3A_523 = arith.addi %add3A_521, %add3A_522 : i32
      %dma_start3A_524 = tpu.memref_slice %arg6[%add3A_523] : memref<10240000xf32, #tpu.memory_space<hbm>> -> memref<4096xf32, #tpu.memory_space<hbm>>
      %dma_start3A_525 = tpu.memref_slice %arg6[%add3A_523] : memref<10240000xf32, #tpu.memory_space<hbm>> -> memref<4096xf32, #tpu.memory_space<hbm>>
      tpu.enqueue_dma source(%arg16 : memref<4096xf32, #tpu.memory_space<vmem>>) target(%dma_start3A_525 : memref<4096xf32, #tpu.memory_space<hbm>>) target_semaphore(%arg19 : memref<!tpu.dma_semaphore, #tpu.memory_space<semaphore_mem>>)
      %dma_wait3A_526 = tpu.memref_slice %arg8[%add3A_516] : memref<1064960xf32, #tpu.memory_space<vmem_shared>> -> memref<4096xf32, #tpu.memory_space<vmem_shared>>
      %dma_wait3A_527 = tpu.memref_slice %arg8[%add3A_516] : memref<1064960xf32, #tpu.memory_space<vmem_shared>> -> memref<4096xf32, #tpu.memory_space<vmem_shared>>
      tpu.wait_dma2 semaphore(%arg17 : memref<!tpu.dma_semaphore, #tpu.memory_space<semaphore_mem>>) src(%dma_wait3A_527 : memref<4096xf32, #tpu.memory_space<vmem_shared>>) dst(%arg15 : memref<4096xf32, #tpu.memory_space<vmem>>)
      %dma_wait3A_528 = tpu.memref_slice %arg6[%add3A_523] : memref<10240000xf32, #tpu.memory_space<hbm>> -> memref<4096xf32, #tpu.memory_space<hbm>>
      %dma_wait3A_529 = tpu.memref_slice %arg6[%add3A_523] : memref<10240000xf32, #tpu.memory_space<hbm>> -> memref<4096xf32, #tpu.memory_space<hbm>>
      tpu.wait_dma2 semaphore(%arg19 : memref<!tpu.dma_semaphore, #tpu.memory_space<semaphore_mem>>) src(%arg16 : memref<4096xf32, #tpu.memory_space<vmem>>) dst(%dma_wait3A_529 : memref<4096xf32, #tpu.memory_space<hbm>>)
      %mul3A_530 = arith.constant 65536 : i32
      %mul3A_531 = arith.muli %arg1, %mul3A_530 : i32
      %add3A_532 = arith.constant 53248 : i32
      %add3A_533 = arith.addi %mul3A_531, %add3A_532 : i32
      %dma_start3A_534 = tpu.memref_slice %arg8[%add3A_533] : memref<1064960xf32, #tpu.memory_space<vmem_shared>> -> memref<4096xf32, #tpu.memory_space<vmem_shared>>
      %dma_start3A_535 = tpu.memref_slice %arg8[%add3A_533] : memref<1064960xf32, #tpu.memory_space<vmem_shared>> -> memref<4096xf32, #tpu.memory_space<vmem_shared>>
      tpu.enqueue_dma source(%dma_start3A_535 : memref<4096xf32, #tpu.memory_space<vmem_shared>>) target(%arg16 : memref<4096xf32, #tpu.memory_space<vmem>>) target_semaphore(%arg17 : memref<!tpu.dma_semaphore, #tpu.memory_space<semaphore_mem>>)
      %mul3A_536 = arith.constant 65536 : i32
      %mul3A_537 = arith.muli %arg1, %mul3A_536 : i32
      %add3A_538 = arith.addi %min3A_230, %mul3A_537 : i32
      %add3A_539 = arith.constant 49152 : i32
      %add3A_540 = arith.addi %add3A_538, %add3A_539 : i32
      %dma_start3A_541 = tpu.memref_slice %arg6[%add3A_540] : memref<10240000xf32, #tpu.memory_space<hbm>> -> memref<4096xf32, #tpu.memory_space<hbm>>
      %dma_start3A_542 = tpu.memref_slice %arg6[%add3A_540] : memref<10240000xf32, #tpu.memory_space<hbm>> -> memref<4096xf32, #tpu.memory_space<hbm>>
      tpu.enqueue_dma source(%arg15 : memref<4096xf32, #tpu.memory_space<vmem>>) target(%dma_start3A_542 : memref<4096xf32, #tpu.memory_space<hbm>>) target_semaphore(%arg19 : memref<!tpu.dma_semaphore, #tpu.memory_space<semaphore_mem>>)
      %dma_wait3A_543 = tpu.memref_slice %arg8[%add3A_533] : memref<1064960xf32, #tpu.memory_space<vmem_shared>> -> memref<4096xf32, #tpu.memory_space<vmem_shared>>
      %dma_wait3A_544 = tpu.memref_slice %arg8[%add3A_533] : memref<1064960xf32, #tpu.memory_space<vmem_shared>> -> memref<4096xf32, #tpu.memory_space<vmem_shared>>
      tpu.wait_dma2 semaphore(%arg17 : memref<!tpu.dma_semaphore, #tpu.memory_space<semaphore_mem>>) src(%dma_wait3A_544 : memref<4096xf32, #tpu.memory_space<vmem_shared>>) dst(%arg16 : memref<4096xf32, #tpu.memory_space<vmem>>)
      %dma_wait3A_545 = tpu.memref_slice %arg6[%add3A_540] : memref<10240000xf32, #tpu.memory_space<hbm>> -> memref<4096xf32, #tpu.memory_space<hbm>>
      %dma_wait3A_546 = tpu.memref_slice %arg6[%add3A_540] : memref<10240000xf32, #tpu.memory_space<hbm>> -> memref<4096xf32, #tpu.memory_space<hbm>>
      tpu.wait_dma2 semaphore(%arg19 : memref<!tpu.dma_semaphore, #tpu.memory_space<semaphore_mem>>) src(%arg15 : memref<4096xf32, #tpu.memory_space<vmem>>) dst(%dma_wait3A_546 : memref<4096xf32, #tpu.memory_space<hbm>>)
      %mul3A_547 = arith.constant 65536 : i32
      %mul3A_548 = arith.muli %arg1, %mul3A_547 : i32
      %add3A_549 = arith.constant 57344 : i32
      %add3A_550 = arith.addi %mul3A_548, %add3A_549 : i32
      %dma_start3A_551 = tpu.memref_slice %arg8[%add3A_550] : memref<1064960xf32, #tpu.memory_space<vmem_shared>> -> memref<4096xf32, #tpu.memory_space<vmem_shared>>
      %dma_start3A_552 = tpu.memref_slice %arg8[%add3A_550] : memref<1064960xf32, #tpu.memory_space<vmem_shared>> -> memref<4096xf32, #tpu.memory_space<vmem_shared>>
      tpu.enqueue_dma source(%dma_start3A_552 : memref<4096xf32, #tpu.memory_space<vmem_shared>>) target(%arg15 : memref<4096xf32, #tpu.memory_space<vmem>>) target_semaphore(%arg17 : memref<!tpu.dma_semaphore, #tpu.memory_space<semaphore_mem>>)
      %mul3A_553 = arith.constant 65536 : i32
      %mul3A_554 = arith.muli %arg1, %mul3A_553 : i32
      %add3A_555 = arith.addi %min3A_230, %mul3A_554 : i32
      %add3A_556 = arith.constant 53248 : i32
      %add3A_557 = arith.addi %add3A_555, %add3A_556 : i32
      %dma_start3A_558 = tpu.memref_slice %arg6[%add3A_557] : memref<10240000xf32, #tpu.memory_space<hbm>> -> memref<4096xf32, #tpu.memory_space<hbm>>
      %dma_start3A_559 = tpu.memref_slice %arg6[%add3A_557] : memref<10240000xf32, #tpu.memory_space<hbm>> -> memref<4096xf32, #tpu.memory_space<hbm>>
      tpu.enqueue_dma source(%arg16 : memref<4096xf32, #tpu.memory_space<vmem>>) target(%dma_start3A_559 : memref<4096xf32, #tpu.memory_space<hbm>>) target_semaphore(%arg19 : memref<!tpu.dma_semaphore, #tpu.memory_space<semaphore_mem>>)
      %dma_wait3A_560 = tpu.memref_slice %arg8[%add3A_550] : memref<1064960xf32, #tpu.memory_space<vmem_shared>> -> memref<4096xf32, #tpu.memory_space<vmem_shared>>
      %dma_wait3A_561 = tpu.memref_slice %arg8[%add3A_550] : memref<1064960xf32, #tpu.memory_space<vmem_shared>> -> memref<4096xf32, #tpu.memory_space<vmem_shared>>
      tpu.wait_dma2 semaphore(%arg17 : memref<!tpu.dma_semaphore, #tpu.memory_space<semaphore_mem>>) src(%dma_wait3A_561 : memref<4096xf32, #tpu.memory_space<vmem_shared>>) dst(%arg15 : memref<4096xf32, #tpu.memory_space<vmem>>)
      %dma_wait3A_562 = tpu.memref_slice %arg6[%add3A_557] : memref<10240000xf32, #tpu.memory_space<hbm>> -> memref<4096xf32, #tpu.memory_space<hbm>>
      %dma_wait3A_563 = tpu.memref_slice %arg6[%add3A_557] : memref<10240000xf32, #tpu.memory_space<hbm>> -> memref<4096xf32, #tpu.memory_space<hbm>>
      tpu.wait_dma2 semaphore(%arg19 : memref<!tpu.dma_semaphore, #tpu.memory_space<semaphore_mem>>) src(%arg16 : memref<4096xf32, #tpu.memory_space<vmem>>) dst(%dma_wait3A_563 : memref<4096xf32, #tpu.memory_space<hbm>>)
      %mul3A_564 = arith.constant 65536 : i32
      %mul3A_565 = arith.muli %arg1, %mul3A_564 : i32
      %add3A_566 = arith.constant 61440 : i32
      %add3A_567 = arith.addi %mul3A_565, %add3A_566 : i32
      %dma_start3A_568 = tpu.memref_slice %arg8[%add3A_567] : memref<1064960xf32, #tpu.memory_space<vmem_shared>> -> memref<4096xf32, #tpu.memory_space<vmem_shared>>
      %dma_start3A_569 = tpu.memref_slice %arg8[%add3A_567] : memref<1064960xf32, #tpu.memory_space<vmem_shared>> -> memref<4096xf32, #tpu.memory_space<vmem_shared>>
      tpu.enqueue_dma source(%dma_start3A_569 : memref<4096xf32, #tpu.memory_space<vmem_shared>>) target(%arg16 : memref<4096xf32, #tpu.memory_space<vmem>>) target_semaphore(%arg17 : memref<!tpu.dma_semaphore, #tpu.memory_space<semaphore_mem>>)
      %mul3A_570 = arith.constant 65536 : i32
      %mul3A_571 = arith.muli %arg1, %mul3A_570 : i32
      %add3A_572 = arith.addi %min3A_230, %mul3A_571 : i32
      %add3A_573 = arith.constant 57344 : i32
      %add3A_574 = arith.addi %add3A_572, %add3A_573 : i32
      %dma_start3A_575 = tpu.memref_slice %arg6[%add3A_574] : memref<10240000xf32, #tpu.memory_space<hbm>> -> memref<4096xf32, #tpu.memory_space<hbm>>
      %dma_start3A_576 = tpu.memref_slice %arg6[%add3A_574] : memref<10240000xf32, #tpu.memory_space<hbm>> -> memref<4096xf32, #tpu.memory_space<hbm>>
      tpu.enqueue_dma source(%arg15 : memref<4096xf32, #tpu.memory_space<vmem>>) target(%dma_start3A_576 : memref<4096xf32, #tpu.memory_space<hbm>>) target_semaphore(%arg19 : memref<!tpu.dma_semaphore, #tpu.memory_space<semaphore_mem>>)
      %dma_wait3A_577 = tpu.memref_slice %arg8[%add3A_567] : memref<1064960xf32, #tpu.memory_space<vmem_shared>> -> memref<4096xf32, #tpu.memory_space<vmem_shared>>
      %dma_wait3A_578 = tpu.memref_slice %arg8[%add3A_567] : memref<1064960xf32, #tpu.memory_space<vmem_shared>> -> memref<4096xf32, #tpu.memory_space<vmem_shared>>
      tpu.wait_dma2 semaphore(%arg17 : memref<!tpu.dma_semaphore, #tpu.memory_space<semaphore_mem>>) src(%dma_wait3A_578 : memref<4096xf32, #tpu.memory_space<vmem_shared>>) dst(%arg16 : memref<4096xf32, #tpu.memory_space<vmem>>)
      %mul3A_579 = arith.constant 65536 : i32
      %mul3A_580 = arith.muli %arg1, %mul3A_579 : i32
      %add3A_581 = arith.addi %min3A_230, %mul3A_580 : i32
      %add3A_582 = arith.constant 61440 : i32
      %add3A_583 = arith.addi %add3A_581, %add3A_582 : i32
      %dma_start3A_584 = tpu.memref_slice %arg6[%add3A_583] : memref<10240000xf32, #tpu.memory_space<hbm>> -> memref<4096xf32, #tpu.memory_space<hbm>>
      %dma_start3A_585 = tpu.memref_slice %arg6[%add3A_583] : memref<10240000xf32, #tpu.memory_space<hbm>> -> memref<4096xf32, #tpu.memory_space<hbm>>
      tpu.enqueue_dma source(%arg16 : memref<4096xf32, #tpu.memory_space<vmem>>) target(%dma_start3A_585 : memref<4096xf32, #tpu.memory_space<hbm>>) target_semaphore(%arg19 : memref<!tpu.dma_semaphore, #tpu.memory_space<semaphore_mem>>)
      %dma_wait3A_586 = tpu.memref_slice %arg6[%add3A_574] : memref<10240000xf32, #tpu.memory_space<hbm>> -> memref<4096xf32, #tpu.memory_space<hbm>>
      %dma_wait3A_587 = tpu.memref_slice %arg6[%add3A_574] : memref<10240000xf32, #tpu.memory_space<hbm>> -> memref<4096xf32, #tpu.memory_space<hbm>>
      tpu.wait_dma2 semaphore(%arg19 : memref<!tpu.dma_semaphore, #tpu.memory_space<semaphore_mem>>) src(%arg15 : memref<4096xf32, #tpu.memory_space<vmem>>) dst(%dma_wait3A_587 : memref<4096xf32, #tpu.memory_space<hbm>>)
      %dma_wait3A_588 = tpu.memref_slice %arg6[%add3A_583] : memref<10240000xf32, #tpu.memory_space<hbm>> -> memref<4096xf32, #tpu.memory_space<hbm>>
      %dma_wait3A_589 = tpu.memref_slice %arg6[%add3A_583] : memref<10240000xf32, #tpu.memory_space<hbm>> -> memref<4096xf32, #tpu.memory_space<hbm>>
      tpu.wait_dma2 semaphore(%arg19 : memref<!tpu.dma_semaphore, #tpu.memory_space<semaphore_mem>>) src(%arg16 : memref<4096xf32, #tpu.memory_space<vmem>>) dst(%dma_wait3A_589 : memref<4096xf32, #tpu.memory_space<hbm>>)
      %barrier3A_590 = arith.constant 0 : index
      tpu.barrier barrier_id(%barrier3A_590)
      %scan3A_591 = arith.constant 0 : i32
      %scan3A_592 = arith.constant 37 : i32
      %scan3A_593 = arith.constant 37 : i32
      %scan3A_594 = arith.addi %scan3A_592, %scan3A_593 : i32
      %scan3A_595 = arith.constant 1 : i32
      scf.for %scan3A_1003 = %scan3A_592 to %scan3A_594 step %scan3A_595  : i32 {
        %dma_start3A_1004 = arith.constant 0 : i32
        %dma_start3A_1005 = tpu.memref_slice %arg12[%scan3A_1003, %dma_start3A_1004] : memref<80x128xi32, #tpu.memory_space<vmem>> -> memref<1x128xi32, #tpu.memory_space<vmem>>
        %dma_start3A_1006 = tpu.memref_squeeze %dma_start3A_1005 : memref<1x128xi32, #tpu.memory_space<vmem>> -> memref<128xi32, #tpu.memory_space<vmem>>
        %dma_start3A_1007 = arith.constant 0 : i32
        %dma_start3A_1008 = tpu.memref_slice %arg8[%dma_start3A_1007] : memref<1064960xf32, #tpu.memory_space<vmem_shared>> -> memref<1064960xf32, #tpu.memory_space<vmem_shared>>
        tpu.enqueue_indirect_dma source(%arg13 : memref<128xf32, #tpu.memory_space<vmem>>) target(%dma_start3A_1008 : memref<1064960xf32, #tpu.memory_space<vmem_shared>>) offsets(%dma_start3A_1006 : memref<128xi32, #tpu.memory_space<vmem>>) semaphore(%arg18 : memref<!tpu.dma_semaphore, #tpu.memory_space<semaphore_mem>>) {add = true}
      }
      %scan3A_596 = arith.constant 37 : i32
      %scan3A_597 = arith.constant 0 : i32
      %scan3A_598 = arith.constant 37 : i32
      %scan3A_599 = arith.constant 37 : i32
      %scan3A_600 = arith.addi %scan3A_598, %scan3A_599 : i32
      %scan3A_601 = arith.constant 1 : i32
      scf.for %scan3A_1003 = %scan3A_598 to %scan3A_600 step %scan3A_601  : i32 {
        %dma_wait3A_1004 = arith.constant 0 : i32
        %dma_wait3A_1005 = arith.constant 0 : i32
        %dma_wait3A_1006 = tpu.memref_slice %arg12[%dma_wait3A_1004, %dma_wait3A_1005] : memref<80x128xi32, #tpu.memory_space<vmem>> -> memref<1x128xi32, #tpu.memory_space<vmem>>
        %dma_wait3A_1007 = tpu.memref_squeeze %dma_wait3A_1006 : memref<1x128xi32, #tpu.memory_space<vmem>> -> memref<128xi32, #tpu.memory_space<vmem>>
        %dma_wait3A_1008 = arith.constant 0 : i32
        %dma_wait3A_1009 = tpu.memref_slice %arg8[%dma_wait3A_1008] : memref<1064960xf32, #tpu.memory_space<vmem_shared>> -> memref<1064960xf32, #tpu.memory_space<vmem_shared>>
        tpu.wait_indirect_dma semaphore(%arg18 : memref<!tpu.dma_semaphore, #tpu.memory_space<semaphore_mem>>) src(%arg13 : memref<128xf32, #tpu.memory_space<vmem>>) dst(%dma_wait3A_1009 : memref<1064960xf32, #tpu.memory_space<vmem_shared>>)
      }
      %scan3A_602 = arith.constant 37 : i32
      %barrier3A_603 = arith.constant 0 : index
      tpu.barrier barrier_id(%barrier3A_603)
      %mul3A_604 = arith.constant 65536 : i32
      %mul3A_605 = arith.muli %arg1, %mul3A_604 : i32
      %dma_start3A_606 = tpu.memref_slice %arg8[%mul3A_605] : memref<1064960xf32, #tpu.memory_space<vmem_shared>> -> memref<4096xf32, #tpu.memory_space<vmem_shared>>
      %dma_start3A_607 = tpu.memref_slice %arg8[%mul3A_605] : memref<1064960xf32, #tpu.memory_space<vmem_shared>> -> memref<4096xf32, #tpu.memory_space<vmem_shared>>
      tpu.enqueue_dma source(%dma_start3A_607 : memref<4096xf32, #tpu.memory_space<vmem_shared>>) target(%arg15 : memref<4096xf32, #tpu.memory_space<vmem>>) target_semaphore(%arg17 : memref<!tpu.dma_semaphore, #tpu.memory_space<semaphore_mem>>)
      %dma_wait3A_608 = tpu.memref_slice %arg8[%mul3A_605] : memref<1064960xf32, #tpu.memory_space<vmem_shared>> -> memref<4096xf32, #tpu.memory_space<vmem_shared>>
      %dma_wait3A_609 = tpu.memref_slice %arg8[%mul3A_605] : memref<1064960xf32, #tpu.memory_space<vmem_shared>> -> memref<4096xf32, #tpu.memory_space<vmem_shared>>
      tpu.wait_dma2 semaphore(%arg17 : memref<!tpu.dma_semaphore, #tpu.memory_space<semaphore_mem>>) src(%dma_wait3A_609 : memref<4096xf32, #tpu.memory_space<vmem_shared>>) dst(%arg15 : memref<4096xf32, #tpu.memory_space<vmem>>)
      %mul3A_610 = arith.constant 65536 : i32
      %mul3A_611 = arith.muli %arg1, %mul3A_610 : i32
      %add3A_612 = arith.constant 0 : i32
      %add3A_613 = arith.addi %mul3A_611, %add3A_612 : i32
      %dma_start3A_614 = tpu.memref_slice %arg8[%add3A_613] : memref<1064960xf32, #tpu.memory_space<vmem_shared>> -> memref<4096xf32, #tpu.memory_space<vmem_shared>>
      %dma_start3A_615 = tpu.memref_slice %arg8[%add3A_613] : memref<1064960xf32, #tpu.memory_space<vmem_shared>> -> memref<4096xf32, #tpu.memory_space<vmem_shared>>
      tpu.enqueue_dma source(%arg14 : memref<4096xf32, #tpu.memory_space<vmem>>) target(%dma_start3A_615 : memref<4096xf32, #tpu.memory_space<vmem_shared>>) target_semaphore(%arg20 : memref<!tpu.dma_semaphore, #tpu.memory_space<semaphore_mem>>)
      %mul3A_616 = arith.constant 65536 : i32
      %mul3A_617 = arith.muli %arg1, %mul3A_616 : i32
      %add3A_618 = arith.constant 4096 : i32
      %add3A_619 = arith.addi %mul3A_617, %add3A_618 : i32
      %dma_start3A_620 = tpu.memref_slice %arg8[%add3A_619] : memref<1064960xf32, #tpu.memory_space<vmem_shared>> -> memref<4096xf32, #tpu.memory_space<vmem_shared>>
      %dma_start3A_621 = tpu.memref_slice %arg8[%add3A_619] : memref<1064960xf32, #tpu.memory_space<vmem_shared>> -> memref<4096xf32, #tpu.memory_space<vmem_shared>>
      tpu.enqueue_dma source(%dma_start3A_621 : memref<4096xf32, #tpu.memory_space<vmem_shared>>) target(%arg16 : memref<4096xf32, #tpu.memory_space<vmem>>) target_semaphore(%arg17 : memref<!tpu.dma_semaphore, #tpu.memory_space<semaphore_mem>>)
      %mul3A_622 = arith.constant 65536 : i32
      %mul3A_623 = arith.muli %arg1, %mul3A_622 : i32
      %add3A_624 = arith.addi %min3A_230, %mul3A_623 : i32
      %add3A_625 = arith.constant 0 : i32
      %add3A_626 = arith.addi %add3A_624, %add3A_625 : i32
      %dma_start3A_627 = tpu.memref_slice %arg7[%add3A_626] : memref<10240000xf32, #tpu.memory_space<hbm>> -> memref<4096xf32, #tpu.memory_space<hbm>>
      %dma_start3A_628 = tpu.memref_slice %arg7[%add3A_626] : memref<10240000xf32, #tpu.memory_space<hbm>> -> memref<4096xf32, #tpu.memory_space<hbm>>
      tpu.enqueue_dma source(%arg15 : memref<4096xf32, #tpu.memory_space<vmem>>) target(%dma_start3A_628 : memref<4096xf32, #tpu.memory_space<hbm>>) target_semaphore(%arg19 : memref<!tpu.dma_semaphore, #tpu.memory_space<semaphore_mem>>)
      %dma_wait3A_629 = tpu.memref_slice %arg8[%add3A_619] : memref<1064960xf32, #tpu.memory_space<vmem_shared>> -> memref<4096xf32, #tpu.memory_space<vmem_shared>>
      %dma_wait3A_630 = tpu.memref_slice %arg8[%add3A_619] : memref<1064960xf32, #tpu.memory_space<vmem_shared>> -> memref<4096xf32, #tpu.memory_space<vmem_shared>>
      tpu.wait_dma2 semaphore(%arg17 : memref<!tpu.dma_semaphore, #tpu.memory_space<semaphore_mem>>) src(%dma_wait3A_630 : memref<4096xf32, #tpu.memory_space<vmem_shared>>) dst(%arg16 : memref<4096xf32, #tpu.memory_space<vmem>>)
      %mul3A_631 = arith.constant 65536 : i32
      %mul3A_632 = arith.muli %arg1, %mul3A_631 : i32
      %add3A_633 = arith.constant 4096 : i32
      %add3A_634 = arith.addi %mul3A_632, %add3A_633 : i32
      %dma_start3A_635 = tpu.memref_slice %arg8[%add3A_634] : memref<1064960xf32, #tpu.memory_space<vmem_shared>> -> memref<4096xf32, #tpu.memory_space<vmem_shared>>
      %dma_start3A_636 = tpu.memref_slice %arg8[%add3A_634] : memref<1064960xf32, #tpu.memory_space<vmem_shared>> -> memref<4096xf32, #tpu.memory_space<vmem_shared>>
      tpu.enqueue_dma source(%arg14 : memref<4096xf32, #tpu.memory_space<vmem>>) target(%dma_start3A_636 : memref<4096xf32, #tpu.memory_space<vmem_shared>>) target_semaphore(%arg20 : memref<!tpu.dma_semaphore, #tpu.memory_space<semaphore_mem>>)
      %dma_wait3A_637 = tpu.memref_slice %arg7[%add3A_626] : memref<10240000xf32, #tpu.memory_space<hbm>> -> memref<4096xf32, #tpu.memory_space<hbm>>
      %dma_wait3A_638 = tpu.memref_slice %arg7[%add3A_626] : memref<10240000xf32, #tpu.memory_space<hbm>> -> memref<4096xf32, #tpu.memory_space<hbm>>
      tpu.wait_dma2 semaphore(%arg19 : memref<!tpu.dma_semaphore, #tpu.memory_space<semaphore_mem>>) src(%arg15 : memref<4096xf32, #tpu.memory_space<vmem>>) dst(%dma_wait3A_638 : memref<4096xf32, #tpu.memory_space<hbm>>)
      %mul3A_639 = arith.constant 65536 : i32
      %mul3A_640 = arith.muli %arg1, %mul3A_639 : i32
      %add3A_641 = arith.constant 8192 : i32
      %add3A_642 = arith.addi %mul3A_640, %add3A_641 : i32
      %dma_start3A_643 = tpu.memref_slice %arg8[%add3A_642] : memref<1064960xf32, #tpu.memory_space<vmem_shared>> -> memref<4096xf32, #tpu.memory_space<vmem_shared>>
      %dma_start3A_644 = tpu.memref_slice %arg8[%add3A_642] : memref<1064960xf32, #tpu.memory_space<vmem_shared>> -> memref<4096xf32, #tpu.memory_space<vmem_shared>>
      tpu.enqueue_dma source(%dma_start3A_644 : memref<4096xf32, #tpu.memory_space<vmem_shared>>) target(%arg15 : memref<4096xf32, #tpu.memory_space<vmem>>) target_semaphore(%arg17 : memref<!tpu.dma_semaphore, #tpu.memory_space<semaphore_mem>>)
      %mul3A_645 = arith.constant 65536 : i32
      %mul3A_646 = arith.muli %arg1, %mul3A_645 : i32
      %add3A_647 = arith.addi %min3A_230, %mul3A_646 : i32
      %add3A_648 = arith.constant 4096 : i32
      %add3A_649 = arith.addi %add3A_647, %add3A_648 : i32
      %dma_start3A_650 = tpu.memref_slice %arg7[%add3A_649] : memref<10240000xf32, #tpu.memory_space<hbm>> -> memref<4096xf32, #tpu.memory_space<hbm>>
      %dma_start3A_651 = tpu.memref_slice %arg7[%add3A_649] : memref<10240000xf32, #tpu.memory_space<hbm>> -> memref<4096xf32, #tpu.memory_space<hbm>>
      tpu.enqueue_dma source(%arg16 : memref<4096xf32, #tpu.memory_space<vmem>>) target(%dma_start3A_651 : memref<4096xf32, #tpu.memory_space<hbm>>) target_semaphore(%arg19 : memref<!tpu.dma_semaphore, #tpu.memory_space<semaphore_mem>>)
      %dma_wait3A_652 = tpu.memref_slice %arg8[%add3A_642] : memref<1064960xf32, #tpu.memory_space<vmem_shared>> -> memref<4096xf32, #tpu.memory_space<vmem_shared>>
      %dma_wait3A_653 = tpu.memref_slice %arg8[%add3A_642] : memref<1064960xf32, #tpu.memory_space<vmem_shared>> -> memref<4096xf32, #tpu.memory_space<vmem_shared>>
      tpu.wait_dma2 semaphore(%arg17 : memref<!tpu.dma_semaphore, #tpu.memory_space<semaphore_mem>>) src(%dma_wait3A_653 : memref<4096xf32, #tpu.memory_space<vmem_shared>>) dst(%arg15 : memref<4096xf32, #tpu.memory_space<vmem>>)
      %mul3A_654 = arith.constant 65536 : i32
      %mul3A_655 = arith.muli %arg1, %mul3A_654 : i32
      %add3A_656 = arith.constant 8192 : i32
      %add3A_657 = arith.addi %mul3A_655, %add3A_656 : i32
      %dma_start3A_658 = tpu.memref_slice %arg8[%add3A_657] : memref<1064960xf32, #tpu.memory_space<vmem_shared>> -> memref<4096xf32, #tpu.memory_space<vmem_shared>>
      %dma_start3A_659 = tpu.memref_slice %arg8[%add3A_657] : memref<1064960xf32, #tpu.memory_space<vmem_shared>> -> memref<4096xf32, #tpu.memory_space<vmem_shared>>
      tpu.enqueue_dma source(%arg14 : memref<4096xf32, #tpu.memory_space<vmem>>) target(%dma_start3A_659 : memref<4096xf32, #tpu.memory_space<vmem_shared>>) target_semaphore(%arg20 : memref<!tpu.dma_semaphore, #tpu.memory_space<semaphore_mem>>)
      %dma_wait3A_660 = tpu.memref_slice %arg7[%add3A_649] : memref<10240000xf32, #tpu.memory_space<hbm>> -> memref<4096xf32, #tpu.memory_space<hbm>>
      %dma_wait3A_661 = tpu.memref_slice %arg7[%add3A_649] : memref<10240000xf32, #tpu.memory_space<hbm>> -> memref<4096xf32, #tpu.memory_space<hbm>>
      tpu.wait_dma2 semaphore(%arg19 : memref<!tpu.dma_semaphore, #tpu.memory_space<semaphore_mem>>) src(%arg16 : memref<4096xf32, #tpu.memory_space<vmem>>) dst(%dma_wait3A_661 : memref<4096xf32, #tpu.memory_space<hbm>>)
      %mul3A_662 = arith.constant 65536 : i32
      %mul3A_663 = arith.muli %arg1, %mul3A_662 : i32
      %add3A_664 = arith.constant 12288 : i32
      %add3A_665 = arith.addi %mul3A_663, %add3A_664 : i32
      %dma_start3A_666 = tpu.memref_slice %arg8[%add3A_665] : memref<1064960xf32, #tpu.memory_space<vmem_shared>> -> memref<4096xf32, #tpu.memory_space<vmem_shared>>
      %dma_start3A_667 = tpu.memref_slice %arg8[%add3A_665] : memref<1064960xf32, #tpu.memory_space<vmem_shared>> -> memref<4096xf32, #tpu.memory_space<vmem_shared>>
      tpu.enqueue_dma source(%dma_start3A_667 : memref<4096xf32, #tpu.memory_space<vmem_shared>>) target(%arg16 : memref<4096xf32, #tpu.memory_space<vmem>>) target_semaphore(%arg17 : memref<!tpu.dma_semaphore, #tpu.memory_space<semaphore_mem>>)
      %mul3A_668 = arith.constant 65536 : i32
      %mul3A_669 = arith.muli %arg1, %mul3A_668 : i32
      %add3A_670 = arith.addi %min3A_230, %mul3A_669 : i32
      %add3A_671 = arith.constant 8192 : i32
      %add3A_672 = arith.addi %add3A_670, %add3A_671 : i32
      %dma_start3A_673 = tpu.memref_slice %arg7[%add3A_672] : memref<10240000xf32, #tpu.memory_space<hbm>> -> memref<4096xf32, #tpu.memory_space<hbm>>
      %dma_start3A_674 = tpu.memref_slice %arg7[%add3A_672] : memref<10240000xf32, #tpu.memory_space<hbm>> -> memref<4096xf32, #tpu.memory_space<hbm>>
      tpu.enqueue_dma source(%arg15 : memref<4096xf32, #tpu.memory_space<vmem>>) target(%dma_start3A_674 : memref<4096xf32, #tpu.memory_space<hbm>>) target_semaphore(%arg19 : memref<!tpu.dma_semaphore, #tpu.memory_space<semaphore_mem>>)
      %dma_wait3A_675 = tpu.memref_slice %arg8[%add3A_665] : memref<1064960xf32, #tpu.memory_space<vmem_shared>> -> memref<4096xf32, #tpu.memory_space<vmem_shared>>
      %dma_wait3A_676 = tpu.memref_slice %arg8[%add3A_665] : memref<1064960xf32, #tpu.memory_space<vmem_shared>> -> memref<4096xf32, #tpu.memory_space<vmem_shared>>
      tpu.wait_dma2 semaphore(%arg17 : memref<!tpu.dma_semaphore, #tpu.memory_space<semaphore_mem>>) src(%dma_wait3A_676 : memref<4096xf32, #tpu.memory_space<vmem_shared>>) dst(%arg16 : memref<4096xf32, #tpu.memory_space<vmem>>)
      %mul3A_677 = arith.constant 65536 : i32
      %mul3A_678 = arith.muli %arg1, %mul3A_677 : i32
      %add3A_679 = arith.constant 12288 : i32
      %add3A_680 = arith.addi %mul3A_678, %add3A_679 : i32
      %dma_start3A_681 = tpu.memref_slice %arg8[%add3A_680] : memref<1064960xf32, #tpu.memory_space<vmem_shared>> -> memref<4096xf32, #tpu.memory_space<vmem_shared>>
      %dma_start3A_682 = tpu.memref_slice %arg8[%add3A_680] : memref<1064960xf32, #tpu.memory_space<vmem_shared>> -> memref<4096xf32, #tpu.memory_space<vmem_shared>>
      tpu.enqueue_dma source(%arg14 : memref<4096xf32, #tpu.memory_space<vmem>>) target(%dma_start3A_682 : memref<4096xf32, #tpu.memory_space<vmem_shared>>) target_semaphore(%arg20 : memref<!tpu.dma_semaphore, #tpu.memory_space<semaphore_mem>>)
      %dma_wait3A_683 = tpu.memref_slice %arg7[%add3A_672] : memref<10240000xf32, #tpu.memory_space<hbm>> -> memref<4096xf32, #tpu.memory_space<hbm>>
      %dma_wait3A_684 = tpu.memref_slice %arg7[%add3A_672] : memref<10240000xf32, #tpu.memory_space<hbm>> -> memref<4096xf32, #tpu.memory_space<hbm>>
      tpu.wait_dma2 semaphore(%arg19 : memref<!tpu.dma_semaphore, #tpu.memory_space<semaphore_mem>>) src(%arg15 : memref<4096xf32, #tpu.memory_space<vmem>>) dst(%dma_wait3A_684 : memref<4096xf32, #tpu.memory_space<hbm>>)
      %mul3A_685 = arith.constant 65536 : i32
      %mul3A_686 = arith.muli %arg1, %mul3A_685 : i32
      %add3A_687 = arith.constant 16384 : i32
      %add3A_688 = arith.addi %mul3A_686, %add3A_687 : i32
      %dma_start3A_689 = tpu.memref_slice %arg8[%add3A_688] : memref<1064960xf32, #tpu.memory_space<vmem_shared>> -> memref<4096xf32, #tpu.memory_space<vmem_shared>>
      %dma_start3A_690 = tpu.memref_slice %arg8[%add3A_688] : memref<1064960xf32, #tpu.memory_space<vmem_shared>> -> memref<4096xf32, #tpu.memory_space<vmem_shared>>
      tpu.enqueue_dma source(%dma_start3A_690 : memref<4096xf32, #tpu.memory_space<vmem_shared>>) target(%arg15 : memref<4096xf32, #tpu.memory_space<vmem>>) target_semaphore(%arg17 : memref<!tpu.dma_semaphore, #tpu.memory_space<semaphore_mem>>)
      %mul3A_691 = arith.constant 65536 : i32
      %mul3A_692 = arith.muli %arg1, %mul3A_691 : i32
      %add3A_693 = arith.addi %min3A_230, %mul3A_692 : i32
      %add3A_694 = arith.constant 12288 : i32
      %add3A_695 = arith.addi %add3A_693, %add3A_694 : i32
      %dma_start3A_696 = tpu.memref_slice %arg7[%add3A_695] : memref<10240000xf32, #tpu.memory_space<hbm>> -> memref<4096xf32, #tpu.memory_space<hbm>>
      %dma_start3A_697 = tpu.memref_slice %arg7[%add3A_695] : memref<10240000xf32, #tpu.memory_space<hbm>> -> memref<4096xf32, #tpu.memory_space<hbm>>
      tpu.enqueue_dma source(%arg16 : memref<4096xf32, #tpu.memory_space<vmem>>) target(%dma_start3A_697 : memref<4096xf32, #tpu.memory_space<hbm>>) target_semaphore(%arg19 : memref<!tpu.dma_semaphore, #tpu.memory_space<semaphore_mem>>)
      %dma_wait3A_698 = tpu.memref_slice %arg8[%add3A_688] : memref<1064960xf32, #tpu.memory_space<vmem_shared>> -> memref<4096xf32, #tpu.memory_space<vmem_shared>>
      %dma_wait3A_699 = tpu.memref_slice %arg8[%add3A_688] : memref<1064960xf32, #tpu.memory_space<vmem_shared>> -> memref<4096xf32, #tpu.memory_space<vmem_shared>>
      tpu.wait_dma2 semaphore(%arg17 : memref<!tpu.dma_semaphore, #tpu.memory_space<semaphore_mem>>) src(%dma_wait3A_699 : memref<4096xf32, #tpu.memory_space<vmem_shared>>) dst(%arg15 : memref<4096xf32, #tpu.memory_space<vmem>>)
      %mul3A_700 = arith.constant 65536 : i32
      %mul3A_701 = arith.muli %arg1, %mul3A_700 : i32
      %add3A_702 = arith.constant 16384 : i32
      %add3A_703 = arith.addi %mul3A_701, %add3A_702 : i32
      %dma_start3A_704 = tpu.memref_slice %arg8[%add3A_703] : memref<1064960xf32, #tpu.memory_space<vmem_shared>> -> memref<4096xf32, #tpu.memory_space<vmem_shared>>
      %dma_start3A_705 = tpu.memref_slice %arg8[%add3A_703] : memref<1064960xf32, #tpu.memory_space<vmem_shared>> -> memref<4096xf32, #tpu.memory_space<vmem_shared>>
      tpu.enqueue_dma source(%arg14 : memref<4096xf32, #tpu.memory_space<vmem>>) target(%dma_start3A_705 : memref<4096xf32, #tpu.memory_space<vmem_shared>>) target_semaphore(%arg20 : memref<!tpu.dma_semaphore, #tpu.memory_space<semaphore_mem>>)
      %dma_wait3A_706 = tpu.memref_slice %arg7[%add3A_695] : memref<10240000xf32, #tpu.memory_space<hbm>> -> memref<4096xf32, #tpu.memory_space<hbm>>
      %dma_wait3A_707 = tpu.memref_slice %arg7[%add3A_695] : memref<10240000xf32, #tpu.memory_space<hbm>> -> memref<4096xf32, #tpu.memory_space<hbm>>
      tpu.wait_dma2 semaphore(%arg19 : memref<!tpu.dma_semaphore, #tpu.memory_space<semaphore_mem>>) src(%arg16 : memref<4096xf32, #tpu.memory_space<vmem>>) dst(%dma_wait3A_707 : memref<4096xf32, #tpu.memory_space<hbm>>)
      %mul3A_708 = arith.constant 65536 : i32
      %mul3A_709 = arith.muli %arg1, %mul3A_708 : i32
      %add3A_710 = arith.constant 20480 : i32
      %add3A_711 = arith.addi %mul3A_709, %add3A_710 : i32
      %dma_start3A_712 = tpu.memref_slice %arg8[%add3A_711] : memref<1064960xf32, #tpu.memory_space<vmem_shared>> -> memref<4096xf32, #tpu.memory_space<vmem_shared>>
      %dma_start3A_713 = tpu.memref_slice %arg8[%add3A_711] : memref<1064960xf32, #tpu.memory_space<vmem_shared>> -> memref<4096xf32, #tpu.memory_space<vmem_shared>>
      tpu.enqueue_dma source(%dma_start3A_713 : memref<4096xf32, #tpu.memory_space<vmem_shared>>) target(%arg16 : memref<4096xf32, #tpu.memory_space<vmem>>) target_semaphore(%arg17 : memref<!tpu.dma_semaphore, #tpu.memory_space<semaphore_mem>>)
      %mul3A_714 = arith.constant 65536 : i32
      %mul3A_715 = arith.muli %arg1, %mul3A_714 : i32
      %add3A_716 = arith.addi %min3A_230, %mul3A_715 : i32
      %add3A_717 = arith.constant 16384 : i32
      %add3A_718 = arith.addi %add3A_716, %add3A_717 : i32
      %dma_start3A_719 = tpu.memref_slice %arg7[%add3A_718] : memref<10240000xf32, #tpu.memory_space<hbm>> -> memref<4096xf32, #tpu.memory_space<hbm>>
      %dma_start3A_720 = tpu.memref_slice %arg7[%add3A_718] : memref<10240000xf32, #tpu.memory_space<hbm>> -> memref<4096xf32, #tpu.memory_space<hbm>>
      tpu.enqueue_dma source(%arg15 : memref<4096xf32, #tpu.memory_space<vmem>>) target(%dma_start3A_720 : memref<4096xf32, #tpu.memory_space<hbm>>) target_semaphore(%arg19 : memref<!tpu.dma_semaphore, #tpu.memory_space<semaphore_mem>>)
      %dma_wait3A_721 = tpu.memref_slice %arg8[%add3A_711] : memref<1064960xf32, #tpu.memory_space<vmem_shared>> -> memref<4096xf32, #tpu.memory_space<vmem_shared>>
      %dma_wait3A_722 = tpu.memref_slice %arg8[%add3A_711] : memref<1064960xf32, #tpu.memory_space<vmem_shared>> -> memref<4096xf32, #tpu.memory_space<vmem_shared>>
      tpu.wait_dma2 semaphore(%arg17 : memref<!tpu.dma_semaphore, #tpu.memory_space<semaphore_mem>>) src(%dma_wait3A_722 : memref<4096xf32, #tpu.memory_space<vmem_shared>>) dst(%arg16 : memref<4096xf32, #tpu.memory_space<vmem>>)
      %mul3A_723 = arith.constant 65536 : i32
      %mul3A_724 = arith.muli %arg1, %mul3A_723 : i32
      %add3A_725 = arith.constant 20480 : i32
      %add3A_726 = arith.addi %mul3A_724, %add3A_725 : i32
      %dma_start3A_727 = tpu.memref_slice %arg8[%add3A_726] : memref<1064960xf32, #tpu.memory_space<vmem_shared>> -> memref<4096xf32, #tpu.memory_space<vmem_shared>>
      %dma_start3A_728 = tpu.memref_slice %arg8[%add3A_726] : memref<1064960xf32, #tpu.memory_space<vmem_shared>> -> memref<4096xf32, #tpu.memory_space<vmem_shared>>
      tpu.enqueue_dma source(%arg14 : memref<4096xf32, #tpu.memory_space<vmem>>) target(%dma_start3A_728 : memref<4096xf32, #tpu.memory_space<vmem_shared>>) target_semaphore(%arg20 : memref<!tpu.dma_semaphore, #tpu.memory_space<semaphore_mem>>)
      %dma_wait3A_729 = tpu.memref_slice %arg7[%add3A_718] : memref<10240000xf32, #tpu.memory_space<hbm>> -> memref<4096xf32, #tpu.memory_space<hbm>>
      %dma_wait3A_730 = tpu.memref_slice %arg7[%add3A_718] : memref<10240000xf32, #tpu.memory_space<hbm>> -> memref<4096xf32, #tpu.memory_space<hbm>>
      tpu.wait_dma2 semaphore(%arg19 : memref<!tpu.dma_semaphore, #tpu.memory_space<semaphore_mem>>) src(%arg15 : memref<4096xf32, #tpu.memory_space<vmem>>) dst(%dma_wait3A_730 : memref<4096xf32, #tpu.memory_space<hbm>>)
      %mul3A_731 = arith.constant 65536 : i32
      %mul3A_732 = arith.muli %arg1, %mul3A_731 : i32
      %add3A_733 = arith.constant 24576 : i32
      %add3A_734 = arith.addi %mul3A_732, %add3A_733 : i32
      %dma_start3A_735 = tpu.memref_slice %arg8[%add3A_734] : memref<1064960xf32, #tpu.memory_space<vmem_shared>> -> memref<4096xf32, #tpu.memory_space<vmem_shared>>
      %dma_start3A_736 = tpu.memref_slice %arg8[%add3A_734] : memref<1064960xf32, #tpu.memory_space<vmem_shared>> -> memref<4096xf32, #tpu.memory_space<vmem_shared>>
      tpu.enqueue_dma source(%dma_start3A_736 : memref<4096xf32, #tpu.memory_space<vmem_shared>>) target(%arg15 : memref<4096xf32, #tpu.memory_space<vmem>>) target_semaphore(%arg17 : memref<!tpu.dma_semaphore, #tpu.memory_space<semaphore_mem>>)
      %mul3A_737 = arith.constant 65536 : i32
      %mul3A_738 = arith.muli %arg1, %mul3A_737 : i32
      %add3A_739 = arith.addi %min3A_230, %mul3A_738 : i32
      %add3A_740 = arith.constant 20480 : i32
      %add3A_741 = arith.addi %add3A_739, %add3A_740 : i32
      %dma_start3A_742 = tpu.memref_slice %arg7[%add3A_741] : memref<10240000xf32, #tpu.memory_space<hbm>> -> memref<4096xf32, #tpu.memory_space<hbm>>
      %dma_start3A_743 = tpu.memref_slice %arg7[%add3A_741] : memref<10240000xf32, #tpu.memory_space<hbm>> -> memref<4096xf32, #tpu.memory_space<hbm>>
      tpu.enqueue_dma source(%arg16 : memref<4096xf32, #tpu.memory_space<vmem>>) target(%dma_start3A_743 : memref<4096xf32, #tpu.memory_space<hbm>>) target_semaphore(%arg19 : memref<!tpu.dma_semaphore, #tpu.memory_space<semaphore_mem>>)
      %dma_wait3A_744 = tpu.memref_slice %arg8[%add3A_734] : memref<1064960xf32, #tpu.memory_space<vmem_shared>> -> memref<4096xf32, #tpu.memory_space<vmem_shared>>
      %dma_wait3A_745 = tpu.memref_slice %arg8[%add3A_734] : memref<1064960xf32, #tpu.memory_space<vmem_shared>> -> memref<4096xf32, #tpu.memory_space<vmem_shared>>
      tpu.wait_dma2 semaphore(%arg17 : memref<!tpu.dma_semaphore, #tpu.memory_space<semaphore_mem>>) src(%dma_wait3A_745 : memref<4096xf32, #tpu.memory_space<vmem_shared>>) dst(%arg15 : memref<4096xf32, #tpu.memory_space<vmem>>)
      %mul3A_746 = arith.constant 65536 : i32
      %mul3A_747 = arith.muli %arg1, %mul3A_746 : i32
      %add3A_748 = arith.constant 24576 : i32
      %add3A_749 = arith.addi %mul3A_747, %add3A_748 : i32
      %dma_start3A_750 = tpu.memref_slice %arg8[%add3A_749] : memref<1064960xf32, #tpu.memory_space<vmem_shared>> -> memref<4096xf32, #tpu.memory_space<vmem_shared>>
      %dma_start3A_751 = tpu.memref_slice %arg8[%add3A_749] : memref<1064960xf32, #tpu.memory_space<vmem_shared>> -> memref<4096xf32, #tpu.memory_space<vmem_shared>>
      tpu.enqueue_dma source(%arg14 : memref<4096xf32, #tpu.memory_space<vmem>>) target(%dma_start3A_751 : memref<4096xf32, #tpu.memory_space<vmem_shared>>) target_semaphore(%arg20 : memref<!tpu.dma_semaphore, #tpu.memory_space<semaphore_mem>>)
      %dma_wait3A_752 = tpu.memref_slice %arg7[%add3A_741] : memref<10240000xf32, #tpu.memory_space<hbm>> -> memref<4096xf32, #tpu.memory_space<hbm>>
      %dma_wait3A_753 = tpu.memref_slice %arg7[%add3A_741] : memref<10240000xf32, #tpu.memory_space<hbm>> -> memref<4096xf32, #tpu.memory_space<hbm>>
      tpu.wait_dma2 semaphore(%arg19 : memref<!tpu.dma_semaphore, #tpu.memory_space<semaphore_mem>>) src(%arg16 : memref<4096xf32, #tpu.memory_space<vmem>>) dst(%dma_wait3A_753 : memref<4096xf32, #tpu.memory_space<hbm>>)
      %mul3A_754 = arith.constant 65536 : i32
      %mul3A_755 = arith.muli %arg1, %mul3A_754 : i32
      %add3A_756 = arith.constant 28672 : i32
      %add3A_757 = arith.addi %mul3A_755, %add3A_756 : i32
      %dma_start3A_758 = tpu.memref_slice %arg8[%add3A_757] : memref<1064960xf32, #tpu.memory_space<vmem_shared>> -> memref<4096xf32, #tpu.memory_space<vmem_shared>>
      %dma_start3A_759 = tpu.memref_slice %arg8[%add3A_757] : memref<1064960xf32, #tpu.memory_space<vmem_shared>> -> memref<4096xf32, #tpu.memory_space<vmem_shared>>
      tpu.enqueue_dma source(%dma_start3A_759 : memref<4096xf32, #tpu.memory_space<vmem_shared>>) target(%arg16 : memref<4096xf32, #tpu.memory_space<vmem>>) target_semaphore(%arg17 : memref<!tpu.dma_semaphore, #tpu.memory_space<semaphore_mem>>)
      %mul3A_760 = arith.constant 65536 : i32
      %mul3A_761 = arith.muli %arg1, %mul3A_760 : i32
      %add3A_762 = arith.addi %min3A_230, %mul3A_761 : i32
      %add3A_763 = arith.constant 24576 : i32
      %add3A_764 = arith.addi %add3A_762, %add3A_763 : i32
      %dma_start3A_765 = tpu.memref_slice %arg7[%add3A_764] : memref<10240000xf32, #tpu.memory_space<hbm>> -> memref<4096xf32, #tpu.memory_space<hbm>>
      %dma_start3A_766 = tpu.memref_slice %arg7[%add3A_764] : memref<10240000xf32, #tpu.memory_space<hbm>> -> memref<4096xf32, #tpu.memory_space<hbm>>
      tpu.enqueue_dma source(%arg15 : memref<4096xf32, #tpu.memory_space<vmem>>) target(%dma_start3A_766 : memref<4096xf32, #tpu.memory_space<hbm>>) target_semaphore(%arg19 : memref<!tpu.dma_semaphore, #tpu.memory_space<semaphore_mem>>)
      %dma_wait3A_767 = tpu.memref_slice %arg8[%add3A_757] : memref<1064960xf32, #tpu.memory_space<vmem_shared>> -> memref<4096xf32, #tpu.memory_space<vmem_shared>>
      %dma_wait3A_768 = tpu.memref_slice %arg8[%add3A_757] : memref<1064960xf32, #tpu.memory_space<vmem_shared>> -> memref<4096xf32, #tpu.memory_space<vmem_shared>>
      tpu.wait_dma2 semaphore(%arg17 : memref<!tpu.dma_semaphore, #tpu.memory_space<semaphore_mem>>) src(%dma_wait3A_768 : memref<4096xf32, #tpu.memory_space<vmem_shared>>) dst(%arg16 : memref<4096xf32, #tpu.memory_space<vmem>>)
      %mul3A_769 = arith.constant 65536 : i32
      %mul3A_770 = arith.muli %arg1, %mul3A_769 : i32
      %add3A_771 = arith.constant 28672 : i32
      %add3A_772 = arith.addi %mul3A_770, %add3A_771 : i32
      %dma_start3A_773 = tpu.memref_slice %arg8[%add3A_772] : memref<1064960xf32, #tpu.memory_space<vmem_shared>> -> memref<4096xf32, #tpu.memory_space<vmem_shared>>
      %dma_start3A_774 = tpu.memref_slice %arg8[%add3A_772] : memref<1064960xf32, #tpu.memory_space<vmem_shared>> -> memref<4096xf32, #tpu.memory_space<vmem_shared>>
      tpu.enqueue_dma source(%arg14 : memref<4096xf32, #tpu.memory_space<vmem>>) target(%dma_start3A_774 : memref<4096xf32, #tpu.memory_space<vmem_shared>>) target_semaphore(%arg20 : memref<!tpu.dma_semaphore, #tpu.memory_space<semaphore_mem>>)
      %dma_wait3A_775 = tpu.memref_slice %arg7[%add3A_764] : memref<10240000xf32, #tpu.memory_space<hbm>> -> memref<4096xf32, #tpu.memory_space<hbm>>
      %dma_wait3A_776 = tpu.memref_slice %arg7[%add3A_764] : memref<10240000xf32, #tpu.memory_space<hbm>> -> memref<4096xf32, #tpu.memory_space<hbm>>
      tpu.wait_dma2 semaphore(%arg19 : memref<!tpu.dma_semaphore, #tpu.memory_space<semaphore_mem>>) src(%arg15 : memref<4096xf32, #tpu.memory_space<vmem>>) dst(%dma_wait3A_776 : memref<4096xf32, #tpu.memory_space<hbm>>)
      %mul3A_777 = arith.constant 65536 : i32
      %mul3A_778 = arith.muli %arg1, %mul3A_777 : i32
      %add3A_779 = arith.constant 32768 : i32
      %add3A_780 = arith.addi %mul3A_778, %add3A_779 : i32
      %dma_start3A_781 = tpu.memref_slice %arg8[%add3A_780] : memref<1064960xf32, #tpu.memory_space<vmem_shared>> -> memref<4096xf32, #tpu.memory_space<vmem_shared>>
      %dma_start3A_782 = tpu.memref_slice %arg8[%add3A_780] : memref<1064960xf32, #tpu.memory_space<vmem_shared>> -> memref<4096xf32, #tpu.memory_space<vmem_shared>>
      tpu.enqueue_dma source(%dma_start3A_782 : memref<4096xf32, #tpu.memory_space<vmem_shared>>) target(%arg15 : memref<4096xf32, #tpu.memory_space<vmem>>) target_semaphore(%arg17 : memref<!tpu.dma_semaphore, #tpu.memory_space<semaphore_mem>>)
      %mul3A_783 = arith.constant 65536 : i32
      %mul3A_784 = arith.muli %arg1, %mul3A_783 : i32
      %add3A_785 = arith.addi %min3A_230, %mul3A_784 : i32
      %add3A_786 = arith.constant 28672 : i32
      %add3A_787 = arith.addi %add3A_785, %add3A_786 : i32
      %dma_start3A_788 = tpu.memref_slice %arg7[%add3A_787] : memref<10240000xf32, #tpu.memory_space<hbm>> -> memref<4096xf32, #tpu.memory_space<hbm>>
      %dma_start3A_789 = tpu.memref_slice %arg7[%add3A_787] : memref<10240000xf32, #tpu.memory_space<hbm>> -> memref<4096xf32, #tpu.memory_space<hbm>>
      tpu.enqueue_dma source(%arg16 : memref<4096xf32, #tpu.memory_space<vmem>>) target(%dma_start3A_789 : memref<4096xf32, #tpu.memory_space<hbm>>) target_semaphore(%arg19 : memref<!tpu.dma_semaphore, #tpu.memory_space<semaphore_mem>>)
      %dma_wait3A_790 = tpu.memref_slice %arg8[%add3A_780] : memref<1064960xf32, #tpu.memory_space<vmem_shared>> -> memref<4096xf32, #tpu.memory_space<vmem_shared>>
      %dma_wait3A_791 = tpu.memref_slice %arg8[%add3A_780] : memref<1064960xf32, #tpu.memory_space<vmem_shared>> -> memref<4096xf32, #tpu.memory_space<vmem_shared>>
      tpu.wait_dma2 semaphore(%arg17 : memref<!tpu.dma_semaphore, #tpu.memory_space<semaphore_mem>>) src(%dma_wait3A_791 : memref<4096xf32, #tpu.memory_space<vmem_shared>>) dst(%arg15 : memref<4096xf32, #tpu.memory_space<vmem>>)
      %mul3A_792 = arith.constant 65536 : i32
      %mul3A_793 = arith.muli %arg1, %mul3A_792 : i32
      %add3A_794 = arith.constant 32768 : i32
      %add3A_795 = arith.addi %mul3A_793, %add3A_794 : i32
      %dma_start3A_796 = tpu.memref_slice %arg8[%add3A_795] : memref<1064960xf32, #tpu.memory_space<vmem_shared>> -> memref<4096xf32, #tpu.memory_space<vmem_shared>>
      %dma_start3A_797 = tpu.memref_slice %arg8[%add3A_795] : memref<1064960xf32, #tpu.memory_space<vmem_shared>> -> memref<4096xf32, #tpu.memory_space<vmem_shared>>
      tpu.enqueue_dma source(%arg14 : memref<4096xf32, #tpu.memory_space<vmem>>) target(%dma_start3A_797 : memref<4096xf32, #tpu.memory_space<vmem_shared>>) target_semaphore(%arg20 : memref<!tpu.dma_semaphore, #tpu.memory_space<semaphore_mem>>)
      %dma_wait3A_798 = tpu.memref_slice %arg7[%add3A_787] : memref<10240000xf32, #tpu.memory_space<hbm>> -> memref<4096xf32, #tpu.memory_space<hbm>>
      %dma_wait3A_799 = tpu.memref_slice %arg7[%add3A_787] : memref<10240000xf32, #tpu.memory_space<hbm>> -> memref<4096xf32, #tpu.memory_space<hbm>>
      tpu.wait_dma2 semaphore(%arg19 : memref<!tpu.dma_semaphore, #tpu.memory_space<semaphore_mem>>) src(%arg16 : memref<4096xf32, #tpu.memory_space<vmem>>) dst(%dma_wait3A_799 : memref<4096xf32, #tpu.memory_space<hbm>>)
      %mul3A_800 = arith.constant 65536 : i32
      %mul3A_801 = arith.muli %arg1, %mul3A_800 : i32
      %add3A_802 = arith.constant 36864 : i32
      %add3A_803 = arith.addi %mul3A_801, %add3A_802 : i32
      %dma_start3A_804 = tpu.memref_slice %arg8[%add3A_803] : memref<1064960xf32, #tpu.memory_space<vmem_shared>> -> memref<4096xf32, #tpu.memory_space<vmem_shared>>
      %dma_start3A_805 = tpu.memref_slice %arg8[%add3A_803] : memref<1064960xf32, #tpu.memory_space<vmem_shared>> -> memref<4096xf32, #tpu.memory_space<vmem_shared>>
      tpu.enqueue_dma source(%dma_start3A_805 : memref<4096xf32, #tpu.memory_space<vmem_shared>>) target(%arg16 : memref<4096xf32, #tpu.memory_space<vmem>>) target_semaphore(%arg17 : memref<!tpu.dma_semaphore, #tpu.memory_space<semaphore_mem>>)
      %mul3A_806 = arith.constant 65536 : i32
      %mul3A_807 = arith.muli %arg1, %mul3A_806 : i32
      %add3A_808 = arith.addi %min3A_230, %mul3A_807 : i32
      %add3A_809 = arith.constant 32768 : i32
      %add3A_810 = arith.addi %add3A_808, %add3A_809 : i32
      %dma_start3A_811 = tpu.memref_slice %arg7[%add3A_810] : memref<10240000xf32, #tpu.memory_space<hbm>> -> memref<4096xf32, #tpu.memory_space<hbm>>
      %dma_start3A_812 = tpu.memref_slice %arg7[%add3A_810] : memref<10240000xf32, #tpu.memory_space<hbm>> -> memref<4096xf32, #tpu.memory_space<hbm>>
      tpu.enqueue_dma source(%arg15 : memref<4096xf32, #tpu.memory_space<vmem>>) target(%dma_start3A_812 : memref<4096xf32, #tpu.memory_space<hbm>>) target_semaphore(%arg19 : memref<!tpu.dma_semaphore, #tpu.memory_space<semaphore_mem>>)
      %dma_wait3A_813 = tpu.memref_slice %arg8[%add3A_803] : memref<1064960xf32, #tpu.memory_space<vmem_shared>> -> memref<4096xf32, #tpu.memory_space<vmem_shared>>
      %dma_wait3A_814 = tpu.memref_slice %arg8[%add3A_803] : memref<1064960xf32, #tpu.memory_space<vmem_shared>> -> memref<4096xf32, #tpu.memory_space<vmem_shared>>
      tpu.wait_dma2 semaphore(%arg17 : memref<!tpu.dma_semaphore, #tpu.memory_space<semaphore_mem>>) src(%dma_wait3A_814 : memref<4096xf32, #tpu.memory_space<vmem_shared>>) dst(%arg16 : memref<4096xf32, #tpu.memory_space<vmem>>)
      %mul3A_815 = arith.constant 65536 : i32
      %mul3A_816 = arith.muli %arg1, %mul3A_815 : i32
      %add3A_817 = arith.constant 36864 : i32
      %add3A_818 = arith.addi %mul3A_816, %add3A_817 : i32
      %dma_start3A_819 = tpu.memref_slice %arg8[%add3A_818] : memref<1064960xf32, #tpu.memory_space<vmem_shared>> -> memref<4096xf32, #tpu.memory_space<vmem_shared>>
      %dma_start3A_820 = tpu.memref_slice %arg8[%add3A_818] : memref<1064960xf32, #tpu.memory_space<vmem_shared>> -> memref<4096xf32, #tpu.memory_space<vmem_shared>>
      tpu.enqueue_dma source(%arg14 : memref<4096xf32, #tpu.memory_space<vmem>>) target(%dma_start3A_820 : memref<4096xf32, #tpu.memory_space<vmem_shared>>) target_semaphore(%arg20 : memref<!tpu.dma_semaphore, #tpu.memory_space<semaphore_mem>>)
      %dma_wait3A_821 = tpu.memref_slice %arg7[%add3A_810] : memref<10240000xf32, #tpu.memory_space<hbm>> -> memref<4096xf32, #tpu.memory_space<hbm>>
      %dma_wait3A_822 = tpu.memref_slice %arg7[%add3A_810] : memref<10240000xf32, #tpu.memory_space<hbm>> -> memref<4096xf32, #tpu.memory_space<hbm>>
      tpu.wait_dma2 semaphore(%arg19 : memref<!tpu.dma_semaphore, #tpu.memory_space<semaphore_mem>>) src(%arg15 : memref<4096xf32, #tpu.memory_space<vmem>>) dst(%dma_wait3A_822 : memref<4096xf32, #tpu.memory_space<hbm>>)
      %mul3A_823 = arith.constant 65536 : i32
      %mul3A_824 = arith.muli %arg1, %mul3A_823 : i32
      %add3A_825 = arith.constant 40960 : i32
      %add3A_826 = arith.addi %mul3A_824, %add3A_825 : i32
      %dma_start3A_827 = tpu.memref_slice %arg8[%add3A_826] : memref<1064960xf32, #tpu.memory_space<vmem_shared>> -> memref<4096xf32, #tpu.memory_space<vmem_shared>>
      %dma_start3A_828 = tpu.memref_slice %arg8[%add3A_826] : memref<1064960xf32, #tpu.memory_space<vmem_shared>> -> memref<4096xf32, #tpu.memory_space<vmem_shared>>
      tpu.enqueue_dma source(%dma_start3A_828 : memref<4096xf32, #tpu.memory_space<vmem_shared>>) target(%arg15 : memref<4096xf32, #tpu.memory_space<vmem>>) target_semaphore(%arg17 : memref<!tpu.dma_semaphore, #tpu.memory_space<semaphore_mem>>)
      %mul3A_829 = arith.constant 65536 : i32
      %mul3A_830 = arith.muli %arg1, %mul3A_829 : i32
      %add3A_831 = arith.addi %min3A_230, %mul3A_830 : i32
      %add3A_832 = arith.constant 36864 : i32
      %add3A_833 = arith.addi %add3A_831, %add3A_832 : i32
      %dma_start3A_834 = tpu.memref_slice %arg7[%add3A_833] : memref<10240000xf32, #tpu.memory_space<hbm>> -> memref<4096xf32, #tpu.memory_space<hbm>>
      %dma_start3A_835 = tpu.memref_slice %arg7[%add3A_833] : memref<10240000xf32, #tpu.memory_space<hbm>> -> memref<4096xf32, #tpu.memory_space<hbm>>
      tpu.enqueue_dma source(%arg16 : memref<4096xf32, #tpu.memory_space<vmem>>) target(%dma_start3A_835 : memref<4096xf32, #tpu.memory_space<hbm>>) target_semaphore(%arg19 : memref<!tpu.dma_semaphore, #tpu.memory_space<semaphore_mem>>)
      %dma_wait3A_836 = tpu.memref_slice %arg8[%add3A_826] : memref<1064960xf32, #tpu.memory_space<vmem_shared>> -> memref<4096xf32, #tpu.memory_space<vmem_shared>>
      %dma_wait3A_837 = tpu.memref_slice %arg8[%add3A_826] : memref<1064960xf32, #tpu.memory_space<vmem_shared>> -> memref<4096xf32, #tpu.memory_space<vmem_shared>>
      tpu.wait_dma2 semaphore(%arg17 : memref<!tpu.dma_semaphore, #tpu.memory_space<semaphore_mem>>) src(%dma_wait3A_837 : memref<4096xf32, #tpu.memory_space<vmem_shared>>) dst(%arg15 : memref<4096xf32, #tpu.memory_space<vmem>>)
      %mul3A_838 = arith.constant 65536 : i32
      %mul3A_839 = arith.muli %arg1, %mul3A_838 : i32
      %add3A_840 = arith.constant 40960 : i32
      %add3A_841 = arith.addi %mul3A_839, %add3A_840 : i32
      %dma_start3A_842 = tpu.memref_slice %arg8[%add3A_841] : memref<1064960xf32, #tpu.memory_space<vmem_shared>> -> memref<4096xf32, #tpu.memory_space<vmem_shared>>
      %dma_start3A_843 = tpu.memref_slice %arg8[%add3A_841] : memref<1064960xf32, #tpu.memory_space<vmem_shared>> -> memref<4096xf32, #tpu.memory_space<vmem_shared>>
      tpu.enqueue_dma source(%arg14 : memref<4096xf32, #tpu.memory_space<vmem>>) target(%dma_start3A_843 : memref<4096xf32, #tpu.memory_space<vmem_shared>>) target_semaphore(%arg20 : memref<!tpu.dma_semaphore, #tpu.memory_space<semaphore_mem>>)
      %dma_wait3A_844 = tpu.memref_slice %arg7[%add3A_833] : memref<10240000xf32, #tpu.memory_space<hbm>> -> memref<4096xf32, #tpu.memory_space<hbm>>
      %dma_wait3A_845 = tpu.memref_slice %arg7[%add3A_833] : memref<10240000xf32, #tpu.memory_space<hbm>> -> memref<4096xf32, #tpu.memory_space<hbm>>
      tpu.wait_dma2 semaphore(%arg19 : memref<!tpu.dma_semaphore, #tpu.memory_space<semaphore_mem>>) src(%arg16 : memref<4096xf32, #tpu.memory_space<vmem>>) dst(%dma_wait3A_845 : memref<4096xf32, #tpu.memory_space<hbm>>)
      %mul3A_846 = arith.constant 65536 : i32
      %mul3A_847 = arith.muli %arg1, %mul3A_846 : i32
      %add3A_848 = arith.constant 45056 : i32
      %add3A_849 = arith.addi %mul3A_847, %add3A_848 : i32
      %dma_start3A_850 = tpu.memref_slice %arg8[%add3A_849] : memref<1064960xf32, #tpu.memory_space<vmem_shared>> -> memref<4096xf32, #tpu.memory_space<vmem_shared>>
      %dma_start3A_851 = tpu.memref_slice %arg8[%add3A_849] : memref<1064960xf32, #tpu.memory_space<vmem_shared>> -> memref<4096xf32, #tpu.memory_space<vmem_shared>>
      tpu.enqueue_dma source(%dma_start3A_851 : memref<4096xf32, #tpu.memory_space<vmem_shared>>) target(%arg16 : memref<4096xf32, #tpu.memory_space<vmem>>) target_semaphore(%arg17 : memref<!tpu.dma_semaphore, #tpu.memory_space<semaphore_mem>>)
      %mul3A_852 = arith.constant 65536 : i32
      %mul3A_853 = arith.muli %arg1, %mul3A_852 : i32
      %add3A_854 = arith.addi %min3A_230, %mul3A_853 : i32
      %add3A_855 = arith.constant 40960 : i32
      %add3A_856 = arith.addi %add3A_854, %add3A_855 : i32
      %dma_start3A_857 = tpu.memref_slice %arg7[%add3A_856] : memref<10240000xf32, #tpu.memory_space<hbm>> -> memref<4096xf32, #tpu.memory_space<hbm>>
      %dma_start3A_858 = tpu.memref_slice %arg7[%add3A_856] : memref<10240000xf32, #tpu.memory_space<hbm>> -> memref<4096xf32, #tpu.memory_space<hbm>>
      tpu.enqueue_dma source(%arg15 : memref<4096xf32, #tpu.memory_space<vmem>>) target(%dma_start3A_858 : memref<4096xf32, #tpu.memory_space<hbm>>) target_semaphore(%arg19 : memref<!tpu.dma_semaphore, #tpu.memory_space<semaphore_mem>>)
      %dma_wait3A_859 = tpu.memref_slice %arg8[%add3A_849] : memref<1064960xf32, #tpu.memory_space<vmem_shared>> -> memref<4096xf32, #tpu.memory_space<vmem_shared>>
      %dma_wait3A_860 = tpu.memref_slice %arg8[%add3A_849] : memref<1064960xf32, #tpu.memory_space<vmem_shared>> -> memref<4096xf32, #tpu.memory_space<vmem_shared>>
      tpu.wait_dma2 semaphore(%arg17 : memref<!tpu.dma_semaphore, #tpu.memory_space<semaphore_mem>>) src(%dma_wait3A_860 : memref<4096xf32, #tpu.memory_space<vmem_shared>>) dst(%arg16 : memref<4096xf32, #tpu.memory_space<vmem>>)
      %mul3A_861 = arith.constant 65536 : i32
      %mul3A_862 = arith.muli %arg1, %mul3A_861 : i32
      %add3A_863 = arith.constant 45056 : i32
      %add3A_864 = arith.addi %mul3A_862, %add3A_863 : i32
      %dma_start3A_865 = tpu.memref_slice %arg8[%add3A_864] : memref<1064960xf32, #tpu.memory_space<vmem_shared>> -> memref<4096xf32, #tpu.memory_space<vmem_shared>>
      %dma_start3A_866 = tpu.memref_slice %arg8[%add3A_864] : memref<1064960xf32, #tpu.memory_space<vmem_shared>> -> memref<4096xf32, #tpu.memory_space<vmem_shared>>
      tpu.enqueue_dma source(%arg14 : memref<4096xf32, #tpu.memory_space<vmem>>) target(%dma_start3A_866 : memref<4096xf32, #tpu.memory_space<vmem_shared>>) target_semaphore(%arg20 : memref<!tpu.dma_semaphore, #tpu.memory_space<semaphore_mem>>)
      %dma_wait3A_867 = tpu.memref_slice %arg7[%add3A_856] : memref<10240000xf32, #tpu.memory_space<hbm>> -> memref<4096xf32, #tpu.memory_space<hbm>>
      %dma_wait3A_868 = tpu.memref_slice %arg7[%add3A_856] : memref<10240000xf32, #tpu.memory_space<hbm>> -> memref<4096xf32, #tpu.memory_space<hbm>>
      tpu.wait_dma2 semaphore(%arg19 : memref<!tpu.dma_semaphore, #tpu.memory_space<semaphore_mem>>) src(%arg15 : memref<4096xf32, #tpu.memory_space<vmem>>) dst(%dma_wait3A_868 : memref<4096xf32, #tpu.memory_space<hbm>>)
      %mul3A_869 = arith.constant 65536 : i32
      %mul3A_870 = arith.muli %arg1, %mul3A_869 : i32
      %add3A_871 = arith.constant 49152 : i32
      %add3A_872 = arith.addi %mul3A_870, %add3A_871 : i32
      %dma_start3A_873 = tpu.memref_slice %arg8[%add3A_872] : memref<1064960xf32, #tpu.memory_space<vmem_shared>> -> memref<4096xf32, #tpu.memory_space<vmem_shared>>
      %dma_start3A_874 = tpu.memref_slice %arg8[%add3A_872] : memref<1064960xf32, #tpu.memory_space<vmem_shared>> -> memref<4096xf32, #tpu.memory_space<vmem_shared>>
      tpu.enqueue_dma source(%dma_start3A_874 : memref<4096xf32, #tpu.memory_space<vmem_shared>>) target(%arg15 : memref<4096xf32, #tpu.memory_space<vmem>>) target_semaphore(%arg17 : memref<!tpu.dma_semaphore, #tpu.memory_space<semaphore_mem>>)
      %mul3A_875 = arith.constant 65536 : i32
      %mul3A_876 = arith.muli %arg1, %mul3A_875 : i32
      %add3A_877 = arith.addi %min3A_230, %mul3A_876 : i32
      %add3A_878 = arith.constant 45056 : i32
      %add3A_879 = arith.addi %add3A_877, %add3A_878 : i32
      %dma_start3A_880 = tpu.memref_slice %arg7[%add3A_879] : memref<10240000xf32, #tpu.memory_space<hbm>> -> memref<4096xf32, #tpu.memory_space<hbm>>
      %dma_start3A_881 = tpu.memref_slice %arg7[%add3A_879] : memref<10240000xf32, #tpu.memory_space<hbm>> -> memref<4096xf32, #tpu.memory_space<hbm>>
      tpu.enqueue_dma source(%arg16 : memref<4096xf32, #tpu.memory_space<vmem>>) target(%dma_start3A_881 : memref<4096xf32, #tpu.memory_space<hbm>>) target_semaphore(%arg19 : memref<!tpu.dma_semaphore, #tpu.memory_space<semaphore_mem>>)
      %dma_wait3A_882 = tpu.memref_slice %arg8[%add3A_872] : memref<1064960xf32, #tpu.memory_space<vmem_shared>> -> memref<4096xf32, #tpu.memory_space<vmem_shared>>
      %dma_wait3A_883 = tpu.memref_slice %arg8[%add3A_872] : memref<1064960xf32, #tpu.memory_space<vmem_shared>> -> memref<4096xf32, #tpu.memory_space<vmem_shared>>
      tpu.wait_dma2 semaphore(%arg17 : memref<!tpu.dma_semaphore, #tpu.memory_space<semaphore_mem>>) src(%dma_wait3A_883 : memref<4096xf32, #tpu.memory_space<vmem_shared>>) dst(%arg15 : memref<4096xf32, #tpu.memory_space<vmem>>)
      %mul3A_884 = arith.constant 65536 : i32
      %mul3A_885 = arith.muli %arg1, %mul3A_884 : i32
      %add3A_886 = arith.constant 49152 : i32
      %add3A_887 = arith.addi %mul3A_885, %add3A_886 : i32
      %dma_start3A_888 = tpu.memref_slice %arg8[%add3A_887] : memref<1064960xf32, #tpu.memory_space<vmem_shared>> -> memref<4096xf32, #tpu.memory_space<vmem_shared>>
      %dma_start3A_889 = tpu.memref_slice %arg8[%add3A_887] : memref<1064960xf32, #tpu.memory_space<vmem_shared>> -> memref<4096xf32, #tpu.memory_space<vmem_shared>>
      tpu.enqueue_dma source(%arg14 : memref<4096xf32, #tpu.memory_space<vmem>>) target(%dma_start3A_889 : memref<4096xf32, #tpu.memory_space<vmem_shared>>) target_semaphore(%arg20 : memref<!tpu.dma_semaphore, #tpu.memory_space<semaphore_mem>>)
      %dma_wait3A_890 = tpu.memref_slice %arg7[%add3A_879] : memref<10240000xf32, #tpu.memory_space<hbm>> -> memref<4096xf32, #tpu.memory_space<hbm>>
      %dma_wait3A_891 = tpu.memref_slice %arg7[%add3A_879] : memref<10240000xf32, #tpu.memory_space<hbm>> -> memref<4096xf32, #tpu.memory_space<hbm>>
      tpu.wait_dma2 semaphore(%arg19 : memref<!tpu.dma_semaphore, #tpu.memory_space<semaphore_mem>>) src(%arg16 : memref<4096xf32, #tpu.memory_space<vmem>>) dst(%dma_wait3A_891 : memref<4096xf32, #tpu.memory_space<hbm>>)
      %mul3A_892 = arith.constant 65536 : i32
      %mul3A_893 = arith.muli %arg1, %mul3A_892 : i32
      %add3A_894 = arith.constant 53248 : i32
      %add3A_895 = arith.addi %mul3A_893, %add3A_894 : i32
      %dma_start3A_896 = tpu.memref_slice %arg8[%add3A_895] : memref<1064960xf32, #tpu.memory_space<vmem_shared>> -> memref<4096xf32, #tpu.memory_space<vmem_shared>>
      %dma_start3A_897 = tpu.memref_slice %arg8[%add3A_895] : memref<1064960xf32, #tpu.memory_space<vmem_shared>> -> memref<4096xf32, #tpu.memory_space<vmem_shared>>
      tpu.enqueue_dma source(%dma_start3A_897 : memref<4096xf32, #tpu.memory_space<vmem_shared>>) target(%arg16 : memref<4096xf32, #tpu.memory_space<vmem>>) target_semaphore(%arg17 : memref<!tpu.dma_semaphore, #tpu.memory_space<semaphore_mem>>)
      %mul3A_898 = arith.constant 65536 : i32
      %mul3A_899 = arith.muli %arg1, %mul3A_898 : i32
      %add3A_900 = arith.addi %min3A_230, %mul3A_899 : i32
      %add3A_901 = arith.constant 49152 : i32
      %add3A_902 = arith.addi %add3A_900, %add3A_901 : i32
      %dma_start3A_903 = tpu.memref_slice %arg7[%add3A_902] : memref<10240000xf32, #tpu.memory_space<hbm>> -> memref<4096xf32, #tpu.memory_space<hbm>>
      %dma_start3A_904 = tpu.memref_slice %arg7[%add3A_902] : memref<10240000xf32, #tpu.memory_space<hbm>> -> memref<4096xf32, #tpu.memory_space<hbm>>
      tpu.enqueue_dma source(%arg15 : memref<4096xf32, #tpu.memory_space<vmem>>) target(%dma_start3A_904 : memref<4096xf32, #tpu.memory_space<hbm>>) target_semaphore(%arg19 : memref<!tpu.dma_semaphore, #tpu.memory_space<semaphore_mem>>)
      %dma_wait3A_905 = tpu.memref_slice %arg8[%add3A_895] : memref<1064960xf32, #tpu.memory_space<vmem_shared>> -> memref<4096xf32, #tpu.memory_space<vmem_shared>>
      %dma_wait3A_906 = tpu.memref_slice %arg8[%add3A_895] : memref<1064960xf32, #tpu.memory_space<vmem_shared>> -> memref<4096xf32, #tpu.memory_space<vmem_shared>>
      tpu.wait_dma2 semaphore(%arg17 : memref<!tpu.dma_semaphore, #tpu.memory_space<semaphore_mem>>) src(%dma_wait3A_906 : memref<4096xf32, #tpu.memory_space<vmem_shared>>) dst(%arg16 : memref<4096xf32, #tpu.memory_space<vmem>>)
      %mul3A_907 = arith.constant 65536 : i32
      %mul3A_908 = arith.muli %arg1, %mul3A_907 : i32
      %add3A_909 = arith.constant 53248 : i32
      %add3A_910 = arith.addi %mul3A_908, %add3A_909 : i32
      %dma_start3A_911 = tpu.memref_slice %arg8[%add3A_910] : memref<1064960xf32, #tpu.memory_space<vmem_shared>> -> memref<4096xf32, #tpu.memory_space<vmem_shared>>
      %dma_start3A_912 = tpu.memref_slice %arg8[%add3A_910] : memref<1064960xf32, #tpu.memory_space<vmem_shared>> -> memref<4096xf32, #tpu.memory_space<vmem_shared>>
      tpu.enqueue_dma source(%arg14 : memref<4096xf32, #tpu.memory_space<vmem>>) target(%dma_start3A_912 : memref<4096xf32, #tpu.memory_space<vmem_shared>>) target_semaphore(%arg20 : memref<!tpu.dma_semaphore, #tpu.memory_space<semaphore_mem>>)
      %dma_wait3A_913 = tpu.memref_slice %arg7[%add3A_902] : memref<10240000xf32, #tpu.memory_space<hbm>> -> memref<4096xf32, #tpu.memory_space<hbm>>
      %dma_wait3A_914 = tpu.memref_slice %arg7[%add3A_902] : memref<10240000xf32, #tpu.memory_space<hbm>> -> memref<4096xf32, #tpu.memory_space<hbm>>
      tpu.wait_dma2 semaphore(%arg19 : memref<!tpu.dma_semaphore, #tpu.memory_space<semaphore_mem>>) src(%arg15 : memref<4096xf32, #tpu.memory_space<vmem>>) dst(%dma_wait3A_914 : memref<4096xf32, #tpu.memory_space<hbm>>)
      %mul3A_915 = arith.constant 65536 : i32
      %mul3A_916 = arith.muli %arg1, %mul3A_915 : i32
      %add3A_917 = arith.constant 57344 : i32
      %add3A_918 = arith.addi %mul3A_916, %add3A_917 : i32
      %dma_start3A_919 = tpu.memref_slice %arg8[%add3A_918] : memref<1064960xf32, #tpu.memory_space<vmem_shared>> -> memref<4096xf32, #tpu.memory_space<vmem_shared>>
      %dma_start3A_920 = tpu.memref_slice %arg8[%add3A_918] : memref<1064960xf32, #tpu.memory_space<vmem_shared>> -> memref<4096xf32, #tpu.memory_space<vmem_shared>>
      tpu.enqueue_dma source(%dma_start3A_920 : memref<4096xf32, #tpu.memory_space<vmem_shared>>) target(%arg15 : memref<4096xf32, #tpu.memory_space<vmem>>) target_semaphore(%arg17 : memref<!tpu.dma_semaphore, #tpu.memory_space<semaphore_mem>>)
      %mul3A_921 = arith.constant 65536 : i32
      %mul3A_922 = arith.muli %arg1, %mul3A_921 : i32
      %add3A_923 = arith.addi %min3A_230, %mul3A_922 : i32
      %add3A_924 = arith.constant 53248 : i32
      %add3A_925 = arith.addi %add3A_923, %add3A_924 : i32
      %dma_start3A_926 = tpu.memref_slice %arg7[%add3A_925] : memref<10240000xf32, #tpu.memory_space<hbm>> -> memref<4096xf32, #tpu.memory_space<hbm>>
      %dma_start3A_927 = tpu.memref_slice %arg7[%add3A_925] : memref<10240000xf32, #tpu.memory_space<hbm>> -> memref<4096xf32, #tpu.memory_space<hbm>>
      tpu.enqueue_dma source(%arg16 : memref<4096xf32, #tpu.memory_space<vmem>>) target(%dma_start3A_927 : memref<4096xf32, #tpu.memory_space<hbm>>) target_semaphore(%arg19 : memref<!tpu.dma_semaphore, #tpu.memory_space<semaphore_mem>>)
      %dma_wait3A_928 = tpu.memref_slice %arg8[%add3A_918] : memref<1064960xf32, #tpu.memory_space<vmem_shared>> -> memref<4096xf32, #tpu.memory_space<vmem_shared>>
      %dma_wait3A_929 = tpu.memref_slice %arg8[%add3A_918] : memref<1064960xf32, #tpu.memory_space<vmem_shared>> -> memref<4096xf32, #tpu.memory_space<vmem_shared>>
      tpu.wait_dma2 semaphore(%arg17 : memref<!tpu.dma_semaphore, #tpu.memory_space<semaphore_mem>>) src(%dma_wait3A_929 : memref<4096xf32, #tpu.memory_space<vmem_shared>>) dst(%arg15 : memref<4096xf32, #tpu.memory_space<vmem>>)
      %mul3A_930 = arith.constant 65536 : i32
      %mul3A_931 = arith.muli %arg1, %mul3A_930 : i32
      %add3A_932 = arith.constant 57344 : i32
      %add3A_933 = arith.addi %mul3A_931, %add3A_932 : i32
      %dma_start3A_934 = tpu.memref_slice %arg8[%add3A_933] : memref<1064960xf32, #tpu.memory_space<vmem_shared>> -> memref<4096xf32, #tpu.memory_space<vmem_shared>>
      %dma_start3A_935 = tpu.memref_slice %arg8[%add3A_933] : memref<1064960xf32, #tpu.memory_space<vmem_shared>> -> memref<4096xf32, #tpu.memory_space<vmem_shared>>
      tpu.enqueue_dma source(%arg14 : memref<4096xf32, #tpu.memory_space<vmem>>) target(%dma_start3A_935 : memref<4096xf32, #tpu.memory_space<vmem_shared>>) target_semaphore(%arg20 : memref<!tpu.dma_semaphore, #tpu.memory_space<semaphore_mem>>)
      %dma_wait3A_936 = tpu.memref_slice %arg7[%add3A_925] : memref<10240000xf32, #tpu.memory_space<hbm>> -> memref<4096xf32, #tpu.memory_space<hbm>>
      %dma_wait3A_937 = tpu.memref_slice %arg7[%add3A_925] : memref<10240000xf32, #tpu.memory_space<hbm>> -> memref<4096xf32, #tpu.memory_space<hbm>>
      tpu.wait_dma2 semaphore(%arg19 : memref<!tpu.dma_semaphore, #tpu.memory_space<semaphore_mem>>) src(%arg16 : memref<4096xf32, #tpu.memory_space<vmem>>) dst(%dma_wait3A_937 : memref<4096xf32, #tpu.memory_space<hbm>>)
      %mul3A_938 = arith.constant 65536 : i32
      %mul3A_939 = arith.muli %arg1, %mul3A_938 : i32
      %add3A_940 = arith.constant 61440 : i32
      %add3A_941 = arith.addi %mul3A_939, %add3A_940 : i32
      %dma_start3A_942 = tpu.memref_slice %arg8[%add3A_941] : memref<1064960xf32, #tpu.memory_space<vmem_shared>> -> memref<4096xf32, #tpu.memory_space<vmem_shared>>
      %dma_start3A_943 = tpu.memref_slice %arg8[%add3A_941] : memref<1064960xf32, #tpu.memory_space<vmem_shared>> -> memref<4096xf32, #tpu.memory_space<vmem_shared>>
      tpu.enqueue_dma source(%dma_start3A_943 : memref<4096xf32, #tpu.memory_space<vmem_shared>>) target(%arg16 : memref<4096xf32, #tpu.memory_space<vmem>>) target_semaphore(%arg17 : memref<!tpu.dma_semaphore, #tpu.memory_space<semaphore_mem>>)
      %mul3A_944 = arith.constant 65536 : i32
      %mul3A_945 = arith.muli %arg1, %mul3A_944 : i32
      %add3A_946 = arith.addi %min3A_230, %mul3A_945 : i32
      %add3A_947 = arith.constant 57344 : i32
      %add3A_948 = arith.addi %add3A_946, %add3A_947 : i32
      %dma_start3A_949 = tpu.memref_slice %arg7[%add3A_948] : memref<10240000xf32, #tpu.memory_space<hbm>> -> memref<4096xf32, #tpu.memory_space<hbm>>
      %dma_start3A_950 = tpu.memref_slice %arg7[%add3A_948] : memref<10240000xf32, #tpu.memory_space<hbm>> -> memref<4096xf32, #tpu.memory_space<hbm>>
      tpu.enqueue_dma source(%arg15 : memref<4096xf32, #tpu.memory_space<vmem>>) target(%dma_start3A_950 : memref<4096xf32, #tpu.memory_space<hbm>>) target_semaphore(%arg19 : memref<!tpu.dma_semaphore, #tpu.memory_space<semaphore_mem>>)
      %dma_wait3A_951 = tpu.memref_slice %arg8[%add3A_941] : memref<1064960xf32, #tpu.memory_space<vmem_shared>> -> memref<4096xf32, #tpu.memory_space<vmem_shared>>
      %dma_wait3A_952 = tpu.memref_slice %arg8[%add3A_941] : memref<1064960xf32, #tpu.memory_space<vmem_shared>> -> memref<4096xf32, #tpu.memory_space<vmem_shared>>
      tpu.wait_dma2 semaphore(%arg17 : memref<!tpu.dma_semaphore, #tpu.memory_space<semaphore_mem>>) src(%dma_wait3A_952 : memref<4096xf32, #tpu.memory_space<vmem_shared>>) dst(%arg16 : memref<4096xf32, #tpu.memory_space<vmem>>)
      %mul3A_953 = arith.constant 65536 : i32
      %mul3A_954 = arith.muli %arg1, %mul3A_953 : i32
      %add3A_955 = arith.constant 61440 : i32
      %add3A_956 = arith.addi %mul3A_954, %add3A_955 : i32
      %dma_start3A_957 = tpu.memref_slice %arg8[%add3A_956] : memref<1064960xf32, #tpu.memory_space<vmem_shared>> -> memref<4096xf32, #tpu.memory_space<vmem_shared>>
      %dma_start3A_958 = tpu.memref_slice %arg8[%add3A_956] : memref<1064960xf32, #tpu.memory_space<vmem_shared>> -> memref<4096xf32, #tpu.memory_space<vmem_shared>>
      tpu.enqueue_dma source(%arg14 : memref<4096xf32, #tpu.memory_space<vmem>>) target(%dma_start3A_958 : memref<4096xf32, #tpu.memory_space<vmem_shared>>) target_semaphore(%arg20 : memref<!tpu.dma_semaphore, #tpu.memory_space<semaphore_mem>>)
      %mul3A_959 = arith.constant 65536 : i32
      %mul3A_960 = arith.muli %arg1, %mul3A_959 : i32
      %add3A_961 = arith.addi %min3A_230, %mul3A_960 : i32
      %add3A_962 = arith.constant 61440 : i32
      %add3A_963 = arith.addi %add3A_961, %add3A_962 : i32
      %dma_start3A_964 = tpu.memref_slice %arg7[%add3A_963] : memref<10240000xf32, #tpu.memory_space<hbm>> -> memref<4096xf32, #tpu.memory_space<hbm>>
      %dma_start3A_965 = tpu.memref_slice %arg7[%add3A_963] : memref<10240000xf32, #tpu.memory_space<hbm>> -> memref<4096xf32, #tpu.memory_space<hbm>>
      tpu.enqueue_dma source(%arg16 : memref<4096xf32, #tpu.memory_space<vmem>>) target(%dma_start3A_965 : memref<4096xf32, #tpu.memory_space<hbm>>) target_semaphore(%arg19 : memref<!tpu.dma_semaphore, #tpu.memory_space<semaphore_mem>>)
      %dma_wait3A_966 = tpu.memref_slice %arg7[%add3A_948] : memref<10240000xf32, #tpu.memory_space<hbm>> -> memref<4096xf32, #tpu.memory_space<hbm>>
      %dma_wait3A_967 = tpu.memref_slice %arg7[%add3A_948] : memref<10240000xf32, #tpu.memory_space<hbm>> -> memref<4096xf32, #tpu.memory_space<hbm>>
      tpu.wait_dma2 semaphore(%arg19 : memref<!tpu.dma_semaphore, #tpu.memory_space<semaphore_mem>>) src(%arg15 : memref<4096xf32, #tpu.memory_space<vmem>>) dst(%dma_wait3A_967 : memref<4096xf32, #tpu.memory_space<hbm>>)
      %dma_wait3A_968 = tpu.memref_slice %arg7[%add3A_963] : memref<10240000xf32, #tpu.memory_space<hbm>> -> memref<4096xf32, #tpu.memory_space<hbm>>
      %dma_wait3A_969 = tpu.memref_slice %arg7[%add3A_963] : memref<10240000xf32, #tpu.memory_space<hbm>> -> memref<4096xf32, #tpu.memory_space<hbm>>
      tpu.wait_dma2 semaphore(%arg19 : memref<!tpu.dma_semaphore, #tpu.memory_space<semaphore_mem>>) src(%arg16 : memref<4096xf32, #tpu.memory_space<vmem>>) dst(%dma_wait3A_969 : memref<4096xf32, #tpu.memory_space<hbm>>)
      %dma_wait3A_970 = tpu.memref_slice %arg8[%add3A_613] : memref<1064960xf32, #tpu.memory_space<vmem_shared>> -> memref<4096xf32, #tpu.memory_space<vmem_shared>>
      %dma_wait3A_971 = tpu.memref_slice %arg8[%add3A_613] : memref<1064960xf32, #tpu.memory_space<vmem_shared>> -> memref<4096xf32, #tpu.memory_space<vmem_shared>>
      tpu.wait_dma2 semaphore(%arg20 : memref<!tpu.dma_semaphore, #tpu.memory_space<semaphore_mem>>) src(%arg14 : memref<4096xf32, #tpu.memory_space<vmem>>) dst(%dma_wait3A_971 : memref<4096xf32, #tpu.memory_space<vmem_shared>>)
      %dma_wait3A_972 = tpu.memref_slice %arg8[%add3A_634] : memref<1064960xf32, #tpu.memory_space<vmem_shared>> -> memref<4096xf32, #tpu.memory_space<vmem_shared>>
      %dma_wait3A_973 = tpu.memref_slice %arg8[%add3A_634] : memref<1064960xf32, #tpu.memory_space<vmem_shared>> -> memref<4096xf32, #tpu.memory_space<vmem_shared>>
      tpu.wait_dma2 semaphore(%arg20 : memref<!tpu.dma_semaphore, #tpu.memory_space<semaphore_mem>>) src(%arg14 : memref<4096xf32, #tpu.memory_space<vmem>>) dst(%dma_wait3A_973 : memref<4096xf32, #tpu.memory_space<vmem_shared>>)
      %dma_wait3A_974 = tpu.memref_slice %arg8[%add3A_657] : memref<1064960xf32, #tpu.memory_space<vmem_shared>> -> memref<4096xf32, #tpu.memory_space<vmem_shared>>
      %dma_wait3A_975 = tpu.memref_slice %arg8[%add3A_657] : memref<1064960xf32, #tpu.memory_space<vmem_shared>> -> memref<4096xf32, #tpu.memory_space<vmem_shared>>
      tpu.wait_dma2 semaphore(%arg20 : memref<!tpu.dma_semaphore, #tpu.memory_space<semaphore_mem>>) src(%arg14 : memref<4096xf32, #tpu.memory_space<vmem>>) dst(%dma_wait3A_975 : memref<4096xf32, #tpu.memory_space<vmem_shared>>)
      %dma_wait3A_976 = tpu.memref_slice %arg8[%add3A_680] : memref<1064960xf32, #tpu.memory_space<vmem_shared>> -> memref<4096xf32, #tpu.memory_space<vmem_shared>>
      %dma_wait3A_977 = tpu.memref_slice %arg8[%add3A_680] : memref<1064960xf32, #tpu.memory_space<vmem_shared>> -> memref<4096xf32, #tpu.memory_space<vmem_shared>>
      tpu.wait_dma2 semaphore(%arg20 : memref<!tpu.dma_semaphore, #tpu.memory_space<semaphore_mem>>) src(%arg14 : memref<4096xf32, #tpu.memory_space<vmem>>) dst(%dma_wait3A_977 : memref<4096xf32, #tpu.memory_space<vmem_shared>>)
      %dma_wait3A_978 = tpu.memref_slice %arg8[%add3A_703] : memref<1064960xf32, #tpu.memory_space<vmem_shared>> -> memref<4096xf32, #tpu.memory_space<vmem_shared>>
      %dma_wait3A_979 = tpu.memref_slice %arg8[%add3A_703] : memref<1064960xf32, #tpu.memory_space<vmem_shared>> -> memref<4096xf32, #tpu.memory_space<vmem_shared>>
      tpu.wait_dma2 semaphore(%arg20 : memref<!tpu.dma_semaphore, #tpu.memory_space<semaphore_mem>>) src(%arg14 : memref<4096xf32, #tpu.memory_space<vmem>>) dst(%dma_wait3A_979 : memref<4096xf32, #tpu.memory_space<vmem_shared>>)
      %dma_wait3A_980 = tpu.memref_slice %arg8[%add3A_726] : memref<1064960xf32, #tpu.memory_space<vmem_shared>> -> memref<4096xf32, #tpu.memory_space<vmem_shared>>
      %dma_wait3A_981 = tpu.memref_slice %arg8[%add3A_726] : memref<1064960xf32, #tpu.memory_space<vmem_shared>> -> memref<4096xf32, #tpu.memory_space<vmem_shared>>
      tpu.wait_dma2 semaphore(%arg20 : memref<!tpu.dma_semaphore, #tpu.memory_space<semaphore_mem>>) src(%arg14 : memref<4096xf32, #tpu.memory_space<vmem>>) dst(%dma_wait3A_981 : memref<4096xf32, #tpu.memory_space<vmem_shared>>)
      %dma_wait3A_982 = tpu.memref_slice %arg8[%add3A_749] : memref<1064960xf32, #tpu.memory_space<vmem_shared>> -> memref<4096xf32, #tpu.memory_space<vmem_shared>>
      %dma_wait3A_983 = tpu.memref_slice %arg8[%add3A_749] : memref<1064960xf32, #tpu.memory_space<vmem_shared>> -> memref<4096xf32, #tpu.memory_space<vmem_shared>>
      tpu.wait_dma2 semaphore(%arg20 : memref<!tpu.dma_semaphore, #tpu.memory_space<semaphore_mem>>) src(%arg14 : memref<4096xf32, #tpu.memory_space<vmem>>) dst(%dma_wait3A_983 : memref<4096xf32, #tpu.memory_space<vmem_shared>>)
      %dma_wait3A_984 = tpu.memref_slice %arg8[%add3A_772] : memref<1064960xf32, #tpu.memory_space<vmem_shared>> -> memref<4096xf32, #tpu.memory_space<vmem_shared>>
      %dma_wait3A_985 = tpu.memref_slice %arg8[%add3A_772] : memref<1064960xf32, #tpu.memory_space<vmem_shared>> -> memref<4096xf32, #tpu.memory_space<vmem_shared>>
      tpu.wait_dma2 semaphore(%arg20 : memref<!tpu.dma_semaphore, #tpu.memory_space<semaphore_mem>>) src(%arg14 : memref<4096xf32, #tpu.memory_space<vmem>>) dst(%dma_wait3A_985 : memref<4096xf32, #tpu.memory_space<vmem_shared>>)
      %dma_wait3A_986 = tpu.memref_slice %arg8[%add3A_795] : memref<1064960xf32, #tpu.memory_space<vmem_shared>> -> memref<4096xf32, #tpu.memory_space<vmem_shared>>
      %dma_wait3A_987 = tpu.memref_slice %arg8[%add3A_795] : memref<1064960xf32, #tpu.memory_space<vmem_shared>> -> memref<4096xf32, #tpu.memory_space<vmem_shared>>
      tpu.wait_dma2 semaphore(%arg20 : memref<!tpu.dma_semaphore, #tpu.memory_space<semaphore_mem>>) src(%arg14 : memref<4096xf32, #tpu.memory_space<vmem>>) dst(%dma_wait3A_987 : memref<4096xf32, #tpu.memory_space<vmem_shared>>)
      %dma_wait3A_988 = tpu.memref_slice %arg8[%add3A_818] : memref<1064960xf32, #tpu.memory_space<vmem_shared>> -> memref<4096xf32, #tpu.memory_space<vmem_shared>>
      %dma_wait3A_989 = tpu.memref_slice %arg8[%add3A_818] : memref<1064960xf32, #tpu.memory_space<vmem_shared>> -> memref<4096xf32, #tpu.memory_space<vmem_shared>>
      tpu.wait_dma2 semaphore(%arg20 : memref<!tpu.dma_semaphore, #tpu.memory_space<semaphore_mem>>) src(%arg14 : memref<4096xf32, #tpu.memory_space<vmem>>) dst(%dma_wait3A_989 : memref<4096xf32, #tpu.memory_space<vmem_shared>>)
      %dma_wait3A_990 = tpu.memref_slice %arg8[%add3A_841] : memref<1064960xf32, #tpu.memory_space<vmem_shared>> -> memref<4096xf32, #tpu.memory_space<vmem_shared>>
      %dma_wait3A_991 = tpu.memref_slice %arg8[%add3A_841] : memref<1064960xf32, #tpu.memory_space<vmem_shared>> -> memref<4096xf32, #tpu.memory_space<vmem_shared>>
      tpu.wait_dma2 semaphore(%arg20 : memref<!tpu.dma_semaphore, #tpu.memory_space<semaphore_mem>>) src(%arg14 : memref<4096xf32, #tpu.memory_space<vmem>>) dst(%dma_wait3A_991 : memref<4096xf32, #tpu.memory_space<vmem_shared>>)
      %dma_wait3A_992 = tpu.memref_slice %arg8[%add3A_864] : memref<1064960xf32, #tpu.memory_space<vmem_shared>> -> memref<4096xf32, #tpu.memory_space<vmem_shared>>
      %dma_wait3A_993 = tpu.memref_slice %arg8[%add3A_864] : memref<1064960xf32, #tpu.memory_space<vmem_shared>> -> memref<4096xf32, #tpu.memory_space<vmem_shared>>
      tpu.wait_dma2 semaphore(%arg20 : memref<!tpu.dma_semaphore, #tpu.memory_space<semaphore_mem>>) src(%arg14 : memref<4096xf32, #tpu.memory_space<vmem>>) dst(%dma_wait3A_993 : memref<4096xf32, #tpu.memory_space<vmem_shared>>)
      %dma_wait3A_994 = tpu.memref_slice %arg8[%add3A_887] : memref<1064960xf32, #tpu.memory_space<vmem_shared>> -> memref<4096xf32, #tpu.memory_space<vmem_shared>>
      %dma_wait3A_995 = tpu.memref_slice %arg8[%add3A_887] : memref<1064960xf32, #tpu.memory_space<vmem_shared>> -> memref<4096xf32, #tpu.memory_space<vmem_shared>>
      tpu.wait_dma2 semaphore(%arg20 : memref<!tpu.dma_semaphore, #tpu.memory_space<semaphore_mem>>) src(%arg14 : memref<4096xf32, #tpu.memory_space<vmem>>) dst(%dma_wait3A_995 : memref<4096xf32, #tpu.memory_space<vmem_shared>>)
      %dma_wait3A_996 = tpu.memref_slice %arg8[%add3A_910] : memref<1064960xf32, #tpu.memory_space<vmem_shared>> -> memref<4096xf32, #tpu.memory_space<vmem_shared>>
      %dma_wait3A_997 = tpu.memref_slice %arg8[%add3A_910] : memref<1064960xf32, #tpu.memory_space<vmem_shared>> -> memref<4096xf32, #tpu.memory_space<vmem_shared>>
      tpu.wait_dma2 semaphore(%arg20 : memref<!tpu.dma_semaphore, #tpu.memory_space<semaphore_mem>>) src(%arg14 : memref<4096xf32, #tpu.memory_space<vmem>>) dst(%dma_wait3A_997 : memref<4096xf32, #tpu.memory_space<vmem_shared>>)
      %dma_wait3A_998 = tpu.memref_slice %arg8[%add3A_933] : memref<1064960xf32, #tpu.memory_space<vmem_shared>> -> memref<4096xf32, #tpu.memory_space<vmem_shared>>
      %dma_wait3A_999 = tpu.memref_slice %arg8[%add3A_933] : memref<1064960xf32, #tpu.memory_space<vmem_shared>> -> memref<4096xf32, #tpu.memory_space<vmem_shared>>
      tpu.wait_dma2 semaphore(%arg20 : memref<!tpu.dma_semaphore, #tpu.memory_space<semaphore_mem>>) src(%arg14 : memref<4096xf32, #tpu.memory_space<vmem>>) dst(%dma_wait3A_999 : memref<4096xf32, #tpu.memory_space<vmem_shared>>)
      %dma_wait3A_1000 = tpu.memref_slice %arg8[%add3A_956] : memref<1064960xf32, #tpu.memory_space<vmem_shared>> -> memref<4096xf32, #tpu.memory_space<vmem_shared>>
      %dma_wait3A_1001 = tpu.memref_slice %arg8[%add3A_956] : memref<1064960xf32, #tpu.memory_space<vmem_shared>> -> memref<4096xf32, #tpu.memory_space<vmem_shared>>
      tpu.wait_dma2 semaphore(%arg20 : memref<!tpu.dma_semaphore, #tpu.memory_space<semaphore_mem>>) src(%arg14 : memref<4096xf32, #tpu.memory_space<vmem>>) dst(%dma_wait3A_1001 : memref<4096xf32, #tpu.memory_space<vmem_shared>>)
      %barrier3A_1002 = arith.constant 0 : index
      tpu.barrier barrier_id(%barrier3A_1002)
    }
    return
  }
}

module attributes {stable_mosaic.version = 14 : i64} {
  func.func @_tc_body(%arg0: i32, %arg1: memref<1024x512xf32, #tpu.memory_space<vmem>>, %arg2: memref<1000x512xf32, #tpu.memory_space<vmem>>, %arg3: memref<1000x8x128xf32, #tpu.memory_space<vmem>>, %arg4: memref<1000x8x128xf32, #tpu.memory_space<vmem>>, %arg5: memref<1000x1024xf32, #tpu.memory_space<vmem>>, %arg6: memref<1000x1024xf32, #tpu.memory_space<vmem>>) attributes {dimension_semantics = [#tpu.dimension_semantics<arbitrary>], iteration_bounds = array<i64: 10>, scalar_prefetch = 0 : i64, scratch_operands = 0 : i64, tpu.core_type = #tpu.core_type<tc>, window_params = [{transform_indices = @transform_0, window_bounds = array<i64: 1024, 512>}, {pipeline_mode = #tpu.pipeline_mode<synchronous>, transform_indices = @transform_1, window_bounds = array<i64: 1000, 512>}, {transform_indices = @transform_2, window_bounds = array<i64: 1000, 8, 128>}, {transform_indices = @transform_3, window_bounds = array<i64: 1000, 8, 128>}, {transform_indices = @transform_4, window_bounds = array<i64: 1000, 1024>}, {transform_indices = @transform_5, window_bounds = array<i64: 1000, 1024>}]} {
    %get3A = arith.constant 0 : index
    %get3A_0 = arith.constant 0 : index
    %get3A_1 = vector.load %arg2[%get3A, %get3A_0] : memref<1000x512xf32, #tpu.memory_space<vmem>>, vector<1000x512xf32>
    %get3A_2 = arith.constant 0 : index
    %get3A_3 = arith.constant 0 : index
    %get3A_4 = vector.load %arg1[%get3A_2, %get3A_3] : memref<1024x512xf32, #tpu.memory_space<vmem>>, vector<1024x512xf32>
    %dot_general3A = arith.constant dense<0.000000e+00> : vector<1000x1024xf32>
    %dot_general3A_5 = tpu.matmul %get3A_1, %get3A_4, %dot_general3A {dimension_numbers = #tpu.dot_dimension_numbers<[1], [1], [0], [0], [0, 0, 1, 0], [], []>, transpose_lhs_hint = false} : vector<1000x512xf32>, vector<1024x512xf32>, vector<1000x1024xf32> -> vector<1000x1024xf32>
    %get3A_6 = arith.constant 0 : index
    %get3A_7 = arith.constant 0 : index
    %get3A_8 = arith.constant 0 : index
    %get3A_9 = vector.load %arg3[%get3A_6, %get3A_7, %get3A_8] : memref<1000x8x128xf32, #tpu.memory_space<vmem>>, vector<1000x8x128xf32>
    %reshape3A = vector.shape_cast %get3A_9 : vector<1000x8x128xf32> to vector<1000x1024xf32>
    %mul3A = arith.mulf %dot_general3A_5, %reshape3A : vector<1000x1024xf32>
    %swap3A = arith.constant 0 : index
    %swap3A_10 = arith.constant 0 : index
    %swap3A_11 = vector.load %arg5[%swap3A, %swap3A_10] : memref<1000x1024xf32, #tpu.memory_space<vmem>>, vector<1000x1024xf32>
    tpu.vector_store %arg5[%swap3A, %swap3A_10], %mul3A {strides = array<i32>} : memref<1000x1024xf32, #tpu.memory_space<vmem>>, vector<1000x1024xf32>,
    %get3A_12 = arith.constant 0 : index
    %get3A_13 = arith.constant 0 : index
    %get3A_14 = arith.constant 0 : index
    %get3A_15 = vector.load %arg4[%get3A_12, %get3A_13, %get3A_14] : memref<1000x8x128xf32, #tpu.memory_space<vmem>>, vector<1000x8x128xf32>
    %reshape3A_16 = vector.shape_cast %get3A_15 : vector<1000x8x128xf32> to vector<1000x1024xf32>
    %swap3A_17 = arith.constant 0 : index
    %swap3A_18 = arith.constant 0 : index
    %swap3A_19 = vector.load %arg6[%swap3A_17, %swap3A_18] : memref<1000x1024xf32, #tpu.memory_space<vmem>>, vector<1000x1024xf32>
    tpu.vector_store %arg6[%swap3A_17, %swap3A_18], %reshape3A_16 {strides = array<i32>} : memref<1000x1024xf32, #tpu.memory_space<vmem>>, vector<1000x1024xf32>,
    return
  }
  func.func @transform_0(%arg0: i32) -> (i32, i32) {
    %c0_i32 = arith.constant 0 : i32
    %c0_i32_0 = arith.constant 0 : i32
    return %arg0, %c0_i32 : i32, i32
  }
  func.func @transform_1(%arg0: i32) -> (i32, i32) {
    %c0_i32 = arith.constant 0 : i32
    %c0_i32_0 = arith.constant 0 : i32
    %c0_i32_1 = arith.constant 0 : i32
    return %c0_i32, %c0_i32_0 : i32, i32
  }
  func.func @transform_2(%arg0: i32) -> (i32, i32, i32) {
    %c0_i32 = arith.constant 0 : i32
    %c0_i32_0 = arith.constant 0 : i32
    %c0_i32_1 = arith.constant 0 : i32
    return %c0_i32, %arg0, %c0_i32_0 : i32, i32, i32
  }
  func.func @transform_3(%arg0: i32) -> (i32, i32, i32) {
    %c0_i32 = arith.constant 0 : i32
    %c0_i32_0 = arith.constant 0 : i32
    %c0_i32_1 = arith.constant 0 : i32
    return %c0_i32, %arg0, %c0_i32_0 : i32, i32, i32
  }
  func.func @transform_4(%arg0: i32) -> (i32, i32) {
    %c0_i32 = arith.constant 0 : i32
    %c0_i32_0 = arith.constant 0 : i32
    return %c0_i32, %arg0 : i32, i32
  }
  func.func @transform_5(%arg0: i32) -> (i32, i32) {
    %c0_i32 = arith.constant 0 : i32
    %c0_i32_0 = arith.constant 0 : i32
    return %c0_i32, %arg0 : i32, i32
  }
}

</mosaic_0001>

<sc_bundles>
// kernel: kernel.4.cloned.1.call-start
scs
__scs_entry_jumppad:
0x0: {  	(pc) =	sbr.rel $0x88, $3  }
0x1: {  	(tag) =	ssettag $0x0;
	lr =	simm.s32 $0x1  }
0x2: {  	[smem:$0x3F9B] =	sst lr;
	_ =	strace $0xD0000000  }
0x3: {  	_ = 	snop  }
0x4: {  	_ = 	snop  }
0x5: {  	_ = 	snop  }
0x6: {  	_ = 	snop  }
0x7: {  	_ = 	snop  }
__scs_overlays_trampoline_lowered:
0x8: {  	[smem:$0x3FAA] =	sst s0  }
0x9: {  	[smem:$0x3FAB] =	sst s1  }
0xa: {  	[smem:$0x3FAC] =	sst s2  }
0xb: {  	[smem:$0x3FAD] =	sst s3  }
0xc: {  	[smem:$0x3FAE] =	sst s4  }
0xd: {  	[smem:$0x3FAF] =	sst s5  }
0xe: {  	[smem:$0x3FB0] =	sst s6  }
0xf: {  	[smem:$0x3FB1] =	sst s7  }
0x10: {  	[smem:$0x3FB2] =	sst s8  }
0x11: {  	[smem:$0x3FB3] =	sst s9;
	s0 =	simm.s32 @!p0 $0x0  }
0x12: {  	s1 =	sld [smem:$0x3F99];
	s0 =	simm.s32 @p0 $0x1  }
0x13: {  	[smem:$0x3FB4] =	sst s0;
	s0 =	simm.s32 @!p1 $0x0  }
0x14: {  	s2 =	sld [smem:$0x3F98];
	s0 =	simm.s32 @p1 $0x1  }
0x15: {  	[smem:$0x3FB5] =	sst s0;
	s0 =	simm.s32 @!p2 $0x0  }
0x16: {  	s3 =	sld [smem:$0x3FDB];
	s0 =	simm.s32 @p2 $0x1  }
0x17: {  	s4 =	simm.s32 $0x1BF5;
	[smem:$0x3FB7] =	sst s0  }
0x18: {  	s0 =	sld [smem:$0x3F9A];
	_ =	swait.ge [sflag:s4], $0x0  }
0x19: {  	s7 =	sld [smem:$0x3F9B]  }
0x1a: {  	s8 =	sadd.s32 $0xFFFFE003, lr  }
0x1b: {  	s9 =	sadd.s32 $0xFFFFFEF7, lr;
	s5 =	simm.s32 $0xFFFFFFFF;
	p2 =	slt.u32 s8, $0xFFFFF086  }
0x1c: {  	p1 =	slt.u32 s9, $0xF7A;
	s5 =	simm.s32 @!p2 $0x0  }
0x1d: {  	s5 =	simm.s32 @p1 $0x1;
	p0 =	seq.s32 s7, s2  }
0x1e: {  	s7 =	smul.u32 @!p0 $0xF7A, s2;
	p2 =	seq.s32 @!p0 s5, $0x0  }
0x1f: {  	s9 =	smul.u32 $0xF7A, s1;
	s8 =	simm.s32 @!p0 $0x1BF5;
	p2 =	por !p2, p0  }
0x20: {  	[sflag:s8] =	ssyncset.s32 @!p0 $0xFFFFF086;
	s6 =	sadd.s32 @!p0 s3, s7;
	s7 =	simm.s32 @!p0 $0x108  }
0x21: {  	s3 =	sadd.s32 s3, s9;
	s6 =	sadd.s32 @!p0 $0x88, s6;
	s7 =	simm.s32 @p2 $0x1082  }
0x22: {  	[simem:s7], [sflag:s8] =	dma.local @!p0 [hbm:s6], $0xF7A  }
0x23: {  	s9 =	sor.u32 $0xD0000000, s2;
	s6 =	simm.s32 $0x108;
	_ =	swait.ge @!p0 [sflag:s8], $0x0  }
0x24: {  	s3 =	sadd.s32 $0x88, s3;
	s6 =	simm.s32 @!p1 $0x1082;
	[sflag:s4] =	ssyncset.s32 $0xFFFFF086  }
0x25: {  	[simem:s6], [sflag:s4] =	dma.local [hbm:s3], $0xF7A  }
0x26: {  	[smem:$0x3F9B] =	sst s1;
	(tag) =	ssettag s2;
	_ =	strace s9  }
0x27: {  	s1 =	sld [smem:$0x3FAB]  }
0x28: {  	s2 =	sld [smem:$0x3FAC]  }
0x29: {  	s4 =	sld [smem:$0x3FAE]  }
0x2a: {  	p0 =	seq.s32 s5, $0x0;
	s5 =	sld [smem:$0x3FAF]  }
0x2b: {  	s6 =	sld [smem:$0x3FB0]  }
0x2c: {  	s7 =	sld [smem:$0x3FB1]  }
0x2d: {  	s3 =	simm.s32 $0x108;
	s8 =	sld [smem:$0x3FB2]  }
0x2e: {  	s3 =	simm.s32 @!p0 $0x1082;
	s9 =	sld [smem:$0x3FB3]  }
0x2f: {  	lr =	sadd.s32 s0, s3;
	s0 =	sld [smem:$0x3FAA]  }
0x30: {  	s3 =	sld [smem:$0x3FAD]  }
0x31: {  	[smem:$0x3FB6] =	sst s10  }
0x32: {  	s10 =	sld [smem:$0x3FB4];
	_ =	sdelay $0x3  }
0x33: {  	p0 =	seq.s32 s10, $0x1;
	s10 =	sld [smem:$0x3FB6];
	_ =	sdelay $0x3  }
0x34: {  	[smem:$0x3FB6] =	sst s10  }
0x35: {  	s10 =	sld [smem:$0x3FB5];
	_ =	sdelay $0x3  }
0x36: {  	p1 =	seq.s32 s10, $0x1;
	s10 =	sld [smem:$0x3FB6];
	_ =	sdelay $0x3  }
0x37: {  	[smem:$0x3FB6] =	sst s10  }
0x38: {  	s10 =	sld [smem:$0x3FB7]  }
0x39: {  	_ = 	snop;
	(pc) =	sbr.ind lr, $3  }
0x3a: {  	_ = 	snop  }
0x3b: {  	_ = 	snop  }
0x3c: {  	p2 =	seq.s32 s10, $0x1;
	s10 =	sld [smem:$0x3FB6]  }
0x3d: {  	_ =	shalt  }
0x3e: {  	_ =	shalt  }
0x3f: {  	_ =	shalt  }
0x40: {  	_ =	shalt  }
0x41: {  	_ =	shalt  }
0x42: {  	_ =	shalt  }
0x43: {  	_ =	shalt  }
0x44: {  	_ =	shalt  }
0x45: {  	_ =	shalt  }
0x46: {  	_ =	shalt  }
0x47: {  	_ =	shalt  }
0x48: {  	_ =	shalt  }
0x49: {  	_ =	shalt  }
0x4a: {  	_ =	shalt  }
0x4b: {  	_ =	shalt  }
0x4c: {  	_ =	shalt  }
0x4d: {  	_ =	shalt  }
0x4e: {  	_ =	shalt  }
0x4f: {  	_ =	shalt  }
0x50: {  	_ =	shalt  }
0x51: {  	_ =	shalt  }
0x52: {  	_ =	shalt  }
0x53: {  	_ =	shalt  }
0x54: {  	_ =	shalt  }
0x55: {  	_ =	shalt  }
0x56: {  	_ =	shalt  }
0x57: {  	_ =	shalt  }
0x58: {  	_ =	shalt  }
0x59: {  	_ =	shalt  }
0x5a: {  	_ =	shalt  }
0x5b: {  	_ =	shalt  }
0x5c: {  	_ =	shalt  }
0x5d: {  	_ =	shalt  }
0x5e: {  	_ =	shalt  }
0x5f: {  	_ =	shalt  }
0x60: {  	_ =	shalt  }
0x61: {  	_ =	shalt  }
0x62: {  	_ =	shalt  }
0x63: {  	_ =	shalt  }
0x64: {  	_ =	shalt  }
0x65: {  	_ =	shalt  }
0x66: {  	_ =	shalt  }
0x67: {  	_ =	shalt  }
0x68: {  	_ =	shalt  }
0x69: {  	_ =	shalt  }
0x6a: {  	_ =	shalt  }
0x6b: {  	_ =	shalt  }
0x6c: {  	_ =	shalt  }
0x6d: {  	_ =	shalt  }
0x6e: {  	_ =	shalt  }
0x6f: {  	_ =	shalt  }
0x70: {  	_ =	shalt  }
0x71: {  	_ =	shalt  }
0x72: {  	_ =	shalt  }
0x73: {  	_ =	shalt  }
0x74: {  	_ =	shalt  }
0x75: {  	_ =	shalt  }
0x76: {  	_ =	shalt  }
0x77: {  	_ =	shalt  }
0x78: {  	_ =	shalt  }
0x79: {  	_ =	shalt  }
0x7a: {  	_ =	shalt  }
0x7b: {  	_ =	shalt  }
0x7c: {  	_ =	shalt  }
0x7d: {  	_ =	shalt  }
0x7e: {  	_ =	shalt  }
0x7f: {  	_ =	shalt  }
0x80: {  	_ =	shalt  }
0x81: {  	_ =	shalt  }
0x82: {  	_ =	shalt  }
0x83: {  	_ =	shalt  }
0x84: {  	_ =	shalt  }
0x85: {  	_ =	shalt  }
0x86: {  	_ =	shalt  }
0x87: {  	_ =	shalt  }
.Lfunc_end0:
.L_simem_size_0:
called_computation_lowered:
.L_overlay_start_0:
0x88: {  	s2 =	sld [smem:$0x3FD9]  }
0x89: {  	s3 =	sld [smem:$0x3FFE];
	_ =	sdelay $0x1  }
0x8a: {  	s1 =	srdreg.scid  }
0x8b: {  	s0 =	sand.u32 $0x1, s1  }
0x8c: {  	s17 =	sshll.u32 s0, $0xA;
	s2 =	sadd.s32 s3, s2  }
0x8d: {  	s2 =	sadd.s32 s2, s17  }
0x8e: {  	[smem:$0x3FC2] =	sst s2  }
0x8f: {  	_ = 	snop  }
0x90: {  	s2 =	sld [smem:$0x3FC7]  }
0x91: {  	s18 =	sld [smem:$0x3FC6]  }
0x92: {  	s4 =	sld [smem:$0x3FC5]  }
0x93: {  	s5 =	sld [smem:$0x3FC4];
	(tm) =	ssettm $0x1  }
0x94: {  	s6 =	sld [smem:$0x3FFB];
	_ =	sdelay $0x3  }
0x95: {  	_ =	strace s6  }
0x96: {  	s6 =	sld [smem:$0x3FFC];
	_ =	sdelay $0x3  }
0x97: {  	_ =	strace s6  }
0x98: {  	s6 =	sld [smem:$0x3FFD];
	_ =	sdelay $0x3  }
0x99: {  	_ =	strace s6  }
0x9a: {  	_ =	strace $0x8FFFFFFF  }
0x9b: {  	s19 =	sld [smem:$0x3FDB];
	_ =	sdelay $0x1  }
0x9c: {  	s7 =	simm.s32 $_scs_section_size  }
0x9d: {  	s8 =	simm.s32 $_size__tile_overlayer_lowered;
	s9 =	simm.s32 $_tile_overlayer_lowered  }
0x9e: {  	s22 =	simm.s32 $0x1BFF;
	s21 =	sshll.u32 s9, $0x1;
	s6 =	sadd.s32 s7, s19  }
0x9f: {  	s10 =	simm.s32 $0x0;
	s20 =	sshll.u32 s8, $0x1;
	s8 =	sadd.s32 s21, s6  }
0xa0: {  	[timem:s10], [sflag:s22] =	dma.local [hbm:s8], s20  }
0xa1: {  	_ =	swait.ge [sflag:s22], s20  }
0xa2: {  	s7 =	ssub.s32 $0x0, s20;
	[sflag:s22] =	ssyncset.done $0x0  }
0xa3: {  	[sflag:s22] =	ssyncadd.s32 s7;
	_ =	sdelay $0x1  }
0xa4: {  	s23 =	simm.s32 $0x1B8B  }
0xa5: {  	_ =	swait.ge [sflag:s23], $0x1  }
0xa6: {  	[sflag:s23] =	ssyncset.done $0x0  }
0xa7: {  	s25 =	simm.s32 $0x1B8E;
	s24 =	sld [smem:$0x3FFE];
	[sflag:s23] =	ssyncadd.s32 $0xFFFFFFFF  }
0xa8: {  	s26 =	simm.s32 $execute0_lowered;
	[smem:$0x3FD2] =	sst s25  }
0xa9: {  	s8 =	sshll.u32 s26, $0x1;
	_ =	strace $0x80000046;
	[dreg:$0x1] =	wrdreg $0xFFFFFFFF  }
0xaa: {  	s28 =	simm.s32 $_size_execute0_lowered;
	s6 =	sadd.s32 s6, s8;
	[dreg:$0x0] =	wrdreg $0x0  }
0xab: {  	s8 =	sshll.u32 s28, $0x1;
	[dreg:$0x2] =	wrdreg s6  }
0xac: {  	[dreg:$0x3] =	wrdreg s8  }
0xad: {  	[dreg:$0x4] =	wrdreg $0xC0  }
0xae: {  	_ =	task [dreg:s10], $0x5FFFF  }
0xaf: {  	[dreg:$0x1] =	wrdreg $0xFFFFFFFF  }
0xb0: {  	[dreg:$0x0] =	wrdreg $0x60  }
0xb1: {  	[dreg:$0x2] =	wrdreg s2  }
0xb2: {  	[dreg:$0x3] =	wrdreg s18  }
0xb3: {  	[dreg:$0x4] =	wrdreg s4  }
0xb4: {  	[dreg:$0x5] =	wrdreg s5  }
0xb5: {  	[dreg:$0x6] =	wrdreg s24  }
0xb6: {  	[dreg:$0x7] =	wrdreg $0x0  }
0xb7: {  	[dreg:$0x8] =	wrdreg $0x9  }
0xb8: {  	_ =	task.clear_ibuf [dreg:s10], $0x9FFFF;
	_ =	strace $0x90000046  }
0xb9: {  	s29 =	simm.s32 $0x9;
	_ =	strace $0x80000048  }
0xba: {  	_ =	swait.ge [sflag:s29], $0x1  }
0xbb: {  	[sflag:s29] =	ssyncadd.s32 $0xFFFFFFFF  }
0xbc: {  	_ =	strace $0x90000048  }
0xbd: {  	_ =	sfence  }
0xbe: {  	s30 =	sld [smem:$0x0];
	_ =	sdelay $0x2  }
0xbf: {  	s31 =	sshll.u32 s1, $0xD;
	s1 =	sshrl.u32 s1, $0x2  }
0xc0: {  	s3 =	sand.u32 $0x4000, s31;
	s1 =	sadd.s32 s1, s30  }
0xc1: {  	s0 =	sor.u32 s3, s0;
	s1 =	sshll.u32 s1, $0x11  }
0xc2: {  	s0 =	sor.u32 s1, s0  }
0xc3: {  	s0 =	sadd.s32 $0x8F2B, s0  }
0xc4: {  	[sflag:s0] =	ssyncadd.remote.s32 $0x1  }
0xc5: {  	_ =	sfence.sel $0xFFFF  }
0xc6: {  	[dreg:$0x0] =	wrdreg $0xFFFFFFFF;
	(pc) =	sbr.abs _section_cstart, $3  }
0xc7: {  	[dreg:$0x1] =	wrdreg $0xFFFFFFFF  }
0xc8: {  	_ =	task.clear_ibuf [dreg:s10], $0x2FFFF;
	_ =	strace $0x9FFFFFFF  }
0xc9: {  	(tm) =	ssettm $0x7FFFFFFF  }
tec
execute0_lowered:
.L_overlay_start_1:
0x0: {  	(tag) =	ssettag $0x1  }
0x1: {  	s0 =	rddreg [dreg:$0x0]  }
0x2: {  	s2 =	rddreg [dreg:$0x1]  }
0x3: {  	s4 =	rddreg [dreg:$0x2]  }
0x4: {  	s8 =	rddreg [dreg:$0x3]  }
0x5: {  	s6 =	rddreg [dreg:$0x4]  }
0x6: {  	s1 =	rddreg [dreg:$0x5];
	s3 =	simm.s32 $0x0;
	s5 =	srdreg.scid  }
0x7: {  	s13 =	stileid.u32;
	[smem:$0x7FF] =	sst s3  }
0x8: {  	s9 =	sand.u32 $0x1, s5;
	s15 =	smul.u32 $0x1250, s13;
	s25 =	sshll.u32 s13, $0x10  }
0x9: {  	_ =	strace $0x80000047;
	[dreg:$0x9] =	wrdreg s25;
	s16 =	sshll.u32 s9, $0x14  }
0xa: {  	s12 =	sshrl.u32 s15, $0x3;
	[dreg:$0x14] =	wrdreg s16  }
0xb: {  	[dreg:$0x7] =	wrdreg s15;
	s0 =	sadd.s32 s0, s12  }
0xc: {  	s7 =	ssub.s32 $0x2, s9;
	s2 =	sadd.s32 s2, s12;
	[dreg:$0x8] =	wrdreg s0  }
0xd: {  	s10 =	sshrl.u32 s7, $0x1;
	s26 =	sadd.s32 s4, s12;
	[dreg:$0xa] =	wrdreg s2  }
0xe: {  	s10 =	ssub.s32 s7, s10;
	s18 =	sadd.s32 s8, s12;
	[dreg:$0xb] =	wrdreg s26  }
0xf: {  	[dreg:$0x15] =	wrdreg s18;
	s23 =	smax.u32 s10, $0x1  }
0x10: {  	s0 =	sadd.s32 s25, s1;
	[dreg:$0x16] =	wrdreg s23  }
0x11: {  	s21 =	simm.s32 $0x2;
	s28 =	sadd.s32 $0x1000, s0;
	[dreg:$0xc] =	wrdreg s0  }
0x12: {  	s22 =	simm.s32 $0x17400;
	s29 =	sadd.s32 $0x2000, s0;
	[dreg:$0xd] =	wrdreg s28  }
0x13: {  	s5 =	sadd.s32 $0xE00, s6;
	s30 =	sadd.s32 $0x3000, s0;
	[dreg:$0xe] =	wrdreg s29  }
0x14: {  	s6 =	sadd.s32 $0x139600, s6;
	s31 =	sadd.s32 $0x4000, s0;
	[dreg:$0xf] =	wrdreg s30  }
0x15: {  	s11 =	sshll.u32 s13, $0xA;
	s4 =	sadd.s32 $0x5000, s0;
	[dreg:$0x10] =	wrdreg s31  }
0x16: {  	s17 =	sor.u32 $0x100250, s11;
	s13 =	sadd.s32 $0x6000, s0;
	[dreg:$0x11] =	wrdreg s4  }
0x17: {  	s19 =	sor.u32 $0x100260, s11;
	s14 =	sadd.s32 $0x7000, s0;
	[dreg:$0x12] =	wrdreg s13  }
0x18: {  	s20 =	sor.u32 $0x100270, s11;
	s24 =	sadd.s32 $0x8000, s0;
	[dreg:$0x13] =	wrdreg s14  }
0x19: {  	s9 =	simm.s32 $0x4;
	s25 =	sadd.s32 $0x9000, s0;
	[dreg:$0x17] =	wrdreg s24  }
0x1a: {  	s16 =	simm.s32 $0x12900;
	s26 =	sadd.s32 $0xA000, s0;
	[dreg:$0x18] =	wrdreg s25  }
0x1b: {  	s7 =	sor.u32 $0x100000, s11;
	[dreg:$0x19] =	wrdreg s26;
	s28 =	sadd.s32 $0xB000, s0  }
0x1c: {  	s11 =	simm.s32 $0x3;
	s29 =	sadd.s32 $0xC000, s0;
	[dreg:$0x1a] =	wrdreg s28  }
0x1d: {  	v0 =	vlaneseq.u32;
	s12 =	simm.s32 $0x0;
	s30 =	sadd.s32 $0xD000, s0;
	[dreg:$0x1b] =	wrdreg s29  }
0x1e: {  	v6 =	vmul.u32 $0xFFFFFFFF, v0;
	s10 =	simm.s32 $0x80;
	s31 =	sadd.s32 $0xE000, s0;
	[dreg:$0x1c] =	wrdreg s30  }
0x1f: {  	v4 =	vimm.f32 $1.000000000e+00;
	v5 =	vimm.f32 $0.0e+00;
	v1 =	vor.u32 s17, v0;
	s2 =	simm.s32 $0x16380;
	s0 =	sadd.s32 $0xF000, s0;
	[dreg:$0x1d] =	wrdreg s31  }
0x20: {  	v2 =	vor.u32 s19, v0;
	v3 =	vor.u32 s20, v0;
	v6 =	vadd.s32 $0x124F8, v6;
	s4 =	simm.s32 $0x18400;
	[dreg:$0x1e] =	wrdreg s0;
	s0 =	simm.s32 $0x1  }
.LBB2_1:
0x21: {  	[tilespmem:$0x16380] =	vst v4  }
0x22: {  	[tilespmem:$0x16390] =	vst v4  }
0x23: {  	[tilespmem:$0x163A0] =	vst v4  }
0x24: {  	[tilespmem:$0x163B0] =	vst v4  }
0x25: {  	[tilespmem:$0x163C0] =	vst v4  }
0x26: {  	[tilespmem:$0x163D0] =	vst v4  }
0x27: {  	[tilespmem:$0x163E0] =	vst v4  }
0x28: {  	[dreg:$0x1f] =	wrdreg s12;
	[tilespmem:$0x163F0] =	vst v4;
	s12 =	simm.s32 $0x40;
	s8 =	simm.s32 $0x0  }
.LBB2_2:
0x29: {  	p0 =	sne.s32 s12, $0x3FC0;
	[tilespmem:s8+$0x16400] =	vst v5;
	s8 =	smov.u32 s12;
	s12 =	sadd.s32 $0x40, s12  }
.Ltmp0:
0x2a: {  	(pc) =	sbr.rel @p0 .LBB2_2-.Ltmp0, $2  }
0x2b: {  	_ =	sdelay $0x2  }
0x2c: {  	s8 =	sshra.s32 s8, $0x2  }
0x2d: {  	[tilespmem:s8+$0x16400] =	vst v5;
	s29 =	simm.s32 $0x0;
	s12 =	rddreg [dreg:$0x8];
	s13 =	simm.s32 $0x10400  }
0x2e: {  	[tilespmem:s13], [sflag:$0x1] =	stream.linear.gather [hbm4b:s12+s29], $0x1250, $0x38;
	[tilespmem:$0x19400] =	vst v63  }
0x2f: {  	s30 =	rddreg [dreg:$0xa]  }
0x30: {  	[tilespmem:s16], [sflag:$0x1] =	stream.linear.gather [hbm4b:s30+s29], $0x1250, $0x38;
	[tilespmem:$0x19400] =	vst v63  }
0x31: {  	_ =	swait.ge [sflag:s0], $0x1250  }
0x32: {  	[sflag:s0] =	ssyncset.done $0x0  }
0x33: {  	[sflag:s0] =	ssyncadd.s32 $0xFFFFEDB0  }
0x34: {  	_ =	swait.ge [sflag:s0], $0x1250  }
0x35: {  	[sflag:s0] =	ssyncset.done $0x0  }
0x36: {  	s31 =	simm.s32 $0x0;
	[sflag:s0] =	ssyncadd.s32 $0xFFFFEDB0  }
0x37: {  	v7 =	vld [tilespmem:s31+$0x10400];
	_ =	sdelay $0x1  }
0x38: {  	v8 =	vld [tilespmem:s31+$0x12900];
	_ =	sdelay $0x2  }
0x39: {  	v7 =	vmul.u32 $0x2800, v7  }
0x3a: {  	v9 =	vmov s15  }
0x3b: {  	vm0 =	vlt.u32 v9, v6;
	v7 =	vadd.s32 v8, v7  }
0x3c: {  	v7 =	vnsel vm0, $0x9C4000, v7  }
0x3d: {  	s14 =	simm.s32 $0x80;
	s12 =	simm.s32 $0x10;
	s13 =	smov.u32 s15;
	[tilespmem:s31+$0x10400] =	vst v7  }
.LBB2_4:
0x3e: {  	p0 =	sne.s32 s14, $0x4900;
	v7 =	vld [tilespmem:s12+$0x10400];
	_ =	sdelay $0x1  }
0x3f: {  	v8 =	vld [tilespmem:s12+$0x12900];
	_ =	sdelay $0x2  }
.Ltmp1:
0x40: {  	s13 =	sadd.s32 $0x10, s13;
	v7 =	vmul.u32 $0x2800, v7;
	(pc) =	sbr.rel @p0 .LBB2_4-.Ltmp1, $4  }
0x41: {  	v9 =	vmov s13  }
0x42: {  	vm1 =	vlt.u32 v9, v6;
	v7 =	vadd.s32 v8, v7  }
0x43: {  	v7 =	vnsel vm1, $0x9C4000, v7  }
0x44: {  	[tilespmem:s12+$0x10400] =	vst v7;
	s12 =	sshra.s32 s14, $0x2;
	s14 =	sadd.s32 $0x40, s14  }
0x45: {  	v7 =	vld [tilespmem:s12+$0x10400];
	_ =	sdelay $0x1  }
0x46: {  	v8 =	vld [tilespmem:s12+$0x12900];
	_ =	sdelay $0x2  }
0x47: {  	s8 =	sadd.s32 $0x10, s13;
	v7 =	vmul.u32 $0x2800, v7  }
0x48: {  	v9 =	vmov s8  }
0x49: {  	vm1 =	vlt.u32 v9, v6;
	v7 =	vadd.s32 v8, v7  }
0x4a: {  	v7 =	vnsel vm1, $0x9C4000, v7  }
0x4b: {  	s26 =	simm.s32 $0x0;
	s28 =	rddreg [dreg:$0xb];
	s29 =	simm.s32 $0x11680;
	[tilespmem:s12+$0x10400] =	vst v7  }
0x4c: {  	[tilespmem:s29], [sflag:$0x1] =	stream.linear.gather [hbm4b:s28+s26], $0x1250, $0x38;
	[tilespmem:$0x19400] =	vst v63  }
0x4d: {  	s30 =	rddreg [dreg:$0x15]  }
0x4e: {  	[tilespmem:s16], [sflag:$0x1] =	stream.linear.gather [hbm4b:s30+s26], $0x1250, $0x38;
	[tilespmem:$0x19400] =	vst v63  }
0x4f: {  	_ =	swait.ge [sflag:s0], $0x1250  }
0x50: {  	[sflag:s0] =	ssyncset.done $0x0  }
0x51: {  	[sflag:s0] =	ssyncadd.s32 $0xFFFFEDB0  }
0x52: {  	_ =	swait.ge [sflag:s0], $0x1250  }
0x53: {  	[sflag:s0] =	ssyncset.done $0x0  }
0x54: {  	s31 =	simm.s32 $0x0;
	[sflag:s0] =	ssyncadd.s32 $0xFFFFEDB0  }
0x55: {  	v7 =	vld [tilespmem:s31+$0x11680];
	_ =	sdelay $0x1  }
0x56: {  	v8 =	vld [tilespmem:s31+$0x12900];
	_ =	sdelay $0x2  }
0x57: {  	v7 =	vmul.u32 $0x2800, v7;
	_ =	sdelay $0x1  }
0x58: {  	v7 =	vadd.s32 v8, v7  }
0x59: {  	v7 =	vnsel vm0, $0x9C4000, v7  }
0x5a: {  	s14 =	simm.s32 $0x80;
	s13 =	smov.u32 s15;
	s12 =	simm.s32 $0x10;
	[tilespmem:s31+$0x11680] =	vst v7  }
.LBB2_6:
0x5b: {  	p0 =	sne.s32 s14, $0x4900;
	v7 =	vld [tilespmem:s12+$0x11680];
	_ =	sdelay $0x1  }
0x5c: {  	v8 =	vld [tilespmem:s12+$0x12900];
	_ =	sdelay $0x2  }
.Ltmp2:
0x5d: {  	s13 =	sadd.s32 $0x10, s13;
	v7 =	vmul.u32 $0x2800, v7;
	(pc) =	sbr.rel @p0 .LBB2_6-.Ltmp2, $4  }
0x5e: {  	v9 =	vmov s13  }
0x5f: {  	vm0 =	vlt.u32 v9, v6;
	v7 =	vadd.s32 v8, v7  }
0x60: {  	v7 =	vnsel vm0, $0x9C4000, v7  }
0x61: {  	[tilespmem:s12+$0x11680] =	vst v7;
	s12 =	sshra.s32 s14, $0x2;
	s14 =	sadd.s32 $0x40, s14  }
0x62: {  	v7 =	vld [tilespmem:s12+$0x11680];
	_ =	sdelay $0x1  }
0x63: {  	v8 =	vld [tilespmem:s12+$0x12900];
	_ =	sdelay $0x2  }
0x64: {  	s8 =	sadd.s32 $0x10, s13;
	v7 =	vmul.u32 $0x2800, v7  }
0x65: {  	v9 =	vmov s8  }
0x66: {  	vm0 =	vlt.u32 v9, v6;
	v7 =	vadd.s32 v8, v7  }
0x67: {  	v7 =	vnsel vm0, $0x9C4000, v7  }
0x68: {  	s13 =	simm.s32 $0x16400;
	[tilespmem:s12+$0x11680] =	vst v7;
	s12 =	rddreg [dreg:$0xc]  }
0x69: {  	[spmem:s12] =	stream.linear.scatter [tilespmem:s13], [sflag:$0x1], $0x1000, $0x38;
	[tilespmem:$0x19400] =	vst v63  }
0x6a: {  	s14 =	rddreg [dreg:$0xd]  }
0x6b: {  	[spmem:s14] =	stream.linear.scatter [tilespmem:s13], [sflag:$0x1], $0x1000, $0x38;
	[tilespmem:$0x19400] =	vst v63  }
0x6c: {  	s15 =	rddreg [dreg:$0xe]  }
0x6d: {  	[spmem:s15] =	stream.linear.scatter [tilespmem:s13], [sflag:$0x1], $0x1000, $0x38;
	[tilespmem:$0x19400] =	vst v63  }
0x6e: {  	s16 =	rddreg [dreg:$0xf]  }
0x6f: {  	[spmem:s16] =	stream.linear.scatter [tilespmem:s13], [sflag:$0x1], $0x1000, $0x38;
	[tilespmem:$0x19400] =	vst v63  }
0x70: {  	s17 =	rddreg [dreg:$0x10]  }
0x71: {  	[spmem:s17] =	stream.linear.scatter [tilespmem:s13], [sflag:$0x1], $0x1000, $0x38;
	[tilespmem:$0x19400] =	vst v63  }
0x72: {  	s18 =	rddreg [dreg:$0x11]  }
0x73: {  	[spmem:s18] =	stream.linear.scatter [tilespmem:s13], [sflag:$0x1], $0x1000, $0x38;
	[tilespmem:$0x19400] =	vst v63  }
0x74: {  	s19 =	rddreg [dreg:$0x12]  }
0x75: {  	[spmem:s19] =	stream.linear.scatter [tilespmem:s13], [sflag:$0x1], $0x1000, $0x38;
	[tilespmem:$0x19400] =	vst v63  }
0x76: {  	s20 =	rddreg [dreg:$0x13]  }
0x77: {  	[spmem:s20] =	stream.linear.scatter [tilespmem:s13], [sflag:$0x1], $0x1000, $0x38;
	[tilespmem:$0x19400] =	vst v63  }
0x78: {  	s23 =	rddreg [dreg:$0x17]  }
0x79: {  	[spmem:s23] =	stream.linear.scatter [tilespmem:s13], [sflag:$0x1], $0x1000, $0x38;
	[tilespmem:$0x19400] =	vst v63  }
0x7a: {  	s24 =	rddreg [dreg:$0x18]  }
0x7b: {  	[spmem:s24] =	stream.linear.scatter [tilespmem:s13], [sflag:$0x1], $0x1000, $0x38;
	[tilespmem:$0x19400] =	vst v63  }
0x7c: {  	s25 =	rddreg [dreg:$0x19]  }
0x7d: {  	[spmem:s25] =	stream.linear.scatter [tilespmem:s13], [sflag:$0x1], $0x1000, $0x38;
	[tilespmem:$0x19400] =	vst v63  }
0x7e: {  	s26 =	rddreg [dreg:$0x1a]  }
0x7f: {  	[spmem:s26] =	stream.linear.scatter [tilespmem:s13], [sflag:$0x1], $0x1000, $0x38;
	[tilespmem:$0x19400] =	vst v63  }
0x80: {  	s28 =	rddreg [dreg:$0x1b]  }
0x81: {  	[spmem:s28] =	stream.linear.scatter [tilespmem:s13], [sflag:$0x1], $0x1000, $0x38;
	[tilespmem:$0x19400] =	vst v63  }
0x82: {  	s29 =	rddreg [dreg:$0x1c]  }
0x83: {  	[spmem:s29] =	stream.linear.scatter [tilespmem:s13], [sflag:$0x1], $0x1000, $0x38;
	[tilespmem:$0x19400] =	vst v63  }
0x84: {  	s30 =	rddreg [dreg:$0x1d]  }
0x85: {  	[spmem:s30] =	stream.linear.scatter [tilespmem:s13], [sflag:$0x1], $0x1000, $0x38;
	[tilespmem:$0x19400] =	vst v63  }
0x86: {  	s31 =	rddreg [dreg:$0x1e]  }
0x87: {  	[spmem:s31] =	stream.linear.scatter [tilespmem:s13], [sflag:$0x1], $0x1000, $0x38;
	[tilespmem:$0x19400] =	vst v63  }
0x88: {  	_ =	swait.ge [sflag:s0], $0x1000  }
0x89: {  	[sflag:s0] =	ssyncset.done $0x0  }
0x8a: {  	[sflag:s0] =	ssyncadd.s32 $0xFFFFF000  }
0x8b: {  	_ =	swait.ge [sflag:s0], $0x1000  }
0x8c: {  	[sflag:s0] =	ssyncset.done $0x0  }
0x8d: {  	[sflag:s0] =	ssyncadd.s32 $0xFFFFF000  }
0x8e: {  	_ =	swait.ge [sflag:s0], $0x1000  }
0x8f: {  	[sflag:s0] =	ssyncset.done $0x0  }
0x90: {  	[sflag:s0] =	ssyncadd.s32 $0xFFFFF000  }
0x91: {  	_ =	swait.ge [sflag:s0], $0x1000  }
0x92: {  	[sflag:s0] =	ssyncset.done $0x0  }
0x93: {  	[sflag:s0] =	ssyncadd.s32 $0xFFFFF000  }
0x94: {  	_ =	swait.ge [sflag:s0], $0x1000  }
0x95: {  	[sflag:s0] =	ssyncset.done $0x0  }
0x96: {  	[sflag:s0] =	ssyncadd.s32 $0xFFFFF000  }
0x97: {  	_ =	swait.ge [sflag:s0], $0x1000  }
0x98: {  	[sflag:s0] =	ssyncset.done $0x0  }
0x99: {  	[sflag:s0] =	ssyncadd.s32 $0xFFFFF000  }
0x9a: {  	_ =	swait.ge [sflag:s0], $0x1000  }
0x9b: {  	[sflag:s0] =	ssyncset.done $0x0  }
0x9c: {  	[sflag:s0] =	ssyncadd.s32 $0xFFFFF000  }
0x9d: {  	_ =	swait.ge [sflag:s0], $0x1000  }
0x9e: {  	[sflag:s0] =	ssyncset.done $0x0  }
0x9f: {  	[sflag:s0] =	ssyncadd.s32 $0xFFFFF000  }
0xa0: {  	_ =	swait.ge [sflag:s0], $0x1000  }
0xa1: {  	[sflag:s0] =	ssyncset.done $0x0  }
0xa2: {  	[sflag:s0] =	ssyncadd.s32 $0xFFFFF000  }
0xa3: {  	_ =	swait.ge [sflag:s0], $0x1000  }
0xa4: {  	[sflag:s0] =	ssyncset.done $0x0  }
0xa5: {  	[sflag:s0] =	ssyncadd.s32 $0xFFFFF000  }
0xa6: {  	_ =	swait.ge [sflag:s0], $0x1000  }
0xa7: {  	[sflag:s0] =	ssyncset.done $0x0  }
0xa8: {  	[sflag:s0] =	ssyncadd.s32 $0xFFFFF000  }
0xa9: {  	_ =	swait.ge [sflag:s0], $0x1000  }
0xaa: {  	[sflag:s0] =	ssyncset.done $0x0  }
0xab: {  	[sflag:s0] =	ssyncadd.s32 $0xFFFFF000  }
0xac: {  	_ =	swait.ge [sflag:s0], $0x1000  }
0xad: {  	[sflag:s0] =	ssyncset.done $0x0  }
0xae: {  	[sflag:s0] =	ssyncadd.s32 $0xFFFFF000  }
0xaf: {  	_ =	swait.ge [sflag:s0], $0x1000  }
0xb0: {  	[sflag:s0] =	ssyncset.done $0x0  }
0xb1: {  	[sflag:s0] =	ssyncadd.s32 $0xFFFFF000  }
0xb2: {  	_ =	swait.ge [sflag:s0], $0x1000  }
0xb3: {  	[sflag:s0] =	ssyncset.done $0x0  }
0xb4: {  	[sflag:s0] =	ssyncadd.s32 $0xFFFFF000  }
0xb5: {  	_ =	swait.ge [sflag:s0], $0x1000  }
0xb6: {  	[sflag:s0] =	ssyncset.done $0x0  }
0xb7: {  	[sflag:s0] =	ssyncadd.s32 $0xFFFFF000  }
0xb8: {  	s20 =	simm.s32 $0x0;
	[bflag:$0x0] =	sbarrier.arrive $0xFFFF  }
.LBB2_8:
0xb9: {  	s8 =	sshll.u32 s20, $0x15;
	s12 =	rddreg [dreg:$0x14]  }
0xba: {  	s8 =	sor.u32 s12, s8  }
0xbb: {  	s12 =	smin.u32 s8, $0x8C4000  }
0xbc: {  	s14 =	simm.s32 $0x10400;
	s8 =	sadd.s32 $0x100000, s12  }
0xbd: {  	s15 =	simm.s32 $0x10;
	s13 =	simm.s32 $0x0;
	v9 =	vld [tilespmem:s14+$0x0];
	v7 =	vmov s12;
	v8 =	vmov s8  }
.LBB2_9:
0xbe: {  	p0 =	sne.s32 s15, $0x1240;
	_ =	sdelay $0x2  }
0xbf: {  	s8 =	sand.u32 $0x3F0, s13  }
.Ltmp3:
0xc0: {  	s8 =	sor.u32 s7, s8;
	vm0 =	vge.s32 v9, v7;
	vm1 =	vlt.s32 v9, v8;
	(pc) =	sbr.rel @p0 .LBB2_9-.Ltmp3, $4  }
0xc1: {  	v10 =	vor.u32 s8, v0;
	v9 =	vsub.s32 v9, v7;
	vm0 =	vmand vm0, vm1  }
0xc2: {  	s8 =	sand.u32 $0x1FF0, s13;
	s13 =	smov.u32 s15;
	v9 =	vsel vm0, v9, v10  }
0xc3: {  	s14 =	sadd.s32 $0x10, s14;
	[tilespmem:s8+$0x13B80] =	vst v9  }
0xc4: {  	s15 =	sadd.s32 $0x10, s15;
	v9 =	vld [tilespmem:s14+$0x0]  }
0xc5: {  	_ =	sdelay $0x2  }
0xc6: {  	s8 =	sand.u32 $0x3F0, s13  }
0xc7: {  	s8 =	sor.u32 s7, s8;
	vm0 =	vge.s32 v9, v7;
	vm1 =	vlt.s32 v9, v8  }
0xc8: {  	v10 =	vor.u32 s8, v0;
	v9 =	vsub.s32 v9, v7;
	vm0 =	vmand vm0, vm1  }
0xc9: {  	s31 =	sand.u32 $0x1FF0, s13;
	v9 =	vsel vm0, v9, v10  }
0xca: {  	[tilespmem:s31+$0x13B80] =	vst v9  }
0xcb: {  	[tilespmem:$0x14DD0] =	vst v1  }
0xcc: {  	[tilespmem:$0x14DE0] =	vst v2  }
0xcd: {  	s14 =	simm.s32 $0x11680;
	[tilespmem:$0x14DF0] =	vst v3  }
0xce: {  	s13 =	simm.s32 $0x0;
	s15 =	simm.s32 $0x10;
	v9 =	vld [tilespmem:s14+$0x0]  }
.LBB2_11:
0xcf: {  	p0 =	sne.s32 s15, $0x1240;
	_ =	sdelay $0x2  }
0xd0: {  	s8 =	sand.u32 $0x3F0, s13  }
.Ltmp4:
0xd1: {  	s8 =	sor.u32 s7, s8;
	vm0 =	vge.s32 v9, v7;
	vm1 =	vlt.s32 v9, v8;
	(pc) =	sbr.rel @p0 .LBB2_11-.Ltmp4, $4  }
0xd2: {  	v10 =	vor.u32 s8, v0;
	v9 =	vsub.s32 v9, v7;
	vm0 =	vmand vm0, vm1  }
0xd3: {  	s8 =	sand.u32 $0x1FF0, s13;
	s13 =	smov.u32 s15;
	v9 =	vsel vm0, v9, v10  }
0xd4: {  	s14 =	sadd.s32 $0x10, s14;
	[tilespmem:s8+$0x14E00] =	vst v9  }
0xd5: {  	s15 =	sadd.s32 $0x10, s15;
	v9 =	vld [tilespmem:s14+$0x0]  }
0xd6: {  	_ =	sdelay $0x2  }
0xd7: {  	s8 =	sand.u32 $0x3F0, s13  }
0xd8: {  	s8 =	sor.u32 s7, s8;
	vm0 =	vge.s32 v9, v7;
	vm1 =	vlt.s32 v9, v8  }
0xd9: {  	v8 =	vor.u32 s8, v0;
	v7 =	vsub.s32 v9, v7;
	vm0 =	vmand vm0, vm1  }
0xda: {  	s23 =	sand.u32 $0x1FF0, s13;
	v7 =	vsel vm0, v7, v8  }
0xdb: {  	[tilespmem:s23+$0x14E00] =	vst v7  }
0xdc: {  	[tilespmem:$0x16050] =	vst v1  }
0xdd: {  	[tilespmem:$0x16060] =	vst v2  }
0xde: {  	s24 =	simm.s32 $0x13B80;
	[tilespmem:$0x16070] =	vst v3  }
0xdf: {  	[spmem:s1] =	stream.indirect.scatter.add.f32 [tilespmem:s2], [sflag:$0x2], $0x1, s24, s10, $0xb8;
	[tilespmem:$0x19400] =	vst v63  }
0xe0: {  	s25 =	simm.s32 $0x13C00  }
0xe1: {  	[spmem:s1] =	stream.indirect.scatter.add.f32 [tilespmem:s2], [sflag:$0x2], $0x1, s25, s10, $0xb8;
	[tilespmem:$0x19400] =	vst v63  }
0xe2: {  	s26 =	simm.s32 $0x13C80  }
0xe3: {  	[spmem:s1] =	stream.indirect.scatter.add.f32 [tilespmem:s2], [sflag:$0x2], $0x1, s26, s10, $0xb8;
	[tilespmem:$0x19400] =	vst v63  }
0xe4: {  	s28 =	simm.s32 $0x13D00  }
0xe5: {  	[spmem:s1] =	stream.indirect.scatter.add.f32 [tilespmem:s2], [sflag:$0x2], $0x1, s28, s10, $0xb8;
	[tilespmem:$0x19400] =	vst v63  }
0xe6: {  	s29 =	simm.s32 $0x13D80  }
0xe7: {  	[spmem:s1] =	stream.indirect.scatter.add.f32 [tilespmem:s2], [sflag:$0x2], $0x1, s29, s10, $0xb8;
	[tilespmem:$0x19400] =	vst v63  }
0xe8: {  	s30 =	simm.s32 $0x13E00  }
0xe9: {  	[spmem:s1] =	stream.indirect.scatter.add.f32 [tilespmem:s2], [sflag:$0x2], $0x1, s30, s10, $0xb8;
	[tilespmem:$0x19400] =	vst v63  }
0xea: {  	s31 =	simm.s32 $0x13E80  }
0xeb: {  	[spmem:s1] =	stream.indirect.scatter.add.f32 [tilespmem:s2], [sflag:$0x2], $0x1, s31, s10, $0xb8;
	[tilespmem:$0x19400] =	vst v63  }
0xec: {  	s13 =	simm.s32 $0x13F00  }
0xed: {  	[spmem:s1] =	stream.indirect.scatter.add.f32 [tilespmem:s2], [sflag:$0x2], $0x1, s13, s10, $0xb8;
	[tilespmem:$0x19400] =	vst v63  }
0xee: {  	s14 =	simm.s32 $0x13F80  }
0xef: {  	[spmem:s1] =	stream.indirect.scatter.add.f32 [tilespmem:s2], [sflag:$0x2], $0x1, s14, s10, $0xb8;
	[tilespmem:$0x19400] =	vst v63  }
0xf0: {  	s15 =	simm.s32 $0x14000  }
0xf1: {  	[spmem:s1] =	stream.indirect.scatter.add.f32 [tilespmem:s2], [sflag:$0x2], $0x1, s15, s10, $0xb8;
	[tilespmem:$0x19400] =	vst v63  }
0xf2: {  	s16 =	simm.s32 $0x14080  }
0xf3: {  	[spmem:s1] =	stream.indirect.scatter.add.f32 [tilespmem:s2], [sflag:$0x2], $0x1, s16, s10, $0xb8;
	[tilespmem:$0x19400] =	vst v63  }
0xf4: {  	s17 =	simm.s32 $0x14100  }
0xf5: {  	[spmem:s1] =	stream.indirect.scatter.add.f32 [tilespmem:s2], [sflag:$0x2], $0x1, s17, s10, $0xb8;
	[tilespmem:$0x19400] =	vst v63  }
0xf6: {  	s18 =	simm.s32 $0x14180  }
0xf7: {  	[spmem:s1] =	stream.indirect.scatter.add.f32 [tilespmem:s2], [sflag:$0x2], $0x1, s18, s10, $0xb8;
	[tilespmem:$0x19400] =	vst v63  }
0xf8: {  	s19 =	simm.s32 $0x14200  }
0xf9: {  	[spmem:s1] =	stream.indirect.scatter.add.f32 [tilespmem:s2], [sflag:$0x2], $0x1, s19, s10, $0xb8;
	[tilespmem:$0x19400] =	vst v63  }
0xfa: {  	s23 =	simm.s32 $0x14280  }
0xfb: {  	[spmem:s1] =	stream.indirect.scatter.add.f32 [tilespmem:s2], [sflag:$0x2], $0x1, s23, s10, $0xb8;
	[tilespmem:$0x19400] =	vst v63  }
0xfc: {  	s24 =	simm.s32 $0x14300  }
0xfd: {  	[spmem:s1] =	stream.indirect.scatter.add.f32 [tilespmem:s2], [sflag:$0x2], $0x1, s24, s10, $0xb8;
	[tilespmem:$0x19400] =	vst v63  }
0xfe: {  	s25 =	simm.s32 $0x14380  }
0xff: {  	[spmem:s1] =	stream.indirect.scatter.add.f32 [tilespmem:s2], [sflag:$0x2], $0x1, s25, s10, $0xb8;
	[tilespmem:$0x19400] =	vst v63  }
0x100: {  	s26 =	simm.s32 $0x14400  }
0x101: {  	[spmem:s1] =	stream.indirect.scatter.add.f32 [tilespmem:s2], [sflag:$0x2], $0x1, s26, s10, $0xb8;
	[tilespmem:$0x19400] =	vst v63  }
0x102: {  	s28 =	simm.s32 $0x14480  }
0x103: {  	[spmem:s1] =	stream.indirect.scatter.add.f32 [tilespmem:s2], [sflag:$0x2], $0x1, s28, s10, $0xb8;
	[tilespmem:$0x19400] =	vst v63  }
0x104: {  	s29 =	simm.s32 $0x14500  }
0x105: {  	[spmem:s1] =	stream.indirect.scatter.add.f32 [tilespmem:s2], [sflag:$0x2], $0x1, s29, s10, $0xb8;
	[tilespmem:$0x19400] =	vst v63  }
0x106: {  	s30 =	simm.s32 $0x14580  }
0x107: {  	[spmem:s1] =	stream.indirect.scatter.add.f32 [tilespmem:s2], [sflag:$0x2], $0x1, s30, s10, $0xb8;
	[tilespmem:$0x19400] =	vst v63  }
0x108: {  	s31 =	simm.s32 $0x14600  }
0x109: {  	[spmem:s1] =	stream.indirect.scatter.add.f32 [tilespmem:s2], [sflag:$0x2], $0x1, s31, s10, $0xb8;
	[tilespmem:$0x19400] =	vst v63  }
0x10a: {  	s13 =	simm.s32 $0x14680  }
0x10b: {  	[spmem:s1] =	stream.indirect.scatter.add.f32 [tilespmem:s2], [sflag:$0x2], $0x1, s13, s10, $0xb8;
	[tilespmem:$0x19400] =	vst v63  }
0x10c: {  	s14 =	simm.s32 $0x14700  }
0x10d: {  	[spmem:s1] =	stream.indirect.scatter.add.f32 [tilespmem:s2], [sflag:$0x2], $0x1, s14, s10, $0xb8;
	[tilespmem:$0x19400] =	vst v63  }
0x10e: {  	s15 =	simm.s32 $0x14780  }
0x10f: {  	[spmem:s1] =	stream.indirect.scatter.add.f32 [tilespmem:s2], [sflag:$0x2], $0x1, s15, s10, $0xb8;
	[tilespmem:$0x19400] =	vst v63  }
0x110: {  	s16 =	simm.s32 $0x14800  }
0x111: {  	[spmem:s1] =	stream.indirect.scatter.add.f32 [tilespmem:s2], [sflag:$0x2], $0x1, s16, s10, $0xb8;
	[tilespmem:$0x19400] =	vst v63  }
0x112: {  	s17 =	simm.s32 $0x14880  }
0x113: {  	[spmem:s1] =	stream.indirect.scatter.add.f32 [tilespmem:s2], [sflag:$0x2], $0x1, s17, s10, $0xb8;
	[tilespmem:$0x19400] =	vst v63  }
0x114: {  	s18 =	simm.s32 $0x14900  }
0x115: {  	[spmem:s1] =	stream.indirect.scatter.add.f32 [tilespmem:s2], [sflag:$0x2], $0x1, s18, s10, $0xb8;
	[tilespmem:$0x19400] =	vst v63  }
0x116: {  	s19 =	simm.s32 $0x14980  }
0x117: {  	[spmem:s1] =	stream.indirect.scatter.add.f32 [tilespmem:s2], [sflag:$0x2], $0x1, s19, s10, $0xb8;
	[tilespmem:$0x19400] =	vst v63  }
0x118: {  	s23 =	simm.s32 $0x14A00  }
0x119: {  	[spmem:s1] =	stream.indirect.scatter.add.f32 [tilespmem:s2], [sflag:$0x2], $0x1, s23, s10, $0xb8;
	[tilespmem:$0x19400] =	vst v63  }
0x11a: {  	s24 =	simm.s32 $0x14A80  }
0x11b: {  	[spmem:s1] =	stream.indirect.scatter.add.f32 [tilespmem:s2], [sflag:$0x2], $0x1, s24, s10, $0xb8;
	[tilespmem:$0x19400] =	vst v63  }
0x11c: {  	s25 =	simm.s32 $0x14B00  }
0x11d: {  	[spmem:s1] =	stream.indirect.scatter.add.f32 [tilespmem:s2], [sflag:$0x2], $0x1, s25, s10, $0xb8;
	[tilespmem:$0x19400] =	vst v63  }
0x11e: {  	s26 =	simm.s32 $0x14B80  }
0x11f: {  	[spmem:s1] =	stream.indirect.scatter.add.f32 [tilespmem:s2], [sflag:$0x2], $0x1, s26, s10, $0xb8;
	[tilespmem:$0x19400] =	vst v63  }
0x120: {  	s28 =	simm.s32 $0x14C00  }
0x121: {  	[spmem:s1] =	stream.indirect.scatter.add.f32 [tilespmem:s2], [sflag:$0x2], $0x1, s28, s10, $0xb8;
	[tilespmem:$0x19400] =	vst v63  }
0x122: {  	s29 =	simm.s32 $0x14C80  }
0x123: {  	[spmem:s1] =	stream.indirect.scatter.add.f32 [tilespmem:s2], [sflag:$0x2], $0x1, s29, s10, $0xb8;
	[tilespmem:$0x19400] =	vst v63  }
0x124: {  	s30 =	simm.s32 $0x14D00  }
0x125: {  	[spmem:s1] =	stream.indirect.scatter.add.f32 [tilespmem:s2], [sflag:$0x2], $0x1, s30, s10, $0xb8;
	[tilespmem:$0x19400] =	vst v63  }
0x126: {  	s31 =	simm.s32 $0x14D80  }
0x127: {  	[spmem:s1] =	stream.indirect.scatter.add.f32 [tilespmem:s2], [sflag:$0x2], $0x1, s31, s10, $0xb8;
	[tilespmem:$0x19400] =	vst v63  }
0x128: {  	_ =	swait.ge [sflag:s21], $0x80  }
0x129: {  	s13 =	simm.s32 $0x24;
	[sflag:s21] =	ssyncset.done $0x0  }
.LBB2_13:
0x12a: {  	p0 =	sne.s32 s13, $0x1;
	s13 =	sadd.s32 $0xFFFFFFFF, s13;
	[sflag:s21] =	ssyncadd.s32 $0xFFFFFF80  }
.Ltmp5:
0x12b: {  	(pc) =	sbr.rel @p0 .LBB2_13-.Ltmp5, $3  }
0x12c: {  	_ =	sdelay $0x1  }
0x12d: {  	_ =	swait.ge [sflag:s21], $0x80  }
0x12e: {  	[sflag:s21] =	ssyncset.done $0x0  }
0x12f: {  	[sflag:s21] =	ssyncadd.s32 $0xFFFFFF80  }
0x130: {  	[bflag:$0x0] =	sbarrier.arrive $0xFFFF  }
0x131: {  	s8 =	rddreg [dreg:$0xc]  }
0x132: {  	[tilespmem:s22], [sflag:$0x1] =	stream.linear.gather [spmem:s8], $0x1000, $0x38;
	[tilespmem:$0x19400] =	vst v63  }
0x133: {  	_ =	swait.ge [sflag:s0], $0x1000  }
0x134: {  	[sflag:s0] =	ssyncset.done $0x0;
	s17 =	rddreg [dreg:$0x9]  }
0x135: {  	s16 =	rddreg [dreg:$0xd];
	[sflag:s0] =	ssyncadd.s32 $0xFFFFF000;
	s8 =	sadd.s32 s17, s12  }
0x136: {  	[tilespmem:s4], [sflag:$0x1] =	stream.linear.gather [spmem:s16], $0x1000, $0x38;
	[tilespmem:$0x19400] =	vst v63  }
0x137: {  	s14 =	sshrl.u32 s8, $0x3  }
0x138: {  	s8 =	sadd.s32 s5, s14  }
0x139: {  	[hbm4b:s8+s3] =	stream.linear.scatter [tilespmem:s22], [sflag:$0x3], $0x1000, $0x38;
	[tilespmem:$0x19400] =	vst v63  }
0x13a: {  	_ =	swait.ge [sflag:s0], $0x1000  }
0x13b: {  	[sflag:s0] =	ssyncset.done $0x0  }
0x13c: {  	[sflag:s0] =	ssyncadd.s32 $0xFFFFF000  }
0x13d: {  	_ =	swait.ge [sflag:s11], $0x1000  }
0x13e: {  	[sflag:s11] =	ssyncset.done $0x0  }
0x13f: {  	s19 =	sor.u32 $0x200, s14;
	s18 =	rddreg [dreg:$0xe];
	[sflag:s11] =	ssyncadd.s32 $0xFFFFF000  }
0x140: {  	[tilespmem:s22], [sflag:$0x1] =	stream.linear.gather [spmem:s18], $0x1000, $0x38;
	[tilespmem:$0x19400] =	vst v63  }
0x141: {  	s8 =	sadd.s32 s5, s19;
	[smem:$0x7FC] =	sst s19  }
0x142: {  	[hbm4b:s8+s3] =	stream.linear.scatter [tilespmem:s4], [sflag:$0x3], $0x1000, $0x38;
	[tilespmem:$0x19400] =	vst v63  }
0x143: {  	_ =	swait.ge [sflag:s0], $0x1000  }
0x144: {  	[sflag:s0] =	ssyncset.done $0x0  }
0x145: {  	[sflag:s0] =	ssyncadd.s32 $0xFFFFF000  }
0x146: {  	_ =	swait.ge [sflag:s11], $0x1000  }
0x147: {  	[sflag:s11] =	ssyncset.done $0x0  }
0x148: {  	s16 =	sor.u32 $0x400, s14;
	s23 =	rddreg [dreg:$0xf];
	[sflag:s11] =	ssyncadd.s32 $0xFFFFF000  }
0x149: {  	[tilespmem:s4], [sflag:$0x1] =	stream.linear.gather [spmem:s23], $0x1000, $0x38;
	[tilespmem:$0x19400] =	vst v63  }
0x14a: {  	s24 =	sadd.s32 s5, s16  }
0x14b: {  	[hbm4b:s24+s3] =	stream.linear.scatter [tilespmem:s22], [sflag:$0x3], $0x1000, $0x38;
	[tilespmem:$0x19400] =	vst v63  }
0x14c: {  	_ =	swait.ge [sflag:s0], $0x1000  }
0x14d: {  	[sflag:s0] =	ssyncset.done $0x0  }
0x14e: {  	[sflag:s0] =	ssyncadd.s32 $0xFFFFF000  }
0x14f: {  	_ =	swait.ge [sflag:s11], $0x1000  }
0x150: {  	[sflag:s11] =	ssyncset.done $0x0  }
0x151: {  	s12 =	sor.u32 $0x600, s14;
	s25 =	rddreg [dreg:$0x10];
	[sflag:s11] =	ssyncadd.s32 $0xFFFFF000  }
0x152: {  	[tilespmem:s22], [sflag:$0x1] =	stream.linear.gather [spmem:s25], $0x1000, $0x38;
	[tilespmem:$0x19400] =	vst v63  }
0x153: {  	s26 =	sadd.s32 s5, s12  }
0x154: {  	[hbm4b:s26+s3] =	stream.linear.scatter [tilespmem:s4], [sflag:$0x3], $0x1000, $0x38;
	[tilespmem:$0x19400] =	vst v63  }
0x155: {  	_ =	swait.ge [sflag:s0], $0x1000  }
0x156: {  	[sflag:s0] =	ssyncset.done $0x0  }
0x157: {  	[sflag:s0] =	ssyncadd.s32 $0xFFFFF000  }
0x158: {  	_ =	swait.ge [sflag:s11], $0x1000  }
0x159: {  	[sflag:s11] =	ssyncset.done $0x0  }
0x15a: {  	s17 =	sadd.s32 $0x800, s14;
	s13 =	rddreg [dreg:$0x11];
	[sflag:s11] =	ssyncadd.s32 $0xFFFFF000  }
0x15b: {  	[tilespmem:s4], [sflag:$0x1] =	stream.linear.gather [spmem:s13], $0x1000, $0x38;
	[tilespmem:$0x19400] =	vst v63  }
0x15c: {  	s15 =	sadd.s32 s5, s17  }
0x15d: {  	[hbm4b:s15+s3] =	stream.linear.scatter [tilespmem:s22], [sflag:$0x3], $0x1000, $0x38;
	[tilespmem:$0x19400] =	vst v63  }
0x15e: {  	_ =	swait.ge [sflag:s0], $0x1000  }
0x15f: {  	[sflag:s0] =	ssyncset.done $0x0  }
0x160: {  	[sflag:s0] =	ssyncadd.s32 $0xFFFFF000  }
0x161: {  	_ =	swait.ge [sflag:s11], $0x1000  }
0x162: {  	[sflag:s11] =	ssyncset.done $0x0  }
0x163: {  	s18 =	rddreg [dreg:$0x12];
	[sflag:s11] =	ssyncadd.s32 $0xFFFFF000  }
0x164: {  	[tilespmem:s22], [sflag:$0x1] =	stream.linear.gather [spmem:s18], $0x1000, $0x38;
	[tilespmem:$0x19400] =	vst v63  }
0x165: {  	s18 =	sadd.s32 $0xA00, s14  }
0x166: {  	s19 =	sadd.s32 s5, s18  }
0x167: {  	[hbm4b:s19+s3] =	stream.linear.scatter [tilespmem:s4], [sflag:$0x3], $0x1000, $0x38;
	[tilespmem:$0x19400] =	vst v63  }
0x168: {  	_ =	swait.ge [sflag:s0], $0x1000  }
0x169: {  	[sflag:s0] =	ssyncset.done $0x0  }
0x16a: {  	[sflag:s0] =	ssyncadd.s32 $0xFFFFF000  }
0x16b: {  	_ =	swait.ge [sflag:s11], $0x1000  }
0x16c: {  	[sflag:s11] =	ssyncset.done $0x0  }
0x16d: {  	s19 =	sadd.s32 $0xC00, s14;
	s23 =	rddreg [dreg:$0x13];
	[sflag:s11] =	ssyncadd.s32 $0xFFFFF000  }
0x16e: {  	[tilespmem:s4], [sflag:$0x1] =	stream.linear.gather [spmem:s23], $0x1000, $0x38;
	[tilespmem:$0x19400] =	vst v63  }
0x16f: {  	s24 =	sadd.s32 s5, s19  }
0x170: {  	[hbm4b:s24+s3] =	stream.linear.scatter [tilespmem:s22], [sflag:$0x3], $0x1000, $0x38;
	[tilespmem:$0x19400] =	vst v63  }
0x171: {  	_ =	swait.ge [sflag:s0], $0x1000  }
0x172: {  	[sflag:s0] =	ssyncset.done $0x0  }
0x173: {  	[sflag:s0] =	ssyncadd.s32 $0xFFFFF000  }
0x174: {  	_ =	swait.ge [sflag:s11], $0x1000  }
0x175: {  	[sflag:s11] =	ssyncset.done $0x0  }
0x176: {  	s23 =	sadd.s32 $0xE00, s14;
	s25 =	rddreg [dreg:$0x17];
	[sflag:s11] =	ssyncadd.s32 $0xFFFFF000  }
0x177: {  	[tilespmem:s22], [sflag:$0x1] =	stream.linear.gather [spmem:s25], $0x1000, $0x38;
	[tilespmem:$0x19400] =	vst v63  }
0x178: {  	s26 =	sadd.s32 s5, s23  }
0x179: {  	[hbm4b:s26+s3] =	stream.linear.scatter [tilespmem:s4], [sflag:$0x3], $0x1000, $0x38;
	[tilespmem:$0x19400] =	vst v63  }
0x17a: {  	_ =	swait.ge [sflag:s0], $0x1000  }
0x17b: {  	[sflag:s0] =	ssyncset.done $0x0  }
0x17c: {  	[sflag:s0] =	ssyncadd.s32 $0xFFFFF000  }
0x17d: {  	_ =	swait.ge [sflag:s11], $0x1000  }
0x17e: {  	[sflag:s11] =	ssyncset.done $0x0  }
0x17f: {  	s24 =	sor.u32 $0x1000, s14;
	s13 =	rddreg [dreg:$0x18];
	[sflag:s11] =	ssyncadd.s32 $0xFFFFF000  }
0x180: {  	[tilespmem:s4], [sflag:$0x1] =	stream.linear.gather [spmem:s13], $0x1000, $0x38;
	[tilespmem:$0x19400] =	vst v63  }
0x181: {  	s15 =	sadd.s32 s5, s24  }
0x182: {  	[hbm4b:s15+s3] =	stream.linear.scatter [tilespmem:s22], [sflag:$0x3], $0x1000, $0x38;
	[tilespmem:$0x19400] =	vst v63  }
0x183: {  	_ =	swait.ge [sflag:s0], $0x1000  }
0x184: {  	[sflag:s0] =	ssyncset.done $0x0  }
0x185: {  	[sflag:s0] =	ssyncadd.s32 $0xFFFFF000  }
0x186: {  	_ =	swait.ge [sflag:s11], $0x1000  }
0x187: {  	[sflag:s11] =	ssyncset.done $0x0  }
0x188: {  	s25 =	rddreg [dreg:$0x19];
	[sflag:s11] =	ssyncadd.s32 $0xFFFFF000  }
0x189: {  	[tilespmem:s22], [sflag:$0x1] =	stream.linear.gather [spmem:s25], $0x1000, $0x38;
	[tilespmem:$0x19400] =	vst v63  }
0x18a: {  	s25 =	sor.u32 $0x1200, s14  }
0x18b: {  	s26 =	sadd.s32 s5, s25  }
0x18c: {  	[hbm4b:s26+s3] =	stream.linear.scatter [tilespmem:s4], [sflag:$0x3], $0x1000, $0x38;
	[tilespmem:$0x19400] =	vst v63  }
0x18d: {  	_ =	swait.ge [sflag:s0], $0x1000  }
0x18e: {  	[sflag:s0] =	ssyncset.done $0x0  }
0x18f: {  	[sflag:s0] =	ssyncadd.s32 $0xFFFFF000  }
0x190: {  	_ =	swait.ge [sflag:s11], $0x1000  }
0x191: {  	[sflag:s11] =	ssyncset.done $0x0  }
0x192: {  	s26 =	sor.u32 $0x1400, s14;
	s13 =	rddreg [dreg:$0x1a];
	[sflag:s11] =	ssyncadd.s32 $0xFFFFF000  }
0x193: {  	[tilespmem:s4], [sflag:$0x1] =	stream.linear.gather [spmem:s13], $0x1000, $0x38;
	[tilespmem:$0x19400] =	vst v63  }
0x194: {  	s15 =	sadd.s32 s5, s26  }
0x195: {  	[hbm4b:s15+s3] =	stream.linear.scatter [tilespmem:s22], [sflag:$0x3], $0x1000, $0x38;
	[tilespmem:$0x19400] =	vst v63  }
0x196: {  	_ =	swait.ge [sflag:s0], $0x1000  }
0x197: {  	[sflag:s0] =	ssyncset.done $0x0  }
0x198: {  	[sflag:s0] =	ssyncadd.s32 $0xFFFFF000  }
0x199: {  	_ =	swait.ge [sflag:s11], $0x1000  }
0x19a: {  	[sflag:s11] =	ssyncset.done $0x0  }
0x19b: {  	s28 =	sor.u32 $0x1600, s14;
	s13 =	rddreg [dreg:$0x1b];
	[sflag:s11] =	ssyncadd.s32 $0xFFFFF000  }
0x19c: {  	[tilespmem:s22], [sflag:$0x1] =	stream.linear.gather [spmem:s13], $0x1000, $0x38;
	[tilespmem:$0x19400] =	vst v63  }
0x19d: {  	s15 =	sadd.s32 s5, s28  }
0x19e: {  	[hbm4b:s15+s3] =	stream.linear.scatter [tilespmem:s4], [sflag:$0x3], $0x1000, $0x38;
	[tilespmem:$0x19400] =	vst v63  }
0x19f: {  	_ =	swait.ge [sflag:s0], $0x1000  }
0x1a0: {  	[sflag:s0] =	ssyncset.done $0x0  }
0x1a1: {  	[sflag:s0] =	ssyncadd.s32 $0xFFFFF000  }
0x1a2: {  	_ =	swait.ge [sflag:s11], $0x1000  }
0x1a3: {  	[sflag:s11] =	ssyncset.done $0x0  }
0x1a4: {  	s29 =	sadd.s32 $0x1800, s14;
	s13 =	rddreg [dreg:$0x1c];
	[sflag:s11] =	ssyncadd.s32 $0xFFFFF000  }
0x1a5: {  	[tilespmem:s4], [sflag:$0x1] =	stream.linear.gather [spmem:s13], $0x1000, $0x38;
	[tilespmem:$0x19400] =	vst v63  }
0x1a6: {  	s15 =	sadd.s32 s5, s29  }
0x1a7: {  	[hbm4b:s15+s3] =	stream.linear.scatter [tilespmem:s22], [sflag:$0x3], $0x1000, $0x38;
	[tilespmem:$0x19400] =	vst v63  }
0x1a8: {  	_ =	swait.ge [sflag:s0], $0x1000  }
0x1a9: {  	[sflag:s0] =	ssyncset.done $0x0  }
0x1aa: {  	[sflag:s0] =	ssyncadd.s32 $0xFFFFF000  }
0x1ab: {  	_ =	swait.ge [sflag:s11], $0x1000  }
0x1ac: {  	[sflag:s11] =	ssyncset.done $0x0  }
0x1ad: {  	s30 =	sadd.s32 $0x1A00, s14;
	s13 =	rddreg [dreg:$0x1d];
	[sflag:s11] =	ssyncadd.s32 $0xFFFFF000  }
0x1ae: {  	[tilespmem:s22], [sflag:$0x1] =	stream.linear.gather [spmem:s13], $0x1000, $0x38;
	[tilespmem:$0x19400] =	vst v63  }
0x1af: {  	s15 =	sadd.s32 s5, s30  }
0x1b0: {  	[hbm4b:s15+s3] =	stream.linear.scatter [tilespmem:s4], [sflag:$0x3], $0x1000, $0x38;
	[tilespmem:$0x19400] =	vst v63  }
0x1b1: {  	_ =	swait.ge [sflag:s0], $0x1000  }
0x1b2: {  	[sflag:s0] =	ssyncset.done $0x0  }
0x1b3: {  	[sflag:s0] =	ssyncadd.s32 $0xFFFFF000  }
0x1b4: {  	_ =	swait.ge [sflag:s11], $0x1000  }
0x1b5: {  	[sflag:s11] =	ssyncset.done $0x0  }
0x1b6: {  	s31 =	sadd.s32 $0x1C00, s14;
	s13 =	rddreg [dreg:$0x1e];
	[sflag:s11] =	ssyncadd.s32 $0xFFFFF000  }
0x1b7: {  	[tilespmem:s4], [sflag:$0x1] =	stream.linear.gather [spmem:s13], $0x1000, $0x38;
	[tilespmem:$0x19400] =	vst v63  }
0x1b8: {  	s15 =	sadd.s32 s5, s31  }
0x1b9: {  	[hbm4b:s15+s3] =	stream.linear.scatter [tilespmem:s22], [sflag:$0x3], $0x1000, $0x38;
	[tilespmem:$0x19400] =	vst v63  }
0x1ba: {  	_ =	swait.ge [sflag:s0], $0x1000  }
0x1bb: {  	s13 =	sadd.s32 $0x1E00, s14;
	[sflag:s0] =	ssyncset.done $0x0  }
0x1bc: {  	s8 =	sadd.s32 s5, s13;
	[smem:$0x7FD] =	sst s13;
	[sflag:s0] =	ssyncadd.s32 $0xFFFFF000  }
0x1bd: {  	[hbm4b:s8+s3] =	stream.linear.scatter [tilespmem:s4], [sflag:$0x3], $0x1000, $0x38;
	[tilespmem:$0x19400] =	vst v63  }
0x1be: {  	_ =	swait.ge [sflag:s11], $0x1000  }
0x1bf: {  	[sflag:s11] =	ssyncset.done $0x0  }
0x1c0: {  	[sflag:s11] =	ssyncadd.s32 $0xFFFFF000  }
0x1c1: {  	_ =	swait.ge [sflag:s11], $0x1000  }
0x1c2: {  	[sflag:s11] =	ssyncset.done $0x0  }
0x1c3: {  	[sflag:s11] =	ssyncadd.s32 $0xFFFFF000  }
0x1c4: {  	s15 =	simm.s32 $0x14E00;
	[bflag:$0x0] =	sbarrier.arrive $0xFFFF  }
0x1c5: {  	[spmem:s1] =	stream.indirect.scatter.add.f32 [tilespmem:s2], [sflag:$0x2], $0x1, s15, s10, $0xb8;
	[tilespmem:$0x19400] =	vst v63  }
0x1c6: {  	s13 =	simm.s32 $0x14E80  }
0x1c7: {  	[spmem:s1] =	stream.indirect.scatter.add.f32 [tilespmem:s2], [sflag:$0x2], $0x1, s13, s10, $0xb8;
	[tilespmem:$0x19400] =	vst v63  }
0x1c8: {  	s15 =	simm.s32 $0x14F00  }
0x1c9: {  	[spmem:s1] =	stream.indirect.scatter.add.f32 [tilespmem:s2], [sflag:$0x2], $0x1, s15, s10, $0xb8;
	[tilespmem:$0x19400] =	vst v63  }
0x1ca: {  	s13 =	simm.s32 $0x14F80  }
0x1cb: {  	[spmem:s1] =	stream.indirect.scatter.add.f32 [tilespmem:s2], [sflag:$0x2], $0x1, s13, s10, $0xb8;
	[tilespmem:$0x19400] =	vst v63  }
0x1cc: {  	s15 =	simm.s32 $0x15000  }
0x1cd: {  	[spmem:s1] =	stream.indirect.scatter.add.f32 [tilespmem:s2], [sflag:$0x2], $0x1, s15, s10, $0xb8;
	[tilespmem:$0x19400] =	vst v63  }
0x1ce: {  	s13 =	simm.s32 $0x15080  }
0x1cf: {  	[spmem:s1] =	stream.indirect.scatter.add.f32 [tilespmem:s2], [sflag:$0x2], $0x1, s13, s10, $0xb8;
	[tilespmem:$0x19400] =	vst v63  }
0x1d0: {  	s15 =	simm.s32 $0x15100  }
0x1d1: {  	[spmem:s1] =	stream.indirect.scatter.add.f32 [tilespmem:s2], [sflag:$0x2], $0x1, s15, s10, $0xb8;
	[tilespmem:$0x19400] =	vst v63  }
0x1d2: {  	s13 =	simm.s32 $0x15180  }
0x1d3: {  	[spmem:s1] =	stream.indirect.scatter.add.f32 [tilespmem:s2], [sflag:$0x2], $0x1, s13, s10, $0xb8;
	[tilespmem:$0x19400] =	vst v63  }
0x1d4: {  	s15 =	simm.s32 $0x15200  }
0x1d5: {  	[spmem:s1] =	stream.indirect.scatter.add.f32 [tilespmem:s2], [sflag:$0x2], $0x1, s15, s10, $0xb8;
	[tilespmem:$0x19400] =	vst v63  }
0x1d6: {  	s13 =	simm.s32 $0x15280  }
0x1d7: {  	[spmem:s1] =	stream.indirect.scatter.add.f32 [tilespmem:s2], [sflag:$0x2], $0x1, s13, s10, $0xb8;
	[tilespmem:$0x19400] =	vst v63  }
0x1d8: {  	s15 =	simm.s32 $0x15300  }
0x1d9: {  	[spmem:s1] =	stream.indirect.scatter.add.f32 [tilespmem:s2], [sflag:$0x2], $0x1, s15, s10, $0xb8;
	[tilespmem:$0x19400] =	vst v63  }
0x1da: {  	s13 =	simm.s32 $0x15380  }
0x1db: {  	[spmem:s1] =	stream.indirect.scatter.add.f32 [tilespmem:s2], [sflag:$0x2], $0x1, s13, s10, $0xb8;
	[tilespmem:$0x19400] =	vst v63  }
0x1dc: {  	s15 =	simm.s32 $0x15400  }
0x1dd: {  	[spmem:s1] =	stream.indirect.scatter.add.f32 [tilespmem:s2], [sflag:$0x2], $0x1, s15, s10, $0xb8;
	[tilespmem:$0x19400] =	vst v63  }
0x1de: {  	s13 =	simm.s32 $0x15480  }
0x1df: {  	[spmem:s1] =	stream.indirect.scatter.add.f32 [tilespmem:s2], [sflag:$0x2], $0x1, s13, s10, $0xb8;
	[tilespmem:$0x19400] =	vst v63  }
0x1e0: {  	s15 =	simm.s32 $0x15500  }
0x1e1: {  	[spmem:s1] =	stream.indirect.scatter.add.f32 [tilespmem:s2], [sflag:$0x2], $0x1, s15, s10, $0xb8;
	[tilespmem:$0x19400] =	vst v63  }
0x1e2: {  	s13 =	simm.s32 $0x15580  }
0x1e3: {  	[spmem:s1] =	stream.indirect.scatter.add.f32 [tilespmem:s2], [sflag:$0x2], $0x1, s13, s10, $0xb8;
	[tilespmem:$0x19400] =	vst v63  }
0x1e4: {  	s15 =	simm.s32 $0x15600  }
0x1e5: {  	[spmem:s1] =	stream.indirect.scatter.add.f32 [tilespmem:s2], [sflag:$0x2], $0x1, s15, s10, $0xb8;
	[tilespmem:$0x19400] =	vst v63  }
0x1e6: {  	s13 =	simm.s32 $0x15680  }
0x1e7: {  	[spmem:s1] =	stream.indirect.scatter.add.f32 [tilespmem:s2], [sflag:$0x2], $0x1, s13, s10, $0xb8;
	[tilespmem:$0x19400] =	vst v63  }
0x1e8: {  	s15 =	simm.s32 $0x15700  }
0x1e9: {  	[spmem:s1] =	stream.indirect.scatter.add.f32 [tilespmem:s2], [sflag:$0x2], $0x1, s15, s10, $0xb8;
	[tilespmem:$0x19400] =	vst v63  }
0x1ea: {  	s13 =	simm.s32 $0x15780  }
0x1eb: {  	[spmem:s1] =	stream.indirect.scatter.add.f32 [tilespmem:s2], [sflag:$0x2], $0x1, s13, s10, $0xb8;
	[tilespmem:$0x19400] =	vst v63  }
0x1ec: {  	s15 =	simm.s32 $0x15800  }
0x1ed: {  	[spmem:s1] =	stream.indirect.scatter.add.f32 [tilespmem:s2], [sflag:$0x2], $0x1, s15, s10, $0xb8;
	[tilespmem:$0x19400] =	vst v63  }
0x1ee: {  	s13 =	simm.s32 $0x15880  }
0x1ef: {  	[spmem:s1] =	stream.indirect.scatter.add.f32 [tilespmem:s2], [sflag:$0x2], $0x1, s13, s10, $0xb8;
	[tilespmem:$0x19400] =	vst v63  }
0x1f0: {  	s15 =	simm.s32 $0x15900  }
0x1f1: {  	[spmem:s1] =	stream.indirect.scatter.add.f32 [tilespmem:s2], [sflag:$0x2], $0x1, s15, s10, $0xb8;
	[tilespmem:$0x19400] =	vst v63  }
0x1f2: {  	s13 =	simm.s32 $0x15980  }
0x1f3: {  	[spmem:s1] =	stream.indirect.scatter.add.f32 [tilespmem:s2], [sflag:$0x2], $0x1, s13, s10, $0xb8;
	[tilespmem:$0x19400] =	vst v63  }
0x1f4: {  	s15 =	simm.s32 $0x15A00  }
0x1f5: {  	[spmem:s1] =	stream.indirect.scatter.add.f32 [tilespmem:s2], [sflag:$0x2], $0x1, s15, s10, $0xb8;
	[tilespmem:$0x19400] =	vst v63  }
0x1f6: {  	s13 =	simm.s32 $0x15A80  }
0x1f7: {  	[spmem:s1] =	stream.indirect.scatter.add.f32 [tilespmem:s2], [sflag:$0x2], $0x1, s13, s10, $0xb8;
	[tilespmem:$0x19400] =	vst v63  }
0x1f8: {  	s15 =	simm.s32 $0x15B00  }
0x1f9: {  	[spmem:s1] =	stream.indirect.scatter.add.f32 [tilespmem:s2], [sflag:$0x2], $0x1, s15, s10, $0xb8;
	[tilespmem:$0x19400] =	vst v63  }
0x1fa: {  	s13 =	simm.s32 $0x15B80  }
0x1fb: {  	[spmem:s1] =	stream.indirect.scatter.add.f32 [tilespmem:s2], [sflag:$0x2], $0x1, s13, s10, $0xb8;
	[tilespmem:$0x19400] =	vst v63  }
0x1fc: {  	s15 =	simm.s32 $0x15C00  }
0x1fd: {  	[spmem:s1] =	stream.indirect.scatter.add.f32 [tilespmem:s2], [sflag:$0x2], $0x1, s15, s10, $0xb8;
	[tilespmem:$0x19400] =	vst v63  }
0x1fe: {  	s13 =	simm.s32 $0x15C80  }
0x1ff: {  	[spmem:s1] =	stream.indirect.scatter.add.f32 [tilespmem:s2], [sflag:$0x2], $0x1, s13, s10, $0xb8;
	[tilespmem:$0x19400] =	vst v63  }
0x200: {  	s15 =	simm.s32 $0x15D00  }
0x201: {  	[spmem:s1] =	stream.indirect.scatter.add.f32 [tilespmem:s2], [sflag:$0x2], $0x1, s15, s10, $0xb8;
	[tilespmem:$0x19400] =	vst v63  }
0x202: {  	s13 =	simm.s32 $0x15D80  }
0x203: {  	[spmem:s1] =	stream.indirect.scatter.add.f32 [tilespmem:s2], [sflag:$0x2], $0x1, s13, s10, $0xb8;
	[tilespmem:$0x19400] =	vst v63  }
0x204: {  	s15 =	simm.s32 $0x15E00  }
0x205: {  	[spmem:s1] =	stream.indirect.scatter.add.f32 [tilespmem:s2], [sflag:$0x2], $0x1, s15, s10, $0xb8;
	[tilespmem:$0x19400] =	vst v63  }
0x206: {  	s13 =	simm.s32 $0x15E80  }
0x207: {  	[spmem:s1] =	stream.indirect.scatter.add.f32 [tilespmem:s2], [sflag:$0x2], $0x1, s13, s10, $0xb8;
	[tilespmem:$0x19400] =	vst v63  }
0x208: {  	s15 =	simm.s32 $0x15F00  }
0x209: {  	[spmem:s1] =	stream.indirect.scatter.add.f32 [tilespmem:s2], [sflag:$0x2], $0x1, s15, s10, $0xb8;
	[tilespmem:$0x19400] =	vst v63  }
0x20a: {  	s13 =	simm.s32 $0x15F80  }
0x20b: {  	[spmem:s1] =	stream.indirect.scatter.add.f32 [tilespmem:s2], [sflag:$0x2], $0x1, s13, s10, $0xb8;
	[tilespmem:$0x19400] =	vst v63  }
0x20c: {  	s15 =	simm.s32 $0x16000  }
0x20d: {  	[spmem:s1] =	stream.indirect.scatter.add.f32 [tilespmem:s2], [sflag:$0x2], $0x1, s15, s10, $0xb8;
	[tilespmem:$0x19400] =	vst v63  }
0x20e: {  	_ =	swait.ge [sflag:s21], $0x80  }
0x20f: {  	s8 =	simm.s32 $0x24;
	[sflag:s21] =	ssyncset.done $0x0  }
.LBB2_15:
0x210: {  	p0 =	sne.s32 s8, $0x1;
	s8 =	sadd.s32 $0xFFFFFFFF, s8;
	[sflag:s21] =	ssyncadd.s32 $0xFFFFFF80  }
.Ltmp6:
0x211: {  	(pc) =	sbr.rel @p0 .LBB2_15-.Ltmp6, $3  }
0x212: {  	_ =	sdelay $0x1  }
0x213: {  	_ =	swait.ge [sflag:s21], $0x80  }
0x214: {  	[sflag:s21] =	ssyncset.done $0x0  }
0x215: {  	[sflag:s21] =	ssyncadd.s32 $0xFFFFFF80  }
0x216: {  	[bflag:$0x0] =	sbarrier.arrive $0xFFFF  }
0x217: {  	s8 =	rddreg [dreg:$0xc]  }
0x218: {  	[tilespmem:s22], [sflag:$0x1] =	stream.linear.gather [spmem:s8], $0x1000, $0x38;
	[tilespmem:$0x19400] =	vst v63  }
0x219: {  	_ =	swait.ge [sflag:s0], $0x1000  }
0x21a: {  	[sflag:s0] =	ssyncset.done $0x0  }
0x21b: {  	s15 =	simm.s32 $0x16400;
	[sflag:s0] =	ssyncadd.s32 $0xFFFFF000  }
0x21c: {  	[spmem:s8] =	stream.linear.scatter [tilespmem:s15], [sflag:$0x4], $0x1000, $0x38;
	[tilespmem:$0x19400] =	vst v63  }
0x21d: {  	s13 =	rddreg [dreg:$0xd]  }
0x21e: {  	[tilespmem:s4], [sflag:$0x1] =	stream.linear.gather [spmem:s13], $0x1000, $0x38;
	[tilespmem:$0x19400] =	vst v63  }
0x21f: {  	s14 =	sadd.s32 s6, s14  }
0x220: {  	[hbm4b:s14+s3] =	stream.linear.scatter [tilespmem:s22], [sflag:$0x3], $0x1000, $0x38;
	[tilespmem:$0x19400] =	vst v63  }
0x221: {  	_ =	swait.ge [sflag:s0], $0x1000  }
0x222: {  	[sflag:s0] =	ssyncset.done $0x0  }
0x223: {  	[sflag:s0] =	ssyncadd.s32 $0xFFFFF000  }
0x224: {  	[spmem:s13] =	stream.linear.scatter [tilespmem:s15], [sflag:$0x4], $0x1000, $0x38;
	[tilespmem:$0x19400] =	vst v63  }
0x225: {  	_ =	swait.ge [sflag:s11], $0x1000  }
0x226: {  	[sflag:s11] =	ssyncset.done $0x0;
	s14 =	sld [smem:$0x7FC]  }
0x227: {  	s13 =	rddreg [dreg:$0xe];
	[sflag:s11] =	ssyncadd.s32 $0xFFFFF000  }
0x228: {  	[tilespmem:s22], [sflag:$0x1] =	stream.linear.gather [spmem:s13], $0x1000, $0x38;
	[tilespmem:$0x19400] =	vst v63  }
0x229: {  	s8 =	sadd.s32 s6, s14  }
0x22a: {  	[hbm4b:s8+s3] =	stream.linear.scatter [tilespmem:s4], [sflag:$0x3], $0x1000, $0x38;
	[tilespmem:$0x19400] =	vst v63  }
0x22b: {  	_ =	swait.ge [sflag:s0], $0x1000  }
0x22c: {  	[sflag:s0] =	ssyncset.done $0x0  }
0x22d: {  	[sflag:s0] =	ssyncadd.s32 $0xFFFFF000  }
0x22e: {  	[spmem:s13] =	stream.linear.scatter [tilespmem:s15], [sflag:$0x4], $0x1000, $0x38;
	[tilespmem:$0x19400] =	vst v63  }
0x22f: {  	_ =	swait.ge [sflag:s11], $0x1000  }
0x230: {  	[sflag:s11] =	ssyncset.done $0x0  }
0x231: {  	s13 =	rddreg [dreg:$0xf];
	[sflag:s11] =	ssyncadd.s32 $0xFFFFF000  }
0x232: {  	[tilespmem:s4], [sflag:$0x1] =	stream.linear.gather [spmem:s13], $0x1000, $0x38;
	[tilespmem:$0x19400] =	vst v63  }
0x233: {  	s14 =	sadd.s32 s6, s16  }
0x234: {  	[hbm4b:s14+s3] =	stream.linear.scatter [tilespmem:s22], [sflag:$0x3], $0x1000, $0x38;
	[tilespmem:$0x19400] =	vst v63  }
0x235: {  	_ =	swait.ge [sflag:s0], $0x1000  }
0x236: {  	[sflag:s0] =	ssyncset.done $0x0  }
0x237: {  	[sflag:s0] =	ssyncadd.s32 $0xFFFFF000  }
0x238: {  	[spmem:s13] =	stream.linear.scatter [tilespmem:s15], [sflag:$0x4], $0x1000, $0x38;
	[tilespmem:$0x19400] =	vst v63  }
0x239: {  	_ =	swait.ge [sflag:s11], $0x1000  }
0x23a: {  	[sflag:s11] =	ssyncset.done $0x0  }
0x23b: {  	s16 =	rddreg [dreg:$0x10];
	[sflag:s11] =	ssyncadd.s32 $0xFFFFF000  }
0x23c: {  	[tilespmem:s22], [sflag:$0x1] =	stream.linear.gather [spmem:s16], $0x1000, $0x38;
	[tilespmem:$0x19400] =	vst v63  }
0x23d: {  	s14 =	sadd.s32 s6, s12  }
0x23e: {  	[hbm4b:s14+s3] =	stream.linear.scatter [tilespmem:s4], [sflag:$0x3], $0x1000, $0x38;
	[tilespmem:$0x19400] =	vst v63  }
0x23f: {  	_ =	swait.ge [sflag:s0], $0x1000  }
0x240: {  	[sflag:s0] =	ssyncset.done $0x0  }
0x241: {  	[sflag:s0] =	ssyncadd.s32 $0xFFFFF000  }
0x242: {  	[spmem:s16] =	stream.linear.scatter [tilespmem:s15], [sflag:$0x4], $0x1000, $0x38;
	[tilespmem:$0x19400] =	vst v63  }
0x243: {  	_ =	swait.ge [sflag:s11], $0x1000  }
0x244: {  	[sflag:s11] =	ssyncset.done $0x0  }
0x245: {  	s16 =	rddreg [dreg:$0x11];
	[sflag:s11] =	ssyncadd.s32 $0xFFFFF000  }
0x246: {  	[tilespmem:s4], [sflag:$0x1] =	stream.linear.gather [spmem:s16], $0x1000, $0x38;
	[tilespmem:$0x19400] =	vst v63  }
0x247: {  	s17 =	sadd.s32 s6, s17  }
0x248: {  	[hbm4b:s17+s3] =	stream.linear.scatter [tilespmem:s22], [sflag:$0x3], $0x1000, $0x38;
	[tilespmem:$0x19400] =	vst v63  }
0x249: {  	_ =	swait.ge [sflag:s0], $0x1000  }
0x24a: {  	[sflag:s0] =	ssyncset.done $0x0  }
0x24b: {  	[sflag:s0] =	ssyncadd.s32 $0xFFFFF000  }
0x24c: {  	[spmem:s16] =	stream.linear.scatter [tilespmem:s15], [sflag:$0x4], $0x1000, $0x38;
	[tilespmem:$0x19400] =	vst v63  }
0x24d: {  	_ =	swait.ge [sflag:s11], $0x1000  }
0x24e: {  	[sflag:s11] =	ssyncset.done $0x0  }
0x24f: {  	s13 =	rddreg [dreg:$0x12];
	[sflag:s11] =	ssyncadd.s32 $0xFFFFF000  }
0x250: {  	[tilespmem:s22], [sflag:$0x1] =	stream.linear.gather [spmem:s13], $0x1000, $0x38;
	[tilespmem:$0x19400] =	vst v63  }
0x251: {  	s14 =	sadd.s32 s6, s18  }
0x252: {  	[hbm4b:s14+s3] =	stream.linear.scatter [tilespmem:s4], [sflag:$0x3], $0x1000, $0x38;
	[tilespmem:$0x19400] =	vst v63  }
0x253: {  	_ =	swait.ge [sflag:s0], $0x1000  }
0x254: {  	[sflag:s0] =	ssyncset.done $0x0  }
0x255: {  	[sflag:s0] =	ssyncadd.s32 $0xFFFFF000  }
0x256: {  	[spmem:s13] =	stream.linear.scatter [tilespmem:s15], [sflag:$0x4], $0x1000, $0x38;
	[tilespmem:$0x19400] =	vst v63  }
0x257: {  	_ =	swait.ge [sflag:s11], $0x1000  }
0x258: {  	[sflag:s11] =	ssyncset.done $0x0  }
0x259: {  	s16 =	rddreg [dreg:$0x13];
	[sflag:s11] =	ssyncadd.s32 $0xFFFFF000  }
0x25a: {  	[tilespmem:s4], [sflag:$0x1] =	stream.linear.gather [spmem:s16], $0x1000, $0x38;
	[tilespmem:$0x19400] =	vst v63  }
0x25b: {  	s17 =	sadd.s32 s6, s19  }
0x25c: {  	[hbm4b:s17+s3] =	stream.linear.scatter [tilespmem:s22], [sflag:$0x3], $0x1000, $0x38;
	[tilespmem:$0x19400] =	vst v63  }
0x25d: {  	_ =	swait.ge [sflag:s0], $0x1000  }
0x25e: {  	[sflag:s0] =	ssyncset.done $0x0  }
0x25f: {  	[sflag:s0] =	ssyncadd.s32 $0xFFFFF000  }
0x260: {  	[spmem:s16] =	stream.linear.scatter [tilespmem:s15], [sflag:$0x4], $0x1000, $0x38;
	[tilespmem:$0x19400] =	vst v63  }
0x261: {  	_ =	swait.ge [sflag:s11], $0x1000  }
0x262: {  	[sflag:s11] =	ssyncset.done $0x0  }
0x263: {  	s18 =	rddreg [dreg:$0x17];
	[sflag:s11] =	ssyncadd.s32 $0xFFFFF000  }
0x264: {  	[tilespmem:s22], [sflag:$0x1] =	stream.linear.gather [spmem:s18], $0x1000, $0x38;
	[tilespmem:$0x19400] =	vst v63  }
0x265: {  	s19 =	sadd.s32 s6, s23  }
0x266: {  	[hbm4b:s19+s3] =	stream.linear.scatter [tilespmem:s4], [sflag:$0x3], $0x1000, $0x38;
	[tilespmem:$0x19400] =	vst v63  }
0x267: {  	_ =	swait.ge [sflag:s0], $0x1000  }
0x268: {  	[sflag:s0] =	ssyncset.done $0x0  }
0x269: {  	[sflag:s0] =	ssyncadd.s32 $0xFFFFF000  }
0x26a: {  	[spmem:s18] =	stream.linear.scatter [tilespmem:s15], [sflag:$0x4], $0x1000, $0x38;
	[tilespmem:$0x19400] =	vst v63  }
0x26b: {  	_ =	swait.ge [sflag:s11], $0x1000  }
0x26c: {  	[sflag:s11] =	ssyncset.done $0x0  }
0x26d: {  	s23 =	rddreg [dreg:$0x18];
	[sflag:s11] =	ssyncadd.s32 $0xFFFFF000  }
0x26e: {  	[tilespmem:s4], [sflag:$0x1] =	stream.linear.gather [spmem:s23], $0x1000, $0x38;
	[tilespmem:$0x19400] =	vst v63  }
0x26f: {  	s13 =	sadd.s32 s6, s24  }
0x270: {  	[hbm4b:s13+s3] =	stream.linear.scatter [tilespmem:s22], [sflag:$0x3], $0x1000, $0x38;
	[tilespmem:$0x19400] =	vst v63  }
0x271: {  	_ =	swait.ge [sflag:s0], $0x1000  }
0x272: {  	[sflag:s0] =	ssyncset.done $0x0  }
0x273: {  	[sflag:s0] =	ssyncadd.s32 $0xFFFFF000  }
0x274: {  	[spmem:s23] =	stream.linear.scatter [tilespmem:s15], [sflag:$0x4], $0x1000, $0x38;
	[tilespmem:$0x19400] =	vst v63  }
0x275: {  	_ =	swait.ge [sflag:s11], $0x1000  }
0x276: {  	[sflag:s11] =	ssyncset.done $0x0  }
0x277: {  	s14 =	rddreg [dreg:$0x19];
	[sflag:s11] =	ssyncadd.s32 $0xFFFFF000  }
0x278: {  	[tilespmem:s22], [sflag:$0x1] =	stream.linear.gather [spmem:s14], $0x1000, $0x38;
	[tilespmem:$0x19400] =	vst v63  }
0x279: {  	s16 =	sadd.s32 s6, s25  }
0x27a: {  	[hbm4b:s16+s3] =	stream.linear.scatter [tilespmem:s4], [sflag:$0x3], $0x1000, $0x38;
	[tilespmem:$0x19400] =	vst v63  }
0x27b: {  	_ =	swait.ge [sflag:s0], $0x1000  }
0x27c: {  	[sflag:s0] =	ssyncset.done $0x0  }
0x27d: {  	[sflag:s0] =	ssyncadd.s32 $0xFFFFF000  }
0x27e: {  	[spmem:s14] =	stream.linear.scatter [tilespmem:s15], [sflag:$0x4], $0x1000, $0x38;
	[tilespmem:$0x19400] =	vst v63  }
0x27f: {  	_ =	swait.ge [sflag:s11], $0x1000  }
0x280: {  	[sflag:s11] =	ssyncset.done $0x0  }
0x281: {  	s17 =	rddreg [dreg:$0x1a];
	[sflag:s11] =	ssyncadd.s32 $0xFFFFF000  }
0x282: {  	[tilespmem:s4], [sflag:$0x1] =	stream.linear.gather [spmem:s17], $0x1000, $0x38;
	[tilespmem:$0x19400] =	vst v63  }
0x283: {  	s18 =	sadd.s32 s6, s26  }
0x284: {  	[hbm4b:s18+s3] =	stream.linear.scatter [tilespmem:s22], [sflag:$0x3], $0x1000, $0x38;
	[tilespmem:$0x19400] =	vst v63  }
0x285: {  	_ =	swait.ge [sflag:s0], $0x1000  }
0x286: {  	[sflag:s0] =	ssyncset.done $0x0  }
0x287: {  	[sflag:s0] =	ssyncadd.s32 $0xFFFFF000  }
0x288: {  	[spmem:s17] =	stream.linear.scatter [tilespmem:s15], [sflag:$0x4], $0x1000, $0x38;
	[tilespmem:$0x19400] =	vst v63  }
0x289: {  	_ =	swait.ge [sflag:s11], $0x1000  }
0x28a: {  	[sflag:s11] =	ssyncset.done $0x0  }
0x28b: {  	s19 =	rddreg [dreg:$0x1b];
	[sflag:s11] =	ssyncadd.s32 $0xFFFFF000  }
0x28c: {  	[tilespmem:s22], [sflag:$0x1] =	stream.linear.gather [spmem:s19], $0x1000, $0x38;
	[tilespmem:$0x19400] =	vst v63  }
0x28d: {  	s23 =	sadd.s32 s6, s28  }
0x28e: {  	[hbm4b:s23+s3] =	stream.linear.scatter [tilespmem:s4], [sflag:$0x3], $0x1000, $0x38;
	[tilespmem:$0x19400] =	vst v63  }
0x28f: {  	_ =	swait.ge [sflag:s0], $0x1000  }
0x290: {  	[sflag:s0] =	ssyncset.done $0x0  }
0x291: {  	[sflag:s0] =	ssyncadd.s32 $0xFFFFF000  }
0x292: {  	[spmem:s19] =	stream.linear.scatter [tilespmem:s15], [sflag:$0x4], $0x1000, $0x38;
	[tilespmem:$0x19400] =	vst v63  }
0x293: {  	_ =	swait.ge [sflag:s11], $0x1000  }
0x294: {  	[sflag:s11] =	ssyncset.done $0x0  }
0x295: {  	s24 =	rddreg [dreg:$0x1c];
	[sflag:s11] =	ssyncadd.s32 $0xFFFFF000  }
0x296: {  	[tilespmem:s4], [sflag:$0x1] =	stream.linear.gather [spmem:s24], $0x1000, $0x38;
	[tilespmem:$0x19400] =	vst v63  }
0x297: {  	s25 =	sadd.s32 s6, s29  }
0x298: {  	[hbm4b:s25+s3] =	stream.linear.scatter [tilespmem:s22], [sflag:$0x3], $0x1000, $0x38;
	[tilespmem:$0x19400] =	vst v63  }
0x299: {  	_ =	swait.ge [sflag:s0], $0x1000  }
0x29a: {  	[sflag:s0] =	ssyncset.done $0x0  }
0x29b: {  	[sflag:s0] =	ssyncadd.s32 $0xFFFFF000  }
0x29c: {  	[spmem:s24] =	stream.linear.scatter [tilespmem:s15], [sflag:$0x4], $0x1000, $0x38;
	[tilespmem:$0x19400] =	vst v63  }
0x29d: {  	_ =	swait.ge [sflag:s11], $0x1000  }
0x29e: {  	[sflag:s11] =	ssyncset.done $0x0  }
0x29f: {  	s26 =	rddreg [dreg:$0x1d];
	[sflag:s11] =	ssyncadd.s32 $0xFFFFF000  }
0x2a0: {  	[tilespmem:s22], [sflag:$0x1] =	stream.linear.gather [spmem:s26], $0x1000, $0x38;
	[tilespmem:$0x19400] =	vst v63  }
0x2a1: {  	s28 =	sadd.s32 s6, s30  }
0x2a2: {  	[hbm4b:s28+s3] =	stream.linear.scatter [tilespmem:s4], [sflag:$0x3], $0x1000, $0x38;
	[tilespmem:$0x19400] =	vst v63  }
0x2a3: {  	_ =	swait.ge [sflag:s0], $0x1000  }
0x2a4: {  	[sflag:s0] =	ssyncset.done $0x0  }
0x2a5: {  	[sflag:s0] =	ssyncadd.s32 $0xFFFFF000  }
0x2a6: {  	[spmem:s26] =	stream.linear.scatter [tilespmem:s15], [sflag:$0x4], $0x1000, $0x38;
	[tilespmem:$0x19400] =	vst v63  }
0x2a7: {  	_ =	swait.ge [sflag:s11], $0x1000  }
0x2a8: {  	[sflag:s11] =	ssyncset.done $0x0  }
0x2a9: {  	s29 =	rddreg [dreg:$0x1e];
	[sflag:s11] =	ssyncadd.s32 $0xFFFFF000  }
0x2aa: {  	[tilespmem:s4], [sflag:$0x1] =	stream.linear.gather [spmem:s29], $0x1000, $0x38;
	[tilespmem:$0x19400] =	vst v63  }
0x2ab: {  	s30 =	sadd.s32 s6, s31  }
0x2ac: {  	[hbm4b:s30+s3] =	stream.linear.scatter [tilespmem:s22], [sflag:$0x3], $0x1000, $0x38;
	[tilespmem:$0x19400] =	vst v63  }
0x2ad: {  	_ =	swait.ge [sflag:s0], $0x1000  }
0x2ae: {  	[sflag:s0] =	ssyncset.done $0x0;
	s31 =	sld [smem:$0x7FD]  }
0x2af: {  	[sflag:s0] =	ssyncadd.s32 $0xFFFFF000  }
0x2b0: {  	[spmem:s29] =	stream.linear.scatter [tilespmem:s15], [sflag:$0x4], $0x1000, $0x38;
	[tilespmem:$0x19400] =	vst v63  }
0x2b1: {  	s8 =	sadd.s32 s6, s31  }
0x2b2: {  	[hbm4b:s8+s3] =	stream.linear.scatter [tilespmem:s4], [sflag:$0x3], $0x1000, $0x38;
	[tilespmem:$0x19400] =	vst v63  }
0x2b3: {  	_ =	swait.ge [sflag:s11], $0x1000  }
0x2b4: {  	[sflag:s11] =	ssyncset.done $0x0  }
0x2b5: {  	[sflag:s11] =	ssyncadd.s32 $0xFFFFF000  }
0x2b6: {  	_ =	swait.ge [sflag:s11], $0x1000  }
0x2b7: {  	[sflag:s11] =	ssyncset.done $0x0  }
0x2b8: {  	[sflag:s11] =	ssyncadd.s32 $0xFFFFF000  }
0x2b9: {  	_ =	swait.ge [sflag:s9], $0x1000  }
0x2ba: {  	[sflag:s9] =	ssyncset.done $0x0  }
0x2bb: {  	[sflag:s9] =	ssyncadd.s32 $0xFFFFF000  }
0x2bc: {  	_ =	swait.ge [sflag:s9], $0x1000  }
0x2bd: {  	[sflag:s9] =	ssyncset.done $0x0  }
0x2be: {  	[sflag:s9] =	ssyncadd.s32 $0xFFFFF000  }
0x2bf: {  	_ =	swait.ge [sflag:s9], $0x1000  }
0x2c0: {  	[sflag:s9] =	ssyncset.done $0x0  }
0x2c1: {  	[sflag:s9] =	ssyncadd.s32 $0xFFFFF000  }
0x2c2: {  	_ =	swait.ge [sflag:s9], $0x1000  }
0x2c3: {  	[sflag:s9] =	ssyncset.done $0x0  }
0x2c4: {  	[sflag:s9] =	ssyncadd.s32 $0xFFFFF000  }
0x2c5: {  	_ =	swait.ge [sflag:s9], $0x1000  }
0x2c6: {  	[sflag:s9] =	ssyncset.done $0x0  }
0x2c7: {  	[sflag:s9] =	ssyncadd.s32 $0xFFFFF000  }
0x2c8: {  	_ =	swait.ge [sflag:s9], $0x1000  }
0x2c9: {  	[sflag:s9] =	ssyncset.done $0x0  }
0x2ca: {  	[sflag:s9] =	ssyncadd.s32 $0xFFFFF000  }
0x2cb: {  	_ =	swait.ge [sflag:s9], $0x1000  }
0x2cc: {  	[sflag:s9] =	ssyncset.done $0x0  }
0x2cd: {  	[sflag:s9] =	ssyncadd.s32 $0xFFFFF000  }
0x2ce: {  	_ =	swait.ge [sflag:s9], $0x1000  }
0x2cf: {  	[sflag:s9] =	ssyncset.done $0x0  }
0x2d0: {  	[sflag:s9] =	ssyncadd.s32 $0xFFFFF000  }
0x2d1: {  	_ =	swait.ge [sflag:s9], $0x1000  }
0x2d2: {  	[sflag:s9] =	ssyncset.done $0x0  }
0x2d3: {  	[sflag:s9] =	ssyncadd.s32 $0xFFFFF000  }
0x2d4: {  	_ =	swait.ge [sflag:s9], $0x1000  }
0x2d5: {  	[sflag:s9] =	ssyncset.done $0x0  }
0x2d6: {  	[sflag:s9] =	ssyncadd.s32 $0xFFFFF000  }
0x2d7: {  	_ =	swait.ge [sflag:s9], $0x1000  }
0x2d8: {  	[sflag:s9] =	ssyncset.done $0x0  }
0x2d9: {  	[sflag:s9] =	ssyncadd.s32 $0xFFFFF000  }
0x2da: {  	_ =	swait.ge [sflag:s9], $0x1000  }
0x2db: {  	[sflag:s9] =	ssyncset.done $0x0  }
0x2dc: {  	[sflag:s9] =	ssyncadd.s32 $0xFFFFF000  }
0x2dd: {  	_ =	swait.ge [sflag:s9], $0x1000  }
0x2de: {  	[sflag:s9] =	ssyncset.done $0x0  }
0x2df: {  	[sflag:s9] =	ssyncadd.s32 $0xFFFFF000  }
0x2e0: {  	_ =	swait.ge [sflag:s9], $0x1000  }
0x2e1: {  	[sflag:s9] =	ssyncset.done $0x0  }
0x2e2: {  	[sflag:s9] =	ssyncadd.s32 $0xFFFFF000  }
0x2e3: {  	_ =	swait.ge [sflag:s9], $0x1000  }
0x2e4: {  	s20 =	sadd.s32 $0x1, s20;
	[sflag:s9] =	ssyncset.done $0x0  }
0x2e5: {  	p0 =	sne.s32 s20, $0x5;
	[sflag:s9] =	ssyncadd.s32 $0xFFFFF000  }
.Ltmp7:
0x2e6: {  	_ =	swait.ge [sflag:s9], $0x1000;
	(pc) =	sbr.rel @p0 .LBB2_8-.Ltmp7, $3  }
0x2e7: {  	[sflag:s9] =	ssyncset.done $0x0  }
0x2e8: {  	[sflag:s9] =	ssyncadd.s32 $0xFFFFF000  }
0x2e9: {  	[bflag:$0x0] =	sbarrier.arrive $0xFFFF;
	_ =	sdelay $0x1  }
0x2ea: {  	s12 =	rddreg [dreg:$0x1f]  }
0x2eb: {  	s8 =	rddreg [dreg:$0x16];
	s12 =	sadd.s32 $0x1, s12  }
0x2ec: {  	p0 =	sne.s32 s12, s8  }
.Ltmp8:
0x2ed: {  	_ = 	snop;
	(pc) =	sbr.rel @p0 .LBB2_1-.Ltmp8, $2  }
0x2ee: {  	_ =	sdelay $0x2  }
0x2ef: {  	s15 =	rddreg [dreg:$0x7];
	s16 =	simm.s32 $0x12900  }
0x2f0: {  	_ =	sfence.sel $0x180000  }
0x2f1: {  	[bflag:$0x0] =	sbarrier.arrive $0xFFFF  }
0x2f2: {  	_ =	strace $0x90000047  }
0x2f3: {  	s0 =	stileid.u32;
	[bflag:$0x2] =	sbarrier.arrive $0xFFFF  }
0x2f4: {  	p0 =	sne.s32 s0, $0x0;
	s0 =	rddreg [dreg:$0x6]  }
0x2f5: {  	s0 =	sadd.s32 @!p0 $0x100000, s0  }
0x2f6: {  	[sflag:s0] =	ssyncadd.tile.s32 @!p0 $0x1;
	_ =	shalt  }
.Lfunc_end2:
_tile_overlayer_lowered:
.L_overlay_start_2:
0x2f7: {  	(tag) =	ssettag $0x2  }
0x2f8: {  	s0 =	rddreg [dreg:$0x0];
	s2 =	stileid.u32  }
0x2f9: {  	s1 =	rddreg [dreg:$0x1];
	p0 =	sne.s32 s2, $0x0  }
0x2fa: {  	s3 =	rddreg [dreg:$0x2];
	[bflag:$0x3] =	sbarrier.arrive $0xFFFF;
	s2 =	simm.s32 @!p0 $0x1C05  }
0x2fb: {  	[timem:s3], [sflag:s2] =	dma.local @!p0 [hbm:s0], s1  }
0x2fc: {  	s0 =	simm.s32 @!p0 $0x5  }
0x2fd: {  	_ =	swait.ge @!p0 [sflag:s0], s1  }
0x2fe: {  	s1 =	ssub.s32 @!p0 $0x0, s1;
	[sflag:s0] =	ssyncset.done @!p0 $0x0  }
0x2ff: {  	[sflag:s0] =	ssyncadd.s32 @!p0 s1  }
0x300: {  	[bflag:$0x3] =	sbarrier.arrive $0xFFFF  }
0x301: {  	_ =	shalt  }

</sc_bundles>
